<compile_context>
chip_gen: v7x
topology: tpu7x:2x2x1
jax: 0.10.2.dev20260603
libtpu: 0.0.44.dev20260713+nightly
codegen_flags: <defaults>
</compile_context>

<pallas_src>
import functools

import jax
import jax.numpy as jnp
from jax import lax
from jax.experimental import pallas as pl
from jax.experimental.pallas import tpu as pltpu
from jax.experimental.pallas import tpu_sc as plsc

_NW = 32
def _sc_gather(table, idx):
    b_total = idx.shape[0]
    per_w = b_total // _NW
    assert per_w * _NW == b_total and per_w % 8 == 0
    chunk = 5000
    assert per_w % chunk == 0
    n_chunks = per_w // chunk
    mesh = plsc.VectorSubcoreMesh(core_axis_name="c", subcore_axis_name="s")

    @functools.partial(
        pl.kernel,
        out_type=jax.ShapeDtypeStruct((b_total, 16), jnp.float32),
        mesh=mesh,
        compiler_params=pltpu.CompilerParams(use_tc_tiling_on_sc=False),
        scratch_types=[
            pltpu.VMEM((chunk,), jnp.int32),
            pltpu.VMEM((chunk, 16), jnp.float32),
            pltpu.SemaphoreType.DMA,
        ],
    )
    def gather_kernel(table_hbm, idx_hbm, out_hbm, idx_v, rows_v, sem):
        wid = lax.axis_index("s") * 2 + lax.axis_index("c")
        base = wid * per_w

        def body(g, carry):
            off = base + g * chunk
            pltpu.sync_copy(idx_hbm.at[pl.ds(off, chunk)], idx_v)
            pltpu.async_copy(table_hbm.at[idx_v], rows_v, sem).wait()
            pltpu.sync_copy(rows_v, out_hbm.at[pl.ds(off, chunk)])
            return carry

        lax.fori_loop(0, n_chunks, body, 0)

    return gather_kernel(table, idx)


def _sc_segsum(x, idx2d, zeros_np):
    t_rows = x.shape[0]
    ir = t_rows // 128
    np_rows = zeros_np.shape[0]
    per_tile_np = np_rows // 16
    assert per_tile_np % 8 == 0
    ch = 8
    full = ir // ch
    rem = ir - full * ch
    n_iter = (full + 1 + _NW - 1) // _NW
    mesh = plsc.VectorSubcoreMesh(core_axis_name="c", subcore_axis_name="s")

    @functools.partial(
        pl.kernel,
        out_type=jax.ShapeDtypeStruct((2, np_rows, 16), jnp.float32),
        mesh=mesh,
        compiler_params=pltpu.CompilerParams(use_tc_tiling_on_sc=False),
        scratch_types=[
            pltpu.VMEM((ch, 128), jnp.int32),
            pltpu.VMEM((ch * 128, 16), jnp.float32),
            pltpu.VMEM_SHARED((np_rows, 16), jnp.float32),
        ],
    )
    def segsum_kernel(x_hbm, idx_hbm, zeros_hbm, out_hbm, idx_v, rows_v, acc):
        c = lax.axis_index("c")
        s = lax.axis_index("s")
        w = s * 2 + c
        pltpu.sync_copy(zeros_hbm.at[pl.ds(s * per_tile_np, per_tile_np)],
                        acc.at[pl.ds(s * per_tile_np, per_tile_np)])
        plsc.subcore_barrier()

        def body(g, carry):
            q = w + g * _NW

            @pl.when(q < full)
            def _():
                pltpu.sync_copy(idx_hbm.at[pl.ds(q * ch, ch)], idx_v)
                pltpu.sync_copy(x_hbm.at[pl.ds(q * ch * 128, ch * 128)], rows_v)
                for kk in range(ch):
                    pltpu.sync_copy(rows_v.at[pl.ds(kk * 128, 128)],
                                    acc.at[idx_v.at[kk]], add=True)

            if rem:
                @pl.when(q == full)
                def _():
                    pltpu.sync_copy(idx_hbm.at[pl.ds(full * ch, rem)],
                                    idx_v.at[pl.ds(0, rem)])
                    pltpu.sync_copy(x_hbm.at[pl.ds(full * ch * 128, rem * 128)],
                                    rows_v.at[pl.ds(0, rem * 128)])
                    for kk in range(rem):
                        pltpu.sync_copy(rows_v.at[pl.ds(kk * 128, 128)],
                                        acc.at[idx_v.at[kk]], add=True)
            return carry

        lax.fori_loop(0, n_iter, body, 0)
        plsc.subcore_barrier()
        pltpu.sync_copy(acc.at[pl.ds(s * per_tile_np, per_tile_np)],
                        out_hbm.at[c, pl.ds(s * per_tile_np, per_tile_np)])

    return segsum_kernel(x, idx2d, zeros_np)


_MM = (((1,), (0,)), ((), ()))


def _dot(a, b):
    return lax.dot_general(a, b, _MM, preferred_element_type=jnp.float32,
                           precision=lax.Precision.HIGHEST)


def _rsqrt(x):
    r = lax.rsqrt(x)
    return r * (1.5 - 0.5 * x * r * r)


def _dotw(a, b):
    return lax.dot_general(a, b, _MM, preferred_element_type=jnp.float32)


def _rowspec(br):
    return pl.BlockSpec((br, 128), lambda i: (i, 0))


def _fullspec(shape):
    return pl.BlockSpec(shape, lambda i: tuple(0 for _ in shape))


def _statspec():
    return pl.BlockSpec((8, 128), lambda i: (0, 0))


def _smemspec():
    return pl.BlockSpec(memory_space=pltpu.SMEM)


def _geo1_body(ci_ref, cj_ref, ck_ref, blk_ref, w0p_ref, b0p_ref,
               z_ref, st_ref):
    @pl.when(pl.program_id(0) == 0)
    def _():
        st_ref[...] = jnp.zeros_like(st_ref)

    v1 = cj_ref[...] - ci_ref[...]
    v2 = ck_ref[...] - cj_ref[...]
    blk = blk_ref[...]
    d1sq = _dot(v1 * v1, blk)
    d2sq = _dot(v2 * v2, blk)
    dot12 = _dot(v1 * v2, blk)
    d_ij = jnp.sqrt(d1sq)
    d_jk = jnp.sqrt(d2sq)
    cn = jnp.sqrt(jnp.maximum(d1sq * d2sq - dot12 * dot12, 0.0))
    theta = jnp.arctan2(cn, dot12)
    li = lax.broadcasted_iota(jnp.int32, (1, 128), 1) % 16
    g3 = (d_ij * (li == 0).astype(jnp.float32)
          + d_jk * (li == 1).astype(jnp.float32)
          + theta * (li == 2).astype(jnp.float32))
    z = _dotw(g3, w0p_ref[...]) + b0p_ref[...]
    z_ref[...] = z
    s = jnp.sum(z, axis=0, keepdims=True)
    q = jnp.sum(z * z, axis=0, keepdims=True)
    st_ref[...] = st_ref[...] + jnp.concatenate(
        [s, q, jnp.zeros((6, 128), jnp.float32)], axis=0)


def _geo2_body(n_rows, zp_ref, stp_ref, tile_ref, w1big_ref, b1p_ref,
               z_ref, st_ref):
    @pl.when(pl.program_id(0) == 0)
    def _():
        st_ref[...] = jnp.zeros_like(st_ref)

    stot = _dot(stp_ref[...], tile_ref[...])
    m = stot[0:1, :] / n_rows
    msq = stot[1:2, :] / n_rows
    inv = _rsqrt(msq - m * m + 1e-5)
    a = jnp.maximum((zp_ref[...] - m) * inv, 0.0)
    z = _dotw(a, w1big_ref[...]) + b1p_ref[...]
    z_ref[...] = z
    s = jnp.sum(z, axis=0, keepdims=True)
    q = jnp.sum(z * z, axis=0, keepdims=True)
    st_ref[...] = st_ref[...] + jnp.concatenate(
        [s, q, jnp.zeros((6, 128), jnp.float32)], axis=0)


def _geo3_body(n_rows, zp_ref, stp_ref, tile_ref, geo_ref):
    stot = _dot(stp_ref[...], tile_ref[...])
    m = stot[0:1, :] / n_rows
    msq = stot[1:2, :] / n_rows
    inv = _rsqrt(msq - m * m + 1e-5)
    geo_ref[...] = jnp.maximum((zp_ref[...] - m) * inv, 0.0)


def _first_body(thr_ref, nfi_ref, nfj_ref, nfk_ref, geo_ref, exi_ref, exj_ref,
                wfbig_ref, bfp_ref, z_ref, st_ref, ct_ref, bc_ref):
    @pl.when(pl.program_id(0) == 0)
    def _():
        st_ref[...] = jnp.zeros_like(st_ref)
        ct_ref[...] = jnp.zeros_like(ct_ref)

    thr = thr_ref[0]
    mi = exi_ref[...] < thr
    mj = exj_ref[...] < thr
    ni = jnp.logical_not(mi)
    nj = jnp.logical_not(mj)
    masks = [jnp.logical_and(mi, mj), jnp.logical_and(mi, nj),
             jnp.logical_and(ni, mj), jnp.logical_and(ni, nj)]
    parts = (nfi_ref[...], nfj_ref[...], nfk_ref[...], geo_ref[...])
    z = jnp.zeros_like(parts[0])
    bc = jnp.zeros_like(parts[0])
    sums, sqs, cts = [], [], []
    for b in range(4):
        zb = bfp_ref[b].reshape(1, 128)
        for p in range(4):
            zb = zb + _dotw(parts[p], wfbig_ref[b, p])
        mf = masks[b].astype(jnp.float32)
        zbm = mf * zb
        z = z + zbm
        bc = bc + mf * float(b)
        sums.append(jnp.sum(zbm, axis=0, keepdims=True))
        sqs.append(jnp.sum(zbm * zb, axis=0, keepdims=True))
        cts.append(jnp.full((1, 128), jnp.sum(mf) * (1.0 / 16.0), jnp.float32))
    z_ref[...] = z
    bc_ref[...] = bc
    st_ref[...] = st_ref[...] + jnp.concatenate(sums + sqs, axis=0)
    ct_ref[...] = ct_ref[...] + jnp.concatenate(
        cts + [jnp.zeros((4, 128), jnp.float32)], axis=0)


def _rest_body(zp_ref, bc_ref, stp_ref, ctp_ref, tile_ref, wrbig_ref, brp_ref,
               z_ref, st_ref):
    @pl.when(pl.program_id(0) == 0)
    def _():
        st_ref[...] = jnp.zeros_like(st_ref)

    bc = bc_ref[...]
    zprev = zp_ref[...]
    stot = _dot(stp_ref[...], tile_ref[...])
    ctp = ctp_ref[...]
    m_sel = jnp.zeros_like(zprev)
    inv_sel = jnp.zeros_like(zprev)
    mfs = []
    for b in range(4):
        mf = (bc == float(b)).astype(jnp.float32)
        mfs.append(mf)
        cnt = jnp.maximum(ctp[b:b + 1, :], 1.0)
        m = stot[b:b + 1, :] / cnt
        msq = stot[b + 4:b + 5, :] / cnt
        inv = _rsqrt(msq - m * m + 1e-5)
        m_sel = m_sel + mf * m
        inv_sel = inv_sel + mf * inv
    a = jnp.maximum((zprev - m_sel) * inv_sel, 0.0)
    z = jnp.zeros_like(zprev)
    sums, sqs = [], []
    for b in range(4):
        zb = _dotw(a, wrbig_ref[b]) + brp_ref[b].reshape(1, 128)
        zbm = mfs[b] * zb
        z = z + zbm
        sums.append(jnp.sum(zbm, axis=0, keepdims=True))
        sqs.append(jnp.sum(zbm * zb, axis=0, keepdims=True))
    z_ref[...] = z
    st_ref[...] = st_ref[...] + jnp.concatenate(sums + sqs, axis=0)


def _final_body(zp_ref, bc_ref, stp_ref, ctp_ref, tile_ref, attp_ref, x_ref):
    bc = bc_ref[...]
    zprev = zp_ref[...]
    stot = _dot(stp_ref[...], tile_ref[...])
    ctp = ctp_ref[...]
    m_sel = jnp.zeros_like(zprev)
    inv_sel = jnp.zeros_like(zprev)
    att_sel = jnp.zeros_like(zprev)
    for b in range(4):
        mf = (bc == float(b)).astype(jnp.float32)
        cnt = jnp.maximum(ctp[b:b + 1, :], 1.0)
        m = stot[b:b + 1, :] / cnt
        msq = stot[b + 4:b + 5, :] / cnt
        inv = _rsqrt(msq - m * m + 1e-5)
        m_sel = m_sel + mf * m
        inv_sel = inv_sel + mf * inv
        att_sel = att_sel + mf * attp_ref[b:b + 1, :]
    x_ref[...] = jnp.maximum((zprev - m_sel) * inv_sel, 0.0) * att_sel


def _sum_body(n8, p_ref, o_ref):
    p = p_ref[...]
    o_ref[...] = p[0, :n8, :] + p[1, :n8, :]


def _bd8(w):
    return jnp.kron(jnp.eye(8, dtype=jnp.float32), w.T)


def kernel(input_feature, coords, edge_index, edge_index_2rd, edx_jk, edx_ij,
           batch, num_edge_inside, edge_rep, geo_W0, geo_b0, geo_W1, geo_b1,
           att, Wfirst, bfirst, Wrest, brest):
    t_rows = edge_index_2rd.shape[1]
    n_nodes = input_feature.shape[0]
    n_iters = Wfirst.shape[0]
    n_deep = Wrest.shape[2]
    assert t_rows % 128 == 0 and n_nodes % 8 == 0
    t8 = t_rows // 8
    br = next(x for x in (2000, 2048, 1024, 512, 256, t8) if t8 % x == 0)
    grid = (t8 // br,)
    n8 = n_nodes // 8
    np_rows = ((n_nodes + 127) // 128) * 128

    thr = jnp.asarray(num_edge_inside, jnp.int32).reshape(1)
    flat_idx = edge_index_2rd.reshape(-1)
    exi = jnp.broadcast_to(edx_ij.astype(jnp.int32).reshape(t_rows, 1),
                           (t_rows, 16)).reshape(t8, 128)
    exj = jnp.broadcast_to(edx_jk.astype(jnp.int32).reshape(t_rows, 1),
                           (t_rows, 16)).reshape(t8, 128)
    idx2d = edge_index_2rd[0].reshape(t_rows // 128, 128)
    zeros_np = jnp.zeros((np_rows, 16), jnp.float32)
    coords_pad = jnp.pad(coords.astype(jnp.float32), ((0, 0), (0, 13)))

    tile128 = jnp.tile(jnp.eye(16, dtype=jnp.float32), (8, 8))
    blk128 = jnp.kron(jnp.eye(8, dtype=jnp.float32),
                      jnp.ones((16, 16), jnp.float32))
    w0p = jnp.kron(jnp.eye(8, dtype=jnp.float32),
                   jnp.pad(geo_W0.T, ((0, 13), (0, 0))))
    b0p = jnp.tile(geo_b0, 8).reshape(1, 128)
    b1p = jnp.tile(geo_b1, 8).reshape(1, 128)
    w1big = _bd8(geo_W1)
    wfbig = jnp.stack([
        jnp.stack([
            jnp.stack([_bd8(Wfirst[t, b, :, p * 16:(p + 1) * 16])
                       for p in range(4)])
            for b in range(4)])
        for t in range(n_iters)])
    bfp = jnp.tile(bfirst, (1, 1, 8))
    wrbig = jnp.stack([
        jnp.stack([
            jnp.stack([_bd8(Wrest[t, b, d]) for b in range(4)])
            for d in range(n_deep)])
        for t in range(n_iters)])
    brp = jnp.tile(jnp.swapaxes(brest, 1, 2), (1, 1, 1, 8))
    attp = jnp.broadcast_to(att.reshape(4, 1), (4, 128))

    f32 = jnp.float32
    big = lambda: jax.ShapeDtypeStruct((t8, 128), f32)
    st_s = lambda: jax.ShapeDtypeStruct((8, 128), f32)

    crows = _sc_gather(coords_pad, flat_idx)
    ci = crows[:t_rows].reshape(t8, 128)
    cj = crows[t_rows:2 * t_rows].reshape(t8, 128)
    ck = crows[2 * t_rows:].reshape(t8, 128)

    zg1, st1 = pl.pallas_call(
        _geo1_body, grid=grid,
        in_specs=[_rowspec(br), _rowspec(br), _rowspec(br),
                  _fullspec((128, 128)), _fullspec((128, 128)),
                  _fullspec((1, 128))],
        out_specs=[_rowspec(br), _statspec()],
        out_shape=[big(), st_s()],
    )(ci, cj, ck, blk128, w0p, b0p)

    zg2, st2 = pl.pallas_call(
        functools.partial(_geo2_body, float(t_rows)), grid=grid,
        in_specs=[_rowspec(br), _statspec(), _fullspec((128, 128)),
                  _fullspec((128, 128)), _fullspec((1, 128))],
        out_specs=[_rowspec(br), _statspec()],
        out_shape=[big(), st_s()],
    )(zg1, st1, tile128, w1big, b1p)

    geo = pl.pallas_call(
        functools.partial(_geo3_body, float(t_rows)), grid=grid,
        in_specs=[_rowspec(br), _statspec(), _fullspec((128, 128))],
        out_specs=_rowspec(br),
        out_shape=big(),
    )(zg2, st2, tile128)


    nf = input_feature
    outs = []
    for t in range(n_iters):
        nrows = _sc_gather(nf, flat_idx)
        nfi = nrows[:t_rows].reshape(t8, 128)
        nfj = nrows[t_rows:2 * t_rows].reshape(t8, 128)
        nfk = nrows[2 * t_rows:].reshape(t8, 128)

        z, st, ct, bcode = pl.pallas_call(
            _first_body, grid=grid,
            in_specs=[_smemspec(), _rowspec(br), _rowspec(br), _rowspec(br),
                      _rowspec(br), _rowspec(br), _rowspec(br),
                      _fullspec((4, 4, 128, 128)), _fullspec((4, 128))],
            out_specs=[_rowspec(br), _statspec(), _statspec(), _rowspec(br)],
            out_shape=[big(), st_s(), st_s(), big()],
        )(thr, nfi, nfj, nfk, geo, exi, exj, wfbig[t], bfp[t])

        for d in range(n_deep):
            z, st = pl.pallas_call(
                _rest_body, grid=grid,
                in_specs=[_rowspec(br), _rowspec(br), _statspec(), _statspec(),
                          _fullspec((128, 128)), _fullspec((4, 128, 128)),
                          _fullspec((4, 128))],
                out_specs=[_rowspec(br), _statspec()],
                out_shape=[big(), st_s()],
            )(z, bcode, st, ct, tile128, wrbig[t, d], brp[t, d])

        x = pl.pallas_call(
            _final_body, grid=grid,
            in_specs=[_rowspec(br), _rowspec(br), _statspec(), _statspec(),
                      _fullspec((128, 128)), _fullspec((4, 128))],
            out_specs=_rowspec(br),
            out_shape=big(),
        )(z, bcode, st, ct, tile128, attp)

        partials = _sc_segsum(x.reshape(t_rows, 16), idx2d, zeros_np)

        nf = pl.pallas_call(
            functools.partial(_sum_body, n8), grid=(1,),
            in_specs=[pl.BlockSpec((2, np_rows // 8, 128),
                                   lambda i: (0, 0, 0))],
            out_specs=pl.BlockSpec((n8, 128), lambda i: (0, 0)),
            out_shape=jax.ShapeDtypeStruct((n8, 128), f32),
        )(partials.reshape(2, np_rows // 8, 128)).reshape(n_nodes, 16)
        outs.append(nf)

    return tuple(outs)

# --- scband reference (transcript-rebuilt; emitter-appended) ---
"""Pipeline reference for scband-smodel-15247133901692 (READ-ONLY COPY).

The authoritative reference and input builder live on the scoring server;
editing this copy changes nothing except your own understanding.
"""

import jax, jax.numpy as jnp
import numpy as np

N = 50000
H = 16
T = 800000
EH = 400000
NI = 3
FD = 3

def _bn(x):
    m = jnp.mean(x, axis=0)
    v = jnp.mean((x - m) ** 2, axis=0)
    return (x - m) / jnp.sqrt(v + 1e-5)

def _masked_bn(x, mask, cnt):
    m = jnp.sum(x * mask, axis=0) / cnt
    v = jnp.sum(((x - m) ** 2) * mask, axis=0) / cnt
    return (x - m) / jnp.sqrt(v + 1e-5)

def _xavier(key, shape):
    fan_out, fan_in = shape[-2], shape[-1]
    bound = np.sqrt(6.0 / (fan_in + fan_out))
    return jax.random.uniform(key, shape, jnp.float32, -bound, bound)

def setup_inputs(seed: int = 0):
    key = jax.random.key(seed)
    ks = jax.random.split(key, 12)
    return {
        "input_feature": jax.random.normal(ks[0], (N, H), jnp.float32),
        "coords": jax.random.normal(ks[1], (N, 3), jnp.float32),
        "edge_index": jax.random.randint(ks[2], (2, 2, EH), 0, N),
        "edge_index_2rd": jax.random.randint(ks[3], (3, T), 0, N),
        "edx_jk": jax.random.randint(ks[4], (T,), 0, 2 * EH),
        "edx_ij": jax.random.randint(ks[5], (T,), 0, 2 * EH),
        "batch": jnp.zeros((N,), jnp.int32),
        "num_edge_inside": EH,
        "edge_rep": 1,
        "geo_W0": _xavier(ks[6], (H, 3)),
        "geo_b0": jnp.zeros((H,), jnp.float32),
        "geo_W1": _xavier(ks[7], (H, H)),
        "geo_b1": jnp.zeros((H,), jnp.float32),
        "att": jnp.ones((4,), jnp.float32),
        "Wfirst": _xavier(ks[8], (NI, 4, H, 3 * H + H)),
        "bfirst": jnp.zeros((NI, 4, H), jnp.float32),
        "Wrest": _xavier(ks[9], (NI, 4, FD, H, H)),
        "brest": jnp.zeros((NI, 4, FD, H), jnp.float32),
    }

def reference(input_feature, coords, edge_index, edge_index_2rd, edx_jk, edx_ij, batch, num_edge_inside, edge_rep, geo_W0, geo_b0, geo_W1, geo_b1, att, Wfirst, bfirst, Wrest, brest):
    # edge_rep is a python int (truthy) -> geometric-encoding branch, as in torch ref
    i = edge_index_2rd[0]
    j = edge_index_2rd[1]
    k_ = edge_index_2rd[2]
    v1 = coords[j] - coords[i]
    v2 = coords[k_] - coords[j]
    dist_ij = jnp.linalg.norm(v1, axis=1)
    dist_jk = jnp.linalg.norm(coords[j] - coords[k_], axis=1)
    theta = jnp.arctan2(jnp.linalg.norm(jnp.cross(v1, v2), axis=1), jnp.sum(v1 * v2, axis=1))
    geo = jnp.concatenate([dist_ij[:, None], dist_jk[:, None], theta[:, None]], axis=-1)
    geo = jax.nn.relu(_bn(geo @ geo_W0.T + geo_b0))
    geo = jax.nn.relu(_bn(geo @ geo_W1.T + geo_b1))
    m_ij = edx_ij < num_edge_inside
    m_jk = edx_jk < num_edge_inside
    masks = [m_ij & m_jk, m_ij & (~m_jk), (~m_ij) & m_jk, (~m_ij) & (~m_jk)]
    nf = input_feature
    outs = []
    for t in range(NI):
        cv = jnp.concatenate([nf[i], nf[j], nf[k_], geo], axis=-1)
        x_out = jnp.zeros((T, H), jnp.float32)
        for idx in range(4):
            mask = masks[idx].astype(jnp.float32)[:, None]
            cnt = jnp.maximum(jnp.sum(mask), 1.0)
            x = cv @ Wfirst[t, idx].T + bfirst[t, idx]
            x = jax.nn.relu(_masked_bn(x, mask, cnt))
            for d in range(FD):
                x = x @ Wrest[t, idx, d].T + brest[t, idx, d]
                x = jax.nn.relu(_masked_bn(x, mask, cnt))
            x = jnp.where(x > 0, x, 0.01 * x) * att[idx]
            x_out = x_out + mask * x
        nf = jax.ops.segment_sum(x_out, i, num_segments=N)
        outs.append(nf)
    return tuple(outs)

if __name__ == "__main__":
    import jax
    _d = setup_inputs()
    print(jax.jit(kernel)(*tuple(_d.values())))

</pallas_src>

<mosaic_0001>
#map = affine_map<(d0, d1) -> (0, 0)>
#map1 = affine_map<(d0, d1) -> (0)>
module attributes {stable_mosaic.version = 14 : i64} {
  func.func @gather_kernel(%arg0: i32, %arg1: i32, %arg2: memref<50000x16xf32, #tpu.memory_space<hbm>>, %arg3: memref<2400000xi32, #tpu.memory_space<hbm>>, %arg4: memref<2400000x16xf32, #tpu.memory_space<hbm>>, %arg5: memref<5000xi32, #tpu.memory_space<vmem>>, %arg6: memref<5000x16xf32, #tpu.memory_space<vmem>>, %arg7: memref<!tpu.dma_semaphore, #tpu.memory_space<semaphore_mem>>) attributes {dimension_semantics = [#tpu.dimension_semantics<core_parallel>, #tpu.dimension_semantics<subcore_parallel>], iteration_bounds = array<i64: 2, 16>, scalar_prefetch = 0 : i64, scratch_operands = 3 : i64, tpu.core_type = #tpu.core_type<sc_vector_subcore>, window_params = [{transform_indices = #map}, {transform_indices = #map1}, {transform_indices = #map}]} {
    %mul3A = arith.constant 2 : i32
    %mul3A_0 = arith.muli %arg1, %mul3A : i32
    %add3A = arith.addi %mul3A_0, %arg0 : i32
    %mul3A_1 = arith.constant 75000 : i32
    %mul3A_2 = arith.muli %add3A, %mul3A_1 : i32
    %scan3A = arith.constant 0 : i32
    %scan3A_3 = arith.constant 0 : i32
    %scan3A_4 = arith.constant 15 : i32
    %scan3A_5 = arith.addi %scan3A_3, %scan3A_4 : i32
    %scan3A_6 = arith.constant 1 : i32
    scf.for %scan3A_8 = %scan3A_3 to %scan3A_5 step %scan3A_6  : i32 {
      %mul3A_9 = arith.constant 5000 : i32
      %mul3A_10 = arith.muli %scan3A_8, %mul3A_9 : i32
      %add3A_11 = arith.addi %mul3A_2, %mul3A_10 : i32
      "tpu.region"() ({
        %run_scoped3A = tpu.sem_alloc : memref<!tpu.dma_semaphore, #tpu.memory_space<semaphore_mem>>
        %dma_start3A_16 = tpu.memref_slice %arg3[%add3A_11] : memref<2400000xi32, #tpu.memory_space<hbm>> -> memref<5000xi32, #tpu.memory_space<hbm>>
        %dma_start3A_17 = tpu.memref_slice %arg3[%add3A_11] : memref<2400000xi32, #tpu.memory_space<hbm>> -> memref<5000xi32, #tpu.memory_space<hbm>>
        tpu.enqueue_dma source(%dma_start3A_17 : memref<5000xi32, #tpu.memory_space<hbm>>) target(%arg5 : memref<5000xi32, #tpu.memory_space<vmem>>) target_semaphore(%run_scoped3A : memref<!tpu.dma_semaphore, #tpu.memory_space<semaphore_mem>>)
        %dma_wait3A_18 = tpu.memref_slice %arg3[%add3A_11] : memref<2400000xi32, #tpu.memory_space<hbm>> -> memref<5000xi32, #tpu.memory_space<hbm>>
        %dma_wait3A_19 = tpu.memref_slice %arg3[%add3A_11] : memref<2400000xi32, #tpu.memory_space<hbm>> -> memref<5000xi32, #tpu.memory_space<hbm>>
        tpu.wait_dma2 semaphore(%run_scoped3A : memref<!tpu.dma_semaphore, #tpu.memory_space<semaphore_mem>>) src(%dma_wait3A_19 : memref<5000xi32, #tpu.memory_space<hbm>>) dst(%arg5 : memref<5000xi32, #tpu.memory_space<vmem>>)
        tpu.yield
      }) : () -> ()
      %dma_start3A = arith.constant 0 : i32
      %dma_start3A_12 = arith.constant 0 : i32
      %dma_start3A_13 = tpu.memref_slice %arg2[%dma_start3A, %dma_start3A_12] : memref<50000x16xf32, #tpu.memory_space<hbm>> -> memref<50000x16xf32, #tpu.memory_space<hbm>>
      tpu.enqueue_indirect_dma source(%dma_start3A_13 : memref<50000x16xf32, #tpu.memory_space<hbm>>) target(%arg6 : memref<5000x16xf32, #tpu.memory_space<vmem>>) offsets(%arg5 : memref<5000xi32, #tpu.memory_space<vmem>>) semaphore(%arg7 : memref<!tpu.dma_semaphore, #tpu.memory_space<semaphore_mem>>)
      %dma_wait3A = arith.constant 0 : i32
      %dma_wait3A_14 = arith.constant 0 : i32
      %dma_wait3A_15 = tpu.memref_slice %arg2[%dma_wait3A, %dma_wait3A_14] : memref<50000x16xf32, #tpu.memory_space<hbm>> -> memref<50000x16xf32, #tpu.memory_space<hbm>>
      tpu.wait_indirect_dma semaphore(%arg7 : memref<!tpu.dma_semaphore, #tpu.memory_space<semaphore_mem>>) src(%dma_wait3A_15 : memref<50000x16xf32, #tpu.memory_space<hbm>>) dst(%arg6 : memref<5000x16xf32, #tpu.memory_space<vmem>>)
      "tpu.region"() ({
        %run_scoped3A = tpu.sem_alloc : memref<!tpu.dma_semaphore, #tpu.memory_space<semaphore_mem>>
        %dma_start3A_16 = arith.constant 0 : i32
        %dma_start3A_17 = tpu.memref_slice %arg4[%add3A_11, %dma_start3A_16] : memref<2400000x16xf32, #tpu.memory_space<hbm>> -> memref<5000x16xf32, #tpu.memory_space<hbm>>
        %dma_start3A_18 = arith.constant 0 : i32
        %dma_start3A_19 = tpu.memref_slice %arg4[%add3A_11, %dma_start3A_18] : memref<2400000x16xf32, #tpu.memory_space<hbm>> -> memref<5000x16xf32, #tpu.memory_space<hbm>>
        tpu.enqueue_dma source(%arg6 : memref<5000x16xf32, #tpu.memory_space<vmem>>) target(%dma_start3A_19 : memref<5000x16xf32, #tpu.memory_space<hbm>>) target_semaphore(%run_scoped3A : memref<!tpu.dma_semaphore, #tpu.memory_space<semaphore_mem>>)
        %dma_wait3A_20 = arith.constant 0 : i32
        %dma_wait3A_21 = tpu.memref_slice %arg4[%add3A_11, %dma_wait3A_20] : memref<2400000x16xf32, #tpu.memory_space<hbm>> -> memref<5000x16xf32, #tpu.memory_space<hbm>>
        %dma_wait3A_22 = arith.constant 0 : i32
        %dma_wait3A_23 = tpu.memref_slice %arg4[%add3A_11, %dma_wait3A_22] : memref<2400000x16xf32, #tpu.memory_space<hbm>> -> memref<5000x16xf32, #tpu.memory_space<hbm>>
        tpu.wait_dma2 semaphore(%run_scoped3A : memref<!tpu.dma_semaphore, #tpu.memory_space<semaphore_mem>>) src(%arg6 : memref<5000x16xf32, #tpu.memory_space<vmem>>) dst(%dma_wait3A_23 : memref<5000x16xf32, #tpu.memory_space<hbm>>)
        tpu.yield
      }) : () -> ()
    }
    %scan3A_7 = arith.constant 15 : i32
    return
  }
}

#map = affine_map<(d0, d1) -> (0, 0)>
#map1 = affine_map<(d0, d1) -> (0)>
module attributes {stable_mosaic.version = 14 : i64} {
  func.func @gather_kernel(%arg0: i32, %arg1: i32, %arg2: memref<50000x16xf32, #tpu.memory_space<hbm>>, %arg3: memref<2400000xi32, #tpu.memory_space<hbm>>, %arg4: memref<2400000x16xf32, #tpu.memory_space<hbm>>, %arg5: memref<5000xi32, #tpu.memory_space<vmem>>, %arg6: memref<5000x16xf32, #tpu.memory_space<vmem>>, %arg7: memref<!tpu.dma_semaphore, #tpu.memory_space<semaphore_mem>>) attributes {dimension_semantics = [#tpu.dimension_semantics<core_parallel>, #tpu.dimension_semantics<subcore_parallel>], iteration_bounds = array<i64: 2, 16>, scalar_prefetch = 0 : i64, scratch_operands = 3 : i64, tpu.core_type = #tpu.core_type<sc_vector_subcore>, window_params = [{transform_indices = #map}, {transform_indices = #map1}, {transform_indices = #map}]} {
    %mul3A = arith.constant 2 : i32
    %mul3A_0 = arith.muli %arg1, %mul3A : i32
    %add3A = arith.addi %mul3A_0, %arg0 : i32
    %mul3A_1 = arith.constant 75000 : i32
    %mul3A_2 = arith.muli %add3A, %mul3A_1 : i32
    %scan3A = arith.constant 0 : i32
    %scan3A_3 = arith.constant 0 : i32
    %scan3A_4 = arith.constant 15 : i32
    %scan3A_5 = arith.addi %scan3A_3, %scan3A_4 : i32
    %scan3A_6 = arith.constant 1 : i32
    scf.for %scan3A_8 = %scan3A_3 to %scan3A_5 step %scan3A_6  : i32 {
      %mul3A_9 = arith.constant 5000 : i32
      %mul3A_10 = arith.muli %scan3A_8, %mul3A_9 : i32
      %add3A_11 = arith.addi %mul3A_2, %mul3A_10 : i32
      "tpu.region"() ({
        %run_scoped3A = tpu.sem_alloc : memref<!tpu.dma_semaphore, #tpu.memory_space<semaphore_mem>>
        %dma_start3A_16 = tpu.memref_slice %arg3[%add3A_11] : memref<2400000xi32, #tpu.memory_space<hbm>> -> memref<5000xi32, #tpu.memory_space<hbm>>
        %dma_start3A_17 = tpu.memref_slice %arg3[%add3A_11] : memref<2400000xi32, #tpu.memory_space<hbm>> -> memref<5000xi32, #tpu.memory_space<hbm>>
        tpu.enqueue_dma source(%dma_start3A_17 : memref<5000xi32, #tpu.memory_space<hbm>>) target(%arg5 : memref<5000xi32, #tpu.memory_space<vmem>>) target_semaphore(%run_scoped3A : memref<!tpu.dma_semaphore, #tpu.memory_space<semaphore_mem>>)
        %dma_wait3A_18 = tpu.memref_slice %arg3[%add3A_11] : memref<2400000xi32, #tpu.memory_space<hbm>> -> memref<5000xi32, #tpu.memory_space<hbm>>
        %dma_wait3A_19 = tpu.memref_slice %arg3[%add3A_11] : memref<2400000xi32, #tpu.memory_space<hbm>> -> memref<5000xi32, #tpu.memory_space<hbm>>
        tpu.wait_dma2 semaphore(%run_scoped3A : memref<!tpu.dma_semaphore, #tpu.memory_space<semaphore_mem>>) src(%dma_wait3A_19 : memref<5000xi32, #tpu.memory_space<hbm>>) dst(%arg5 : memref<5000xi32, #tpu.memory_space<vmem>>)
        tpu.yield
      }) : () -> ()
      %dma_start3A = arith.constant 0 : i32
      %dma_start3A_12 = arith.constant 0 : i32
      %dma_start3A_13 = tpu.memref_slice %arg2[%dma_start3A, %dma_start3A_12] : memref<50000x16xf32, #tpu.memory_space<hbm>> -> memref<50000x16xf32, #tpu.memory_space<hbm>>
      tpu.enqueue_indirect_dma source(%dma_start3A_13 : memref<50000x16xf32, #tpu.memory_space<hbm>>) target(%arg6 : memref<5000x16xf32, #tpu.memory_space<vmem>>) offsets(%arg5 : memref<5000xi32, #tpu.memory_space<vmem>>) semaphore(%arg7 : memref<!tpu.dma_semaphore, #tpu.memory_space<semaphore_mem>>)
      %dma_wait3A = arith.constant 0 : i32
      %dma_wait3A_14 = arith.constant 0 : i32
      %dma_wait3A_15 = tpu.memref_slice %arg2[%dma_wait3A, %dma_wait3A_14] : memref<50000x16xf32, #tpu.memory_space<hbm>> -> memref<50000x16xf32, #tpu.memory_space<hbm>>
      tpu.wait_indirect_dma semaphore(%arg7 : memref<!tpu.dma_semaphore, #tpu.memory_space<semaphore_mem>>) src(%dma_wait3A_15 : memref<50000x16xf32, #tpu.memory_space<hbm>>) dst(%arg6 : memref<5000x16xf32, #tpu.memory_space<vmem>>)
      "tpu.region"() ({
        %run_scoped3A = tpu.sem_alloc : memref<!tpu.dma_semaphore, #tpu.memory_space<semaphore_mem>>
        %dma_start3A_16 = arith.constant 0 : i32
        %dma_start3A_17 = tpu.memref_slice %arg4[%add3A_11, %dma_start3A_16] : memref<2400000x16xf32, #tpu.memory_space<hbm>> -> memref<5000x16xf32, #tpu.memory_space<hbm>>
        %dma_start3A_18 = arith.constant 0 : i32
        %dma_start3A_19 = tpu.memref_slice %arg4[%add3A_11, %dma_start3A_18] : memref<2400000x16xf32, #tpu.memory_space<hbm>> -> memref<5000x16xf32, #tpu.memory_space<hbm>>
        tpu.enqueue_dma source(%arg6 : memref<5000x16xf32, #tpu.memory_space<vmem>>) target(%dma_start3A_19 : memref<5000x16xf32, #tpu.memory_space<hbm>>) target_semaphore(%run_scoped3A : memref<!tpu.dma_semaphore, #tpu.memory_space<semaphore_mem>>)
        %dma_wait3A_20 = arith.constant 0 : i32
        %dma_wait3A_21 = tpu.memref_slice %arg4[%add3A_11, %dma_wait3A_20] : memref<2400000x16xf32, #tpu.memory_space<hbm>> -> memref<5000x16xf32, #tpu.memory_space<hbm>>
        %dma_wait3A_22 = arith.constant 0 : i32
        %dma_wait3A_23 = tpu.memref_slice %arg4[%add3A_11, %dma_wait3A_22] : memref<2400000x16xf32, #tpu.memory_space<hbm>> -> memref<5000x16xf32, #tpu.memory_space<hbm>>
        tpu.wait_dma2 semaphore(%run_scoped3A : memref<!tpu.dma_semaphore, #tpu.memory_space<semaphore_mem>>) src(%arg6 : memref<5000x16xf32, #tpu.memory_space<vmem>>) dst(%dma_wait3A_23 : memref<5000x16xf32, #tpu.memory_space<hbm>>)
        tpu.yield
      }) : () -> ()
    }
    %scan3A_7 = arith.constant 15 : i32
    return
  }
}

#map = affine_map<(d0, d1) -> (0, 0)>
#map1 = affine_map<(d0, d1) -> (0, 0, 0)>
module attributes {stable_mosaic.version = 14 : i64} {
  func.func @segsum_kernel(%arg0: i32, %arg1: i32, %arg2: memref<800000x16xf32, #tpu.memory_space<hbm>>, %arg3: memref<6250x128xi32, #tpu.memory_space<hbm>>, %arg4: memref<50048x16xf32, #tpu.memory_space<hbm>>, %arg5: memref<2x50048x16xf32, #tpu.memory_space<hbm>>, %arg6: memref<8x128xi32, #tpu.memory_space<vmem>>, %arg7: memref<1024x16xf32, #tpu.memory_space<vmem>>, %arg8: memref<50048x16xf32, #tpu.memory_space<vmem_shared>>) attributes {dimension_semantics = [#tpu.dimension_semantics<core_parallel>, #tpu.dimension_semantics<subcore_parallel>], iteration_bounds = array<i64: 2, 16>, scalar_prefetch = 0 : i64, scratch_operands = 3 : i64, tpu.core_type = #tpu.core_type<sc_vector_subcore>, window_params = [{transform_indices = #map}, {transform_indices = #map}, {transform_indices = #map}, {transform_indices = #map1}]} {
    %mul3A = arith.constant 2 : i32
    %mul3A_0 = arith.muli %arg1, %mul3A : i32
    %add3A = arith.addi %mul3A_0, %arg0 : i32
    %mul3A_1 = arith.constant 3128 : i32
    %mul3A_2 = arith.muli %arg1, %mul3A_1 : i32
    %mul3A_3 = arith.constant 3128 : i32
    %mul3A_4 = arith.muli %arg1, %mul3A_3 : i32
    "tpu.region"() ({
      %run_scoped3A = tpu.sem_alloc : memref<!tpu.dma_semaphore, #tpu.memory_space<semaphore_mem>>
      %dma_start3A = arith.constant 0 : i32
      %dma_start3A_15 = tpu.memref_slice %arg8[%mul3A_4, %dma_start3A] : memref<50048x16xf32, #tpu.memory_space<vmem_shared>> -> memref<3128x16xf32, #tpu.memory_space<vmem_shared>>
      %dma_start3A_16 = arith.constant 0 : i32
      %dma_start3A_17 = tpu.memref_slice %arg4[%mul3A_2, %dma_start3A_16] : memref<50048x16xf32, #tpu.memory_space<hbm>> -> memref<3128x16xf32, #tpu.memory_space<hbm>>
      tpu.enqueue_dma source(%dma_start3A_17 : memref<3128x16xf32, #tpu.memory_space<hbm>>) target(%dma_start3A_15 : memref<3128x16xf32, #tpu.memory_space<vmem_shared>>) target_semaphore(%run_scoped3A : memref<!tpu.dma_semaphore, #tpu.memory_space<semaphore_mem>>)
      %dma_wait3A = arith.constant 0 : i32
      %dma_wait3A_18 = tpu.memref_slice %arg8[%mul3A_4, %dma_wait3A] : memref<50048x16xf32, #tpu.memory_space<vmem_shared>> -> memref<3128x16xf32, #tpu.memory_space<vmem_shared>>
      %dma_wait3A_19 = arith.constant 0 : i32
      %dma_wait3A_20 = tpu.memref_slice %arg4[%mul3A_2, %dma_wait3A_19] : memref<50048x16xf32, #tpu.memory_space<hbm>> -> memref<3128x16xf32, #tpu.memory_space<hbm>>
      tpu.wait_dma2 semaphore(%run_scoped3A : memref<!tpu.dma_semaphore, #tpu.memory_space<semaphore_mem>>) src(%dma_wait3A_20 : memref<3128x16xf32, #tpu.memory_space<hbm>>) dst(%dma_wait3A_18 : memref<3128x16xf32, #tpu.memory_space<vmem_shared>>)
      tpu.yield
    }) : () -> ()
    %barrier3A = arith.constant 0 : index
    tpu.barrier barrier_id(%barrier3A)
    %scan3A = arith.constant 0 : i32
    %scan3A_5 = arith.constant 0 : i32
    %scan3A_6 = arith.constant 25 : i32
    %scan3A_7 = arith.addi %scan3A_5, %scan3A_6 : i32
    %scan3A_8 = arith.constant 1 : i32
    scf.for %scan3A_15 = %scan3A_5 to %scan3A_7 step %scan3A_8  : i32 {
      %mul3A_16 = arith.constant 32 : i32
      %mul3A_17 = arith.muli %scan3A_15, %mul3A_16 : i32
      %add3A_18 = arith.addi %add3A, %mul3A_17 : i32
      %lt3A = arith.constant 781 : i32
      %lt3A_19 = arith.cmpi slt, %add3A_18, %lt3A : i32
      %convert_element_type3A = arith.extui %lt3A_19 : i1 to i32
      %cond3A = arith.constant 0 : i32
      %cond3A_20 = arith.cmpi ne, %convert_element_type3A, %cond3A : i32
      scf.if %cond3A_20 {
        %mul3A_25 = arith.constant 8 : i32
        %mul3A_26 = arith.muli %add3A_18, %mul3A_25 : i32
        "tpu.region"() ({
          %run_scoped3A_38 = tpu.sem_alloc : memref<!tpu.dma_semaphore, #tpu.memory_space<semaphore_mem>>
          %dma_start3A = arith.constant 0 : i32
          %dma_start3A_39 = tpu.memref_slice %arg3[%mul3A_26, %dma_start3A] : memref<6250x128xi32, #tpu.memory_space<hbm>> -> memref<8x128xi32, #tpu.memory_space<hbm>>
          %dma_start3A_40 = arith.constant 0 : i32
          %dma_start3A_41 = tpu.memref_slice %arg3[%mul3A_26, %dma_start3A_40] : memref<6250x128xi32, #tpu.memory_space<hbm>> -> memref<8x128xi32, #tpu.memory_space<hbm>>
          tpu.enqueue_dma source(%dma_start3A_41 : memref<8x128xi32, #tpu.memory_space<hbm>>) target(%arg6 : memref<8x128xi32, #tpu.memory_space<vmem>>) target_semaphore(%run_scoped3A_38 : memref<!tpu.dma_semaphore, #tpu.memory_space<semaphore_mem>>)
          %dma_wait3A = arith.constant 0 : i32
          %dma_wait3A_42 = tpu.memref_slice %arg3[%mul3A_26, %dma_wait3A] : memref<6250x128xi32, #tpu.memory_space<hbm>> -> memref<8x128xi32, #tpu.memory_space<hbm>>
          %dma_wait3A_43 = arith.constant 0 : i32
          %dma_wait3A_44 = tpu.memref_slice %arg3[%mul3A_26, %dma_wait3A_43] : memref<6250x128xi32, #tpu.memory_space<hbm>> -> memref<8x128xi32, #tpu.memory_space<hbm>>
          tpu.wait_dma2 semaphore(%run_scoped3A_38 : memref<!tpu.dma_semaphore, #tpu.memory_space<semaphore_mem>>) src(%dma_wait3A_44 : memref<8x128xi32, #tpu.memory_space<hbm>>) dst(%arg6 : memref<8x128xi32, #tpu.memory_space<vmem>>)
          tpu.yield
        }) : () -> ()
        %mul3A_27 = arith.constant 8 : i32
        %mul3A_28 = arith.muli %add3A_18, %mul3A_27 : i32
        %mul3A_29 = arith.constant 128 : i32
        %mul3A_30 = arith.muli %mul3A_28, %mul3A_29 : i32
        "tpu.region"() ({
          %run_scoped3A_38 = tpu.sem_alloc : memref<!tpu.dma_semaphore, #tpu.memory_space<semaphore_mem>>
          %dma_start3A = arith.constant 0 : i32
          %dma_start3A_39 = tpu.memref_slice %arg2[%mul3A_30, %dma_start3A] : memref<800000x16xf32, #tpu.memory_space<hbm>> -> memref<1024x16xf32, #tpu.memory_space<hbm>>
          %dma_start3A_40 = arith.constant 0 : i32
          %dma_start3A_41 = tpu.memref_slice %arg2[%mul3A_30, %dma_start3A_40] : memref<800000x16xf32, #tpu.memory_space<hbm>> -> memref<1024x16xf32, #tpu.memory_space<hbm>>
          tpu.enqueue_dma source(%dma_start3A_41 : memref<1024x16xf32, #tpu.memory_space<hbm>>) target(%arg7 : memref<1024x16xf32, #tpu.memory_space<vmem>>) target_semaphore(%run_scoped3A_38 : memref<!tpu.dma_semaphore, #tpu.memory_space<semaphore_mem>>)
          %dma_wait3A = arith.constant 0 : i32
          %dma_wait3A_42 = tpu.memref_slice %arg2[%mul3A_30, %dma_wait3A] : memref<800000x16xf32, #tpu.memory_space<hbm>> -> memref<1024x16xf32, #tpu.memory_space<hbm>>
          %dma_wait3A_43 = arith.constant 0 : i32
          %dma_wait3A_44 = tpu.memref_slice %arg2[%mul3A_30, %dma_wait3A_43] : memref<800000x16xf32, #tpu.memory_space<hbm>> -> memref<1024x16xf32, #tpu.memory_space<hbm>>
          tpu.wait_dma2 semaphore(%run_scoped3A_38 : memref<!tpu.dma_semaphore, #tpu.memory_space<semaphore_mem>>) src(%dma_wait3A_44 : memref<1024x16xf32, #tpu.memory_space<hbm>>) dst(%arg7 : memref<1024x16xf32, #tpu.memory_space<vmem>>)
          tpu.yield
        }) : () -> ()
        %run_scoped3A = arith.constant 0 : i32
        "tpu.region"() ({
          %run_scoped3A_38 = tpu.sem_alloc : memref<!tpu.dma_semaphore, #tpu.memory_space<semaphore_mem>>
          %dma_start3A = arith.constant 0 : i32
          %dma_start3A_39 = arith.constant 0 : i32
          %dma_start3A_40 = tpu.memref_slice %arg7[%dma_start3A, %dma_start3A_39] : memref<1024x16xf32, #tpu.memory_space<vmem>> -> memref<128x16xf32, #tpu.memory_space<vmem>>
          %dma_start3A_41 = arith.constant 0 : i32
          %dma_start3A_42 = tpu.memref_slice %arg6[%run_scoped3A, %dma_start3A_41] : memref<8x128xi32, #tpu.memory_space<vmem>> -> memref<1x128xi32, #tpu.memory_space<vmem>>
          %dma_start3A_43 = tpu.memref_squeeze %dma_start3A_42 : memref<1x128xi32, #tpu.memory_space<vmem>> -> memref<128xi32, #tpu.memory_space<vmem>>
          %dma_start3A_44 = arith.constant 0 : i32
          %dma_start3A_45 = arith.constant 0 : i32
          %dma_start3A_46 = tpu.memref_slice %arg8[%dma_start3A_44, %dma_start3A_45] : memref<50048x16xf32, #tpu.memory_space<vmem_shared>> -> memref<50048x16xf32, #tpu.memory_space<vmem_shared>>
          tpu.enqueue_indirect_dma source(%dma_start3A_40 : memref<128x16xf32, #tpu.memory_space<vmem>>) target(%dma_start3A_46 : memref<50048x16xf32, #tpu.memory_space<vmem_shared>>) offsets(%dma_start3A_43 : memref<128xi32, #tpu.memory_space<vmem>>) semaphore(%run_scoped3A_38 : memref<!tpu.dma_semaphore, #tpu.memory_space<semaphore_mem>>) {add = true}
          %dma_wait3A = arith.constant 0 : i32
          %dma_wait3A_47 = arith.constant 0 : i32
          %dma_wait3A_48 = tpu.memref_slice %arg7[%dma_wait3A, %dma_wait3A_47] : memref<1024x16xf32, #tpu.memory_space<vmem>> -> memref<128x16xf32, #tpu.memory_space<vmem>>
          %dma_wait3A_49 = arith.constant 0 : i32
          %dma_wait3A_50 = tpu.memref_slice %arg6[%run_scoped3A, %dma_wait3A_49] : memref<8x128xi32, #tpu.memory_space<vmem>> -> memref<1x128xi32, #tpu.memory_space<vmem>>
          %dma_wait3A_51 = tpu.memref_squeeze %dma_wait3A_50 : memref<1x128xi32, #tpu.memory_space<vmem>> -> memref<128xi32, #tpu.memory_space<vmem>>
          %dma_wait3A_52 = arith.constant 0 : i32
          %dma_wait3A_53 = arith.constant 0 : i32
          %dma_wait3A_54 = tpu.memref_slice %arg8[%dma_wait3A_52, %dma_wait3A_53] : memref<50048x16xf32, #tpu.memory_space<vmem_shared>> -> memref<50048x16xf32, #tpu.memory_space<vmem_shared>>
          tpu.wait_indirect_dma semaphore(%run_scoped3A_38 : memref<!tpu.dma_semaphore, #tpu.memory_space<semaphore_mem>>) src(%dma_wait3A_48 : memref<128x16xf32, #tpu.memory_space<vmem>>) dst(%dma_wait3A_54 : memref<50048x16xf32, #tpu.memory_space<vmem_shared>>)
          tpu.yield
        }) : () -> ()
        %run_scoped3A_31 = arith.constant 1 : i32
        "tpu.region"() ({
          %run_scoped3A_38 = tpu.sem_alloc : memref<!tpu.dma_semaphore, #tpu.memory_space<semaphore_mem>>
          %dma_start3A = arith.constant 128 : i32
          %dma_start3A_39 = arith.constant 0 : i32
          %dma_start3A_40 = tpu.memref_slice %arg7[%dma_start3A, %dma_start3A_39] : memref<1024x16xf32, #tpu.memory_space<vmem>> -> memref<128x16xf32, #tpu.memory_space<vmem>>
          %dma_start3A_41 = arith.constant 0 : i32
          %dma_start3A_42 = tpu.memref_slice %arg6[%run_scoped3A_31, %dma_start3A_41] : memref<8x128xi32, #tpu.memory_space<vmem>> -> memref<1x128xi32, #tpu.memory_space<vmem>>
          %dma_start3A_43 = tpu.memref_squeeze %dma_start3A_42 : memref<1x128xi32, #tpu.memory_space<vmem>> -> memref<128xi32, #tpu.memory_space<vmem>>
          %dma_start3A_44 = arith.constant 0 : i32
          %dma_start3A_45 = arith.constant 0 : i32
          %dma_start3A_46 = tpu.memref_slice %arg8[%dma_start3A_44, %dma_start3A_45] : memref<50048x16xf32, #tpu.memory_space<vmem_shared>> -> memref<50048x16xf32, #tpu.memory_space<vmem_shared>>
          tpu.enqueue_indirect_dma source(%dma_start3A_40 : memref<128x16xf32, #tpu.memory_space<vmem>>) target(%dma_start3A_46 : memref<50048x16xf32, #tpu.memory_space<vmem_shared>>) offsets(%dma_start3A_43 : memref<128xi32, #tpu.memory_space<vmem>>) semaphore(%run_scoped3A_38 : memref<!tpu.dma_semaphore, #tpu.memory_space<semaphore_mem>>) {add = true}
          %dma_wait3A = arith.constant 128 : i32
          %dma_wait3A_47 = arith.constant 0 : i32
          %dma_wait3A_48 = tpu.memref_slice %arg7[%dma_wait3A, %dma_wait3A_47] : memref<1024x16xf32, #tpu.memory_space<vmem>> -> memref<128x16xf32, #tpu.memory_space<vmem>>
          %dma_wait3A_49 = arith.constant 0 : i32
          %dma_wait3A_50 = tpu.memref_slice %arg6[%run_scoped3A_31, %dma_wait3A_49] : memref<8x128xi32, #tpu.memory_space<vmem>> -> memref<1x128xi32, #tpu.memory_space<vmem>>
          %dma_wait3A_51 = tpu.memref_squeeze %dma_wait3A_50 : memref<1x128xi32, #tpu.memory_space<vmem>> -> memref<128xi32, #tpu.memory_space<vmem>>
          %dma_wait3A_52 = arith.constant 0 : i32
          %dma_wait3A_53 = arith.constant 0 : i32
          %dma_wait3A_54 = tpu.memref_slice %arg8[%dma_wait3A_52, %dma_wait3A_53] : memref<50048x16xf32, #tpu.memory_space<vmem_shared>> -> memref<50048x16xf32, #tpu.memory_space<vmem_shared>>
          tpu.wait_indirect_dma semaphore(%run_scoped3A_38 : memref<!tpu.dma_semaphore, #tpu.memory_space<semaphore_mem>>) src(%dma_wait3A_48 : memref<128x16xf32, #tpu.memory_space<vmem>>) dst(%dma_wait3A_54 : memref<50048x16xf32, #tpu.memory_space<vmem_shared>>)
          tpu.yield
        }) : () -> ()
        %run_scoped3A_32 = arith.constant 2 : i32
        "tpu.region"() ({
          %run_scoped3A_38 = tpu.sem_alloc : memref<!tpu.dma_semaphore, #tpu.memory_space<semaphore_mem>>
          %dma_start3A = arith.constant 256 : i32
          %dma_start3A_39 = arith.constant 0 : i32
          %dma_start3A_40 = tpu.memref_slice %arg7[%dma_start3A, %dma_start3A_39] : memref<1024x16xf32, #tpu.memory_space<vmem>> -> memref<128x16xf32, #tpu.memory_space<vmem>>
          %dma_start3A_41 = arith.constant 0 : i32
          %dma_start3A_42 = tpu.memref_slice %arg6[%run_scoped3A_32, %dma_start3A_41] : memref<8x128xi32, #tpu.memory_space<vmem>> -> memref<1x128xi32, #tpu.memory_space<vmem>>
          %dma_start3A_43 = tpu.memref_squeeze %dma_start3A_42 : memref<1x128xi32, #tpu.memory_space<vmem>> -> memref<128xi32, #tpu.memory_space<vmem>>
          %dma_start3A_44 = arith.constant 0 : i32
          %dma_start3A_45 = arith.constant 0 : i32
          %dma_start3A_46 = tpu.memref_slice %arg8[%dma_start3A_44, %dma_start3A_45] : memref<50048x16xf32, #tpu.memory_space<vmem_shared>> -> memref<50048x16xf32, #tpu.memory_space<vmem_shared>>
          tpu.enqueue_indirect_dma source(%dma_start3A_40 : memref<128x16xf32, #tpu.memory_space<vmem>>) target(%dma_start3A_46 : memref<50048x16xf32, #tpu.memory_space<vmem_shared>>) offsets(%dma_start3A_43 : memref<128xi32, #tpu.memory_space<vmem>>) semaphore(%run_scoped3A_38 : memref<!tpu.dma_semaphore, #tpu.memory_space<semaphore_mem>>) {add = true}
          %dma_wait3A = arith.constant 256 : i32
          %dma_wait3A_47 = arith.constant 0 : i32
          %dma_wait3A_48 = tpu.memref_slice %arg7[%dma_wait3A, %dma_wait3A_47] : memref<1024x16xf32, #tpu.memory_space<vmem>> -> memref<128x16xf32, #tpu.memory_space<vmem>>
          %dma_wait3A_49 = arith.constant 0 : i32
          %dma_wait3A_50 = tpu.memref_slice %arg6[%run_scoped3A_32, %dma_wait3A_49] : memref<8x128xi32, #tpu.memory_space<vmem>> -> memref<1x128xi32, #tpu.memory_space<vmem>>
          %dma_wait3A_51 = tpu.memref_squeeze %dma_wait3A_50 : memref<1x128xi32, #tpu.memory_space<vmem>> -> memref<128xi32, #tpu.memory_space<vmem>>
          %dma_wait3A_52 = arith.constant 0 : i32
          %dma_wait3A_53 = arith.constant 0 : i32
          %dma_wait3A_54 = tpu.memref_slice %arg8[%dma_wait3A_52, %dma_wait3A_53] : memref<50048x16xf32, #tpu.memory_space<vmem_shared>> -> memref<50048x16xf32, #tpu.memory_space<vmem_shared>>
          tpu.wait_indirect_dma semaphore(%run_scoped3A_38 : memref<!tpu.dma_semaphore, #tpu.memory_space<semaphore_mem>>) src(%dma_wait3A_48 : memref<128x16xf32, #tpu.memory_space<vmem>>) dst(%dma_wait3A_54 : memref<50048x16xf32, #tpu.memory_space<vmem_shared>>)
          tpu.yield
        }) : () -> ()
        %run_scoped3A_33 = arith.constant 3 : i32
        "tpu.region"() ({
          %run_scoped3A_38 = tpu.sem_alloc : memref<!tpu.dma_semaphore, #tpu.memory_space<semaphore_mem>>
          %dma_start3A = arith.constant 384 : i32
          %dma_start3A_39 = arith.constant 0 : i32
          %dma_start3A_40 = tpu.memref_slice %arg7[%dma_start3A, %dma_start3A_39] : memref<1024x16xf32, #tpu.memory_space<vmem>> -> memref<128x16xf32, #tpu.memory_space<vmem>>
          %dma_start3A_41 = arith.constant 0 : i32
          %dma_start3A_42 = tpu.memref_slice %arg6[%run_scoped3A_33, %dma_start3A_41] : memref<8x128xi32, #tpu.memory_space<vmem>> -> memref<1x128xi32, #tpu.memory_space<vmem>>
          %dma_start3A_43 = tpu.memref_squeeze %dma_start3A_42 : memref<1x128xi32, #tpu.memory_space<vmem>> -> memref<128xi32, #tpu.memory_space<vmem>>
          %dma_start3A_44 = arith.constant 0 : i32
          %dma_start3A_45 = arith.constant 0 : i32
          %dma_start3A_46 = tpu.memref_slice %arg8[%dma_start3A_44, %dma_start3A_45] : memref<50048x16xf32, #tpu.memory_space<vmem_shared>> -> memref<50048x16xf32, #tpu.memory_space<vmem_shared>>
          tpu.enqueue_indirect_dma source(%dma_start3A_40 : memref<128x16xf32, #tpu.memory_space<vmem>>) target(%dma_start3A_46 : memref<50048x16xf32, #tpu.memory_space<vmem_shared>>) offsets(%dma_start3A_43 : memref<128xi32, #tpu.memory_space<vmem>>) semaphore(%run_scoped3A_38 : memref<!tpu.dma_semaphore, #tpu.memory_space<semaphore_mem>>) {add = true}
          %dma_wait3A = arith.constant 384 : i32
          %dma_wait3A_47 = arith.constant 0 : i32
          %dma_wait3A_48 = tpu.memref_slice %arg7[%dma_wait3A, %dma_wait3A_47] : memref<1024x16xf32, #tpu.memory_space<vmem>> -> memref<128x16xf32, #tpu.memory_space<vmem>>
          %dma_wait3A_49 = arith.constant 0 : i32
          %dma_wait3A_50 = tpu.memref_slice %arg6[%run_scoped3A_33, %dma_wait3A_49] : memref<8x128xi32, #tpu.memory_space<vmem>> -> memref<1x128xi32, #tpu.memory_space<vmem>>
          %dma_wait3A_51 = tpu.memref_squeeze %dma_wait3A_50 : memref<1x128xi32, #tpu.memory_space<vmem>> -> memref<128xi32, #tpu.memory_space<vmem>>
          %dma_wait3A_52 = arith.constant 0 : i32
          %dma_wait3A_53 = arith.constant 0 : i32
          %dma_wait3A_54 = tpu.memref_slice %arg8[%dma_wait3A_52, %dma_wait3A_53] : memref<50048x16xf32, #tpu.memory_space<vmem_shared>> -> memref<50048x16xf32, #tpu.memory_space<vmem_shared>>
          tpu.wait_indirect_dma semaphore(%run_scoped3A_38 : memref<!tpu.dma_semaphore, #tpu.memory_space<semaphore_mem>>) src(%dma_wait3A_48 : memref<128x16xf32, #tpu.memory_space<vmem>>) dst(%dma_wait3A_54 : memref<50048x16xf32, #tpu.memory_space<vmem_shared>>)
          tpu.yield
        }) : () -> ()
        %run_scoped3A_34 = arith.constant 4 : i32
        "tpu.region"() ({
          %run_scoped3A_38 = tpu.sem_alloc : memref<!tpu.dma_semaphore, #tpu.memory_space<semaphore_mem>>
          %dma_start3A = arith.constant 512 : i32
          %dma_start3A_39 = arith.constant 0 : i32
          %dma_start3A_40 = tpu.memref_slice %arg7[%dma_start3A, %dma_start3A_39] : memref<1024x16xf32, #tpu.memory_space<vmem>> -> memref<128x16xf32, #tpu.memory_space<vmem>>
          %dma_start3A_41 = arith.constant 0 : i32
          %dma_start3A_42 = tpu.memref_slice %arg6[%run_scoped3A_34, %dma_start3A_41] : memref<8x128xi32, #tpu.memory_space<vmem>> -> memref<1x128xi32, #tpu.memory_space<vmem>>
          %dma_start3A_43 = tpu.memref_squeeze %dma_start3A_42 : memref<1x128xi32, #tpu.memory_space<vmem>> -> memref<128xi32, #tpu.memory_space<vmem>>
          %dma_start3A_44 = arith.constant 0 : i32
          %dma_start3A_45 = arith.constant 0 : i32
          %dma_start3A_46 = tpu.memref_slice %arg8[%dma_start3A_44, %dma_start3A_45] : memref<50048x16xf32, #tpu.memory_space<vmem_shared>> -> memref<50048x16xf32, #tpu.memory_space<vmem_shared>>
          tpu.enqueue_indirect_dma source(%dma_start3A_40 : memref<128x16xf32, #tpu.memory_space<vmem>>) target(%dma_start3A_46 : memref<50048x16xf32, #tpu.memory_space<vmem_shared>>) offsets(%dma_start3A_43 : memref<128xi32, #tpu.memory_space<vmem>>) semaphore(%run_scoped3A_38 : memref<!tpu.dma_semaphore, #tpu.memory_space<semaphore_mem>>) {add = true}
          %dma_wait3A = arith.constant 512 : i32
          %dma_wait3A_47 = arith.constant 0 : i32
          %dma_wait3A_48 = tpu.memref_slice %arg7[%dma_wait3A, %dma_wait3A_47] : memref<1024x16xf32, #tpu.memory_space<vmem>> -> memref<128x16xf32, #tpu.memory_space<vmem>>
          %dma_wait3A_49 = arith.constant 0 : i32
          %dma_wait3A_50 = tpu.memref_slice %arg6[%run_scoped3A_34, %dma_wait3A_49] : memref<8x128xi32, #tpu.memory_space<vmem>> -> memref<1x128xi32, #tpu.memory_space<vmem>>
          %dma_wait3A_51 = tpu.memref_squeeze %dma_wait3A_50 : memref<1x128xi32, #tpu.memory_space<vmem>> -> memref<128xi32, #tpu.memory_space<vmem>>
          %dma_wait3A_52 = arith.constant 0 : i32
          %dma_wait3A_53 = arith.constant 0 : i32
          %dma_wait3A_54 = tpu.memref_slice %arg8[%dma_wait3A_52, %dma_wait3A_53] : memref<50048x16xf32, #tpu.memory_space<vmem_shared>> -> memref<50048x16xf32, #tpu.memory_space<vmem_shared>>
          tpu.wait_indirect_dma semaphore(%run_scoped3A_38 : memref<!tpu.dma_semaphore, #tpu.memory_space<semaphore_mem>>) src(%dma_wait3A_48 : memref<128x16xf32, #tpu.memory_space<vmem>>) dst(%dma_wait3A_54 : memref<50048x16xf32, #tpu.memory_space<vmem_shared>>)
          tpu.yield
        }) : () -> ()
        %run_scoped3A_35 = arith.constant 5 : i32
        "tpu.region"() ({
          %run_scoped3A_38 = tpu.sem_alloc : memref<!tpu.dma_semaphore, #tpu.memory_space<semaphore_mem>>
          %dma_start3A = arith.constant 640 : i32
          %dma_start3A_39 = arith.constant 0 : i32
          %dma_start3A_40 = tpu.memref_slice %arg7[%dma_start3A, %dma_start3A_39] : memref<1024x16xf32, #tpu.memory_space<vmem>> -> memref<128x16xf32, #tpu.memory_space<vmem>>
          %dma_start3A_41 = arith.constant 0 : i32
          %dma_start3A_42 = tpu.memref_slice %arg6[%run_scoped3A_35, %dma_start3A_41] : memref<8x128xi32, #tpu.memory_space<vmem>> -> memref<1x128xi32, #tpu.memory_space<vmem>>
          %dma_start3A_43 = tpu.memref_squeeze %dma_start3A_42 : memref<1x128xi32, #tpu.memory_space<vmem>> -> memref<128xi32, #tpu.memory_space<vmem>>
          %dma_start3A_44 = arith.constant 0 : i32
          %dma_start3A_45 = arith.constant 0 : i32
          %dma_start3A_46 = tpu.memref_slice %arg8[%dma_start3A_44, %dma_start3A_45] : memref<50048x16xf32, #tpu.memory_space<vmem_shared>> -> memref<50048x16xf32, #tpu.memory_space<vmem_shared>>
          tpu.enqueue_indirect_dma source(%dma_start3A_40 : memref<128x16xf32, #tpu.memory_space<vmem>>) target(%dma_start3A_46 : memref<50048x16xf32, #tpu.memory_space<vmem_shared>>) offsets(%dma_start3A_43 : memref<128xi32, #tpu.memory_space<vmem>>) semaphore(%run_scoped3A_38 : memref<!tpu.dma_semaphore, #tpu.memory_space<semaphore_mem>>) {add = true}
          %dma_wait3A = arith.constant 640 : i32
          %dma_wait3A_47 = arith.constant 0 : i32
          %dma_wait3A_48 = tpu.memref_slice %arg7[%dma_wait3A, %dma_wait3A_47] : memref<1024x16xf32, #tpu.memory_space<vmem>> -> memref<128x16xf32, #tpu.memory_space<vmem>>
          %dma_wait3A_49 = arith.constant 0 : i32
          %dma_wait3A_50 = tpu.memref_slice %arg6[%run_scoped3A_35, %dma_wait3A_49] : memref<8x128xi32, #tpu.memory_space<vmem>> -> memref<1x128xi32, #tpu.memory_space<vmem>>
          %dma_wait3A_51 = tpu.memref_squeeze %dma_wait3A_50 : memref<1x128xi32, #tpu.memory_space<vmem>> -> memref<128xi32, #tpu.memory_space<vmem>>
          %dma_wait3A_52 = arith.constant 0 : i32
          %dma_wait3A_53 = arith.constant 0 : i32
          %dma_wait3A_54 = tpu.memref_slice %arg8[%dma_wait3A_52, %dma_wait3A_53] : memref<50048x16xf32, #tpu.memory_space<vmem_shared>> -> memref<50048x16xf32, #tpu.memory_space<vmem_shared>>
          tpu.wait_indirect_dma semaphore(%run_scoped3A_38 : memref<!tpu.dma_semaphore, #tpu.memory_space<semaphore_mem>>) src(%dma_wait3A_48 : memref<128x16xf32, #tpu.memory_space<vmem>>) dst(%dma_wait3A_54 : memref<50048x16xf32, #tpu.memory_space<vmem_shared>>)
          tpu.yield
        }) : () -> ()
        %run_scoped3A_36 = arith.constant 6 : i32
        "tpu.region"() ({
          %run_scoped3A_38 = tpu.sem_alloc : memref<!tpu.dma_semaphore, #tpu.memory_space<semaphore_mem>>
          %dma_start3A = arith.constant 768 : i32
          %dma_start3A_39 = arith.constant 0 : i32
          %dma_start3A_40 = tpu.memref_slice %arg7[%dma_start3A, %dma_start3A_39] : memref<1024x16xf32, #tpu.memory_space<vmem>> -> memref<128x16xf32, #tpu.memory_space<vmem>>
          %dma_start3A_41 = arith.constant 0 : i32
          %dma_start3A_42 = tpu.memref_slice %arg6[%run_scoped3A_36, %dma_start3A_41] : memref<8x128xi32, #tpu.memory_space<vmem>> -> memref<1x128xi32, #tpu.memory_space<vmem>>
          %dma_start3A_43 = tpu.memref_squeeze %dma_start3A_42 : memref<1x128xi32, #tpu.memory_space<vmem>> -> memref<128xi32, #tpu.memory_space<vmem>>
          %dma_start3A_44 = arith.constant 0 : i32
          %dma_start3A_45 = arith.constant 0 : i32
          %dma_start3A_46 = tpu.memref_slice %arg8[%dma_start3A_44, %dma_start3A_45] : memref<50048x16xf32, #tpu.memory_space<vmem_shared>> -> memref<50048x16xf32, #tpu.memory_space<vmem_shared>>
          tpu.enqueue_indirect_dma source(%dma_start3A_40 : memref<128x16xf32, #tpu.memory_space<vmem>>) target(%dma_start3A_46 : memref<50048x16xf32, #tpu.memory_space<vmem_shared>>) offsets(%dma_start3A_43 : memref<128xi32, #tpu.memory_space<vmem>>) semaphore(%run_scoped3A_38 : memref<!tpu.dma_semaphore, #tpu.memory_space<semaphore_mem>>) {add = true}
          %dma_wait3A = arith.constant 768 : i32
          %dma_wait3A_47 = arith.constant 0 : i32
          %dma_wait3A_48 = tpu.memref_slice %arg7[%dma_wait3A, %dma_wait3A_47] : memref<1024x16xf32, #tpu.memory_space<vmem>> -> memref<128x16xf32, #tpu.memory_space<vmem>>
          %dma_wait3A_49 = arith.constant 0 : i32
          %dma_wait3A_50 = tpu.memref_slice %arg6[%run_scoped3A_36, %dma_wait3A_49] : memref<8x128xi32, #tpu.memory_space<vmem>> -> memref<1x128xi32, #tpu.memory_space<vmem>>
          %dma_wait3A_51 = tpu.memref_squeeze %dma_wait3A_50 : memref<1x128xi32, #tpu.memory_space<vmem>> -> memref<128xi32, #tpu.memory_space<vmem>>
          %dma_wait3A_52 = arith.constant 0 : i32
          %dma_wait3A_53 = arith.constant 0 : i32
          %dma_wait3A_54 = tpu.memref_slice %arg8[%dma_wait3A_52, %dma_wait3A_53] : memref<50048x16xf32, #tpu.memory_space<vmem_shared>> -> memref<50048x16xf32, #tpu.memory_space<vmem_shared>>
          tpu.wait_indirect_dma semaphore(%run_scoped3A_38 : memref<!tpu.dma_semaphore, #tpu.memory_space<semaphore_mem>>) src(%dma_wait3A_48 : memref<128x16xf32, #tpu.memory_space<vmem>>) dst(%dma_wait3A_54 : memref<50048x16xf32, #tpu.memory_space<vmem_shared>>)
          tpu.yield
        }) : () -> ()
        %run_scoped3A_37 = arith.constant 7 : i32
        "tpu.region"() ({
          %run_scoped3A_38 = tpu.sem_alloc : memref<!tpu.dma_semaphore, #tpu.memory_space<semaphore_mem>>
          %dma_start3A = arith.constant 896 : i32
          %dma_start3A_39 = arith.constant 0 : i32
          %dma_start3A_40 = tpu.memref_slice %arg7[%dma_start3A, %dma_start3A_39] : memref<1024x16xf32, #tpu.memory_space<vmem>> -> memref<128x16xf32, #tpu.memory_space<vmem>>
          %dma_start3A_41 = arith.constant 0 : i32
          %dma_start3A_42 = tpu.memref_slice %arg6[%run_scoped3A_37, %dma_start3A_41] : memref<8x128xi32, #tpu.memory_space<vmem>> -> memref<1x128xi32, #tpu.memory_space<vmem>>
          %dma_start3A_43 = tpu.memref_squeeze %dma_start3A_42 : memref<1x128xi32, #tpu.memory_space<vmem>> -> memref<128xi32, #tpu.memory_space<vmem>>
          %dma_start3A_44 = arith.constant 0 : i32
          %dma_start3A_45 = arith.constant 0 : i32
          %dma_start3A_46 = tpu.memref_slice %arg8[%dma_start3A_44, %dma_start3A_45] : memref<50048x16xf32, #tpu.memory_space<vmem_shared>> -> memref<50048x16xf32, #tpu.memory_space<vmem_shared>>
          tpu.enqueue_indirect_dma source(%dma_start3A_40 : memref<128x16xf32, #tpu.memory_space<vmem>>) target(%dma_start3A_46 : memref<50048x16xf32, #tpu.memory_space<vmem_shared>>) offsets(%dma_start3A_43 : memref<128xi32, #tpu.memory_space<vmem>>) semaphore(%run_scoped3A_38 : memref<!tpu.dma_semaphore, #tpu.memory_space<semaphore_mem>>) {add = true}
          %dma_wait3A = arith.constant 896 : i32
          %dma_wait3A_47 = arith.constant 0 : i32
          %dma_wait3A_48 = tpu.memref_slice %arg7[%dma_wait3A, %dma_wait3A_47] : memref<1024x16xf32, #tpu.memory_space<vmem>> -> memref<128x16xf32, #tpu.memory_space<vmem>>
          %dma_wait3A_49 = arith.constant 0 : i32
          %dma_wait3A_50 = tpu.memref_slice %arg6[%run_scoped3A_37, %dma_wait3A_49] : memref<8x128xi32, #tpu.memory_space<vmem>> -> memref<1x128xi32, #tpu.memory_space<vmem>>
          %dma_wait3A_51 = tpu.memref_squeeze %dma_wait3A_50 : memref<1x128xi32, #tpu.memory_space<vmem>> -> memref<128xi32, #tpu.memory_space<vmem>>
          %dma_wait3A_52 = arith.constant 0 : i32
          %dma_wait3A_53 = arith.constant 0 : i32
          %dma_wait3A_54 = tpu.memref_slice %arg8[%dma_wait3A_52, %dma_wait3A_53] : memref<50048x16xf32, #tpu.memory_space<vmem_shared>> -> memref<50048x16xf32, #tpu.memory_space<vmem_shared>>
          tpu.wait_indirect_dma semaphore(%run_scoped3A_38 : memref<!tpu.dma_semaphore, #tpu.memory_space<semaphore_mem>>) src(%dma_wait3A_48 : memref<128x16xf32, #tpu.memory_space<vmem>>) dst(%dma_wait3A_54 : memref<50048x16xf32, #tpu.memory_space<vmem_shared>>)
          tpu.yield
        }) : () -> ()
      } else {
      }
      %eq3A = arith.constant 781 : i32
      %eq3A_21 = arith.cmpi eq, %add3A_18, %eq3A : i32
      %convert_element_type3A_22 = arith.extui %eq3A_21 : i1 to i32
      %cond3A_23 = arith.constant 0 : i32
      %cond3A_24 = arith.cmpi ne, %convert_element_type3A_22, %cond3A_23 : i32
      scf.if %cond3A_24 {
        "tpu.region"() ({
          %run_scoped3A_26 = tpu.sem_alloc : memref<!tpu.dma_semaphore, #tpu.memory_space<semaphore_mem>>
          %dma_start3A = arith.constant 0 : i32
          %dma_start3A_27 = arith.constant 0 : i32
          %dma_start3A_28 = tpu.memref_slice %arg6[%dma_start3A, %dma_start3A_27] : memref<8x128xi32, #tpu.memory_space<vmem>> -> memref<2x128xi32, #tpu.memory_space<vmem>>
          %dma_start3A_29 = arith.constant 6248 : i32
          %dma_start3A_30 = arith.constant 0 : i32
          %dma_start3A_31 = tpu.memref_slice %arg3[%dma_start3A_29, %dma_start3A_30] : memref<6250x128xi32, #tpu.memory_space<hbm>> -> memref<2x128xi32, #tpu.memory_space<hbm>>
          %dma_start3A_32 = arith.constant 0 : i32
          %dma_start3A_33 = arith.constant 0 : i32
          %dma_start3A_34 = tpu.memref_slice %arg6[%dma_start3A_32, %dma_start3A_33] : memref<8x128xi32, #tpu.memory_space<vmem>> -> memref<2x128xi32, #tpu.memory_space<vmem>>
          %dma_start3A_35 = arith.constant 6248 : i32
          %dma_start3A_36 = arith.constant 0 : i32
          %dma_start3A_37 = tpu.memref_slice %arg3[%dma_start3A_35, %dma_start3A_36] : memref<6250x128xi32, #tpu.memory_space<hbm>> -> memref<2x128xi32, #tpu.memory_space<hbm>>
          tpu.enqueue_dma source(%dma_start3A_37 : memref<2x128xi32, #tpu.memory_space<hbm>>) target(%dma_start3A_34 : memref<2x128xi32, #tpu.memory_space<vmem>>) target_semaphore(%run_scoped3A_26 : memref<!tpu.dma_semaphore, #tpu.memory_space<semaphore_mem>>)
          %dma_wait3A = arith.constant 0 : i32
          %dma_wait3A_38 = arith.constant 0 : i32
          %dma_wait3A_39 = tpu.memref_slice %arg6[%dma_wait3A, %dma_wait3A_38] : memref<8x128xi32, #tpu.memory_space<vmem>> -> memref<2x128xi32, #tpu.memory_space<vmem>>
          %dma_wait3A_40 = arith.constant 6248 : i32
          %dma_wait3A_41 = arith.constant 0 : i32
          %dma_wait3A_42 = tpu.memref_slice %arg3[%dma_wait3A_40, %dma_wait3A_41] : memref<6250x128xi32, #tpu.memory_space<hbm>> -> memref<2x128xi32, #tpu.memory_space<hbm>>
          %dma_wait3A_43 = arith.constant 0 : i32
          %dma_wait3A_44 = arith.constant 0 : i32
          %dma_wait3A_45 = tpu.memref_slice %arg6[%dma_wait3A_43, %dma_wait3A_44] : memref<8x128xi32, #tpu.memory_space<vmem>> -> memref<2x128xi32, #tpu.memory_space<vmem>>
          %dma_wait3A_46 = arith.constant 6248 : i32
          %dma_wait3A_47 = arith.constant 0 : i32
          %dma_wait3A_48 = tpu.memref_slice %arg3[%dma_wait3A_46, %dma_wait3A_47] : memref<6250x128xi32, #tpu.memory_space<hbm>> -> memref<2x128xi32, #tpu.memory_space<hbm>>
          tpu.wait_dma2 semaphore(%run_scoped3A_26 : memref<!tpu.dma_semaphore, #tpu.memory_space<semaphore_mem>>) src(%dma_wait3A_48 : memref<2x128xi32, #tpu.memory_space<hbm>>) dst(%dma_wait3A_45 : memref<2x128xi32, #tpu.memory_space<vmem>>)
          tpu.yield
        }) : () -> ()
        "tpu.region"() ({
          %run_scoped3A_26 = tpu.sem_alloc : memref<!tpu.dma_semaphore, #tpu.memory_space<semaphore_mem>>
          %dma_start3A = arith.constant 0 : i32
          %dma_start3A_27 = arith.constant 0 : i32
          %dma_start3A_28 = tpu.memref_slice %arg7[%dma_start3A, %dma_start3A_27] : memref<1024x16xf32, #tpu.memory_space<vmem>> -> memref<256x16xf32, #tpu.memory_space<vmem>>
          %dma_start3A_29 = arith.constant 799744 : i32
          %dma_start3A_30 = arith.constant 0 : i32
          %dma_start3A_31 = tpu.memref_slice %arg2[%dma_start3A_29, %dma_start3A_30] : memref<800000x16xf32, #tpu.memory_space<hbm>> -> memref<256x16xf32, #tpu.memory_space<hbm>>
          %dma_start3A_32 = arith.constant 0 : i32
          %dma_start3A_33 = arith.constant 0 : i32
          %dma_start3A_34 = tpu.memref_slice %arg7[%dma_start3A_32, %dma_start3A_33] : memref<1024x16xf32, #tpu.memory_space<vmem>> -> memref<256x16xf32, #tpu.memory_space<vmem>>
          %dma_start3A_35 = arith.constant 799744 : i32
          %dma_start3A_36 = arith.constant 0 : i32
          %dma_start3A_37 = tpu.memref_slice %arg2[%dma_start3A_35, %dma_start3A_36] : memref<800000x16xf32, #tpu.memory_space<hbm>> -> memref<256x16xf32, #tpu.memory_space<hbm>>
          tpu.enqueue_dma source(%dma_start3A_37 : memref<256x16xf32, #tpu.memory_space<hbm>>) target(%dma_start3A_34 : memref<256x16xf32, #tpu.memory_space<vmem>>) target_semaphore(%run_scoped3A_26 : memref<!tpu.dma_semaphore, #tpu.memory_space<semaphore_mem>>)
          %dma_wait3A = arith.constant 0 : i32
          %dma_wait3A_38 = arith.constant 0 : i32
          %dma_wait3A_39 = tpu.memref_slice %arg7[%dma_wait3A, %dma_wait3A_38] : memref<1024x16xf32, #tpu.memory_space<vmem>> -> memref<256x16xf32, #tpu.memory_space<vmem>>
          %dma_wait3A_40 = arith.constant 799744 : i32
          %dma_wait3A_41 = arith.constant 0 : i32
          %dma_wait3A_42 = tpu.memref_slice %arg2[%dma_wait3A_40, %dma_wait3A_41] : memref<800000x16xf32, #tpu.memory_space<hbm>> -> memref<256x16xf32, #tpu.memory_space<hbm>>
          %dma_wait3A_43 = arith.constant 0 : i32
          %dma_wait3A_44 = arith.constant 0 : i32
          %dma_wait3A_45 = tpu.memref_slice %arg7[%dma_wait3A_43, %dma_wait3A_44] : memref<1024x16xf32, #tpu.memory_space<vmem>> -> memref<256x16xf32, #tpu.memory_space<vmem>>
          %dma_wait3A_46 = arith.constant 799744 : i32
          %dma_wait3A_47 = arith.constant 0 : i32
          %dma_wait3A_48 = tpu.memref_slice %arg2[%dma_wait3A_46, %dma_wait3A_47] : memref<800000x16xf32, #tpu.memory_space<hbm>> -> memref<256x16xf32, #tpu.memory_space<hbm>>
          tpu.wait_dma2 semaphore(%run_scoped3A_26 : memref<!tpu.dma_semaphore, #tpu.memory_space<semaphore_mem>>) src(%dma_wait3A_48 : memref<256x16xf32, #tpu.memory_space<hbm>>) dst(%dma_wait3A_45 : memref<256x16xf32, #tpu.memory_space<vmem>>)
          tpu.yield
        }) : () -> ()
        %run_scoped3A = arith.constant 0 : i32
        "tpu.region"() ({
          %run_scoped3A_26 = tpu.sem_alloc : memref<!tpu.dma_semaphore, #tpu.memory_space<semaphore_mem>>
          %dma_start3A = arith.constant 0 : i32
          %dma_start3A_27 = arith.constant 0 : i32
          %dma_start3A_28 = tpu.memref_slice %arg7[%dma_start3A, %dma_start3A_27] : memref<1024x16xf32, #tpu.memory_space<vmem>> -> memref<128x16xf32, #tpu.memory_space<vmem>>
          %dma_start3A_29 = arith.constant 0 : i32
          %dma_start3A_30 = tpu.memref_slice %arg6[%run_scoped3A, %dma_start3A_29] : memref<8x128xi32, #tpu.memory_space<vmem>> -> memref<1x128xi32, #tpu.memory_space<vmem>>
          %dma_start3A_31 = tpu.memref_squeeze %dma_start3A_30 : memref<1x128xi32, #tpu.memory_space<vmem>> -> memref<128xi32, #tpu.memory_space<vmem>>
          %dma_start3A_32 = arith.constant 0 : i32
          %dma_start3A_33 = arith.constant 0 : i32
          %dma_start3A_34 = tpu.memref_slice %arg8[%dma_start3A_32, %dma_start3A_33] : memref<50048x16xf32, #tpu.memory_space<vmem_shared>> -> memref<50048x16xf32, #tpu.memory_space<vmem_shared>>
          tpu.enqueue_indirect_dma source(%dma_start3A_28 : memref<128x16xf32, #tpu.memory_space<vmem>>) target(%dma_start3A_34 : memref<50048x16xf32, #tpu.memory_space<vmem_shared>>) offsets(%dma_start3A_31 : memref<128xi32, #tpu.memory_space<vmem>>) semaphore(%run_scoped3A_26 : memref<!tpu.dma_semaphore, #tpu.memory_space<semaphore_mem>>) {add = true}
          %dma_wait3A = arith.constant 0 : i32
          %dma_wait3A_35 = arith.constant 0 : i32
          %dma_wait3A_36 = tpu.memref_slice %arg7[%dma_wait3A, %dma_wait3A_35] : memref<1024x16xf32, #tpu.memory_space<vmem>> -> memref<128x16xf32, #tpu.memory_space<vmem>>
          %dma_wait3A_37 = arith.constant 0 : i32
          %dma_wait3A_38 = tpu.memref_slice %arg6[%run_scoped3A, %dma_wait3A_37] : memref<8x128xi32, #tpu.memory_space<vmem>> -> memref<1x128xi32, #tpu.memory_space<vmem>>
          %dma_wait3A_39 = tpu.memref_squeeze %dma_wait3A_38 : memref<1x128xi32, #tpu.memory_space<vmem>> -> memref<128xi32, #tpu.memory_space<vmem>>
          %dma_wait3A_40 = arith.constant 0 : i32
          %dma_wait3A_41 = arith.constant 0 : i32
          %dma_wait3A_42 = tpu.memref_slice %arg8[%dma_wait3A_40, %dma_wait3A_41] : memref<50048x16xf32, #tpu.memory_space<vmem_shared>> -> memref<50048x16xf32, #tpu.memory_space<vmem_shared>>
          tpu.wait_indirect_dma semaphore(%run_scoped3A_26 : memref<!tpu.dma_semaphore, #tpu.memory_space<semaphore_mem>>) src(%dma_wait3A_36 : memref<128x16xf32, #tpu.memory_space<vmem>>) dst(%dma_wait3A_42 : memref<50048x16xf32, #tpu.memory_space<vmem_shared>>)
          tpu.yield
        }) : () -> ()
        %run_scoped3A_25 = arith.constant 1 : i32
        "tpu.region"() ({
          %run_scoped3A_26 = tpu.sem_alloc : memref<!tpu.dma_semaphore, #tpu.memory_space<semaphore_mem>>
          %dma_start3A = arith.constant 128 : i32
          %dma_start3A_27 = arith.constant 0 : i32
          %dma_start3A_28 = tpu.memref_slice %arg7[%dma_start3A, %dma_start3A_27] : memref<1024x16xf32, #tpu.memory_space<vmem>> -> memref<128x16xf32, #tpu.memory_space<vmem>>
          %dma_start3A_29 = arith.constant 0 : i32
          %dma_start3A_30 = tpu.memref_slice %arg6[%run_scoped3A_25, %dma_start3A_29] : memref<8x128xi32, #tpu.memory_space<vmem>> -> memref<1x128xi32, #tpu.memory_space<vmem>>
          %dma_start3A_31 = tpu.memref_squeeze %dma_start3A_30 : memref<1x128xi32, #tpu.memory_space<vmem>> -> memref<128xi32, #tpu.memory_space<vmem>>
          %dma_start3A_32 = arith.constant 0 : i32
          %dma_start3A_33 = arith.constant 0 : i32
          %dma_start3A_34 = tpu.memref_slice %arg8[%dma_start3A_32, %dma_start3A_33] : memref<50048x16xf32, #tpu.memory_space<vmem_shared>> -> memref<50048x16xf32, #tpu.memory_space<vmem_shared>>
          tpu.enqueue_indirect_dma source(%dma_start3A_28 : memref<128x16xf32, #tpu.memory_space<vmem>>) target(%dma_start3A_34 : memref<50048x16xf32, #tpu.memory_space<vmem_shared>>) offsets(%dma_start3A_31 : memref<128xi32, #tpu.memory_space<vmem>>) semaphore(%run_scoped3A_26 : memref<!tpu.dma_semaphore, #tpu.memory_space<semaphore_mem>>) {add = true}
          %dma_wait3A = arith.constant 128 : i32
          %dma_wait3A_35 = arith.constant 0 : i32
          %dma_wait3A_36 = tpu.memref_slice %arg7[%dma_wait3A, %dma_wait3A_35] : memref<1024x16xf32, #tpu.memory_space<vmem>> -> memref<128x16xf32, #tpu.memory_space<vmem>>
          %dma_wait3A_37 = arith.constant 0 : i32
          %dma_wait3A_38 = tpu.memref_slice %arg6[%run_scoped3A_25, %dma_wait3A_37] : memref<8x128xi32, #tpu.memory_space<vmem>> -> memref<1x128xi32, #tpu.memory_space<vmem>>
          %dma_wait3A_39 = tpu.memref_squeeze %dma_wait3A_38 : memref<1x128xi32, #tpu.memory_space<vmem>> -> memref<128xi32, #tpu.memory_space<vmem>>
          %dma_wait3A_40 = arith.constant 0 : i32
          %dma_wait3A_41 = arith.constant 0 : i32
          %dma_wait3A_42 = tpu.memref_slice %arg8[%dma_wait3A_40, %dma_wait3A_41] : memref<50048x16xf32, #tpu.memory_space<vmem_shared>> -> memref<50048x16xf32, #tpu.memory_space<vmem_shared>>
          tpu.wait_indirect_dma semaphore(%run_scoped3A_26 : memref<!tpu.dma_semaphore, #tpu.memory_space<semaphore_mem>>) src(%dma_wait3A_36 : memref<128x16xf32, #tpu.memory_space<vmem>>) dst(%dma_wait3A_42 : memref<50048x16xf32, #tpu.memory_space<vmem_shared>>)
          tpu.yield
        }) : () -> ()
      } else {
      }
    }
    %scan3A_9 = arith.constant 25 : i32
    %barrier3A_10 = arith.constant 0 : index
    tpu.barrier barrier_id(%barrier3A_10)
    %mul3A_11 = arith.constant 3128 : i32
    %mul3A_12 = arith.muli %arg1, %mul3A_11 : i32
    %mul3A_13 = arith.constant 3128 : i32
    %mul3A_14 = arith.muli %arg1, %mul3A_13 : i32
    "tpu.region"() ({
      %run_scoped3A = tpu.sem_alloc : memref<!tpu.dma_semaphore, #tpu.memory_space<semaphore_mem>>
      %dma_start3A = arith.constant 0 : i32
      %dma_start3A_15 = tpu.memref_slice %arg5[%arg0, %mul3A_14, %dma_start3A] : memref<2x50048x16xf32, #tpu.memory_space<hbm>> -> memref<1x3128x16xf32, #tpu.memory_space<hbm>>
      %dma_start3A_16 = tpu.memref_squeeze %dma_start3A_15 : memref<1x3128x16xf32, #tpu.memory_space<hbm>> -> memref<3128x16xf32, #tpu.memory_space<hbm>>
      %dma_start3A_17 = arith.constant 0 : i32
      %dma_start3A_18 = tpu.memref_slice %arg8[%mul3A_12, %dma_start3A_17] : memref<50048x16xf32, #tpu.memory_space<vmem_shared>> -> memref<3128x16xf32, #tpu.memory_space<vmem_shared>>
      tpu.enqueue_dma source(%dma_start3A_18 : memref<3128x16xf32, #tpu.memory_space<vmem_shared>>) target(%dma_start3A_16 : memref<3128x16xf32, #tpu.memory_space<hbm>>) target_semaphore(%run_scoped3A : memref<!tpu.dma_semaphore, #tpu.memory_space<semaphore_mem>>)
      %dma_wait3A = arith.constant 0 : i32
      %dma_wait3A_19 = tpu.memref_slice %arg5[%arg0, %mul3A_14, %dma_wait3A] : memref<2x50048x16xf32, #tpu.memory_space<hbm>> -> memref<1x3128x16xf32, #tpu.memory_space<hbm>>
      %dma_wait3A_20 = tpu.memref_squeeze %dma_wait3A_19 : memref<1x3128x16xf32, #tpu.memory_space<hbm>> -> memref<3128x16xf32, #tpu.memory_space<hbm>>
      %dma_wait3A_21 = arith.constant 0 : i32
      %dma_wait3A_22 = tpu.memref_slice %arg8[%mul3A_12, %dma_wait3A_21] : memref<50048x16xf32, #tpu.memory_space<vmem_shared>> -> memref<3128x16xf32, #tpu.memory_space<vmem_shared>>
      tpu.wait_dma2 semaphore(%run_scoped3A : memref<!tpu.dma_semaphore, #tpu.memory_space<semaphore_mem>>) src(%dma_wait3A_22 : memref<3128x16xf32, #tpu.memory_space<vmem_shared>>) dst(%dma_wait3A_20 : memref<3128x16xf32, #tpu.memory_space<hbm>>)
      tpu.yield
    }) : () -> ()
    return
  }
}

#map = affine_map<(d0, d1) -> (0, 0)>
#map1 = affine_map<(d0, d1) -> (0)>
module attributes {stable_mosaic.version = 14 : i64} {
  func.func @gather_kernel(%arg0: i32, %arg1: i32, %arg2: memref<50000x16xf32, #tpu.memory_space<hbm>>, %arg3: memref<2400000xi32, #tpu.memory_space<hbm>>, %arg4: memref<2400000x16xf32, #tpu.memory_space<hbm>>, %arg5: memref<5000xi32, #tpu.memory_space<vmem>>, %arg6: memref<5000x16xf32, #tpu.memory_space<vmem>>, %arg7: memref<!tpu.dma_semaphore, #tpu.memory_space<semaphore_mem>>) attributes {dimension_semantics = [#tpu.dimension_semantics<core_parallel>, #tpu.dimension_semantics<subcore_parallel>], iteration_bounds = array<i64: 2, 16>, scalar_prefetch = 0 : i64, scratch_operands = 3 : i64, tpu.core_type = #tpu.core_type<sc_vector_subcore>, window_params = [{transform_indices = #map}, {transform_indices = #map1}, {transform_indices = #map}]} {
    %mul3A = arith.constant 2 : i32
    %mul3A_0 = arith.muli %arg1, %mul3A : i32
    %add3A = arith.addi %mul3A_0, %arg0 : i32
    %mul3A_1 = arith.constant 75000 : i32
    %mul3A_2 = arith.muli %add3A, %mul3A_1 : i32
    %scan3A = arith.constant 0 : i32
    %scan3A_3 = arith.constant 0 : i32
    %scan3A_4 = arith.constant 15 : i32
    %scan3A_5 = arith.addi %scan3A_3, %scan3A_4 : i32
    %scan3A_6 = arith.constant 1 : i32
    scf.for %scan3A_8 = %scan3A_3 to %scan3A_5 step %scan3A_6  : i32 {
      %mul3A_9 = arith.constant 5000 : i32
      %mul3A_10 = arith.muli %scan3A_8, %mul3A_9 : i32
      %add3A_11 = arith.addi %mul3A_2, %mul3A_10 : i32
      "tpu.region"() ({
        %run_scoped3A = tpu.sem_alloc : memref<!tpu.dma_semaphore, #tpu.memory_space<semaphore_mem>>
        %dma_start3A_16 = tpu.memref_slice %arg3[%add3A_11] : memref<2400000xi32, #tpu.memory_space<hbm>> -> memref<5000xi32, #tpu.memory_space<hbm>>
        %dma_start3A_17 = tpu.memref_slice %arg3[%add3A_11] : memref<2400000xi32, #tpu.memory_space<hbm>> -> memref<5000xi32, #tpu.memory_space<hbm>>
        tpu.enqueue_dma source(%dma_start3A_17 : memref<5000xi32, #tpu.memory_space<hbm>>) target(%arg5 : memref<5000xi32, #tpu.memory_space<vmem>>) target_semaphore(%run_scoped3A : memref<!tpu.dma_semaphore, #tpu.memory_space<semaphore_mem>>)
        %dma_wait3A_18 = tpu.memref_slice %arg3[%add3A_11] : memref<2400000xi32, #tpu.memory_space<hbm>> -> memref<5000xi32, #tpu.memory_space<hbm>>
        %dma_wait3A_19 = tpu.memref_slice %arg3[%add3A_11] : memref<2400000xi32, #tpu.memory_space<hbm>> -> memref<5000xi32, #tpu.memory_space<hbm>>
        tpu.wait_dma2 semaphore(%run_scoped3A : memref<!tpu.dma_semaphore, #tpu.memory_space<semaphore_mem>>) src(%dma_wait3A_19 : memref<5000xi32, #tpu.memory_space<hbm>>) dst(%arg5 : memref<5000xi32, #tpu.memory_space<vmem>>)
        tpu.yield
      }) : () -> ()
      %dma_start3A = arith.constant 0 : i32
      %dma_start3A_12 = arith.constant 0 : i32
      %dma_start3A_13 = tpu.memref_slice %arg2[%dma_start3A, %dma_start3A_12] : memref<50000x16xf32, #tpu.memory_space<hbm>> -> memref<50000x16xf32, #tpu.memory_space<hbm>>
      tpu.enqueue_indirect_dma source(%dma_start3A_13 : memref<50000x16xf32, #tpu.memory_space<hbm>>) target(%arg6 : memref<5000x16xf32, #tpu.memory_space<vmem>>) offsets(%arg5 : memref<5000xi32, #tpu.memory_space<vmem>>) semaphore(%arg7 : memref<!tpu.dma_semaphore, #tpu.memory_space<semaphore_mem>>)
      %dma_wait3A = arith.constant 0 : i32
      %dma_wait3A_14 = arith.constant 0 : i32
      %dma_wait3A_15 = tpu.memref_slice %arg2[%dma_wait3A, %dma_wait3A_14] : memref<50000x16xf32, #tpu.memory_space<hbm>> -> memref<50000x16xf32, #tpu.memory_space<hbm>>
      tpu.wait_indirect_dma semaphore(%arg7 : memref<!tpu.dma_semaphore, #tpu.memory_space<semaphore_mem>>) src(%dma_wait3A_15 : memref<50000x16xf32, #tpu.memory_space<hbm>>) dst(%arg6 : memref<5000x16xf32, #tpu.memory_space<vmem>>)
      "tpu.region"() ({
        %run_scoped3A = tpu.sem_alloc : memref<!tpu.dma_semaphore, #tpu.memory_space<semaphore_mem>>
        %dma_start3A_16 = arith.constant 0 : i32
        %dma_start3A_17 = tpu.memref_slice %arg4[%add3A_11, %dma_start3A_16] : memref<2400000x16xf32, #tpu.memory_space<hbm>> -> memref<5000x16xf32, #tpu.memory_space<hbm>>
        %dma_start3A_18 = arith.constant 0 : i32
        %dma_start3A_19 = tpu.memref_slice %arg4[%add3A_11, %dma_start3A_18] : memref<2400000x16xf32, #tpu.memory_space<hbm>> -> memref<5000x16xf32, #tpu.memory_space<hbm>>
        tpu.enqueue_dma source(%arg6 : memref<5000x16xf32, #tpu.memory_space<vmem>>) target(%dma_start3A_19 : memref<5000x16xf32, #tpu.memory_space<hbm>>) target_semaphore(%run_scoped3A : memref<!tpu.dma_semaphore, #tpu.memory_space<semaphore_mem>>)
        %dma_wait3A_20 = arith.constant 0 : i32
        %dma_wait3A_21 = tpu.memref_slice %arg4[%add3A_11, %dma_wait3A_20] : memref<2400000x16xf32, #tpu.memory_space<hbm>> -> memref<5000x16xf32, #tpu.memory_space<hbm>>
        %dma_wait3A_22 = arith.constant 0 : i32
        %dma_wait3A_23 = tpu.memref_slice %arg4[%add3A_11, %dma_wait3A_22] : memref<2400000x16xf32, #tpu.memory_space<hbm>> -> memref<5000x16xf32, #tpu.memory_space<hbm>>
        tpu.wait_dma2 semaphore(%run_scoped3A : memref<!tpu.dma_semaphore, #tpu.memory_space<semaphore_mem>>) src(%arg6 : memref<5000x16xf32, #tpu.memory_space<vmem>>) dst(%dma_wait3A_23 : memref<5000x16xf32, #tpu.memory_space<hbm>>)
        tpu.yield
      }) : () -> ()
    }
    %scan3A_7 = arith.constant 15 : i32
    return
  }
}

#map = affine_map<(d0, d1) -> (0, 0)>
#map1 = affine_map<(d0, d1) -> (0, 0, 0)>
module attributes {stable_mosaic.version = 14 : i64} {
  func.func @segsum_kernel(%arg0: i32, %arg1: i32, %arg2: memref<800000x16xf32, #tpu.memory_space<hbm>>, %arg3: memref<6250x128xi32, #tpu.memory_space<hbm>>, %arg4: memref<50048x16xf32, #tpu.memory_space<hbm>>, %arg5: memref<2x50048x16xf32, #tpu.memory_space<hbm>>, %arg6: memref<8x128xi32, #tpu.memory_space<vmem>>, %arg7: memref<1024x16xf32, #tpu.memory_space<vmem>>, %arg8: memref<50048x16xf32, #tpu.memory_space<vmem_shared>>) attributes {dimension_semantics = [#tpu.dimension_semantics<core_parallel>, #tpu.dimension_semantics<subcore_parallel>], iteration_bounds = array<i64: 2, 16>, scalar_prefetch = 0 : i64, scratch_operands = 3 : i64, tpu.core_type = #tpu.core_type<sc_vector_subcore>, window_params = [{transform_indices = #map}, {transform_indices = #map}, {transform_indices = #map}, {transform_indices = #map1}]} {
    %mul3A = arith.constant 2 : i32
    %mul3A_0 = arith.muli %arg1, %mul3A : i32
    %add3A = arith.addi %mul3A_0, %arg0 : i32
    %mul3A_1 = arith.constant 3128 : i32
    %mul3A_2 = arith.muli %arg1, %mul3A_1 : i32
    %mul3A_3 = arith.constant 3128 : i32
    %mul3A_4 = arith.muli %arg1, %mul3A_3 : i32
    "tpu.region"() ({
      %run_scoped3A = tpu.sem_alloc : memref<!tpu.dma_semaphore, #tpu.memory_space<semaphore_mem>>
      %dma_start3A = arith.constant 0 : i32
      %dma_start3A_15 = tpu.memref_slice %arg8[%mul3A_4, %dma_start3A] : memref<50048x16xf32, #tpu.memory_space<vmem_shared>> -> memref<3128x16xf32, #tpu.memory_space<vmem_shared>>
      %dma_start3A_16 = arith.constant 0 : i32
      %dma_start3A_17 = tpu.memref_slice %arg4[%mul3A_2, %dma_start3A_16] : memref<50048x16xf32, #tpu.memory_space<hbm>> -> memref<3128x16xf32, #tpu.memory_space<hbm>>
      tpu.enqueue_dma source(%dma_start3A_17 : memref<3128x16xf32, #tpu.memory_space<hbm>>) target(%dma_start3A_15 : memref<3128x16xf32, #tpu.memory_space<vmem_shared>>) target_semaphore(%run_scoped3A : memref<!tpu.dma_semaphore, #tpu.memory_space<semaphore_mem>>)
      %dma_wait3A = arith.constant 0 : i32
      %dma_wait3A_18 = tpu.memref_slice %arg8[%mul3A_4, %dma_wait3A] : memref<50048x16xf32, #tpu.memory_space<vmem_shared>> -> memref<3128x16xf32, #tpu.memory_space<vmem_shared>>
      %dma_wait3A_19 = arith.constant 0 : i32
      %dma_wait3A_20 = tpu.memref_slice %arg4[%mul3A_2, %dma_wait3A_19] : memref<50048x16xf32, #tpu.memory_space<hbm>> -> memref<3128x16xf32, #tpu.memory_space<hbm>>
      tpu.wait_dma2 semaphore(%run_scoped3A : memref<!tpu.dma_semaphore, #tpu.memory_space<semaphore_mem>>) src(%dma_wait3A_20 : memref<3128x16xf32, #tpu.memory_space<hbm>>) dst(%dma_wait3A_18 : memref<3128x16xf32, #tpu.memory_space<vmem_shared>>)
      tpu.yield
    }) : () -> ()
    %barrier3A = arith.constant 0 : index
    tpu.barrier barrier_id(%barrier3A)
    %scan3A = arith.constant 0 : i32
    %scan3A_5 = arith.constant 0 : i32
    %scan3A_6 = arith.constant 25 : i32
    %scan3A_7 = arith.addi %scan3A_5, %scan3A_6 : i32
    %scan3A_8 = arith.constant 1 : i32
    scf.for %scan3A_15 = %scan3A_5 to %scan3A_7 step %scan3A_8  : i32 {
      %mul3A_16 = arith.constant 32 : i32
      %mul3A_17 = arith.muli %scan3A_15, %mul3A_16 : i32
      %add3A_18 = arith.addi %add3A, %mul3A_17 : i32
      %lt3A = arith.constant 781 : i32
      %lt3A_19 = arith.cmpi slt, %add3A_18, %lt3A : i32
      %convert_element_type3A = arith.extui %lt3A_19 : i1 to i32
      %cond3A = arith.constant 0 : i32
      %cond3A_20 = arith.cmpi ne, %convert_element_type3A, %cond3A : i32
      scf.if %cond3A_20 {
        %mul3A_25 = arith.constant 8 : i32
        %mul3A_26 = arith.muli %add3A_18, %mul3A_25 : i32
        "tpu.region"() ({
          %run_scoped3A_38 = tpu.sem_alloc : memref<!tpu.dma_semaphore, #tpu.memory_space<semaphore_mem>>
          %dma_start3A = arith.constant 0 : i32
          %dma_start3A_39 = tpu.memref_slice %arg3[%mul3A_26, %dma_start3A] : memref<6250x128xi32, #tpu.memory_space<hbm>> -> memref<8x128xi32, #tpu.memory_space<hbm>>
          %dma_start3A_40 = arith.constant 0 : i32
          %dma_start3A_41 = tpu.memref_slice %arg3[%mul3A_26, %dma_start3A_40] : memref<6250x128xi32, #tpu.memory_space<hbm>> -> memref<8x128xi32, #tpu.memory_space<hbm>>
          tpu.enqueue_dma source(%dma_start3A_41 : memref<8x128xi32, #tpu.memory_space<hbm>>) target(%arg6 : memref<8x128xi32, #tpu.memory_space<vmem>>) target_semaphore(%run_scoped3A_38 : memref<!tpu.dma_semaphore, #tpu.memory_space<semaphore_mem>>)
          %dma_wait3A = arith.constant 0 : i32
          %dma_wait3A_42 = tpu.memref_slice %arg3[%mul3A_26, %dma_wait3A] : memref<6250x128xi32, #tpu.memory_space<hbm>> -> memref<8x128xi32, #tpu.memory_space<hbm>>
          %dma_wait3A_43 = arith.constant 0 : i32
          %dma_wait3A_44 = tpu.memref_slice %arg3[%mul3A_26, %dma_wait3A_43] : memref<6250x128xi32, #tpu.memory_space<hbm>> -> memref<8x128xi32, #tpu.memory_space<hbm>>
          tpu.wait_dma2 semaphore(%run_scoped3A_38 : memref<!tpu.dma_semaphore, #tpu.memory_space<semaphore_mem>>) src(%dma_wait3A_44 : memref<8x128xi32, #tpu.memory_space<hbm>>) dst(%arg6 : memref<8x128xi32, #tpu.memory_space<vmem>>)
          tpu.yield
        }) : () -> ()
        %mul3A_27 = arith.constant 8 : i32
        %mul3A_28 = arith.muli %add3A_18, %mul3A_27 : i32
        %mul3A_29 = arith.constant 128 : i32
        %mul3A_30 = arith.muli %mul3A_28, %mul3A_29 : i32
        "tpu.region"() ({
          %run_scoped3A_38 = tpu.sem_alloc : memref<!tpu.dma_semaphore, #tpu.memory_space<semaphore_mem>>
          %dma_start3A = arith.constant 0 : i32
          %dma_start3A_39 = tpu.memref_slice %arg2[%mul3A_30, %dma_start3A] : memref<800000x16xf32, #tpu.memory_space<hbm>> -> memref<1024x16xf32, #tpu.memory_space<hbm>>
          %dma_start3A_40 = arith.constant 0 : i32
          %dma_start3A_41 = tpu.memref_slice %arg2[%mul3A_30, %dma_start3A_40] : memref<800000x16xf32, #tpu.memory_space<hbm>> -> memref<1024x16xf32, #tpu.memory_space<hbm>>
          tpu.enqueue_dma source(%dma_start3A_41 : memref<1024x16xf32, #tpu.memory_space<hbm>>) target(%arg7 : memref<1024x16xf32, #tpu.memory_space<vmem>>) target_semaphore(%run_scoped3A_38 : memref<!tpu.dma_semaphore, #tpu.memory_space<semaphore_mem>>)
          %dma_wait3A = arith.constant 0 : i32
          %dma_wait3A_42 = tpu.memref_slice %arg2[%mul3A_30, %dma_wait3A] : memref<800000x16xf32, #tpu.memory_space<hbm>> -> memref<1024x16xf32, #tpu.memory_space<hbm>>
          %dma_wait3A_43 = arith.constant 0 : i32
          %dma_wait3A_44 = tpu.memref_slice %arg2[%mul3A_30, %dma_wait3A_43] : memref<800000x16xf32, #tpu.memory_space<hbm>> -> memref<1024x16xf32, #tpu.memory_space<hbm>>
          tpu.wait_dma2 semaphore(%run_scoped3A_38 : memref<!tpu.dma_semaphore, #tpu.memory_space<semaphore_mem>>) src(%dma_wait3A_44 : memref<1024x16xf32, #tpu.memory_space<hbm>>) dst(%arg7 : memref<1024x16xf32, #tpu.memory_space<vmem>>)
          tpu.yield
        }) : () -> ()
        %run_scoped3A = arith.constant 0 : i32
        "tpu.region"() ({
          %run_scoped3A_38 = tpu.sem_alloc : memref<!tpu.dma_semaphore, #tpu.memory_space<semaphore_mem>>
          %dma_start3A = arith.constant 0 : i32
          %dma_start3A_39 = arith.constant 0 : i32
          %dma_start3A_40 = tpu.memref_slice %arg7[%dma_start3A, %dma_start3A_39] : memref<1024x16xf32, #tpu.memory_space<vmem>> -> memref<128x16xf32, #tpu.memory_space<vmem>>
          %dma_start3A_41 = arith.constant 0 : i32
          %dma_start3A_42 = tpu.memref_slice %arg6[%run_scoped3A, %dma_start3A_41] : memref<8x128xi32, #tpu.memory_space<vmem>> -> memref<1x128xi32, #tpu.memory_space<vmem>>
          %dma_start3A_43 = tpu.memref_squeeze %dma_start3A_42 : memref<1x128xi32, #tpu.memory_space<vmem>> -> memref<128xi32, #tpu.memory_space<vmem>>
          %dma_start3A_44 = arith.constant 0 : i32
          %dma_start3A_45 = arith.constant 0 : i32
          %dma_start3A_46 = tpu.memref_slice %arg8[%dma_start3A_44, %dma_start3A_45] : memref<50048x16xf32, #tpu.memory_space<vmem_shared>> -> memref<50048x16xf32, #tpu.memory_space<vmem_shared>>
          tpu.enqueue_indirect_dma source(%dma_start3A_40 : memref<128x16xf32, #tpu.memory_space<vmem>>) target(%dma_start3A_46 : memref<50048x16xf32, #tpu.memory_space<vmem_shared>>) offsets(%dma_start3A_43 : memref<128xi32, #tpu.memory_space<vmem>>) semaphore(%run_scoped3A_38 : memref<!tpu.dma_semaphore, #tpu.memory_space<semaphore_mem>>) {add = true}
          %dma_wait3A = arith.constant 0 : i32
          %dma_wait3A_47 = arith.constant 0 : i32
          %dma_wait3A_48 = tpu.memref_slice %arg7[%dma_wait3A, %dma_wait3A_47] : memref<1024x16xf32, #tpu.memory_space<vmem>> -> memref<128x16xf32, #tpu.memory_space<vmem>>
          %dma_wait3A_49 = arith.constant 0 : i32
          %dma_wait3A_50 = tpu.memref_slice %arg6[%run_scoped3A, %dma_wait3A_49] : memref<8x128xi32, #tpu.memory_space<vmem>> -> memref<1x128xi32, #tpu.memory_space<vmem>>
          %dma_wait3A_51 = tpu.memref_squeeze %dma_wait3A_50 : memref<1x128xi32, #tpu.memory_space<vmem>> -> memref<128xi32, #tpu.memory_space<vmem>>
          %dma_wait3A_52 = arith.constant 0 : i32
          %dma_wait3A_53 = arith.constant 0 : i32
          %dma_wait3A_54 = tpu.memref_slice %arg8[%dma_wait3A_52, %dma_wait3A_53] : memref<50048x16xf32, #tpu.memory_space<vmem_shared>> -> memref<50048x16xf32, #tpu.memory_space<vmem_shared>>
          tpu.wait_indirect_dma semaphore(%run_scoped3A_38 : memref<!tpu.dma_semaphore, #tpu.memory_space<semaphore_mem>>) src(%dma_wait3A_48 : memref<128x16xf32, #tpu.memory_space<vmem>>) dst(%dma_wait3A_54 : memref<50048x16xf32, #tpu.memory_space<vmem_shared>>)
          tpu.yield
        }) : () -> ()
        %run_scoped3A_31 = arith.constant 1 : i32
        "tpu.region"() ({
          %run_scoped3A_38 = tpu.sem_alloc : memref<!tpu.dma_semaphore, #tpu.memory_space<semaphore_mem>>
          %dma_start3A = arith.constant 128 : i32
          %dma_start3A_39 = arith.constant 0 : i32
          %dma_start3A_40 = tpu.memref_slice %arg7[%dma_start3A, %dma_start3A_39] : memref<1024x16xf32, #tpu.memory_space<vmem>> -> memref<128x16xf32, #tpu.memory_space<vmem>>
          %dma_start3A_41 = arith.constant 0 : i32
          %dma_start3A_42 = tpu.memref_slice %arg6[%run_scoped3A_31, %dma_start3A_41] : memref<8x128xi32, #tpu.memory_space<vmem>> -> memref<1x128xi32, #tpu.memory_space<vmem>>
          %dma_start3A_43 = tpu.memref_squeeze %dma_start3A_42 : memref<1x128xi32, #tpu.memory_space<vmem>> -> memref<128xi32, #tpu.memory_space<vmem>>
          %dma_start3A_44 = arith.constant 0 : i32
          %dma_start3A_45 = arith.constant 0 : i32
          %dma_start3A_46 = tpu.memref_slice %arg8[%dma_start3A_44, %dma_start3A_45] : memref<50048x16xf32, #tpu.memory_space<vmem_shared>> -> memref<50048x16xf32, #tpu.memory_space<vmem_shared>>
          tpu.enqueue_indirect_dma source(%dma_start3A_40 : memref<128x16xf32, #tpu.memory_space<vmem>>) target(%dma_start3A_46 : memref<50048x16xf32, #tpu.memory_space<vmem_shared>>) offsets(%dma_start3A_43 : memref<128xi32, #tpu.memory_space<vmem>>) semaphore(%run_scoped3A_38 : memref<!tpu.dma_semaphore, #tpu.memory_space<semaphore_mem>>) {add = true}
          %dma_wait3A = arith.constant 128 : i32
          %dma_wait3A_47 = arith.constant 0 : i32
          %dma_wait3A_48 = tpu.memref_slice %arg7[%dma_wait3A, %dma_wait3A_47] : memref<1024x16xf32, #tpu.memory_space<vmem>> -> memref<128x16xf32, #tpu.memory_space<vmem>>
          %dma_wait3A_49 = arith.constant 0 : i32
          %dma_wait3A_50 = tpu.memref_slice %arg6[%run_scoped3A_31, %dma_wait3A_49] : memref<8x128xi32, #tpu.memory_space<vmem>> -> memref<1x128xi32, #tpu.memory_space<vmem>>
          %dma_wait3A_51 = tpu.memref_squeeze %dma_wait3A_50 : memref<1x128xi32, #tpu.memory_space<vmem>> -> memref<128xi32, #tpu.memory_space<vmem>>
          %dma_wait3A_52 = arith.constant 0 : i32
          %dma_wait3A_53 = arith.constant 0 : i32
          %dma_wait3A_54 = tpu.memref_slice %arg8[%dma_wait3A_52, %dma_wait3A_53] : memref<50048x16xf32, #tpu.memory_space<vmem_shared>> -> memref<50048x16xf32, #tpu.memory_space<vmem_shared>>
          tpu.wait_indirect_dma semaphore(%run_scoped3A_38 : memref<!tpu.dma_semaphore, #tpu.memory_space<semaphore_mem>>) src(%dma_wait3A_48 : memref<128x16xf32, #tpu.memory_space<vmem>>) dst(%dma_wait3A_54 : memref<50048x16xf32, #tpu.memory_space<vmem_shared>>)
          tpu.yield
        }) : () -> ()
        %run_scoped3A_32 = arith.constant 2 : i32
        "tpu.region"() ({
          %run_scoped3A_38 = tpu.sem_alloc : memref<!tpu.dma_semaphore, #tpu.memory_space<semaphore_mem>>
          %dma_start3A = arith.constant 256 : i32
          %dma_start3A_39 = arith.constant 0 : i32
          %dma_start3A_40 = tpu.memref_slice %arg7[%dma_start3A, %dma_start3A_39] : memref<1024x16xf32, #tpu.memory_space<vmem>> -> memref<128x16xf32, #tpu.memory_space<vmem>>
          %dma_start3A_41 = arith.constant 0 : i32
          %dma_start3A_42 = tpu.memref_slice %arg6[%run_scoped3A_32, %dma_start3A_41] : memref<8x128xi32, #tpu.memory_space<vmem>> -> memref<1x128xi32, #tpu.memory_space<vmem>>
          %dma_start3A_43 = tpu.memref_squeeze %dma_start3A_42 : memref<1x128xi32, #tpu.memory_space<vmem>> -> memref<128xi32, #tpu.memory_space<vmem>>
          %dma_start3A_44 = arith.constant 0 : i32
          %dma_start3A_45 = arith.constant 0 : i32
          %dma_start3A_46 = tpu.memref_slice %arg8[%dma_start3A_44, %dma_start3A_45] : memref<50048x16xf32, #tpu.memory_space<vmem_shared>> -> memref<50048x16xf32, #tpu.memory_space<vmem_shared>>
          tpu.enqueue_indirect_dma source(%dma_start3A_40 : memref<128x16xf32, #tpu.memory_space<vmem>>) target(%dma_start3A_46 : memref<50048x16xf32, #tpu.memory_space<vmem_shared>>) offsets(%dma_start3A_43 : memref<128xi32, #tpu.memory_space<vmem>>) semaphore(%run_scoped3A_38 : memref<!tpu.dma_semaphore, #tpu.memory_space<semaphore_mem>>) {add = true}
          %dma_wait3A = arith.constant 256 : i32
          %dma_wait3A_47 = arith.constant 0 : i32
          %dma_wait3A_48 = tpu.memref_slice %arg7[%dma_wait3A, %dma_wait3A_47] : memref<1024x16xf32, #tpu.memory_space<vmem>> -> memref<128x16xf32, #tpu.memory_space<vmem>>
          %dma_wait3A_49 = arith.constant 0 : i32
          %dma_wait3A_50 = tpu.memref_slice %arg6[%run_scoped3A_32, %dma_wait3A_49] : memref<8x128xi32, #tpu.memory_space<vmem>> -> memref<1x128xi32, #tpu.memory_space<vmem>>
          %dma_wait3A_51 = tpu.memref_squeeze %dma_wait3A_50 : memref<1x128xi32, #tpu.memory_space<vmem>> -> memref<128xi32, #tpu.memory_space<vmem>>
          %dma_wait3A_52 = arith.constant 0 : i32
          %dma_wait3A_53 = arith.constant 0 : i32
          %dma_wait3A_54 = tpu.memref_slice %arg8[%dma_wait3A_52, %dma_wait3A_53] : memref<50048x16xf32, #tpu.memory_space<vmem_shared>> -> memref<50048x16xf32, #tpu.memory_space<vmem_shared>>
          tpu.wait_indirect_dma semaphore(%run_scoped3A_38 : memref<!tpu.dma_semaphore, #tpu.memory_space<semaphore_mem>>) src(%dma_wait3A_48 : memref<128x16xf32, #tpu.memory_space<vmem>>) dst(%dma_wait3A_54 : memref<50048x16xf32, #tpu.memory_space<vmem_shared>>)
          tpu.yield
        }) : () -> ()
        %run_scoped3A_33 = arith.constant 3 : i32
        "tpu.region"() ({
          %run_scoped3A_38 = tpu.sem_alloc : memref<!tpu.dma_semaphore, #tpu.memory_space<semaphore_mem>>
          %dma_start3A = arith.constant 384 : i32
          %dma_start3A_39 = arith.constant 0 : i32
          %dma_start3A_40 = tpu.memref_slice %arg7[%dma_start3A, %dma_start3A_39] : memref<1024x16xf32, #tpu.memory_space<vmem>> -> memref<128x16xf32, #tpu.memory_space<vmem>>
          %dma_start3A_41 = arith.constant 0 : i32
          %dma_start3A_42 = tpu.memref_slice %arg6[%run_scoped3A_33, %dma_start3A_41] : memref<8x128xi32, #tpu.memory_space<vmem>> -> memref<1x128xi32, #tpu.memory_space<vmem>>
          %dma_start3A_43 = tpu.memref_squeeze %dma_start3A_42 : memref<1x128xi32, #tpu.memory_space<vmem>> -> memref<128xi32, #tpu.memory_space<vmem>>
          %dma_start3A_44 = arith.constant 0 : i32
          %dma_start3A_45 = arith.constant 0 : i32
          %dma_start3A_46 = tpu.memref_slice %arg8[%dma_start3A_44, %dma_start3A_45] : memref<50048x16xf32, #tpu.memory_space<vmem_shared>> -> memref<50048x16xf32, #tpu.memory_space<vmem_shared>>
          tpu.enqueue_indirect_dma source(%dma_start3A_40 : memref<128x16xf32, #tpu.memory_space<vmem>>) target(%dma_start3A_46 : memref<50048x16xf32, #tpu.memory_space<vmem_shared>>) offsets(%dma_start3A_43 : memref<128xi32, #tpu.memory_space<vmem>>) semaphore(%run_scoped3A_38 : memref<!tpu.dma_semaphore, #tpu.memory_space<semaphore_mem>>) {add = true}
          %dma_wait3A = arith.constant 384 : i32
          %dma_wait3A_47 = arith.constant 0 : i32
          %dma_wait3A_48 = tpu.memref_slice %arg7[%dma_wait3A, %dma_wait3A_47] : memref<1024x16xf32, #tpu.memory_space<vmem>> -> memref<128x16xf32, #tpu.memory_space<vmem>>
          %dma_wait3A_49 = arith.constant 0 : i32
          %dma_wait3A_50 = tpu.memref_slice %arg6[%run_scoped3A_33, %dma_wait3A_49] : memref<8x128xi32, #tpu.memory_space<vmem>> -> memref<1x128xi32, #tpu.memory_space<vmem>>
          %dma_wait3A_51 = tpu.memref_squeeze %dma_wait3A_50 : memref<1x128xi32, #tpu.memory_space<vmem>> -> memref<128xi32, #tpu.memory_space<vmem>>
          %dma_wait3A_52 = arith.constant 0 : i32
          %dma_wait3A_53 = arith.constant 0 : i32
          %dma_wait3A_54 = tpu.memref_slice %arg8[%dma_wait3A_52, %dma_wait3A_53] : memref<50048x16xf32, #tpu.memory_space<vmem_shared>> -> memref<50048x16xf32, #tpu.memory_space<vmem_shared>>
          tpu.wait_indirect_dma semaphore(%run_scoped3A_38 : memref<!tpu.dma_semaphore, #tpu.memory_space<semaphore_mem>>) src(%dma_wait3A_48 : memref<128x16xf32, #tpu.memory_space<vmem>>) dst(%dma_wait3A_54 : memref<50048x16xf32, #tpu.memory_space<vmem_shared>>)
          tpu.yield
        }) : () -> ()
        %run_scoped3A_34 = arith.constant 4 : i32
        "tpu.region"() ({
          %run_scoped3A_38 = tpu.sem_alloc : memref<!tpu.dma_semaphore, #tpu.memory_space<semaphore_mem>>
          %dma_start3A = arith.constant 512 : i32
          %dma_start3A_39 = arith.constant 0 : i32
          %dma_start3A_40 = tpu.memref_slice %arg7[%dma_start3A, %dma_start3A_39] : memref<1024x16xf32, #tpu.memory_space<vmem>> -> memref<128x16xf32, #tpu.memory_space<vmem>>
          %dma_start3A_41 = arith.constant 0 : i32
          %dma_start3A_42 = tpu.memref_slice %arg6[%run_scoped3A_34, %dma_start3A_41] : memref<8x128xi32, #tpu.memory_space<vmem>> -> memref<1x128xi32, #tpu.memory_space<vmem>>
          %dma_start3A_43 = tpu.memref_squeeze %dma_start3A_42 : memref<1x128xi32, #tpu.memory_space<vmem>> -> memref<128xi32, #tpu.memory_space<vmem>>
          %dma_start3A_44 = arith.constant 0 : i32
          %dma_start3A_45 = arith.constant 0 : i32
          %dma_start3A_46 = tpu.memref_slice %arg8[%dma_start3A_44, %dma_start3A_45] : memref<50048x16xf32, #tpu.memory_space<vmem_shared>> -> memref<50048x16xf32, #tpu.memory_space<vmem_shared>>
          tpu.enqueue_indirect_dma source(%dma_start3A_40 : memref<128x16xf32, #tpu.memory_space<vmem>>) target(%dma_start3A_46 : memref<50048x16xf32, #tpu.memory_space<vmem_shared>>) offsets(%dma_start3A_43 : memref<128xi32, #tpu.memory_space<vmem>>) semaphore(%run_scoped3A_38 : memref<!tpu.dma_semaphore, #tpu.memory_space<semaphore_mem>>) {add = true}
          %dma_wait3A = arith.constant 512 : i32
          %dma_wait3A_47 = arith.constant 0 : i32
          %dma_wait3A_48 = tpu.memref_slice %arg7[%dma_wait3A, %dma_wait3A_47] : memref<1024x16xf32, #tpu.memory_space<vmem>> -> memref<128x16xf32, #tpu.memory_space<vmem>>
          %dma_wait3A_49 = arith.constant 0 : i32
          %dma_wait3A_50 = tpu.memref_slice %arg6[%run_scoped3A_34, %dma_wait3A_49] : memref<8x128xi32, #tpu.memory_space<vmem>> -> memref<1x128xi32, #tpu.memory_space<vmem>>
          %dma_wait3A_51 = tpu.memref_squeeze %dma_wait3A_50 : memref<1x128xi32, #tpu.memory_space<vmem>> -> memref<128xi32, #tpu.memory_space<vmem>>
          %dma_wait3A_52 = arith.constant 0 : i32
          %dma_wait3A_53 = arith.constant 0 : i32
          %dma_wait3A_54 = tpu.memref_slice %arg8[%dma_wait3A_52, %dma_wait3A_53] : memref<50048x16xf32, #tpu.memory_space<vmem_shared>> -> memref<50048x16xf32, #tpu.memory_space<vmem_shared>>
          tpu.wait_indirect_dma semaphore(%run_scoped3A_38 : memref<!tpu.dma_semaphore, #tpu.memory_space<semaphore_mem>>) src(%dma_wait3A_48 : memref<128x16xf32, #tpu.memory_space<vmem>>) dst(%dma_wait3A_54 : memref<50048x16xf32, #tpu.memory_space<vmem_shared>>)
          tpu.yield
        }) : () -> ()
        %run_scoped3A_35 = arith.constant 5 : i32
        "tpu.region"() ({
          %run_scoped3A_38 = tpu.sem_alloc : memref<!tpu.dma_semaphore, #tpu.memory_space<semaphore_mem>>
          %dma_start3A = arith.constant 640 : i32
          %dma_start3A_39 = arith.constant 0 : i32
          %dma_start3A_40 = tpu.memref_slice %arg7[%dma_start3A, %dma_start3A_39] : memref<1024x16xf32, #tpu.memory_space<vmem>> -> memref<128x16xf32, #tpu.memory_space<vmem>>
          %dma_start3A_41 = arith.constant 0 : i32
          %dma_start3A_42 = tpu.memref_slice %arg6[%run_scoped3A_35, %dma_start3A_41] : memref<8x128xi32, #tpu.memory_space<vmem>> -> memref<1x128xi32, #tpu.memory_space<vmem>>
          %dma_start3A_43 = tpu.memref_squeeze %dma_start3A_42 : memref<1x128xi32, #tpu.memory_space<vmem>> -> memref<128xi32, #tpu.memory_space<vmem>>
          %dma_start3A_44 = arith.constant 0 : i32
          %dma_start3A_45 = arith.constant 0 : i32
          %dma_start3A_46 = tpu.memref_slice %arg8[%dma_start3A_44, %dma_start3A_45] : memref<50048x16xf32, #tpu.memory_space<vmem_shared>> -> memref<50048x16xf32, #tpu.memory_space<vmem_shared>>
          tpu.enqueue_indirect_dma source(%dma_start3A_40 : memref<128x16xf32, #tpu.memory_space<vmem>>) target(%dma_start3A_46 : memref<50048x16xf32, #tpu.memory_space<vmem_shared>>) offsets(%dma_start3A_43 : memref<128xi32, #tpu.memory_space<vmem>>) semaphore(%run_scoped3A_38 : memref<!tpu.dma_semaphore, #tpu.memory_space<semaphore_mem>>) {add = true}
          %dma_wait3A = arith.constant 640 : i32
          %dma_wait3A_47 = arith.constant 0 : i32
          %dma_wait3A_48 = tpu.memref_slice %arg7[%dma_wait3A, %dma_wait3A_47] : memref<1024x16xf32, #tpu.memory_space<vmem>> -> memref<128x16xf32, #tpu.memory_space<vmem>>
          %dma_wait3A_49 = arith.constant 0 : i32
          %dma_wait3A_50 = tpu.memref_slice %arg6[%run_scoped3A_35, %dma_wait3A_49] : memref<8x128xi32, #tpu.memory_space<vmem>> -> memref<1x128xi32, #tpu.memory_space<vmem>>
          %dma_wait3A_51 = tpu.memref_squeeze %dma_wait3A_50 : memref<1x128xi32, #tpu.memory_space<vmem>> -> memref<128xi32, #tpu.memory_space<vmem>>
          %dma_wait3A_52 = arith.constant 0 : i32
          %dma_wait3A_53 = arith.constant 0 : i32
          %dma_wait3A_54 = tpu.memref_slice %arg8[%dma_wait3A_52, %dma_wait3A_53] : memref<50048x16xf32, #tpu.memory_space<vmem_shared>> -> memref<50048x16xf32, #tpu.memory_space<vmem_shared>>
          tpu.wait_indirect_dma semaphore(%run_scoped3A_38 : memref<!tpu.dma_semaphore, #tpu.memory_space<semaphore_mem>>) src(%dma_wait3A_48 : memref<128x16xf32, #tpu.memory_space<vmem>>) dst(%dma_wait3A_54 : memref<50048x16xf32, #tpu.memory_space<vmem_shared>>)
          tpu.yield
        }) : () -> ()
        %run_scoped3A_36 = arith.constant 6 : i32
        "tpu.region"() ({
          %run_scoped3A_38 = tpu.sem_alloc : memref<!tpu.dma_semaphore, #tpu.memory_space<semaphore_mem>>
          %dma_start3A = arith.constant 768 : i32
          %dma_start3A_39 = arith.constant 0 : i32
          %dma_start3A_40 = tpu.memref_slice %arg7[%dma_start3A, %dma_start3A_39] : memref<1024x16xf32, #tpu.memory_space<vmem>> -> memref<128x16xf32, #tpu.memory_space<vmem>>
          %dma_start3A_41 = arith.constant 0 : i32
          %dma_start3A_42 = tpu.memref_slice %arg6[%run_scoped3A_36, %dma_start3A_41] : memref<8x128xi32, #tpu.memory_space<vmem>> -> memref<1x128xi32, #tpu.memory_space<vmem>>
          %dma_start3A_43 = tpu.memref_squeeze %dma_start3A_42 : memref<1x128xi32, #tpu.memory_space<vmem>> -> memref<128xi32, #tpu.memory_space<vmem>>
          %dma_start3A_44 = arith.constant 0 : i32
          %dma_start3A_45 = arith.constant 0 : i32
          %dma_start3A_46 = tpu.memref_slice %arg8[%dma_start3A_44, %dma_start3A_45] : memref<50048x16xf32, #tpu.memory_space<vmem_shared>> -> memref<50048x16xf32, #tpu.memory_space<vmem_shared>>
          tpu.enqueue_indirect_dma source(%dma_start3A_40 : memref<128x16xf32, #tpu.memory_space<vmem>>) target(%dma_start3A_46 : memref<50048x16xf32, #tpu.memory_space<vmem_shared>>) offsets(%dma_start3A_43 : memref<128xi32, #tpu.memory_space<vmem>>) semaphore(%run_scoped3A_38 : memref<!tpu.dma_semaphore, #tpu.memory_space<semaphore_mem>>) {add = true}
          %dma_wait3A = arith.constant 768 : i32
          %dma_wait3A_47 = arith.constant 0 : i32
          %dma_wait3A_48 = tpu.memref_slice %arg7[%dma_wait3A, %dma_wait3A_47] : memref<1024x16xf32, #tpu.memory_space<vmem>> -> memref<128x16xf32, #tpu.memory_space<vmem>>
          %dma_wait3A_49 = arith.constant 0 : i32
          %dma_wait3A_50 = tpu.memref_slice %arg6[%run_scoped3A_36, %dma_wait3A_49] : memref<8x128xi32, #tpu.memory_space<vmem>> -> memref<1x128xi32, #tpu.memory_space<vmem>>
          %dma_wait3A_51 = tpu.memref_squeeze %dma_wait3A_50 : memref<1x128xi32, #tpu.memory_space<vmem>> -> memref<128xi32, #tpu.memory_space<vmem>>
          %dma_wait3A_52 = arith.constant 0 : i32
          %dma_wait3A_53 = arith.constant 0 : i32
          %dma_wait3A_54 = tpu.memref_slice %arg8[%dma_wait3A_52, %dma_wait3A_53] : memref<50048x16xf32, #tpu.memory_space<vmem_shared>> -> memref<50048x16xf32, #tpu.memory_space<vmem_shared>>
          tpu.wait_indirect_dma semaphore(%run_scoped3A_38 : memref<!tpu.dma_semaphore, #tpu.memory_space<semaphore_mem>>) src(%dma_wait3A_48 : memref<128x16xf32, #tpu.memory_space<vmem>>) dst(%dma_wait3A_54 : memref<50048x16xf32, #tpu.memory_space<vmem_shared>>)
          tpu.yield
        }) : () -> ()
        %run_scoped3A_37 = arith.constant 7 : i32
        "tpu.region"() ({
          %run_scoped3A_38 = tpu.sem_alloc : memref<!tpu.dma_semaphore, #tpu.memory_space<semaphore_mem>>
          %dma_start3A = arith.constant 896 : i32
          %dma_start3A_39 = arith.constant 0 : i32
          %dma_start3A_40 = tpu.memref_slice %arg7[%dma_start3A, %dma_start3A_39] : memref<1024x16xf32, #tpu.memory_space<vmem>> -> memref<128x16xf32, #tpu.memory_space<vmem>>
          %dma_start3A_41 = arith.constant 0 : i32
          %dma_start3A_42 = tpu.memref_slice %arg6[%run_scoped3A_37, %dma_start3A_41] : memref<8x128xi32, #tpu.memory_space<vmem>> -> memref<1x128xi32, #tpu.memory_space<vmem>>
          %dma_start3A_43 = tpu.memref_squeeze %dma_start3A_42 : memref<1x128xi32, #tpu.memory_space<vmem>> -> memref<128xi32, #tpu.memory_space<vmem>>
          %dma_start3A_44 = arith.constant 0 : i32
          %dma_start3A_45 = arith.constant 0 : i32
          %dma_start3A_46 = tpu.memref_slice %arg8[%dma_start3A_44, %dma_start3A_45] : memref<50048x16xf32, #tpu.memory_space<vmem_shared>> -> memref<50048x16xf32, #tpu.memory_space<vmem_shared>>
          tpu.enqueue_indirect_dma source(%dma_start3A_40 : memref<128x16xf32, #tpu.memory_space<vmem>>) target(%dma_start3A_46 : memref<50048x16xf32, #tpu.memory_space<vmem_shared>>) offsets(%dma_start3A_43 : memref<128xi32, #tpu.memory_space<vmem>>) semaphore(%run_scoped3A_38 : memref<!tpu.dma_semaphore, #tpu.memory_space<semaphore_mem>>) {add = true}
          %dma_wait3A = arith.constant 896 : i32
          %dma_wait3A_47 = arith.constant 0 : i32
          %dma_wait3A_48 = tpu.memref_slice %arg7[%dma_wait3A, %dma_wait3A_47] : memref<1024x16xf32, #tpu.memory_space<vmem>> -> memref<128x16xf32, #tpu.memory_space<vmem>>
          %dma_wait3A_49 = arith.constant 0 : i32
          %dma_wait3A_50 = tpu.memref_slice %arg6[%run_scoped3A_37, %dma_wait3A_49] : memref<8x128xi32, #tpu.memory_space<vmem>> -> memref<1x128xi32, #tpu.memory_space<vmem>>
          %dma_wait3A_51 = tpu.memref_squeeze %dma_wait3A_50 : memref<1x128xi32, #tpu.memory_space<vmem>> -> memref<128xi32, #tpu.memory_space<vmem>>
          %dma_wait3A_52 = arith.constant 0 : i32
          %dma_wait3A_53 = arith.constant 0 : i32
          %dma_wait3A_54 = tpu.memref_slice %arg8[%dma_wait3A_52, %dma_wait3A_53] : memref<50048x16xf32, #tpu.memory_space<vmem_shared>> -> memref<50048x16xf32, #tpu.memory_space<vmem_shared>>
          tpu.wait_indirect_dma semaphore(%run_scoped3A_38 : memref<!tpu.dma_semaphore, #tpu.memory_space<semaphore_mem>>) src(%dma_wait3A_48 : memref<128x16xf32, #tpu.memory_space<vmem>>) dst(%dma_wait3A_54 : memref<50048x16xf32, #tpu.memory_space<vmem_shared>>)
          tpu.yield
        }) : () -> ()
      } else {
      }
      %eq3A = arith.constant 781 : i32
      %eq3A_21 = arith.cmpi eq, %add3A_18, %eq3A : i32
      %convert_element_type3A_22 = arith.extui %eq3A_21 : i1 to i32
      %cond3A_23 = arith.constant 0 : i32
      %cond3A_24 = arith.cmpi ne, %convert_element_type3A_22, %cond3A_23 : i32
      scf.if %cond3A_24 {
        "tpu.region"() ({
          %run_scoped3A_26 = tpu.sem_alloc : memref<!tpu.dma_semaphore, #tpu.memory_space<semaphore_mem>>
          %dma_start3A = arith.constant 0 : i32
          %dma_start3A_27 = arith.constant 0 : i32
          %dma_start3A_28 = tpu.memref_slice %arg6[%dma_start3A, %dma_start3A_27] : memref<8x128xi32, #tpu.memory_space<vmem>> -> memref<2x128xi32, #tpu.memory_space<vmem>>
          %dma_start3A_29 = arith.constant 6248 : i32
          %dma_start3A_30 = arith.constant 0 : i32
          %dma_start3A_31 = tpu.memref_slice %arg3[%dma_start3A_29, %dma_start3A_30] : memref<6250x128xi32, #tpu.memory_space<hbm>> -> memref<2x128xi32, #tpu.memory_space<hbm>>
          %dma_start3A_32 = arith.constant 0 : i32
          %dma_start3A_33 = arith.constant 0 : i32
          %dma_start3A_34 = tpu.memref_slice %arg6[%dma_start3A_32, %dma_start3A_33] : memref<8x128xi32, #tpu.memory_space<vmem>> -> memref<2x128xi32, #tpu.memory_space<vmem>>
          %dma_start3A_35 = arith.constant 6248 : i32
          %dma_start3A_36 = arith.constant 0 : i32
          %dma_start3A_37 = tpu.memref_slice %arg3[%dma_start3A_35, %dma_start3A_36] : memref<6250x128xi32, #tpu.memory_space<hbm>> -> memref<2x128xi32, #tpu.memory_space<hbm>>
          tpu.enqueue_dma source(%dma_start3A_37 : memref<2x128xi32, #tpu.memory_space<hbm>>) target(%dma_start3A_34 : memref<2x128xi32, #tpu.memory_space<vmem>>) target_semaphore(%run_scoped3A_26 : memref<!tpu.dma_semaphore, #tpu.memory_space<semaphore_mem>>)
          %dma_wait3A = arith.constant 0 : i32
          %dma_wait3A_38 = arith.constant 0 : i32
          %dma_wait3A_39 = tpu.memref_slice %arg6[%dma_wait3A, %dma_wait3A_38] : memref<8x128xi32, #tpu.memory_space<vmem>> -> memref<2x128xi32, #tpu.memory_space<vmem>>
          %dma_wait3A_40 = arith.constant 6248 : i32
          %dma_wait3A_41 = arith.constant 0 : i32
          %dma_wait3A_42 = tpu.memref_slice %arg3[%dma_wait3A_40, %dma_wait3A_41] : memref<6250x128xi32, #tpu.memory_space<hbm>> -> memref<2x128xi32, #tpu.memory_space<hbm>>
          %dma_wait3A_43 = arith.constant 0 : i32
          %dma_wait3A_44 = arith.constant 0 : i32
          %dma_wait3A_45 = tpu.memref_slice %arg6[%dma_wait3A_43, %dma_wait3A_44] : memref<8x128xi32, #tpu.memory_space<vmem>> -> memref<2x128xi32, #tpu.memory_space<vmem>>
          %dma_wait3A_46 = arith.constant 6248 : i32
          %dma_wait3A_47 = arith.constant 0 : i32
          %dma_wait3A_48 = tpu.memref_slice %arg3[%dma_wait3A_46, %dma_wait3A_47] : memref<6250x128xi32, #tpu.memory_space<hbm>> -> memref<2x128xi32, #tpu.memory_space<hbm>>
          tpu.wait_dma2 semaphore(%run_scoped3A_26 : memref<!tpu.dma_semaphore, #tpu.memory_space<semaphore_mem>>) src(%dma_wait3A_48 : memref<2x128xi32, #tpu.memory_space<hbm>>) dst(%dma_wait3A_45 : memref<2x128xi32, #tpu.memory_space<vmem>>)
          tpu.yield
        }) : () -> ()
        "tpu.region"() ({
          %run_scoped3A_26 = tpu.sem_alloc : memref<!tpu.dma_semaphore, #tpu.memory_space<semaphore_mem>>
          %dma_start3A = arith.constant 0 : i32
          %dma_start3A_27 = arith.constant 0 : i32
          %dma_start3A_28 = tpu.memref_slice %arg7[%dma_start3A, %dma_start3A_27] : memref<1024x16xf32, #tpu.memory_space<vmem>> -> memref<256x16xf32, #tpu.memory_space<vmem>>
          %dma_start3A_29 = arith.constant 799744 : i32
          %dma_start3A_30 = arith.constant 0 : i32
          %dma_start3A_31 = tpu.memref_slice %arg2[%dma_start3A_29, %dma_start3A_30] : memref<800000x16xf32, #tpu.memory_space<hbm>> -> memref<256x16xf32, #tpu.memory_space<hbm>>
          %dma_start3A_32 = arith.constant 0 : i32
          %dma_start3A_33 = arith.constant 0 : i32
          %dma_start3A_34 = tpu.memref_slice %arg7[%dma_start3A_32, %dma_start3A_33] : memref<1024x16xf32, #tpu.memory_space<vmem>> -> memref<256x16xf32, #tpu.memory_space<vmem>>
          %dma_start3A_35 = arith.constant 799744 : i32
          %dma_start3A_36 = arith.constant 0 : i32
          %dma_start3A_37 = tpu.memref_slice %arg2[%dma_start3A_35, %dma_start3A_36] : memref<800000x16xf32, #tpu.memory_space<hbm>> -> memref<256x16xf32, #tpu.memory_space<hbm>>
          tpu.enqueue_dma source(%dma_start3A_37 : memref<256x16xf32, #tpu.memory_space<hbm>>) target(%dma_start3A_34 : memref<256x16xf32, #tpu.memory_space<vmem>>) target_semaphore(%run_scoped3A_26 : memref<!tpu.dma_semaphore, #tpu.memory_space<semaphore_mem>>)
          %dma_wait3A = arith.constant 0 : i32
          %dma_wait3A_38 = arith.constant 0 : i32
          %dma_wait3A_39 = tpu.memref_slice %arg7[%dma_wait3A, %dma_wait3A_38] : memref<1024x16xf32, #tpu.memory_space<vmem>> -> memref<256x16xf32, #tpu.memory_space<vmem>>
          %dma_wait3A_40 = arith.constant 799744 : i32
          %dma_wait3A_41 = arith.constant 0 : i32
          %dma_wait3A_42 = tpu.memref_slice %arg2[%dma_wait3A_40, %dma_wait3A_41] : memref<800000x16xf32, #tpu.memory_space<hbm>> -> memref<256x16xf32, #tpu.memory_space<hbm>>
          %dma_wait3A_43 = arith.constant 0 : i32
          %dma_wait3A_44 = arith.constant 0 : i32
          %dma_wait3A_45 = tpu.memref_slice %arg7[%dma_wait3A_43, %dma_wait3A_44] : memref<1024x16xf32, #tpu.memory_space<vmem>> -> memref<256x16xf32, #tpu.memory_space<vmem>>
          %dma_wait3A_46 = arith.constant 799744 : i32
          %dma_wait3A_47 = arith.constant 0 : i32
          %dma_wait3A_48 = tpu.memref_slice %arg2[%dma_wait3A_46, %dma_wait3A_47] : memref<800000x16xf32, #tpu.memory_space<hbm>> -> memref<256x16xf32, #tpu.memory_space<hbm>>
          tpu.wait_dma2 semaphore(%run_scoped3A_26 : memref<!tpu.dma_semaphore, #tpu.memory_space<semaphore_mem>>) src(%dma_wait3A_48 : memref<256x16xf32, #tpu.memory_space<hbm>>) dst(%dma_wait3A_45 : memref<256x16xf32, #tpu.memory_space<vmem>>)
          tpu.yield
        }) : () -> ()
        %run_scoped3A = arith.constant 0 : i32
        "tpu.region"() ({
          %run_scoped3A_26 = tpu.sem_alloc : memref<!tpu.dma_semaphore, #tpu.memory_space<semaphore_mem>>
          %dma_start3A = arith.constant 0 : i32
          %dma_start3A_27 = arith.constant 0 : i32
          %dma_start3A_28 = tpu.memref_slice %arg7[%dma_start3A, %dma_start3A_27] : memref<1024x16xf32, #tpu.memory_space<vmem>> -> memref<128x16xf32, #tpu.memory_space<vmem>>
          %dma_start3A_29 = arith.constant 0 : i32
          %dma_start3A_30 = tpu.memref_slice %arg6[%run_scoped3A, %dma_start3A_29] : memref<8x128xi32, #tpu.memory_space<vmem>> -> memref<1x128xi32, #tpu.memory_space<vmem>>
          %dma_start3A_31 = tpu.memref_squeeze %dma_start3A_30 : memref<1x128xi32, #tpu.memory_space<vmem>> -> memref<128xi32, #tpu.memory_space<vmem>>
          %dma_start3A_32 = arith.constant 0 : i32
          %dma_start3A_33 = arith.constant 0 : i32
          %dma_start3A_34 = tpu.memref_slice %arg8[%dma_start3A_32, %dma_start3A_33] : memref<50048x16xf32, #tpu.memory_space<vmem_shared>> -> memref<50048x16xf32, #tpu.memory_space<vmem_shared>>
          tpu.enqueue_indirect_dma source(%dma_start3A_28 : memref<128x16xf32, #tpu.memory_space<vmem>>) target(%dma_start3A_34 : memref<50048x16xf32, #tpu.memory_space<vmem_shared>>) offsets(%dma_start3A_31 : memref<128xi32, #tpu.memory_space<vmem>>) semaphore(%run_scoped3A_26 : memref<!tpu.dma_semaphore, #tpu.memory_space<semaphore_mem>>) {add = true}
          %dma_wait3A = arith.constant 0 : i32
          %dma_wait3A_35 = arith.constant 0 : i32
          %dma_wait3A_36 = tpu.memref_slice %arg7[%dma_wait3A, %dma_wait3A_35] : memref<1024x16xf32, #tpu.memory_space<vmem>> -> memref<128x16xf32, #tpu.memory_space<vmem>>
          %dma_wait3A_37 = arith.constant 0 : i32
          %dma_wait3A_38 = tpu.memref_slice %arg6[%run_scoped3A, %dma_wait3A_37] : memref<8x128xi32, #tpu.memory_space<vmem>> -> memref<1x128xi32, #tpu.memory_space<vmem>>
          %dma_wait3A_39 = tpu.memref_squeeze %dma_wait3A_38 : memref<1x128xi32, #tpu.memory_space<vmem>> -> memref<128xi32, #tpu.memory_space<vmem>>
          %dma_wait3A_40 = arith.constant 0 : i32
          %dma_wait3A_41 = arith.constant 0 : i32
          %dma_wait3A_42 = tpu.memref_slice %arg8[%dma_wait3A_40, %dma_wait3A_41] : memref<50048x16xf32, #tpu.memory_space<vmem_shared>> -> memref<50048x16xf32, #tpu.memory_space<vmem_shared>>
          tpu.wait_indirect_dma semaphore(%run_scoped3A_26 : memref<!tpu.dma_semaphore, #tpu.memory_space<semaphore_mem>>) src(%dma_wait3A_36 : memref<128x16xf32, #tpu.memory_space<vmem>>) dst(%dma_wait3A_42 : memref<50048x16xf32, #tpu.memory_space<vmem_shared>>)
          tpu.yield
        }) : () -> ()
        %run_scoped3A_25 = arith.constant 1 : i32
        "tpu.region"() ({
          %run_scoped3A_26 = tpu.sem_alloc : memref<!tpu.dma_semaphore, #tpu.memory_space<semaphore_mem>>
          %dma_start3A = arith.constant 128 : i32
          %dma_start3A_27 = arith.constant 0 : i32
          %dma_start3A_28 = tpu.memref_slice %arg7[%dma_start3A, %dma_start3A_27] : memref<1024x16xf32, #tpu.memory_space<vmem>> -> memref<128x16xf32, #tpu.memory_space<vmem>>
          %dma_start3A_29 = arith.constant 0 : i32
          %dma_start3A_30 = tpu.memref_slice %arg6[%run_scoped3A_25, %dma_start3A_29] : memref<8x128xi32, #tpu.memory_space<vmem>> -> memref<1x128xi32, #tpu.memory_space<vmem>>
          %dma_start3A_31 = tpu.memref_squeeze %dma_start3A_30 : memref<1x128xi32, #tpu.memory_space<vmem>> -> memref<128xi32, #tpu.memory_space<vmem>>
          %dma_start3A_32 = arith.constant 0 : i32
          %dma_start3A_33 = arith.constant 0 : i32
          %dma_start3A_34 = tpu.memref_slice %arg8[%dma_start3A_32, %dma_start3A_33] : memref<50048x16xf32, #tpu.memory_space<vmem_shared>> -> memref<50048x16xf32, #tpu.memory_space<vmem_shared>>
          tpu.enqueue_indirect_dma source(%dma_start3A_28 : memref<128x16xf32, #tpu.memory_space<vmem>>) target(%dma_start3A_34 : memref<50048x16xf32, #tpu.memory_space<vmem_shared>>) offsets(%dma_start3A_31 : memref<128xi32, #tpu.memory_space<vmem>>) semaphore(%run_scoped3A_26 : memref<!tpu.dma_semaphore, #tpu.memory_space<semaphore_mem>>) {add = true}
          %dma_wait3A = arith.constant 128 : i32
          %dma_wait3A_35 = arith.constant 0 : i32
          %dma_wait3A_36 = tpu.memref_slice %arg7[%dma_wait3A, %dma_wait3A_35] : memref<1024x16xf32, #tpu.memory_space<vmem>> -> memref<128x16xf32, #tpu.memory_space<vmem>>
          %dma_wait3A_37 = arith.constant 0 : i32
          %dma_wait3A_38 = tpu.memref_slice %arg6[%run_scoped3A_25, %dma_wait3A_37] : memref<8x128xi32, #tpu.memory_space<vmem>> -> memref<1x128xi32, #tpu.memory_space<vmem>>
          %dma_wait3A_39 = tpu.memref_squeeze %dma_wait3A_38 : memref<1x128xi32, #tpu.memory_space<vmem>> -> memref<128xi32, #tpu.memory_space<vmem>>
          %dma_wait3A_40 = arith.constant 0 : i32
          %dma_wait3A_41 = arith.constant 0 : i32
          %dma_wait3A_42 = tpu.memref_slice %arg8[%dma_wait3A_40, %dma_wait3A_41] : memref<50048x16xf32, #tpu.memory_space<vmem_shared>> -> memref<50048x16xf32, #tpu.memory_space<vmem_shared>>
          tpu.wait_indirect_dma semaphore(%run_scoped3A_26 : memref<!tpu.dma_semaphore, #tpu.memory_space<semaphore_mem>>) src(%dma_wait3A_36 : memref<128x16xf32, #tpu.memory_space<vmem>>) dst(%dma_wait3A_42 : memref<50048x16xf32, #tpu.memory_space<vmem_shared>>)
          tpu.yield
        }) : () -> ()
      } else {
      }
    }
    %scan3A_9 = arith.constant 25 : i32
    %barrier3A_10 = arith.constant 0 : index
    tpu.barrier barrier_id(%barrier3A_10)
    %mul3A_11 = arith.constant 3128 : i32
    %mul3A_12 = arith.muli %arg1, %mul3A_11 : i32
    %mul3A_13 = arith.constant 3128 : i32
    %mul3A_14 = arith.muli %arg1, %mul3A_13 : i32
    "tpu.region"() ({
      %run_scoped3A = tpu.sem_alloc : memref<!tpu.dma_semaphore, #tpu.memory_space<semaphore_mem>>
      %dma_start3A = arith.constant 0 : i32
      %dma_start3A_15 = tpu.memref_slice %arg5[%arg0, %mul3A_14, %dma_start3A] : memref<2x50048x16xf32, #tpu.memory_space<hbm>> -> memref<1x3128x16xf32, #tpu.memory_space<hbm>>
      %dma_start3A_16 = tpu.memref_squeeze %dma_start3A_15 : memref<1x3128x16xf32, #tpu.memory_space<hbm>> -> memref<3128x16xf32, #tpu.memory_space<hbm>>
      %dma_start3A_17 = arith.constant 0 : i32
      %dma_start3A_18 = tpu.memref_slice %arg8[%mul3A_12, %dma_start3A_17] : memref<50048x16xf32, #tpu.memory_space<vmem_shared>> -> memref<3128x16xf32, #tpu.memory_space<vmem_shared>>
      tpu.enqueue_dma source(%dma_start3A_18 : memref<3128x16xf32, #tpu.memory_space<vmem_shared>>) target(%dma_start3A_16 : memref<3128x16xf32, #tpu.memory_space<hbm>>) target_semaphore(%run_scoped3A : memref<!tpu.dma_semaphore, #tpu.memory_space<semaphore_mem>>)
      %dma_wait3A = arith.constant 0 : i32
      %dma_wait3A_19 = tpu.memref_slice %arg5[%arg0, %mul3A_14, %dma_wait3A] : memref<2x50048x16xf32, #tpu.memory_space<hbm>> -> memref<1x3128x16xf32, #tpu.memory_space<hbm>>
      %dma_wait3A_20 = tpu.memref_squeeze %dma_wait3A_19 : memref<1x3128x16xf32, #tpu.memory_space<hbm>> -> memref<3128x16xf32, #tpu.memory_space<hbm>>
      %dma_wait3A_21 = arith.constant 0 : i32
      %dma_wait3A_22 = tpu.memref_slice %arg8[%mul3A_12, %dma_wait3A_21] : memref<50048x16xf32, #tpu.memory_space<vmem_shared>> -> memref<3128x16xf32, #tpu.memory_space<vmem_shared>>
      tpu.wait_dma2 semaphore(%run_scoped3A : memref<!tpu.dma_semaphore, #tpu.memory_space<semaphore_mem>>) src(%dma_wait3A_22 : memref<3128x16xf32, #tpu.memory_space<vmem_shared>>) dst(%dma_wait3A_20 : memref<3128x16xf32, #tpu.memory_space<hbm>>)
      tpu.yield
    }) : () -> ()
    return
  }
}

#map = affine_map<(d0, d1) -> (0, 0)>
#map1 = affine_map<(d0, d1) -> (0)>
module attributes {stable_mosaic.version = 14 : i64} {
  func.func @gather_kernel(%arg0: i32, %arg1: i32, %arg2: memref<50000x16xf32, #tpu.memory_space<hbm>>, %arg3: memref<2400000xi32, #tpu.memory_space<hbm>>, %arg4: memref<2400000x16xf32, #tpu.memory_space<hbm>>, %arg5: memref<5000xi32, #tpu.memory_space<vmem>>, %arg6: memref<5000x16xf32, #tpu.memory_space<vmem>>, %arg7: memref<!tpu.dma_semaphore, #tpu.memory_space<semaphore_mem>>) attributes {dimension_semantics = [#tpu.dimension_semantics<core_parallel>, #tpu.dimension_semantics<subcore_parallel>], iteration_bounds = array<i64: 2, 16>, scalar_prefetch = 0 : i64, scratch_operands = 3 : i64, tpu.core_type = #tpu.core_type<sc_vector_subcore>, window_params = [{transform_indices = #map}, {transform_indices = #map1}, {transform_indices = #map}]} {
    %mul3A = arith.constant 2 : i32
    %mul3A_0 = arith.muli %arg1, %mul3A : i32
    %add3A = arith.addi %mul3A_0, %arg0 : i32
    %mul3A_1 = arith.constant 75000 : i32
    %mul3A_2 = arith.muli %add3A, %mul3A_1 : i32
    %scan3A = arith.constant 0 : i32
    %scan3A_3 = arith.constant 0 : i32
    %scan3A_4 = arith.constant 15 : i32
    %scan3A_5 = arith.addi %scan3A_3, %scan3A_4 : i32
    %scan3A_6 = arith.constant 1 : i32
    scf.for %scan3A_8 = %scan3A_3 to %scan3A_5 step %scan3A_6  : i32 {
      %mul3A_9 = arith.constant 5000 : i32
      %mul3A_10 = arith.muli %scan3A_8, %mul3A_9 : i32
      %add3A_11 = arith.addi %mul3A_2, %mul3A_10 : i32
      "tpu.region"() ({
        %run_scoped3A = tpu.sem_alloc : memref<!tpu.dma_semaphore, #tpu.memory_space<semaphore_mem>>
        %dma_start3A_16 = tpu.memref_slice %arg3[%add3A_11] : memref<2400000xi32, #tpu.memory_space<hbm>> -> memref<5000xi32, #tpu.memory_space<hbm>>
        %dma_start3A_17 = tpu.memref_slice %arg3[%add3A_11] : memref<2400000xi32, #tpu.memory_space<hbm>> -> memref<5000xi32, #tpu.memory_space<hbm>>
        tpu.enqueue_dma source(%dma_start3A_17 : memref<5000xi32, #tpu.memory_space<hbm>>) target(%arg5 : memref<5000xi32, #tpu.memory_space<vmem>>) target_semaphore(%run_scoped3A : memref<!tpu.dma_semaphore, #tpu.memory_space<semaphore_mem>>)
        %dma_wait3A_18 = tpu.memref_slice %arg3[%add3A_11] : memref<2400000xi32, #tpu.memory_space<hbm>> -> memref<5000xi32, #tpu.memory_space<hbm>>
        %dma_wait3A_19 = tpu.memref_slice %arg3[%add3A_11] : memref<2400000xi32, #tpu.memory_space<hbm>> -> memref<5000xi32, #tpu.memory_space<hbm>>
        tpu.wait_dma2 semaphore(%run_scoped3A : memref<!tpu.dma_semaphore, #tpu.memory_space<semaphore_mem>>) src(%dma_wait3A_19 : memref<5000xi32, #tpu.memory_space<hbm>>) dst(%arg5 : memref<5000xi32, #tpu.memory_space<vmem>>)
        tpu.yield
      }) : () -> ()
      %dma_start3A = arith.constant 0 : i32
      %dma_start3A_12 = arith.constant 0 : i32
      %dma_start3A_13 = tpu.memref_slice %arg2[%dma_start3A, %dma_start3A_12] : memref<50000x16xf32, #tpu.memory_space<hbm>> -> memref<50000x16xf32, #tpu.memory_space<hbm>>
      tpu.enqueue_indirect_dma source(%dma_start3A_13 : memref<50000x16xf32, #tpu.memory_space<hbm>>) target(%arg6 : memref<5000x16xf32, #tpu.memory_space<vmem>>) offsets(%arg5 : memref<5000xi32, #tpu.memory_space<vmem>>) semaphore(%arg7 : memref<!tpu.dma_semaphore, #tpu.memory_space<semaphore_mem>>)
      %dma_wait3A = arith.constant 0 : i32
      %dma_wait3A_14 = arith.constant 0 : i32
      %dma_wait3A_15 = tpu.memref_slice %arg2[%dma_wait3A, %dma_wait3A_14] : memref<50000x16xf32, #tpu.memory_space<hbm>> -> memref<50000x16xf32, #tpu.memory_space<hbm>>
      tpu.wait_indirect_dma semaphore(%arg7 : memref<!tpu.dma_semaphore, #tpu.memory_space<semaphore_mem>>) src(%dma_wait3A_15 : memref<50000x16xf32, #tpu.memory_space<hbm>>) dst(%arg6 : memref<5000x16xf32, #tpu.memory_space<vmem>>)
      "tpu.region"() ({
        %run_scoped3A = tpu.sem_alloc : memref<!tpu.dma_semaphore, #tpu.memory_space<semaphore_mem>>
        %dma_start3A_16 = arith.constant 0 : i32
        %dma_start3A_17 = tpu.memref_slice %arg4[%add3A_11, %dma_start3A_16] : memref<2400000x16xf32, #tpu.memory_space<hbm>> -> memref<5000x16xf32, #tpu.memory_space<hbm>>
        %dma_start3A_18 = arith.constant 0 : i32
        %dma_start3A_19 = tpu.memref_slice %arg4[%add3A_11, %dma_start3A_18] : memref<2400000x16xf32, #tpu.memory_space<hbm>> -> memref<5000x16xf32, #tpu.memory_space<hbm>>
        tpu.enqueue_dma source(%arg6 : memref<5000x16xf32, #tpu.memory_space<vmem>>) target(%dma_start3A_19 : memref<5000x16xf32, #tpu.memory_space<hbm>>) target_semaphore(%run_scoped3A : memref<!tpu.dma_semaphore, #tpu.memory_space<semaphore_mem>>)
        %dma_wait3A_20 = arith.constant 0 : i32
        %dma_wait3A_21 = tpu.memref_slice %arg4[%add3A_11, %dma_wait3A_20] : memref<2400000x16xf32, #tpu.memory_space<hbm>> -> memref<5000x16xf32, #tpu.memory_space<hbm>>
        %dma_wait3A_22 = arith.constant 0 : i32
        %dma_wait3A_23 = tpu.memref_slice %arg4[%add3A_11, %dma_wait3A_22] : memref<2400000x16xf32, #tpu.memory_space<hbm>> -> memref<5000x16xf32, #tpu.memory_space<hbm>>
        tpu.wait_dma2 semaphore(%run_scoped3A : memref<!tpu.dma_semaphore, #tpu.memory_space<semaphore_mem>>) src(%arg6 : memref<5000x16xf32, #tpu.memory_space<vmem>>) dst(%dma_wait3A_23 : memref<5000x16xf32, #tpu.memory_space<hbm>>)
        tpu.yield
      }) : () -> ()
    }
    %scan3A_7 = arith.constant 15 : i32
    return
  }
}

#map = affine_map<(d0, d1) -> (0, 0)>
#map1 = affine_map<(d0, d1) -> (0, 0, 0)>
module attributes {stable_mosaic.version = 14 : i64} {
  func.func @segsum_kernel(%arg0: i32, %arg1: i32, %arg2: memref<800000x16xf32, #tpu.memory_space<hbm>>, %arg3: memref<6250x128xi32, #tpu.memory_space<hbm>>, %arg4: memref<50048x16xf32, #tpu.memory_space<hbm>>, %arg5: memref<2x50048x16xf32, #tpu.memory_space<hbm>>, %arg6: memref<8x128xi32, #tpu.memory_space<vmem>>, %arg7: memref<1024x16xf32, #tpu.memory_space<vmem>>, %arg8: memref<50048x16xf32, #tpu.memory_space<vmem_shared>>) attributes {dimension_semantics = [#tpu.dimension_semantics<core_parallel>, #tpu.dimension_semantics<subcore_parallel>], iteration_bounds = array<i64: 2, 16>, scalar_prefetch = 0 : i64, scratch_operands = 3 : i64, tpu.core_type = #tpu.core_type<sc_vector_subcore>, window_params = [{transform_indices = #map}, {transform_indices = #map}, {transform_indices = #map}, {transform_indices = #map1}]} {
    %mul3A = arith.constant 2 : i32
    %mul3A_0 = arith.muli %arg1, %mul3A : i32
    %add3A = arith.addi %mul3A_0, %arg0 : i32
    %mul3A_1 = arith.constant 3128 : i32
    %mul3A_2 = arith.muli %arg1, %mul3A_1 : i32
    %mul3A_3 = arith.constant 3128 : i32
    %mul3A_4 = arith.muli %arg1, %mul3A_3 : i32
    "tpu.region"() ({
      %run_scoped3A = tpu.sem_alloc : memref<!tpu.dma_semaphore, #tpu.memory_space<semaphore_mem>>
      %dma_start3A = arith.constant 0 : i32
      %dma_start3A_15 = tpu.memref_slice %arg8[%mul3A_4, %dma_start3A] : memref<50048x16xf32, #tpu.memory_space<vmem_shared>> -> memref<3128x16xf32, #tpu.memory_space<vmem_shared>>
      %dma_start3A_16 = arith.constant 0 : i32
      %dma_start3A_17 = tpu.memref_slice %arg4[%mul3A_2, %dma_start3A_16] : memref<50048x16xf32, #tpu.memory_space<hbm>> -> memref<3128x16xf32, #tpu.memory_space<hbm>>
      tpu.enqueue_dma source(%dma_start3A_17 : memref<3128x16xf32, #tpu.memory_space<hbm>>) target(%dma_start3A_15 : memref<3128x16xf32, #tpu.memory_space<vmem_shared>>) target_semaphore(%run_scoped3A : memref<!tpu.dma_semaphore, #tpu.memory_space<semaphore_mem>>)
      %dma_wait3A = arith.constant 0 : i32
      %dma_wait3A_18 = tpu.memref_slice %arg8[%mul3A_4, %dma_wait3A] : memref<50048x16xf32, #tpu.memory_space<vmem_shared>> -> memref<3128x16xf32, #tpu.memory_space<vmem_shared>>
      %dma_wait3A_19 = arith.constant 0 : i32
      %dma_wait3A_20 = tpu.memref_slice %arg4[%mul3A_2, %dma_wait3A_19] : memref<50048x16xf32, #tpu.memory_space<hbm>> -> memref<3128x16xf32, #tpu.memory_space<hbm>>
      tpu.wait_dma2 semaphore(%run_scoped3A : memref<!tpu.dma_semaphore, #tpu.memory_space<semaphore_mem>>) src(%dma_wait3A_20 : memref<3128x16xf32, #tpu.memory_space<hbm>>) dst(%dma_wait3A_18 : memref<3128x16xf32, #tpu.memory_space<vmem_shared>>)
      tpu.yield
    }) : () -> ()
    %barrier3A = arith.constant 0 : index
    tpu.barrier barrier_id(%barrier3A)
    %scan3A = arith.constant 0 : i32
    %scan3A_5 = arith.constant 0 : i32
    %scan3A_6 = arith.constant 25 : i32
    %scan3A_7 = arith.addi %scan3A_5, %scan3A_6 : i32
    %scan3A_8 = arith.constant 1 : i32
    scf.for %scan3A_15 = %scan3A_5 to %scan3A_7 step %scan3A_8  : i32 {
      %mul3A_16 = arith.constant 32 : i32
      %mul3A_17 = arith.muli %scan3A_15, %mul3A_16 : i32
      %add3A_18 = arith.addi %add3A, %mul3A_17 : i32
      %lt3A = arith.constant 781 : i32
      %lt3A_19 = arith.cmpi slt, %add3A_18, %lt3A : i32
      %convert_element_type3A = arith.extui %lt3A_19 : i1 to i32
      %cond3A = arith.constant 0 : i32
      %cond3A_20 = arith.cmpi ne, %convert_element_type3A, %cond3A : i32
      scf.if %cond3A_20 {
        %mul3A_25 = arith.constant 8 : i32
        %mul3A_26 = arith.muli %add3A_18, %mul3A_25 : i32
        "tpu.region"() ({
          %run_scoped3A_38 = tpu.sem_alloc : memref<!tpu.dma_semaphore, #tpu.memory_space<semaphore_mem>>
          %dma_start3A = arith.constant 0 : i32
          %dma_start3A_39 = tpu.memref_slice %arg3[%mul3A_26, %dma_start3A] : memref<6250x128xi32, #tpu.memory_space<hbm>> -> memref<8x128xi32, #tpu.memory_space<hbm>>
          %dma_start3A_40 = arith.constant 0 : i32
          %dma_start3A_41 = tpu.memref_slice %arg3[%mul3A_26, %dma_start3A_40] : memref<6250x128xi32, #tpu.memory_space<hbm>> -> memref<8x128xi32, #tpu.memory_space<hbm>>
          tpu.enqueue_dma source(%dma_start3A_41 : memref<8x128xi32, #tpu.memory_space<hbm>>) target(%arg6 : memref<8x128xi32, #tpu.memory_space<vmem>>) target_semaphore(%run_scoped3A_38 : memref<!tpu.dma_semaphore, #tpu.memory_space<semaphore_mem>>)
          %dma_wait3A = arith.constant 0 : i32
          %dma_wait3A_42 = tpu.memref_slice %arg3[%mul3A_26, %dma_wait3A] : memref<6250x128xi32, #tpu.memory_space<hbm>> -> memref<8x128xi32, #tpu.memory_space<hbm>>
          %dma_wait3A_43 = arith.constant 0 : i32
          %dma_wait3A_44 = tpu.memref_slice %arg3[%mul3A_26, %dma_wait3A_43] : memref<6250x128xi32, #tpu.memory_space<hbm>> -> memref<8x128xi32, #tpu.memory_space<hbm>>
          tpu.wait_dma2 semaphore(%run_scoped3A_38 : memref<!tpu.dma_semaphore, #tpu.memory_space<semaphore_mem>>) src(%dma_wait3A_44 : memref<8x128xi32, #tpu.memory_space<hbm>>) dst(%arg6 : memref<8x128xi32, #tpu.memory_space<vmem>>)
          tpu.yield
        }) : () -> ()
        %mul3A_27 = arith.constant 8 : i32
        %mul3A_28 = arith.muli %add3A_18, %mul3A_27 : i32
        %mul3A_29 = arith.constant 128 : i32
        %mul3A_30 = arith.muli %mul3A_28, %mul3A_29 : i32
        "tpu.region"() ({
          %run_scoped3A_38 = tpu.sem_alloc : memref<!tpu.dma_semaphore, #tpu.memory_space<semaphore_mem>>
          %dma_start3A = arith.constant 0 : i32
          %dma_start3A_39 = tpu.memref_slice %arg2[%mul3A_30, %dma_start3A] : memref<800000x16xf32, #tpu.memory_space<hbm>> -> memref<1024x16xf32, #tpu.memory_space<hbm>>
          %dma_start3A_40 = arith.constant 0 : i32
          %dma_start3A_41 = tpu.memref_slice %arg2[%mul3A_30, %dma_start3A_40] : memref<800000x16xf32, #tpu.memory_space<hbm>> -> memref<1024x16xf32, #tpu.memory_space<hbm>>
          tpu.enqueue_dma source(%dma_start3A_41 : memref<1024x16xf32, #tpu.memory_space<hbm>>) target(%arg7 : memref<1024x16xf32, #tpu.memory_space<vmem>>) target_semaphore(%run_scoped3A_38 : memref<!tpu.dma_semaphore, #tpu.memory_space<semaphore_mem>>)
          %dma_wait3A = arith.constant 0 : i32
          %dma_wait3A_42 = tpu.memref_slice %arg2[%mul3A_30, %dma_wait3A] : memref<800000x16xf32, #tpu.memory_space<hbm>> -> memref<1024x16xf32, #tpu.memory_space<hbm>>
          %dma_wait3A_43 = arith.constant 0 : i32
          %dma_wait3A_44 = tpu.memref_slice %arg2[%mul3A_30, %dma_wait3A_43] : memref<800000x16xf32, #tpu.memory_space<hbm>> -> memref<1024x16xf32, #tpu.memory_space<hbm>>
          tpu.wait_dma2 semaphore(%run_scoped3A_38 : memref<!tpu.dma_semaphore, #tpu.memory_space<semaphore_mem>>) src(%dma_wait3A_44 : memref<1024x16xf32, #tpu.memory_space<hbm>>) dst(%arg7 : memref<1024x16xf32, #tpu.memory_space<vmem>>)
          tpu.yield
        }) : () -> ()
        %run_scoped3A = arith.constant 0 : i32
        "tpu.region"() ({
          %run_scoped3A_38 = tpu.sem_alloc : memref<!tpu.dma_semaphore, #tpu.memory_space<semaphore_mem>>
          %dma_start3A = arith.constant 0 : i32
          %dma_start3A_39 = arith.constant 0 : i32
          %dma_start3A_40 = tpu.memref_slice %arg7[%dma_start3A, %dma_start3A_39] : memref<1024x16xf32, #tpu.memory_space<vmem>> -> memref<128x16xf32, #tpu.memory_space<vmem>>
          %dma_start3A_41 = arith.constant 0 : i32
          %dma_start3A_42 = tpu.memref_slice %arg6[%run_scoped3A, %dma_start3A_41] : memref<8x128xi32, #tpu.memory_space<vmem>> -> memref<1x128xi32, #tpu.memory_space<vmem>>
          %dma_start3A_43 = tpu.memref_squeeze %dma_start3A_42 : memref<1x128xi32, #tpu.memory_space<vmem>> -> memref<128xi32, #tpu.memory_space<vmem>>
          %dma_start3A_44 = arith.constant 0 : i32
          %dma_start3A_45 = arith.constant 0 : i32
          %dma_start3A_46 = tpu.memref_slice %arg8[%dma_start3A_44, %dma_start3A_45] : memref<50048x16xf32, #tpu.memory_space<vmem_shared>> -> memref<50048x16xf32, #tpu.memory_space<vmem_shared>>
          tpu.enqueue_indirect_dma source(%dma_start3A_40 : memref<128x16xf32, #tpu.memory_space<vmem>>) target(%dma_start3A_46 : memref<50048x16xf32, #tpu.memory_space<vmem_shared>>) offsets(%dma_start3A_43 : memref<128xi32, #tpu.memory_space<vmem>>) semaphore(%run_scoped3A_38 : memref<!tpu.dma_semaphore, #tpu.memory_space<semaphore_mem>>) {add = true}
          %dma_wait3A = arith.constant 0 : i32
          %dma_wait3A_47 = arith.constant 0 : i32
          %dma_wait3A_48 = tpu.memref_slice %arg7[%dma_wait3A, %dma_wait3A_47] : memref<1024x16xf32, #tpu.memory_space<vmem>> -> memref<128x16xf32, #tpu.memory_space<vmem>>
          %dma_wait3A_49 = arith.constant 0 : i32
          %dma_wait3A_50 = tpu.memref_slice %arg6[%run_scoped3A, %dma_wait3A_49] : memref<8x128xi32, #tpu.memory_space<vmem>> -> memref<1x128xi32, #tpu.memory_space<vmem>>
          %dma_wait3A_51 = tpu.memref_squeeze %dma_wait3A_50 : memref<1x128xi32, #tpu.memory_space<vmem>> -> memref<128xi32, #tpu.memory_space<vmem>>
          %dma_wait3A_52 = arith.constant 0 : i32
          %dma_wait3A_53 = arith.constant 0 : i32
          %dma_wait3A_54 = tpu.memref_slice %arg8[%dma_wait3A_52, %dma_wait3A_53] : memref<50048x16xf32, #tpu.memory_space<vmem_shared>> -> memref<50048x16xf32, #tpu.memory_space<vmem_shared>>
          tpu.wait_indirect_dma semaphore(%run_scoped3A_38 : memref<!tpu.dma_semaphore, #tpu.memory_space<semaphore_mem>>) src(%dma_wait3A_48 : memref<128x16xf32, #tpu.memory_space<vmem>>) dst(%dma_wait3A_54 : memref<50048x16xf32, #tpu.memory_space<vmem_shared>>)
          tpu.yield
        }) : () -> ()
        %run_scoped3A_31 = arith.constant 1 : i32
        "tpu.region"() ({
          %run_scoped3A_38 = tpu.sem_alloc : memref<!tpu.dma_semaphore, #tpu.memory_space<semaphore_mem>>
          %dma_start3A = arith.constant 128 : i32
          %dma_start3A_39 = arith.constant 0 : i32
          %dma_start3A_40 = tpu.memref_slice %arg7[%dma_start3A, %dma_start3A_39] : memref<1024x16xf32, #tpu.memory_space<vmem>> -> memref<128x16xf32, #tpu.memory_space<vmem>>
          %dma_start3A_41 = arith.constant 0 : i32
          %dma_start3A_42 = tpu.memref_slice %arg6[%run_scoped3A_31, %dma_start3A_41] : memref<8x128xi32, #tpu.memory_space<vmem>> -> memref<1x128xi32, #tpu.memory_space<vmem>>
          %dma_start3A_43 = tpu.memref_squeeze %dma_start3A_42 : memref<1x128xi32, #tpu.memory_space<vmem>> -> memref<128xi32, #tpu.memory_space<vmem>>
          %dma_start3A_44 = arith.constant 0 : i32
          %dma_start3A_45 = arith.constant 0 : i32
          %dma_start3A_46 = tpu.memref_slice %arg8[%dma_start3A_44, %dma_start3A_45] : memref<50048x16xf32, #tpu.memory_space<vmem_shared>> -> memref<50048x16xf32, #tpu.memory_space<vmem_shared>>
          tpu.enqueue_indirect_dma source(%dma_start3A_40 : memref<128x16xf32, #tpu.memory_space<vmem>>) target(%dma_start3A_46 : memref<50048x16xf32, #tpu.memory_space<vmem_shared>>) offsets(%dma_start3A_43 : memref<128xi32, #tpu.memory_space<vmem>>) semaphore(%run_scoped3A_38 : memref<!tpu.dma_semaphore, #tpu.memory_space<semaphore_mem>>) {add = true}
          %dma_wait3A = arith.constant 128 : i32
          %dma_wait3A_47 = arith.constant 0 : i32
          %dma_wait3A_48 = tpu.memref_slice %arg7[%dma_wait3A, %dma_wait3A_47] : memref<1024x16xf32, #tpu.memory_space<vmem>> -> memref<128x16xf32, #tpu.memory_space<vmem>>
          %dma_wait3A_49 = arith.constant 0 : i32
          %dma_wait3A_50 = tpu.memref_slice %arg6[%run_scoped3A_31, %dma_wait3A_49] : memref<8x128xi32, #tpu.memory_space<vmem>> -> memref<1x128xi32, #tpu.memory_space<vmem>>
          %dma_wait3A_51 = tpu.memref_squeeze %dma_wait3A_50 : memref<1x128xi32, #tpu.memory_space<vmem>> -> memref<128xi32, #tpu.memory_space<vmem>>
          %dma_wait3A_52 = arith.constant 0 : i32
          %dma_wait3A_53 = arith.constant 0 : i32
          %dma_wait3A_54 = tpu.memref_slice %arg8[%dma_wait3A_52, %dma_wait3A_53] : memref<50048x16xf32, #tpu.memory_space<vmem_shared>> -> memref<50048x16xf32, #tpu.memory_space<vmem_shared>>
          tpu.wait_indirect_dma semaphore(%run_scoped3A_38 : memref<!tpu.dma_semaphore, #tpu.memory_space<semaphore_mem>>) src(%dma_wait3A_48 : memref<128x16xf32, #tpu.memory_space<vmem>>) dst(%dma_wait3A_54 : memref<50048x16xf32, #tpu.memory_space<vmem_shared>>)
          tpu.yield
        }) : () -> ()
        %run_scoped3A_32 = arith.constant 2 : i32
        "tpu.region"() ({
          %run_scoped3A_38 = tpu.sem_alloc : memref<!tpu.dma_semaphore, #tpu.memory_space<semaphore_mem>>
          %dma_start3A = arith.constant 256 : i32
          %dma_start3A_39 = arith.constant 0 : i32
          %dma_start3A_40 = tpu.memref_slice %arg7[%dma_start3A, %dma_start3A_39] : memref<1024x16xf32, #tpu.memory_space<vmem>> -> memref<128x16xf32, #tpu.memory_space<vmem>>
          %dma_start3A_41 = arith.constant 0 : i32
          %dma_start3A_42 = tpu.memref_slice %arg6[%run_scoped3A_32, %dma_start3A_41] : memref<8x128xi32, #tpu.memory_space<vmem>> -> memref<1x128xi32, #tpu.memory_space<vmem>>
          %dma_start3A_43 = tpu.memref_squeeze %dma_start3A_42 : memref<1x128xi32, #tpu.memory_space<vmem>> -> memref<128xi32, #tpu.memory_space<vmem>>
          %dma_start3A_44 = arith.constant 0 : i32
          %dma_start3A_45 = arith.constant 0 : i32
          %dma_start3A_46 = tpu.memref_slice %arg8[%dma_start3A_44, %dma_start3A_45] : memref<50048x16xf32, #tpu.memory_space<vmem_shared>> -> memref<50048x16xf32, #tpu.memory_space<vmem_shared>>
          tpu.enqueue_indirect_dma source(%dma_start3A_40 : memref<128x16xf32, #tpu.memory_space<vmem>>) target(%dma_start3A_46 : memref<50048x16xf32, #tpu.memory_space<vmem_shared>>) offsets(%dma_start3A_43 : memref<128xi32, #tpu.memory_space<vmem>>) semaphore(%run_scoped3A_38 : memref<!tpu.dma_semaphore, #tpu.memory_space<semaphore_mem>>) {add = true}
          %dma_wait3A = arith.constant 256 : i32
          %dma_wait3A_47 = arith.constant 0 : i32
          %dma_wait3A_48 = tpu.memref_slice %arg7[%dma_wait3A, %dma_wait3A_47] : memref<1024x16xf32, #tpu.memory_space<vmem>> -> memref<128x16xf32, #tpu.memory_space<vmem>>
          %dma_wait3A_49 = arith.constant 0 : i32
          %dma_wait3A_50 = tpu.memref_slice %arg6[%run_scoped3A_32, %dma_wait3A_49] : memref<8x128xi32, #tpu.memory_space<vmem>> -> memref<1x128xi32, #tpu.memory_space<vmem>>
          %dma_wait3A_51 = tpu.memref_squeeze %dma_wait3A_50 : memref<1x128xi32, #tpu.memory_space<vmem>> -> memref<128xi32, #tpu.memory_space<vmem>>
          %dma_wait3A_52 = arith.constant 0 : i32
          %dma_wait3A_53 = arith.constant 0 : i32
          %dma_wait3A_54 = tpu.memref_slice %arg8[%dma_wait3A_52, %dma_wait3A_53] : memref<50048x16xf32, #tpu.memory_space<vmem_shared>> -> memref<50048x16xf32, #tpu.memory_space<vmem_shared>>
          tpu.wait_indirect_dma semaphore(%run_scoped3A_38 : memref<!tpu.dma_semaphore, #tpu.memory_space<semaphore_mem>>) src(%dma_wait3A_48 : memref<128x16xf32, #tpu.memory_space<vmem>>) dst(%dma_wait3A_54 : memref<50048x16xf32, #tpu.memory_space<vmem_shared>>)
          tpu.yield
        }) : () -> ()
        %run_scoped3A_33 = arith.constant 3 : i32
        "tpu.region"() ({
          %run_scoped3A_38 = tpu.sem_alloc : memref<!tpu.dma_semaphore, #tpu.memory_space<semaphore_mem>>
          %dma_start3A = arith.constant 384 : i32
          %dma_start3A_39 = arith.constant 0 : i32
          %dma_start3A_40 = tpu.memref_slice %arg7[%dma_start3A, %dma_start3A_39] : memref<1024x16xf32, #tpu.memory_space<vmem>> -> memref<128x16xf32, #tpu.memory_space<vmem>>
          %dma_start3A_41 = arith.constant 0 : i32
          %dma_start3A_42 = tpu.memref_slice %arg6[%run_scoped3A_33, %dma_start3A_41] : memref<8x128xi32, #tpu.memory_space<vmem>> -> memref<1x128xi32, #tpu.memory_space<vmem>>
          %dma_start3A_43 = tpu.memref_squeeze %dma_start3A_42 : memref<1x128xi32, #tpu.memory_space<vmem>> -> memref<128xi32, #tpu.memory_space<vmem>>
          %dma_start3A_44 = arith.constant 0 : i32
          %dma_start3A_45 = arith.constant 0 : i32
          %dma_start3A_46 = tpu.memref_slice %arg8[%dma_start3A_44, %dma_start3A_45] : memref<50048x16xf32, #tpu.memory_space<vmem_shared>> -> memref<50048x16xf32, #tpu.memory_space<vmem_shared>>
          tpu.enqueue_indirect_dma source(%dma_start3A_40 : memref<128x16xf32, #tpu.memory_space<vmem>>) target(%dma_start3A_46 : memref<50048x16xf32, #tpu.memory_space<vmem_shared>>) offsets(%dma_start3A_43 : memref<128xi32, #tpu.memory_space<vmem>>) semaphore(%run_scoped3A_38 : memref<!tpu.dma_semaphore, #tpu.memory_space<semaphore_mem>>) {add = true}
          %dma_wait3A = arith.constant 384 : i32
          %dma_wait3A_47 = arith.constant 0 : i32
          %dma_wait3A_48 = tpu.memref_slice %arg7[%dma_wait3A, %dma_wait3A_47] : memref<1024x16xf32, #tpu.memory_space<vmem>> -> memref<128x16xf32, #tpu.memory_space<vmem>>
          %dma_wait3A_49 = arith.constant 0 : i32
          %dma_wait3A_50 = tpu.memref_slice %arg6[%run_scoped3A_33, %dma_wait3A_49] : memref<8x128xi32, #tpu.memory_space<vmem>> -> memref<1x128xi32, #tpu.memory_space<vmem>>
          %dma_wait3A_51 = tpu.memref_squeeze %dma_wait3A_50 : memref<1x128xi32, #tpu.memory_space<vmem>> -> memref<128xi32, #tpu.memory_space<vmem>>
          %dma_wait3A_52 = arith.constant 0 : i32
          %dma_wait3A_53 = arith.constant 0 : i32
          %dma_wait3A_54 = tpu.memref_slice %arg8[%dma_wait3A_52, %dma_wait3A_53] : memref<50048x16xf32, #tpu.memory_space<vmem_shared>> -> memref<50048x16xf32, #tpu.memory_space<vmem_shared>>
          tpu.wait_indirect_dma semaphore(%run_scoped3A_38 : memref<!tpu.dma_semaphore, #tpu.memory_space<semaphore_mem>>) src(%dma_wait3A_48 : memref<128x16xf32, #tpu.memory_space<vmem>>) dst(%dma_wait3A_54 : memref<50048x16xf32, #tpu.memory_space<vmem_shared>>)
          tpu.yield
        }) : () -> ()
        %run_scoped3A_34 = arith.constant 4 : i32
        "tpu.region"() ({
          %run_scoped3A_38 = tpu.sem_alloc : memref<!tpu.dma_semaphore, #tpu.memory_space<semaphore_mem>>
          %dma_start3A = arith.constant 512 : i32
          %dma_start3A_39 = arith.constant 0 : i32
          %dma_start3A_40 = tpu.memref_slice %arg7[%dma_start3A, %dma_start3A_39] : memref<1024x16xf32, #tpu.memory_space<vmem>> -> memref<128x16xf32, #tpu.memory_space<vmem>>
          %dma_start3A_41 = arith.constant 0 : i32
          %dma_start3A_42 = tpu.memref_slice %arg6[%run_scoped3A_34, %dma_start3A_41] : memref<8x128xi32, #tpu.memory_space<vmem>> -> memref<1x128xi32, #tpu.memory_space<vmem>>
          %dma_start3A_43 = tpu.memref_squeeze %dma_start3A_42 : memref<1x128xi32, #tpu.memory_space<vmem>> -> memref<128xi32, #tpu.memory_space<vmem>>
          %dma_start3A_44 = arith.constant 0 : i32
          %dma_start3A_45 = arith.constant 0 : i32
          %dma_start3A_46 = tpu.memref_slice %arg8[%dma_start3A_44, %dma_start3A_45] : memref<50048x16xf32, #tpu.memory_space<vmem_shared>> -> memref<50048x16xf32, #tpu.memory_space<vmem_shared>>
          tpu.enqueue_indirect_dma source(%dma_start3A_40 : memref<128x16xf32, #tpu.memory_space<vmem>>) target(%dma_start3A_46 : memref<50048x16xf32, #tpu.memory_space<vmem_shared>>) offsets(%dma_start3A_43 : memref<128xi32, #tpu.memory_space<vmem>>) semaphore(%run_scoped3A_38 : memref<!tpu.dma_semaphore, #tpu.memory_space<semaphore_mem>>) {add = true}
          %dma_wait3A = arith.constant 512 : i32
          %dma_wait3A_47 = arith.constant 0 : i32
          %dma_wait3A_48 = tpu.memref_slice %arg7[%dma_wait3A, %dma_wait3A_47] : memref<1024x16xf32, #tpu.memory_space<vmem>> -> memref<128x16xf32, #tpu.memory_space<vmem>>
          %dma_wait3A_49 = arith.constant 0 : i32
          %dma_wait3A_50 = tpu.memref_slice %arg6[%run_scoped3A_34, %dma_wait3A_49] : memref<8x128xi32, #tpu.memory_space<vmem>> -> memref<1x128xi32, #tpu.memory_space<vmem>>
          %dma_wait3A_51 = tpu.memref_squeeze %dma_wait3A_50 : memref<1x128xi32, #tpu.memory_space<vmem>> -> memref<128xi32, #tpu.memory_space<vmem>>
          %dma_wait3A_52 = arith.constant 0 : i32
          %dma_wait3A_53 = arith.constant 0 : i32
          %dma_wait3A_54 = tpu.memref_slice %arg8[%dma_wait3A_52, %dma_wait3A_53] : memref<50048x16xf32, #tpu.memory_space<vmem_shared>> -> memref<50048x16xf32, #tpu.memory_space<vmem_shared>>
          tpu.wait_indirect_dma semaphore(%run_scoped3A_38 : memref<!tpu.dma_semaphore, #tpu.memory_space<semaphore_mem>>) src(%dma_wait3A_48 : memref<128x16xf32, #tpu.memory_space<vmem>>) dst(%dma_wait3A_54 : memref<50048x16xf32, #tpu.memory_space<vmem_shared>>)
          tpu.yield
        }) : () -> ()
        %run_scoped3A_35 = arith.constant 5 : i32
        "tpu.region"() ({
          %run_scoped3A_38 = tpu.sem_alloc : memref<!tpu.dma_semaphore, #tpu.memory_space<semaphore_mem>>
          %dma_start3A = arith.constant 640 : i32
          %dma_start3A_39 = arith.constant 0 : i32
          %dma_start3A_40 = tpu.memref_slice %arg7[%dma_start3A, %dma_start3A_39] : memref<1024x16xf32, #tpu.memory_space<vmem>> -> memref<128x16xf32, #tpu.memory_space<vmem>>
          %dma_start3A_41 = arith.constant 0 : i32
          %dma_start3A_42 = tpu.memref_slice %arg6[%run_scoped3A_35, %dma_start3A_41] : memref<8x128xi32, #tpu.memory_space<vmem>> -> memref<1x128xi32, #tpu.memory_space<vmem>>
          %dma_start3A_43 = tpu.memref_squeeze %dma_start3A_42 : memref<1x128xi32, #tpu.memory_space<vmem>> -> memref<128xi32, #tpu.memory_space<vmem>>
          %dma_start3A_44 = arith.constant 0 : i32
          %dma_start3A_45 = arith.constant 0 : i32
          %dma_start3A_46 = tpu.memref_slice %arg8[%dma_start3A_44, %dma_start3A_45] : memref<50048x16xf32, #tpu.memory_space<vmem_shared>> -> memref<50048x16xf32, #tpu.memory_space<vmem_shared>>
          tpu.enqueue_indirect_dma source(%dma_start3A_40 : memref<128x16xf32, #tpu.memory_space<vmem>>) target(%dma_start3A_46 : memref<50048x16xf32, #tpu.memory_space<vmem_shared>>) offsets(%dma_start3A_43 : memref<128xi32, #tpu.memory_space<vmem>>) semaphore(%run_scoped3A_38 : memref<!tpu.dma_semaphore, #tpu.memory_space<semaphore_mem>>) {add = true}
          %dma_wait3A = arith.constant 640 : i32
          %dma_wait3A_47 = arith.constant 0 : i32
          %dma_wait3A_48 = tpu.memref_slice %arg7[%dma_wait3A, %dma_wait3A_47] : memref<1024x16xf32, #tpu.memory_space<vmem>> -> memref<128x16xf32, #tpu.memory_space<vmem>>
          %dma_wait3A_49 = arith.constant 0 : i32
          %dma_wait3A_50 = tpu.memref_slice %arg6[%run_scoped3A_35, %dma_wait3A_49] : memref<8x128xi32, #tpu.memory_space<vmem>> -> memref<1x128xi32, #tpu.memory_space<vmem>>
          %dma_wait3A_51 = tpu.memref_squeeze %dma_wait3A_50 : memref<1x128xi32, #tpu.memory_space<vmem>> -> memref<128xi32, #tpu.memory_space<vmem>>
          %dma_wait3A_52 = arith.constant 0 : i32
          %dma_wait3A_53 = arith.constant 0 : i32
          %dma_wait3A_54 = tpu.memref_slice %arg8[%dma_wait3A_52, %dma_wait3A_53] : memref<50048x16xf32, #tpu.memory_space<vmem_shared>> -> memref<50048x16xf32, #tpu.memory_space<vmem_shared>>
          tpu.wait_indirect_dma semaphore(%run_scoped3A_38 : memref<!tpu.dma_semaphore, #tpu.memory_space<semaphore_mem>>) src(%dma_wait3A_48 : memref<128x16xf32, #tpu.memory_space<vmem>>) dst(%dma_wait3A_54 : memref<50048x16xf32, #tpu.memory_space<vmem_shared>>)
          tpu.yield
        }) : () -> ()
        %run_scoped3A_36 = arith.constant 6 : i32
        "tpu.region"() ({
          %run_scoped3A_38 = tpu.sem_alloc : memref<!tpu.dma_semaphore, #tpu.memory_space<semaphore_mem>>
          %dma_start3A = arith.constant 768 : i32
          %dma_start3A_39 = arith.constant 0 : i32
          %dma_start3A_40 = tpu.memref_slice %arg7[%dma_start3A, %dma_start3A_39] : memref<1024x16xf32, #tpu.memory_space<vmem>> -> memref<128x16xf32, #tpu.memory_space<vmem>>
          %dma_start3A_41 = arith.constant 0 : i32
          %dma_start3A_42 = tpu.memref_slice %arg6[%run_scoped3A_36, %dma_start3A_41] : memref<8x128xi32, #tpu.memory_space<vmem>> -> memref<1x128xi32, #tpu.memory_space<vmem>>
          %dma_start3A_43 = tpu.memref_squeeze %dma_start3A_42 : memref<1x128xi32, #tpu.memory_space<vmem>> -> memref<128xi32, #tpu.memory_space<vmem>>
          %dma_start3A_44 = arith.constant 0 : i32
          %dma_start3A_45 = arith.constant 0 : i32
          %dma_start3A_46 = tpu.memref_slice %arg8[%dma_start3A_44, %dma_start3A_45] : memref<50048x16xf32, #tpu.memory_space<vmem_shared>> -> memref<50048x16xf32, #tpu.memory_space<vmem_shared>>
          tpu.enqueue_indirect_dma source(%dma_start3A_40 : memref<128x16xf32, #tpu.memory_space<vmem>>) target(%dma_start3A_46 : memref<50048x16xf32, #tpu.memory_space<vmem_shared>>) offsets(%dma_start3A_43 : memref<128xi32, #tpu.memory_space<vmem>>) semaphore(%run_scoped3A_38 : memref<!tpu.dma_semaphore, #tpu.memory_space<semaphore_mem>>) {add = true}
          %dma_wait3A = arith.constant 768 : i32
          %dma_wait3A_47 = arith.constant 0 : i32
          %dma_wait3A_48 = tpu.memref_slice %arg7[%dma_wait3A, %dma_wait3A_47] : memref<1024x16xf32, #tpu.memory_space<vmem>> -> memref<128x16xf32, #tpu.memory_space<vmem>>
          %dma_wait3A_49 = arith.constant 0 : i32
          %dma_wait3A_50 = tpu.memref_slice %arg6[%run_scoped3A_36, %dma_wait3A_49] : memref<8x128xi32, #tpu.memory_space<vmem>> -> memref<1x128xi32, #tpu.memory_space<vmem>>
          %dma_wait3A_51 = tpu.memref_squeeze %dma_wait3A_50 : memref<1x128xi32, #tpu.memory_space<vmem>> -> memref<128xi32, #tpu.memory_space<vmem>>
          %dma_wait3A_52 = arith.constant 0 : i32
          %dma_wait3A_53 = arith.constant 0 : i32
          %dma_wait3A_54 = tpu.memref_slice %arg8[%dma_wait3A_52, %dma_wait3A_53] : memref<50048x16xf32, #tpu.memory_space<vmem_shared>> -> memref<50048x16xf32, #tpu.memory_space<vmem_shared>>
          tpu.wait_indirect_dma semaphore(%run_scoped3A_38 : memref<!tpu.dma_semaphore, #tpu.memory_space<semaphore_mem>>) src(%dma_wait3A_48 : memref<128x16xf32, #tpu.memory_space<vmem>>) dst(%dma_wait3A_54 : memref<50048x16xf32, #tpu.memory_space<vmem_shared>>)
          tpu.yield
        }) : () -> ()
        %run_scoped3A_37 = arith.constant 7 : i32
        "tpu.region"() ({
          %run_scoped3A_38 = tpu.sem_alloc : memref<!tpu.dma_semaphore, #tpu.memory_space<semaphore_mem>>
          %dma_start3A = arith.constant 896 : i32
          %dma_start3A_39 = arith.constant 0 : i32
          %dma_start3A_40 = tpu.memref_slice %arg7[%dma_start3A, %dma_start3A_39] : memref<1024x16xf32, #tpu.memory_space<vmem>> -> memref<128x16xf32, #tpu.memory_space<vmem>>
          %dma_start3A_41 = arith.constant 0 : i32
          %dma_start3A_42 = tpu.memref_slice %arg6[%run_scoped3A_37, %dma_start3A_41] : memref<8x128xi32, #tpu.memory_space<vmem>> -> memref<1x128xi32, #tpu.memory_space<vmem>>
          %dma_start3A_43 = tpu.memref_squeeze %dma_start3A_42 : memref<1x128xi32, #tpu.memory_space<vmem>> -> memref<128xi32, #tpu.memory_space<vmem>>
          %dma_start3A_44 = arith.constant 0 : i32
          %dma_start3A_45 = arith.constant 0 : i32
          %dma_start3A_46 = tpu.memref_slice %arg8[%dma_start3A_44, %dma_start3A_45] : memref<50048x16xf32, #tpu.memory_space<vmem_shared>> -> memref<50048x16xf32, #tpu.memory_space<vmem_shared>>
          tpu.enqueue_indirect_dma source(%dma_start3A_40 : memref<128x16xf32, #tpu.memory_space<vmem>>) target(%dma_start3A_46 : memref<50048x16xf32, #tpu.memory_space<vmem_shared>>) offsets(%dma_start3A_43 : memref<128xi32, #tpu.memory_space<vmem>>) semaphore(%run_scoped3A_38 : memref<!tpu.dma_semaphore, #tpu.memory_space<semaphore_mem>>) {add = true}
          %dma_wait3A = arith.constant 896 : i32
          %dma_wait3A_47 = arith.constant 0 : i32
          %dma_wait3A_48 = tpu.memref_slice %arg7[%dma_wait3A, %dma_wait3A_47] : memref<1024x16xf32, #tpu.memory_space<vmem>> -> memref<128x16xf32, #tpu.memory_space<vmem>>
          %dma_wait3A_49 = arith.constant 0 : i32
          %dma_wait3A_50 = tpu.memref_slice %arg6[%run_scoped3A_37, %dma_wait3A_49] : memref<8x128xi32, #tpu.memory_space<vmem>> -> memref<1x128xi32, #tpu.memory_space<vmem>>
          %dma_wait3A_51 = tpu.memref_squeeze %dma_wait3A_50 : memref<1x128xi32, #tpu.memory_space<vmem>> -> memref<128xi32, #tpu.memory_space<vmem>>
          %dma_wait3A_52 = arith.constant 0 : i32
          %dma_wait3A_53 = arith.constant 0 : i32
          %dma_wait3A_54 = tpu.memref_slice %arg8[%dma_wait3A_52, %dma_wait3A_53] : memref<50048x16xf32, #tpu.memory_space<vmem_shared>> -> memref<50048x16xf32, #tpu.memory_space<vmem_shared>>
          tpu.wait_indirect_dma semaphore(%run_scoped3A_38 : memref<!tpu.dma_semaphore, #tpu.memory_space<semaphore_mem>>) src(%dma_wait3A_48 : memref<128x16xf32, #tpu.memory_space<vmem>>) dst(%dma_wait3A_54 : memref<50048x16xf32, #tpu.memory_space<vmem_shared>>)
          tpu.yield
        }) : () -> ()
      } else {
      }
      %eq3A = arith.constant 781 : i32
      %eq3A_21 = arith.cmpi eq, %add3A_18, %eq3A : i32
      %convert_element_type3A_22 = arith.extui %eq3A_21 : i1 to i32
      %cond3A_23 = arith.constant 0 : i32
      %cond3A_24 = arith.cmpi ne, %convert_element_type3A_22, %cond3A_23 : i32
      scf.if %cond3A_24 {
        "tpu.region"() ({
          %run_scoped3A_26 = tpu.sem_alloc : memref<!tpu.dma_semaphore, #tpu.memory_space<semaphore_mem>>
          %dma_start3A = arith.constant 0 : i32
          %dma_start3A_27 = arith.constant 0 : i32
          %dma_start3A_28 = tpu.memref_slice %arg6[%dma_start3A, %dma_start3A_27] : memref<8x128xi32, #tpu.memory_space<vmem>> -> memref<2x128xi32, #tpu.memory_space<vmem>>
          %dma_start3A_29 = arith.constant 6248 : i32
          %dma_start3A_30 = arith.constant 0 : i32
          %dma_start3A_31 = tpu.memref_slice %arg3[%dma_start3A_29, %dma_start3A_30] : memref<6250x128xi32, #tpu.memory_space<hbm>> -> memref<2x128xi32, #tpu.memory_space<hbm>>
          %dma_start3A_32 = arith.constant 0 : i32
          %dma_start3A_33 = arith.constant 0 : i32
          %dma_start3A_34 = tpu.memref_slice %arg6[%dma_start3A_32, %dma_start3A_33] : memref<8x128xi32, #tpu.memory_space<vmem>> -> memref<2x128xi32, #tpu.memory_space<vmem>>
          %dma_start3A_35 = arith.constant 6248 : i32
          %dma_start3A_36 = arith.constant 0 : i32
          %dma_start3A_37 = tpu.memref_slice %arg3[%dma_start3A_35, %dma_start3A_36] : memref<6250x128xi32, #tpu.memory_space<hbm>> -> memref<2x128xi32, #tpu.memory_space<hbm>>
          tpu.enqueue_dma source(%dma_start3A_37 : memref<2x128xi32, #tpu.memory_space<hbm>>) target(%dma_start3A_34 : memref<2x128xi32, #tpu.memory_space<vmem>>) target_semaphore(%run_scoped3A_26 : memref<!tpu.dma_semaphore, #tpu.memory_space<semaphore_mem>>)
          %dma_wait3A = arith.constant 0 : i32
          %dma_wait3A_38 = arith.constant 0 : i32
          %dma_wait3A_39 = tpu.memref_slice %arg6[%dma_wait3A, %dma_wait3A_38] : memref<8x128xi32, #tpu.memory_space<vmem>> -> memref<2x128xi32, #tpu.memory_space<vmem>>
          %dma_wait3A_40 = arith.constant 6248 : i32
          %dma_wait3A_41 = arith.constant 0 : i32
          %dma_wait3A_42 = tpu.memref_slice %arg3[%dma_wait3A_40, %dma_wait3A_41] : memref<6250x128xi32, #tpu.memory_space<hbm>> -> memref<2x128xi32, #tpu.memory_space<hbm>>
          %dma_wait3A_43 = arith.constant 0 : i32
          %dma_wait3A_44 = arith.constant 0 : i32
          %dma_wait3A_45 = tpu.memref_slice %arg6[%dma_wait3A_43, %dma_wait3A_44] : memref<8x128xi32, #tpu.memory_space<vmem>> -> memref<2x128xi32, #tpu.memory_space<vmem>>
          %dma_wait3A_46 = arith.constant 6248 : i32
          %dma_wait3A_47 = arith.constant 0 : i32
          %dma_wait3A_48 = tpu.memref_slice %arg3[%dma_wait3A_46, %dma_wait3A_47] : memref<6250x128xi32, #tpu.memory_space<hbm>> -> memref<2x128xi32, #tpu.memory_space<hbm>>
          tpu.wait_dma2 semaphore(%run_scoped3A_26 : memref<!tpu.dma_semaphore, #tpu.memory_space<semaphore_mem>>) src(%dma_wait3A_48 : memref<2x128xi32, #tpu.memory_space<hbm>>) dst(%dma_wait3A_45 : memref<2x128xi32, #tpu.memory_space<vmem>>)
          tpu.yield
        }) : () -> ()
        "tpu.region"() ({
          %run_scoped3A_26 = tpu.sem_alloc : memref<!tpu.dma_semaphore, #tpu.memory_space<semaphore_mem>>
          %dma_start3A = arith.constant 0 : i32
          %dma_start3A_27 = arith.constant 0 : i32
          %dma_start3A_28 = tpu.memref_slice %arg7[%dma_start3A, %dma_start3A_27] : memref<1024x16xf32, #tpu.memory_space<vmem>> -> memref<256x16xf32, #tpu.memory_space<vmem>>
          %dma_start3A_29 = arith.constant 799744 : i32
          %dma_start3A_30 = arith.constant 0 : i32
          %dma_start3A_31 = tpu.memref_slice %arg2[%dma_start3A_29, %dma_start3A_30] : memref<800000x16xf32, #tpu.memory_space<hbm>> -> memref<256x16xf32, #tpu.memory_space<hbm>>
          %dma_start3A_32 = arith.constant 0 : i32
          %dma_start3A_33 = arith.constant 0 : i32
          %dma_start3A_34 = tpu.memref_slice %arg7[%dma_start3A_32, %dma_start3A_33] : memref<1024x16xf32, #tpu.memory_space<vmem>> -> memref<256x16xf32, #tpu.memory_space<vmem>>
          %dma_start3A_35 = arith.constant 799744 : i32
          %dma_start3A_36 = arith.constant 0 : i32
          %dma_start3A_37 = tpu.memref_slice %arg2[%dma_start3A_35, %dma_start3A_36] : memref<800000x16xf32, #tpu.memory_space<hbm>> -> memref<256x16xf32, #tpu.memory_space<hbm>>
          tpu.enqueue_dma source(%dma_start3A_37 : memref<256x16xf32, #tpu.memory_space<hbm>>) target(%dma_start3A_34 : memref<256x16xf32, #tpu.memory_space<vmem>>) target_semaphore(%run_scoped3A_26 : memref<!tpu.dma_semaphore, #tpu.memory_space<semaphore_mem>>)
          %dma_wait3A = arith.constant 0 : i32
          %dma_wait3A_38 = arith.constant 0 : i32
          %dma_wait3A_39 = tpu.memref_slice %arg7[%dma_wait3A, %dma_wait3A_38] : memref<1024x16xf32, #tpu.memory_space<vmem>> -> memref<256x16xf32, #tpu.memory_space<vmem>>
          %dma_wait3A_40 = arith.constant 799744 : i32
          %dma_wait3A_41 = arith.constant 0 : i32
          %dma_wait3A_42 = tpu.memref_slice %arg2[%dma_wait3A_40, %dma_wait3A_41] : memref<800000x16xf32, #tpu.memory_space<hbm>> -> memref<256x16xf32, #tpu.memory_space<hbm>>
          %dma_wait3A_43 = arith.constant 0 : i32
          %dma_wait3A_44 = arith.constant 0 : i32
          %dma_wait3A_45 = tpu.memref_slice %arg7[%dma_wait3A_43, %dma_wait3A_44] : memref<1024x16xf32, #tpu.memory_space<vmem>> -> memref<256x16xf32, #tpu.memory_space<vmem>>
          %dma_wait3A_46 = arith.constant 799744 : i32
          %dma_wait3A_47 = arith.constant 0 : i32
          %dma_wait3A_48 = tpu.memref_slice %arg2[%dma_wait3A_46, %dma_wait3A_47] : memref<800000x16xf32, #tpu.memory_space<hbm>> -> memref<256x16xf32, #tpu.memory_space<hbm>>
          tpu.wait_dma2 semaphore(%run_scoped3A_26 : memref<!tpu.dma_semaphore, #tpu.memory_space<semaphore_mem>>) src(%dma_wait3A_48 : memref<256x16xf32, #tpu.memory_space<hbm>>) dst(%dma_wait3A_45 : memref<256x16xf32, #tpu.memory_space<vmem>>)
          tpu.yield
        }) : () -> ()
        %run_scoped3A = arith.constant 0 : i32
        "tpu.region"() ({
          %run_scoped3A_26 = tpu.sem_alloc : memref<!tpu.dma_semaphore, #tpu.memory_space<semaphore_mem>>
          %dma_start3A = arith.constant 0 : i32
          %dma_start3A_27 = arith.constant 0 : i32
          %dma_start3A_28 = tpu.memref_slice %arg7[%dma_start3A, %dma_start3A_27] : memref<1024x16xf32, #tpu.memory_space<vmem>> -> memref<128x16xf32, #tpu.memory_space<vmem>>
          %dma_start3A_29 = arith.constant 0 : i32
          %dma_start3A_30 = tpu.memref_slice %arg6[%run_scoped3A, %dma_start3A_29] : memref<8x128xi32, #tpu.memory_space<vmem>> -> memref<1x128xi32, #tpu.memory_space<vmem>>
          %dma_start3A_31 = tpu.memref_squeeze %dma_start3A_30 : memref<1x128xi32, #tpu.memory_space<vmem>> -> memref<128xi32, #tpu.memory_space<vmem>>
          %dma_start3A_32 = arith.constant 0 : i32
          %dma_start3A_33 = arith.constant 0 : i32
          %dma_start3A_34 = tpu.memref_slice %arg8[%dma_start3A_32, %dma_start3A_33] : memref<50048x16xf32, #tpu.memory_space<vmem_shared>> -> memref<50048x16xf32, #tpu.memory_space<vmem_shared>>
          tpu.enqueue_indirect_dma source(%dma_start3A_28 : memref<128x16xf32, #tpu.memory_space<vmem>>) target(%dma_start3A_34 : memref<50048x16xf32, #tpu.memory_space<vmem_shared>>) offsets(%dma_start3A_31 : memref<128xi32, #tpu.memory_space<vmem>>) semaphore(%run_scoped3A_26 : memref<!tpu.dma_semaphore, #tpu.memory_space<semaphore_mem>>) {add = true}
          %dma_wait3A = arith.constant 0 : i32
          %dma_wait3A_35 = arith.constant 0 : i32
          %dma_wait3A_36 = tpu.memref_slice %arg7[%dma_wait3A, %dma_wait3A_35] : memref<1024x16xf32, #tpu.memory_space<vmem>> -> memref<128x16xf32, #tpu.memory_space<vmem>>
          %dma_wait3A_37 = arith.constant 0 : i32
          %dma_wait3A_38 = tpu.memref_slice %arg6[%run_scoped3A, %dma_wait3A_37] : memref<8x128xi32, #tpu.memory_space<vmem>> -> memref<1x128xi32, #tpu.memory_space<vmem>>
          %dma_wait3A_39 = tpu.memref_squeeze %dma_wait3A_38 : memref<1x128xi32, #tpu.memory_space<vmem>> -> memref<128xi32, #tpu.memory_space<vmem>>
          %dma_wait3A_40 = arith.constant 0 : i32
          %dma_wait3A_41 = arith.constant 0 : i32
          %dma_wait3A_42 = tpu.memref_slice %arg8[%dma_wait3A_40, %dma_wait3A_41] : memref<50048x16xf32, #tpu.memory_space<vmem_shared>> -> memref<50048x16xf32, #tpu.memory_space<vmem_shared>>
          tpu.wait_indirect_dma semaphore(%run_scoped3A_26 : memref<!tpu.dma_semaphore, #tpu.memory_space<semaphore_mem>>) src(%dma_wait3A_36 : memref<128x16xf32, #tpu.memory_space<vmem>>) dst(%dma_wait3A_42 : memref<50048x16xf32, #tpu.memory_space<vmem_shared>>)
          tpu.yield
        }) : () -> ()
        %run_scoped3A_25 = arith.constant 1 : i32
        "tpu.region"() ({
          %run_scoped3A_26 = tpu.sem_alloc : memref<!tpu.dma_semaphore, #tpu.memory_space<semaphore_mem>>
          %dma_start3A = arith.constant 128 : i32
          %dma_start3A_27 = arith.constant 0 : i32
          %dma_start3A_28 = tpu.memref_slice %arg7[%dma_start3A, %dma_start3A_27] : memref<1024x16xf32, #tpu.memory_space<vmem>> -> memref<128x16xf32, #tpu.memory_space<vmem>>
          %dma_start3A_29 = arith.constant 0 : i32
          %dma_start3A_30 = tpu.memref_slice %arg6[%run_scoped3A_25, %dma_start3A_29] : memref<8x128xi32, #tpu.memory_space<vmem>> -> memref<1x128xi32, #tpu.memory_space<vmem>>
          %dma_start3A_31 = tpu.memref_squeeze %dma_start3A_30 : memref<1x128xi32, #tpu.memory_space<vmem>> -> memref<128xi32, #tpu.memory_space<vmem>>
          %dma_start3A_32 = arith.constant 0 : i32
          %dma_start3A_33 = arith.constant 0 : i32
          %dma_start3A_34 = tpu.memref_slice %arg8[%dma_start3A_32, %dma_start3A_33] : memref<50048x16xf32, #tpu.memory_space<vmem_shared>> -> memref<50048x16xf32, #tpu.memory_space<vmem_shared>>
          tpu.enqueue_indirect_dma source(%dma_start3A_28 : memref<128x16xf32, #tpu.memory_space<vmem>>) target(%dma_start3A_34 : memref<50048x16xf32, #tpu.memory_space<vmem_shared>>) offsets(%dma_start3A_31 : memref<128xi32, #tpu.memory_space<vmem>>) semaphore(%run_scoped3A_26 : memref<!tpu.dma_semaphore, #tpu.memory_space<semaphore_mem>>) {add = true}
          %dma_wait3A = arith.constant 128 : i32
          %dma_wait3A_35 = arith.constant 0 : i32
          %dma_wait3A_36 = tpu.memref_slice %arg7[%dma_wait3A, %dma_wait3A_35] : memref<1024x16xf32, #tpu.memory_space<vmem>> -> memref<128x16xf32, #tpu.memory_space<vmem>>
          %dma_wait3A_37 = arith.constant 0 : i32
          %dma_wait3A_38 = tpu.memref_slice %arg6[%run_scoped3A_25, %dma_wait3A_37] : memref<8x128xi32, #tpu.memory_space<vmem>> -> memref<1x128xi32, #tpu.memory_space<vmem>>
          %dma_wait3A_39 = tpu.memref_squeeze %dma_wait3A_38 : memref<1x128xi32, #tpu.memory_space<vmem>> -> memref<128xi32, #tpu.memory_space<vmem>>
          %dma_wait3A_40 = arith.constant 0 : i32
          %dma_wait3A_41 = arith.constant 0 : i32
          %dma_wait3A_42 = tpu.memref_slice %arg8[%dma_wait3A_40, %dma_wait3A_41] : memref<50048x16xf32, #tpu.memory_space<vmem_shared>> -> memref<50048x16xf32, #tpu.memory_space<vmem_shared>>
          tpu.wait_indirect_dma semaphore(%run_scoped3A_26 : memref<!tpu.dma_semaphore, #tpu.memory_space<semaphore_mem>>) src(%dma_wait3A_36 : memref<128x16xf32, #tpu.memory_space<vmem>>) dst(%dma_wait3A_42 : memref<50048x16xf32, #tpu.memory_space<vmem_shared>>)
          tpu.yield
        }) : () -> ()
      } else {
      }
    }
    %scan3A_9 = arith.constant 25 : i32
    %barrier3A_10 = arith.constant 0 : index
    tpu.barrier barrier_id(%barrier3A_10)
    %mul3A_11 = arith.constant 3128 : i32
    %mul3A_12 = arith.muli %arg1, %mul3A_11 : i32
    %mul3A_13 = arith.constant 3128 : i32
    %mul3A_14 = arith.muli %arg1, %mul3A_13 : i32
    "tpu.region"() ({
      %run_scoped3A = tpu.sem_alloc : memref<!tpu.dma_semaphore, #tpu.memory_space<semaphore_mem>>
      %dma_start3A = arith.constant 0 : i32
      %dma_start3A_15 = tpu.memref_slice %arg5[%arg0, %mul3A_14, %dma_start3A] : memref<2x50048x16xf32, #tpu.memory_space<hbm>> -> memref<1x3128x16xf32, #tpu.memory_space<hbm>>
      %dma_start3A_16 = tpu.memref_squeeze %dma_start3A_15 : memref<1x3128x16xf32, #tpu.memory_space<hbm>> -> memref<3128x16xf32, #tpu.memory_space<hbm>>
      %dma_start3A_17 = arith.constant 0 : i32
      %dma_start3A_18 = tpu.memref_slice %arg8[%mul3A_12, %dma_start3A_17] : memref<50048x16xf32, #tpu.memory_space<vmem_shared>> -> memref<3128x16xf32, #tpu.memory_space<vmem_shared>>
      tpu.enqueue_dma source(%dma_start3A_18 : memref<3128x16xf32, #tpu.memory_space<vmem_shared>>) target(%dma_start3A_16 : memref<3128x16xf32, #tpu.memory_space<hbm>>) target_semaphore(%run_scoped3A : memref<!tpu.dma_semaphore, #tpu.memory_space<semaphore_mem>>)
      %dma_wait3A = arith.constant 0 : i32
      %dma_wait3A_19 = tpu.memref_slice %arg5[%arg0, %mul3A_14, %dma_wait3A] : memref<2x50048x16xf32, #tpu.memory_space<hbm>> -> memref<1x3128x16xf32, #tpu.memory_space<hbm>>
      %dma_wait3A_20 = tpu.memref_squeeze %dma_wait3A_19 : memref<1x3128x16xf32, #tpu.memory_space<hbm>> -> memref<3128x16xf32, #tpu.memory_space<hbm>>
      %dma_wait3A_21 = arith.constant 0 : i32
      %dma_wait3A_22 = tpu.memref_slice %arg8[%mul3A_12, %dma_wait3A_21] : memref<50048x16xf32, #tpu.memory_space<vmem_shared>> -> memref<3128x16xf32, #tpu.memory_space<vmem_shared>>
      tpu.wait_dma2 semaphore(%run_scoped3A : memref<!tpu.dma_semaphore, #tpu.memory_space<semaphore_mem>>) src(%dma_wait3A_22 : memref<3128x16xf32, #tpu.memory_space<vmem_shared>>) dst(%dma_wait3A_20 : memref<3128x16xf32, #tpu.memory_space<hbm>>)
      tpu.yield
    }) : () -> ()
    return
  }
}

module attributes {stable_mosaic.version = 14 : i64} {
  func.func @_geo1_body(%arg0: i32, %arg1: memref<2000x128xf32, #tpu.memory_space<vmem>>, %arg2: memref<2000x128xf32, #tpu.memory_space<vmem>>, %arg3: memref<2000x128xf32, #tpu.memory_space<vmem>>, %arg4: memref<128x128xf32, #tpu.memory_space<vmem>>, %arg5: memref<128x128xf32, #tpu.memory_space<vmem>>, %arg6: memref<1x128xf32, #tpu.memory_space<vmem>>, %arg7: memref<2000x128xf32, #tpu.memory_space<vmem>>, %arg8: memref<8x128xf32, #tpu.memory_space<vmem>>) attributes {dimension_semantics = [#tpu.dimension_semantics<arbitrary>], iteration_bounds = array<i64: 50>, scalar_prefetch = 0 : i64, scratch_operands = 0 : i64, tpu.core_type = #tpu.core_type<tc>, window_params = [{transform_indices = @transform_0, window_bounds = array<i64: 2000, 128>}, {transform_indices = @transform_1, window_bounds = array<i64: 2000, 128>}, {transform_indices = @transform_2, window_bounds = array<i64: 2000, 128>}, {pipeline_mode = #tpu.pipeline_mode<synchronous>, transform_indices = @transform_3, window_bounds = array<i64: 128, 128>}, {pipeline_mode = #tpu.pipeline_mode<synchronous>, transform_indices = @transform_4, window_bounds = array<i64: 128, 128>}, {pipeline_mode = #tpu.pipeline_mode<synchronous>, transform_indices = @transform_5, window_bounds = array<i64: 1, 128>}, {transform_indices = @transform_6, window_bounds = array<i64: 2000, 128>}, {pipeline_mode = #tpu.pipeline_mode<synchronous>, transform_indices = @transform_7, window_bounds = array<i64: 8, 128>}]} {
    %eq3A = arith.constant 0 : i32
    %eq3A_0 = arith.cmpi eq, %arg0, %eq3A : i32
    %convert_element_type3A = arith.extui %eq3A_0 : i1 to i32
    %cond3A = arith.constant 0 : i32
    %cond3A_1 = arith.cmpi ne, %convert_element_type3A, %cond3A : i32
    scf.if %cond3A_1 {
      %broadcast_in_dim3A_95 = arith.constant 0.000000e+00 : f32
      %broadcast_in_dim3A_96 = vector.broadcast %broadcast_in_dim3A_95 : f32 to vector<8x128xf32>
      %swap3A_97 = arith.constant 0 : index
      %swap3A_98 = arith.constant 0 : index
      %swap3A_99 = vector.load %arg8[%swap3A_97, %swap3A_98] : memref<8x128xf32, #tpu.memory_space<vmem>>, vector<8x128xf32>
      tpu.vector_store %arg8[%swap3A_97, %swap3A_98], %broadcast_in_dim3A_96 {strides = array<i32>} : memref<8x128xf32, #tpu.memory_space<vmem>>, vector<8x128xf32>,
    } else {
    }
    %get3A = arith.constant 0 : index
    %get3A_2 = arith.constant 0 : index
    %get3A_3 = vector.load %arg2[%get3A, %get3A_2] : memref<2000x128xf32, #tpu.memory_space<vmem>>, vector<2000x128xf32>
    %get3A_4 = arith.constant 0 : index
    %get3A_5 = arith.constant 0 : index
    %get3A_6 = vector.load %arg1[%get3A_4, %get3A_5] : memref<2000x128xf32, #tpu.memory_space<vmem>>, vector<2000x128xf32>
    %sub3A = arith.subf %get3A_3, %get3A_6 : vector<2000x128xf32>
    %get3A_7 = arith.constant 0 : index
    %get3A_8 = arith.constant 0 : index
    %get3A_9 = vector.load %arg3[%get3A_7, %get3A_8] : memref<2000x128xf32, #tpu.memory_space<vmem>>, vector<2000x128xf32>
    %get3A_10 = arith.constant 0 : index
    %get3A_11 = arith.constant 0 : index
    %get3A_12 = vector.load %arg2[%get3A_10, %get3A_11] : memref<2000x128xf32, #tpu.memory_space<vmem>>, vector<2000x128xf32>
    %sub3A_13 = arith.subf %get3A_9, %get3A_12 : vector<2000x128xf32>
    %get3A_14 = arith.constant 0 : index
    %get3A_15 = arith.constant 0 : index
    %get3A_16 = vector.load %arg4[%get3A_14, %get3A_15] : memref<128x128xf32, #tpu.memory_space<vmem>>, vector<128x128xf32>
    %mul3A = arith.mulf %sub3A, %sub3A : vector<2000x128xf32>
    %dot_general3A = arith.constant dense<0.000000e+00> : vector<2000x128xf32>
    %dot_general3A_17 = tpu.matmul %mul3A, %get3A_16, %dot_general3A {dimension_numbers = #tpu.dot_dimension_numbers<[1], [0], [0], [1], [0, 0, 1, 1], [], []>, precision = #tpu.contract_precision<fp32>, transpose_lhs_hint = false} : vector<2000x128xf32>, vector<128x128xf32>, vector<2000x128xf32> -> vector<2000x128xf32>
    %mul3A_18 = arith.mulf %sub3A_13, %sub3A_13 : vector<2000x128xf32>
    %dot_general3A_19 = arith.constant dense<0.000000e+00> : vector<2000x128xf32>
    %dot_general3A_20 = tpu.matmul %mul3A_18, %get3A_16, %dot_general3A_19 {dimension_numbers = #tpu.dot_dimension_numbers<[1], [0], [0], [1], [0, 0, 1, 1], [], []>, precision = #tpu.contract_precision<fp32>, transpose_lhs_hint = false} : vector<2000x128xf32>, vector<128x128xf32>, vector<2000x128xf32> -> vector<2000x128xf32>
    %mul3A_21 = arith.mulf %sub3A, %sub3A_13 : vector<2000x128xf32>
    %dot_general3A_22 = arith.constant dense<0.000000e+00> : vector<2000x128xf32>
    %dot_general3A_23 = tpu.matmul %mul3A_21, %get3A_16, %dot_general3A_22 {dimension_numbers = #tpu.dot_dimension_numbers<[1], [0], [0], [1], [0, 0, 1, 1], [], []>, precision = #tpu.contract_precision<fp32>, transpose_lhs_hint = false} : vector<2000x128xf32>, vector<128x128xf32>, vector<2000x128xf32> -> vector<2000x128xf32>
    %sqrt3A = math.sqrt %dot_general3A_17 : vector<2000x128xf32>
    %sqrt3A_24 = math.sqrt %dot_general3A_20 : vector<2000x128xf32>
    %mul3A_25 = arith.mulf %dot_general3A_17, %dot_general3A_20 : vector<2000x128xf32>
    %mul3A_26 = arith.mulf %dot_general3A_23, %dot_general3A_23 : vector<2000x128xf32>
    %sub3A_27 = arith.subf %mul3A_25, %mul3A_26 : vector<2000x128xf32>
    %max3A = arith.constant 0.000000e+00 : f32
    %max3A_28 = vector.broadcast %max3A : f32 to vector<2000x128xf32>
    %max3A_29 = arith.maximumf %sub3A_27, %max3A_28 : vector<2000x128xf32>
    %sqrt3A_30 = math.sqrt %max3A_29 : vector<2000x128xf32>
    %atan23A = math.atan2 %sqrt3A_30, %dot_general3A_23 : vector<2000x128xf32>
    %iota3A = tpu.iota {dimensions = array<i32: 1>} : vector<1x128xi32>
    %jit3A = arith.constant 16 : i32
    %eq3A_31 = arith.constant 0 : i32
    %eq3A_32 = arith.cmpi eq, %jit3A, %eq3A_31 : i32
    %jit3A_33 = arith.constant 1 : i32
    %select_n3A = arith.select %eq3A_32, %jit3A_33, %jit3A : i32
    %rem3A = vector.broadcast %select_n3A : i32 to vector<1x128xi32>
    %rem3A_34 = arith.remsi %iota3A, %rem3A : vector<1x128xi32>
    %ne3A = arith.constant 0 : i32
    %ne3A_35 = vector.broadcast %ne3A : i32 to vector<1x128xi32>
    %ne3A_36 = arith.cmpi ne, %rem3A_34, %ne3A_35 : vector<1x128xi32>
    %lt3A = arith.constant 0 : i32
    %lt3A_37 = vector.broadcast %lt3A : i32 to vector<1x128xi32>
    %lt3A_38 = arith.cmpi slt, %rem3A_34, %lt3A_37 : vector<1x128xi32>
    %lt3A_39 = arith.constant 0 : i32
    %lt3A_40 = arith.cmpi slt, %select_n3A, %lt3A_39 : i32
    %ne3A_41 = vector.broadcast %lt3A_40 : i1 to vector<1x128xi1>
    %ne3A_42 = vector.broadcast %ne3A_41 : vector<1x128xi1> to vector<1x128xi1>
    %ne3A_43 = arith.xori %lt3A_38, %ne3A_42 : vector<1x128xi1>
    %and3A = arith.andi %ne3A_43, %ne3A_36 : vector<1x128xi1>
    %add3A = vector.broadcast %select_n3A : i32 to vector<1x128xi32>
    %add3A_44 = arith.addi %rem3A_34, %add3A : vector<1x128xi32>
    %select_n3A_45 = arith.select %and3A, %add3A_44, %rem3A_34 : vector<1x128xi1>, vector<1x128xi32>
    %eq3A_46 = arith.constant 0 : i32
    %eq3A_47 = vector.broadcast %eq3A_46 : i32 to vector<1x128xi32>
    %eq3A_48 = arith.cmpi eq, %select_n3A_45, %eq3A_47 : vector<1x128xi32>
    %convert_element_type3A_49 = arith.extui %eq3A_48 : vector<1x128xi1> to vector<1x128xi32>
    %convert_element_type3A_50 = arith.sitofp %convert_element_type3A_49 : vector<1x128xi32> to vector<1x128xf32>
    %mul3A_51 = vector.broadcast %convert_element_type3A_50 : vector<1x128xf32> to vector<2000x128xf32>
    %mul3A_52 = arith.mulf %sqrt3A, %mul3A_51 : vector<2000x128xf32>
    %eq3A_53 = arith.constant 1 : i32
    %eq3A_54 = vector.broadcast %eq3A_53 : i32 to vector<1x128xi32>
    %eq3A_55 = arith.cmpi eq, %select_n3A_45, %eq3A_54 : vector<1x128xi32>
    %convert_element_type3A_56 = arith.extui %eq3A_55 : vector<1x128xi1> to vector<1x128xi32>
    %convert_element_type3A_57 = arith.sitofp %convert_element_type3A_56 : vector<1x128xi32> to vector<1x128xf32>
    %mul3A_58 = vector.broadcast %convert_element_type3A_57 : vector<1x128xf32> to vector<2000x128xf32>
    %mul3A_59 = arith.mulf %sqrt3A_24, %mul3A_58 : vector<2000x128xf32>
    %add3A_60 = arith.addf %mul3A_52, %mul3A_59 : vector<2000x128xf32>
    %eq3A_61 = arith.constant 2 : i32
    %eq3A_62 = vector.broadcast %eq3A_61 : i32 to vector<1x128xi32>
    %eq3A_63 = arith.cmpi eq, %select_n3A_45, %eq3A_62 : vector<1x128xi32>
    %convert_element_type3A_64 = arith.extui %eq3A_63 : vector<1x128xi1> to vector<1x128xi32>
    %convert_element_type3A_65 = arith.sitofp %convert_element_type3A_64 : vector<1x128xi32> to vector<1x128xf32>
    %mul3A_66 = vector.broadcast %convert_element_type3A_65 : vector<1x128xf32> to vector<2000x128xf32>
    %mul3A_67 = arith.mulf %atan23A, %mul3A_66 : vector<2000x128xf32>
    %add3A_68 = arith.addf %add3A_60, %mul3A_67 : vector<2000x128xf32>
    %get3A_69 = arith.constant 0 : index
    %get3A_70 = arith.constant 0 : index
    %get3A_71 = vector.load %arg5[%get3A_69, %get3A_70] : memref<128x128xf32, #tpu.memory_space<vmem>>, vector<128x128xf32>
    %dot_general3A_72 = arith.constant dense<0.000000e+00> : vector<2000x128xf32>
    %dot_general3A_73 = tpu.matmul %add3A_68, %get3A_71, %dot_general3A_72 {dimension_numbers = #tpu.dot_dimension_numbers<[1], [0], [0], [1], [0, 0, 1, 1], [], []>, transpose_lhs_hint = false} : vector<2000x128xf32>, vector<128x128xf32>, vector<2000x128xf32> -> vector<2000x128xf32>
    %get3A_74 = arith.constant 0 : index
    %get3A_75 = arith.constant 0 : index
    %get3A_76 = vector.load %arg6[%get3A_74, %get3A_75] : memref<1x128xf32, #tpu.memory_space<vmem>>, vector<1x128xf32>
    %add3A_77 = vector.broadcast %get3A_76 : vector<1x128xf32> to vector<2000x128xf32>
    %add3A_78 = arith.addf %dot_general3A_73, %add3A_77 : vector<2000x128xf32>
    %swap3A = arith.constant 0 : index
    %swap3A_79 = arith.constant 0 : index
    %swap3A_80 = vector.load %arg7[%swap3A, %swap3A_79] : memref<2000x128xf32, #tpu.memory_space<vmem>>, vector<2000x128xf32>
    tpu.vector_store %arg7[%swap3A, %swap3A_79], %add3A_78 {strides = array<i32>} : memref<2000x128xf32, #tpu.memory_space<vmem>>, vector<2000x128xf32>,
    %reduce_sum3A = arith.constant dense<0.000000e+00> : vector<128xf32>
    %reduce_sum3A_81 = vector.multi_reduction <add>, %add3A_78, %reduce_sum3A [0] : vector<2000x128xf32> to vector<128xf32>
    %broadcast_in_dim3A = vector.shape_cast %reduce_sum3A_81 : vector<128xf32> to vector<1x128xf32>
    %mul3A_82 = arith.mulf %add3A_78, %add3A_78 : vector<2000x128xf32>
    %reduce_sum3A_83 = arith.constant dense<0.000000e+00> : vector<128xf32>
    %reduce_sum3A_84 = vector.multi_reduction <add>, %mul3A_82, %reduce_sum3A_83 [0] : vector<2000x128xf32> to vector<128xf32>
    %broadcast_in_dim3A_85 = vector.shape_cast %reduce_sum3A_84 : vector<128xf32> to vector<1x128xf32>
    %get3A_86 = arith.constant 0 : index
    %get3A_87 = arith.constant 0 : index
    %get3A_88 = vector.load %arg8[%get3A_86, %get3A_87] : memref<8x128xf32, #tpu.memory_space<vmem>>, vector<8x128xf32>
    %broadcast_in_dim3A_89 = arith.constant 0.000000e+00 : f32
    %broadcast_in_dim3A_90 = vector.broadcast %broadcast_in_dim3A_89 : f32 to vector<6x128xf32>
    %concatenate3A = tpu.concatenate %broadcast_in_dim3A, %broadcast_in_dim3A_85, %broadcast_in_dim3A_90 in 0 : vector<1x128xf32>, vector<1x128xf32>, vector<6x128xf32> -> vector<8x128xf32>
    %add3A_91 = arith.addf %get3A_88, %concatenate3A : vector<8x128xf32>
    %swap3A_92 = arith.constant 0 : index
    %swap3A_93 = arith.constant 0 : index
    %swap3A_94 = vector.load %arg8[%swap3A_92, %swap3A_93] : memref<8x128xf32, #tpu.memory_space<vmem>>, vector<8x128xf32>
    tpu.vector_store %arg8[%swap3A_92, %swap3A_93], %add3A_91 {strides = array<i32>} : memref<8x128xf32, #tpu.memory_space<vmem>>, vector<8x128xf32>,
    return
  }
  func.func @transform_0(%arg0: i32) -> (i32, i32) {
    %c0_i32 = arith.constant 0 : i32
    %c0_i32_0 = arith.constant 0 : i32
    return %arg0, %c0_i32 : i32, i32
  }
  func.func @transform_1(%arg0: i32) -> (i32, i32) {
    %c0_i32 = arith.constant 0 : i32
    %c0_i32_0 = arith.constant 0 : i32
    return %arg0, %c0_i32 : i32, i32
  }
  func.func @transform_2(%arg0: i32) -> (i32, i32) {
    %c0_i32 = arith.constant 0 : i32
    %c0_i32_0 = arith.constant 0 : i32
    return %arg0, %c0_i32 : i32, i32
  }
  func.func @transform_3(%arg0: i32) -> (i32, i32) {
    %c0_i32 = arith.constant 0 : i32
    %c0_i32_0 = arith.constant 0 : i32
    %c0_i32_1 = arith.constant 0 : i32
    return %c0_i32, %c0_i32_0 : i32, i32
  }
  func.func @transform_4(%arg0: i32) -> (i32, i32) {
    %c0_i32 = arith.constant 0 : i32
    %c0_i32_0 = arith.constant 0 : i32
    %c0_i32_1 = arith.constant 0 : i32
    return %c0_i32, %c0_i32_0 : i32, i32
  }
  func.func @transform_5(%arg0: i32) -> (i32, i32) {
    %c0_i32 = arith.constant 0 : i32
    %c0_i32_0 = arith.constant 0 : i32
    %c0_i32_1 = arith.constant 0 : i32
    return %c0_i32, %c0_i32_0 : i32, i32
  }
  func.func @transform_6(%arg0: i32) -> (i32, i32) {
    %c0_i32 = arith.constant 0 : i32
    %c0_i32_0 = arith.constant 0 : i32
    return %arg0, %c0_i32 : i32, i32
  }
  func.func @transform_7(%arg0: i32) -> (i32, i32) {
    %c0_i32 = arith.constant 0 : i32
    %c0_i32_0 = arith.constant 0 : i32
    %c0_i32_1 = arith.constant 0 : i32
    return %c0_i32, %c0_i32_0 : i32, i32
  }
}

module attributes {stable_mosaic.version = 14 : i64} {
  func.func @_geo2_body(%arg0: i32, %arg1: memref<2000x128xf32, #tpu.memory_space<vmem>>, %arg2: memref<8x128xf32, #tpu.memory_space<vmem>>, %arg3: memref<128x128xf32, #tpu.memory_space<vmem>>, %arg4: memref<128x128xf32, #tpu.memory_space<vmem>>, %arg5: memref<1x128xf32, #tpu.memory_space<vmem>>, %arg6: memref<2000x128xf32, #tpu.memory_space<vmem>>, %arg7: memref<8x128xf32, #tpu.memory_space<vmem>>) attributes {dimension_semantics = [#tpu.dimension_semantics<arbitrary>], iteration_bounds = array<i64: 50>, scalar_prefetch = 0 : i64, scratch_operands = 0 : i64, tpu.core_type = #tpu.core_type<tc>, window_params = [{transform_indices = @transform_0, window_bounds = array<i64: 2000, 128>}, {pipeline_mode = #tpu.pipeline_mode<synchronous>, transform_indices = @transform_1, window_bounds = array<i64: 8, 128>}, {pipeline_mode = #tpu.pipeline_mode<synchronous>, transform_indices = @transform_2, window_bounds = array<i64: 128, 128>}, {pipeline_mode = #tpu.pipeline_mode<synchronous>, transform_indices = @transform_3, window_bounds = array<i64: 128, 128>}, {pipeline_mode = #tpu.pipeline_mode<synchronous>, transform_indices = @transform_4, window_bounds = array<i64: 1, 128>}, {transform_indices = @transform_5, window_bounds = array<i64: 2000, 128>}, {pipeline_mode = #tpu.pipeline_mode<synchronous>, transform_indices = @transform_6, window_bounds = array<i64: 8, 128>}]} {
    %eq3A = arith.constant 0 : i32
    %eq3A_0 = arith.cmpi eq, %arg0, %eq3A : i32
    %convert_element_type3A = arith.extui %eq3A_0 : i1 to i32
    %cond3A = arith.constant 0 : i32
    %cond3A_1 = arith.cmpi ne, %convert_element_type3A, %cond3A : i32
    scf.if %cond3A_1 {
      %broadcast_in_dim3A_60 = arith.constant 0.000000e+00 : f32
      %broadcast_in_dim3A_61 = vector.broadcast %broadcast_in_dim3A_60 : f32 to vector<8x128xf32>
      %swap3A_62 = arith.constant 0 : index
      %swap3A_63 = arith.constant 0 : index
      %swap3A_64 = vector.load %arg7[%swap3A_62, %swap3A_63] : memref<8x128xf32, #tpu.memory_space<vmem>>, vector<8x128xf32>
      tpu.vector_store %arg7[%swap3A_62, %swap3A_63], %broadcast_in_dim3A_61 {strides = array<i32>} : memref<8x128xf32, #tpu.memory_space<vmem>>, vector<8x128xf32>,
    } else {
    }
    %get3A = arith.constant 0 : index
    %get3A_2 = arith.constant 0 : index
    %get3A_3 = vector.load %arg2[%get3A, %get3A_2] : memref<8x128xf32, #tpu.memory_space<vmem>>, vector<8x128xf32>
    %get3A_4 = arith.constant 0 : index
    %get3A_5 = arith.constant 0 : index
    %get3A_6 = vector.load %arg3[%get3A_4, %get3A_5] : memref<128x128xf32, #tpu.memory_space<vmem>>, vector<128x128xf32>
    %dot_general3A = arith.constant dense<0.000000e+00> : vector<8x128xf32>
    %dot_general3A_7 = tpu.matmul %get3A_3, %get3A_6, %dot_general3A {dimension_numbers = #tpu.dot_dimension_numbers<[1], [0], [0], [1], [0, 0, 1, 1], [], []>, precision = #tpu.contract_precision<fp32>, transpose_lhs_hint = false} : vector<8x128xf32>, vector<128x128xf32>, vector<8x128xf32> -> vector<8x128xf32>
    %slice3A = vector.extract_strided_slice %dot_general3A_7 {offsets = [0, 0], sizes = [1, 128], strides = [1, 1]} : vector<8x128xf32> to vector<1x128xf32>
    %div3A = arith.constant 8.000000e+05 : f32
    %div3A_8 = vector.broadcast %div3A : f32 to vector<1x128xf32>
    %div3A_9 = arith.divf %slice3A, %div3A_8 : vector<1x128xf32>
    %slice3A_10 = vector.extract_strided_slice %dot_general3A_7 {offsets = [1, 0], sizes = [1, 128], strides = [1, 1]} : vector<8x128xf32> to vector<1x128xf32>
    %div3A_11 = arith.constant 8.000000e+05 : f32
    %div3A_12 = vector.broadcast %div3A_11 : f32 to vector<1x128xf32>
    %div3A_13 = arith.divf %slice3A_10, %div3A_12 : vector<1x128xf32>
    %mul3A = arith.mulf %div3A_9, %div3A_9 : vector<1x128xf32>
    %sub3A = arith.subf %div3A_13, %mul3A : vector<1x128xf32>
    %add3A = arith.constant 9.99999974E-6 : f32
    %add3A_14 = vector.broadcast %add3A : f32 to vector<1x128xf32>
    %add3A_15 = arith.addf %sub3A, %add3A_14 : vector<1x128xf32>
    %rsqrt3A = math.rsqrt %add3A_15 : vector<1x128xf32>
    %mul3A_16 = arith.constant 5.000000e-01 : f32
    %mul3A_17 = vector.broadcast %mul3A_16 : f32 to vector<1x128xf32>
    %mul3A_18 = arith.mulf %mul3A_17, %add3A_15 : vector<1x128xf32>
    %mul3A_19 = arith.mulf %mul3A_18, %rsqrt3A : vector<1x128xf32>
    %mul3A_20 = arith.mulf %mul3A_19, %rsqrt3A : vector<1x128xf32>
    %sub3A_21 = arith.constant 1.500000e+00 : f32
    %sub3A_22 = vector.broadcast %sub3A_21 : f32 to vector<1x128xf32>
    %sub3A_23 = arith.subf %sub3A_22, %mul3A_20 : vector<1x128xf32>
    %mul3A_24 = arith.mulf %rsqrt3A, %sub3A_23 : vector<1x128xf32>
    %get3A_25 = arith.constant 0 : index
    %get3A_26 = arith.constant 0 : index
    %get3A_27 = vector.load %arg1[%get3A_25, %get3A_26] : memref<2000x128xf32, #tpu.memory_space<vmem>>, vector<2000x128xf32>
    %sub3A_28 = vector.broadcast %div3A_9 : vector<1x128xf32> to vector<2000x128xf32>
    %sub3A_29 = arith.subf %get3A_27, %sub3A_28 : vector<2000x128xf32>
    %mul3A_30 = vector.broadcast %mul3A_24 : vector<1x128xf32> to vector<2000x128xf32>
    %mul3A_31 = arith.mulf %sub3A_29, %mul3A_30 : vector<2000x128xf32>
    %max3A = arith.constant 0.000000e+00 : f32
    %max3A_32 = vector.broadcast %max3A : f32 to vector<2000x128xf32>
    %max3A_33 = arith.maximumf %mul3A_31, %max3A_32 : vector<2000x128xf32>
    %get3A_34 = arith.constant 0 : index
    %get3A_35 = arith.constant 0 : index
    %get3A_36 = vector.load %arg4[%get3A_34, %get3A_35] : memref<128x128xf32, #tpu.memory_space<vmem>>, vector<128x128xf32>
    %dot_general3A_37 = arith.constant dense<0.000000e+00> : vector<2000x128xf32>
    %dot_general3A_38 = tpu.matmul %max3A_33, %get3A_36, %dot_general3A_37 {dimension_numbers = #tpu.dot_dimension_numbers<[1], [0], [0], [1], [0, 0, 1, 1], [], []>, transpose_lhs_hint = false} : vector<2000x128xf32>, vector<128x128xf32>, vector<2000x128xf32> -> vector<2000x128xf32>
    %get3A_39 = arith.constant 0 : index
    %get3A_40 = arith.constant 0 : index
    %get3A_41 = vector.load %arg5[%get3A_39, %get3A_40] : memref<1x128xf32, #tpu.memory_space<vmem>>, vector<1x128xf32>
    %add3A_42 = vector.broadcast %get3A_41 : vector<1x128xf32> to vector<2000x128xf32>
    %add3A_43 = arith.addf %dot_general3A_38, %add3A_42 : vector<2000x128xf32>
    %swap3A = arith.constant 0 : index
    %swap3A_44 = arith.constant 0 : index
    %swap3A_45 = vector.load %arg6[%swap3A, %swap3A_44] : memref<2000x128xf32, #tpu.memory_space<vmem>>, vector<2000x128xf32>
    tpu.vector_store %arg6[%swap3A, %swap3A_44], %add3A_43 {strides = array<i32>} : memref<2000x128xf32, #tpu.memory_space<vmem>>, vector<2000x128xf32>,
    %reduce_sum3A = arith.constant dense<0.000000e+00> : vector<128xf32>
    %reduce_sum3A_46 = vector.multi_reduction <add>, %add3A_43, %reduce_sum3A [0] : vector<2000x128xf32> to vector<128xf32>
    %broadcast_in_dim3A = vector.shape_cast %reduce_sum3A_46 : vector<128xf32> to vector<1x128xf32>
    %mul3A_47 = arith.mulf %add3A_43, %add3A_43 : vector<2000x128xf32>
    %reduce_sum3A_48 = arith.constant dense<0.000000e+00> : vector<128xf32>
    %reduce_sum3A_49 = vector.multi_reduction <add>, %mul3A_47, %reduce_sum3A_48 [0] : vector<2000x128xf32> to vector<128xf32>
    %broadcast_in_dim3A_50 = vector.shape_cast %reduce_sum3A_49 : vector<128xf32> to vector<1x128xf32>
    %get3A_51 = arith.constant 0 : index
    %get3A_52 = arith.constant 0 : index
    %get3A_53 = vector.load %arg7[%get3A_51, %get3A_52] : memref<8x128xf32, #tpu.memory_space<vmem>>, vector<8x128xf32>
    %broadcast_in_dim3A_54 = arith.constant 0.000000e+00 : f32
    %broadcast_in_dim3A_55 = vector.broadcast %broadcast_in_dim3A_54 : f32 to vector<6x128xf32>
    %concatenate3A = tpu.concatenate %broadcast_in_dim3A, %broadcast_in_dim3A_50, %broadcast_in_dim3A_55 in 0 : vector<1x128xf32>, vector<1x128xf32>, vector<6x128xf32> -> vector<8x128xf32>
    %add3A_56 = arith.addf %get3A_53, %concatenate3A : vector<8x128xf32>
    %swap3A_57 = arith.constant 0 : index
    %swap3A_58 = arith.constant 0 : index
    %swap3A_59 = vector.load %arg7[%swap3A_57, %swap3A_58] : memref<8x128xf32, #tpu.memory_space<vmem>>, vector<8x128xf32>
    tpu.vector_store %arg7[%swap3A_57, %swap3A_58], %add3A_56 {strides = array<i32>} : memref<8x128xf32, #tpu.memory_space<vmem>>, vector<8x128xf32>,
    return
  }
  func.func @transform_0(%arg0: i32) -> (i32, i32) {
    %c0_i32 = arith.constant 0 : i32
    %c0_i32_0 = arith.constant 0 : i32
    return %arg0, %c0_i32 : i32, i32
  }
  func.func @transform_1(%arg0: i32) -> (i32, i32) {
    %c0_i32 = arith.constant 0 : i32
    %c0_i32_0 = arith.constant 0 : i32
    %c0_i32_1 = arith.constant 0 : i32
    return %c0_i32, %c0_i32_0 : i32, i32
  }
  func.func @transform_2(%arg0: i32) -> (i32, i32) {
    %c0_i32 = arith.constant 0 : i32
    %c0_i32_0 = arith.constant 0 : i32
    %c0_i32_1 = arith.constant 0 : i32
    return %c0_i32, %c0_i32_0 : i32, i32
  }
  func.func @transform_3(%arg0: i32) -> (i32, i32) {
    %c0_i32 = arith.constant 0 : i32
    %c0_i32_0 = arith.constant 0 : i32
    %c0_i32_1 = arith.constant 0 : i32
    return %c0_i32, %c0_i32_0 : i32, i32
  }
  func.func @transform_4(%arg0: i32) -> (i32, i32) {
    %c0_i32 = arith.constant 0 : i32
    %c0_i32_0 = arith.constant 0 : i32
    %c0_i32_1 = arith.constant 0 : i32
    return %c0_i32, %c0_i32_0 : i32, i32
  }
  func.func @transform_5(%arg0: i32) -> (i32, i32) {
    %c0_i32 = arith.constant 0 : i32
    %c0_i32_0 = arith.constant 0 : i32
    return %arg0, %c0_i32 : i32, i32
  }
  func.func @transform_6(%arg0: i32) -> (i32, i32) {
    %c0_i32 = arith.constant 0 : i32
    %c0_i32_0 = arith.constant 0 : i32
    %c0_i32_1 = arith.constant 0 : i32
    return %c0_i32, %c0_i32_0 : i32, i32
  }
}

module attributes {stable_mosaic.version = 14 : i64} {
  func.func @_geo3_body(%arg0: i32, %arg1: memref<2000x128xf32, #tpu.memory_space<vmem>>, %arg2: memref<8x128xf32, #tpu.memory_space<vmem>>, %arg3: memref<128x128xf32, #tpu.memory_space<vmem>>, %arg4: memref<2000x128xf32, #tpu.memory_space<vmem>>) attributes {dimension_semantics = [#tpu.dimension_semantics<arbitrary>], iteration_bounds = array<i64: 50>, scalar_prefetch = 0 : i64, scratch_operands = 0 : i64, tpu.core_type = #tpu.core_type<tc>, window_params = [{transform_indices = @transform_0, window_bounds = array<i64: 2000, 128>}, {pipeline_mode = #tpu.pipeline_mode<synchronous>, transform_indices = @transform_1, window_bounds = array<i64: 8, 128>}, {pipeline_mode = #tpu.pipeline_mode<synchronous>, transform_indices = @transform_2, window_bounds = array<i64: 128, 128>}, {transform_indices = @transform_3, window_bounds = array<i64: 2000, 128>}]} {
    %get3A = arith.constant 0 : index
    %get3A_0 = arith.constant 0 : index
    %get3A_1 = vector.load %arg2[%get3A, %get3A_0] : memref<8x128xf32, #tpu.memory_space<vmem>>, vector<8x128xf32>
    %get3A_2 = arith.constant 0 : index
    %get3A_3 = arith.constant 0 : index
    %get3A_4 = vector.load %arg3[%get3A_2, %get3A_3] : memref<128x128xf32, #tpu.memory_space<vmem>>, vector<128x128xf32>
    %dot_general3A = arith.constant dense<0.000000e+00> : vector<8x128xf32>
    %dot_general3A_5 = tpu.matmul %get3A_1, %get3A_4, %dot_general3A {dimension_numbers = #tpu.dot_dimension_numbers<[1], [0], [0], [1], [0, 0, 1, 1], [], []>, precision = #tpu.contract_precision<fp32>, transpose_lhs_hint = false} : vector<8x128xf32>, vector<128x128xf32>, vector<8x128xf32> -> vector<8x128xf32>
    %slice3A = vector.extract_strided_slice %dot_general3A_5 {offsets = [0, 0], sizes = [1, 128], strides = [1, 1]} : vector<8x128xf32> to vector<1x128xf32>
    %div3A = arith.constant 8.000000e+05 : f32
    %div3A_6 = vector.broadcast %div3A : f32 to vector<1x128xf32>
    %div3A_7 = arith.divf %slice3A, %div3A_6 : vector<1x128xf32>
    %slice3A_8 = vector.extract_strided_slice %dot_general3A_5 {offsets = [1, 0], sizes = [1, 128], strides = [1, 1]} : vector<8x128xf32> to vector<1x128xf32>
    %div3A_9 = arith.constant 8.000000e+05 : f32
    %div3A_10 = vector.broadcast %div3A_9 : f32 to vector<1x128xf32>
    %div3A_11 = arith.divf %slice3A_8, %div3A_10 : vector<1x128xf32>
    %mul3A = arith.mulf %div3A_7, %div3A_7 : vector<1x128xf32>
    %sub3A = arith.subf %div3A_11, %mul3A : vector<1x128xf32>
    %add3A = arith.constant 9.99999974E-6 : f32
    %add3A_12 = vector.broadcast %add3A : f32 to vector<1x128xf32>
    %add3A_13 = arith.addf %sub3A, %add3A_12 : vector<1x128xf32>
    %rsqrt3A = math.rsqrt %add3A_13 : vector<1x128xf32>
    %mul3A_14 = arith.constant 5.000000e-01 : f32
    %mul3A_15 = vector.broadcast %mul3A_14 : f32 to vector<1x128xf32>
    %mul3A_16 = arith.mulf %mul3A_15, %add3A_13 : vector<1x128xf32>
    %mul3A_17 = arith.mulf %mul3A_16, %rsqrt3A : vector<1x128xf32>
    %mul3A_18 = arith.mulf %mul3A_17, %rsqrt3A : vector<1x128xf32>
    %sub3A_19 = arith.constant 1.500000e+00 : f32
    %sub3A_20 = vector.broadcast %sub3A_19 : f32 to vector<1x128xf32>
    %sub3A_21 = arith.subf %sub3A_20, %mul3A_18 : vector<1x128xf32>
    %mul3A_22 = arith.mulf %rsqrt3A, %sub3A_21 : vector<1x128xf32>
    %get3A_23 = arith.constant 0 : index
    %get3A_24 = arith.constant 0 : index
    %get3A_25 = vector.load %arg1[%get3A_23, %get3A_24] : memref<2000x128xf32, #tpu.memory_space<vmem>>, vector<2000x128xf32>
    %sub3A_26 = vector.broadcast %div3A_7 : vector<1x128xf32> to vector<2000x128xf32>
    %sub3A_27 = arith.subf %get3A_25, %sub3A_26 : vector<2000x128xf32>
    %mul3A_28 = vector.broadcast %mul3A_22 : vector<1x128xf32> to vector<2000x128xf32>
    %mul3A_29 = arith.mulf %sub3A_27, %mul3A_28 : vector<2000x128xf32>
    %max3A = arith.constant 0.000000e+00 : f32
    %max3A_30 = vector.broadcast %max3A : f32 to vector<2000x128xf32>
    %max3A_31 = arith.maximumf %mul3A_29, %max3A_30 : vector<2000x128xf32>
    %swap3A = arith.constant 0 : index
    %swap3A_32 = arith.constant 0 : index
    %swap3A_33 = vector.load %arg4[%swap3A, %swap3A_32] : memref<2000x128xf32, #tpu.memory_space<vmem>>, vector<2000x128xf32>
    tpu.vector_store %arg4[%swap3A, %swap3A_32], %max3A_31 {strides = array<i32>} : memref<2000x128xf32, #tpu.memory_space<vmem>>, vector<2000x128xf32>,
    return
  }
  func.func @transform_0(%arg0: i32) -> (i32, i32) {
    %c0_i32 = arith.constant 0 : i32
    %c0_i32_0 = arith.constant 0 : i32
    return %arg0, %c0_i32 : i32, i32
  }
  func.func @transform_1(%arg0: i32) -> (i32, i32) {
    %c0_i32 = arith.constant 0 : i32
    %c0_i32_0 = arith.constant 0 : i32
    %c0_i32_1 = arith.constant 0 : i32
    return %c0_i32, %c0_i32_0 : i32, i32
  }
  func.func @transform_2(%arg0: i32) -> (i32, i32) {
    %c0_i32 = arith.constant 0 : i32
    %c0_i32_0 = arith.constant 0 : i32
    %c0_i32_1 = arith.constant 0 : i32
    return %c0_i32, %c0_i32_0 : i32, i32
  }
  func.func @transform_3(%arg0: i32) -> (i32, i32) {
    %c0_i32 = arith.constant 0 : i32
    %c0_i32_0 = arith.constant 0 : i32
    return %arg0, %c0_i32 : i32, i32
  }
}

module attributes {stable_mosaic.version = 14 : i64} {
  func.func @_first_body(%arg0: i32, %arg1: memref<1xi32, #tpu.memory_space<smem>>, %arg2: memref<2000x128xf32, #tpu.memory_space<vmem>>, %arg3: memref<2000x128xf32, #tpu.memory_space<vmem>>, %arg4: memref<2000x128xf32, #tpu.memory_space<vmem>>, %arg5: memref<2000x128xf32, #tpu.memory_space<vmem>>, %arg6: memref<2000x128xi32, #tpu.memory_space<vmem>>, %arg7: memref<2000x128xi32, #tpu.memory_space<vmem>>, %arg8: memref<4x4x128x128xf32, #tpu.memory_space<vmem>>, %arg9: memref<4x128xf32, #tpu.memory_space<vmem>>, %arg10: memref<2000x128xf32, #tpu.memory_space<vmem>>, %arg11: memref<8x128xf32, #tpu.memory_space<vmem>>, %arg12: memref<8x128xf32, #tpu.memory_space<vmem>>, %arg13: memref<2000x128xf32, #tpu.memory_space<vmem>>) attributes {dimension_semantics = [#tpu.dimension_semantics<arbitrary>], iteration_bounds = array<i64: 50>, scalar_prefetch = 0 : i64, scratch_operands = 0 : i64, tpu.core_type = #tpu.core_type<tc>, window_params = [{transform_indices = @transform_0, window_bounds = array<i64: 1>}, {transform_indices = @transform_1, window_bounds = array<i64: 2000, 128>}, {transform_indices = @transform_2, window_bounds = array<i64: 2000, 128>}, {transform_indices = @transform_3, window_bounds = array<i64: 2000, 128>}, {transform_indices = @transform_4, window_bounds = array<i64: 2000, 128>}, {transform_indices = @transform_5, window_bounds = array<i64: 2000, 128>}, {transform_indices = @transform_6, window_bounds = array<i64: 2000, 128>}, {pipeline_mode = #tpu.pipeline_mode<synchronous>, transform_indices = @transform_7, window_bounds = array<i64: 4, 4, 128, 128>}, {pipeline_mode = #tpu.pipeline_mode<synchronous>, transform_indices = @transform_8, window_bounds = array<i64: 4, 128>}, {transform_indices = @transform_9, window_bounds = array<i64: 2000, 128>}, {pipeline_mode = #tpu.pipeline_mode<synchronous>, transform_indices = @transform_10, window_bounds = array<i64: 8, 128>}, {pipeline_mode = #tpu.pipeline_mode<synchronous>, transform_indices = @transform_11, window_bounds = array<i64: 8, 128>}, {transform_indices = @transform_12, window_bounds = array<i64: 2000, 128>}]} {
    %eq3A = arith.constant 0 : i32
    %eq3A_0 = arith.cmpi eq, %arg0, %eq3A : i32
    %convert_element_type3A = arith.extui %eq3A_0 : i1 to i32
    %cond3A = arith.constant 0 : i32
    %cond3A_1 = arith.cmpi ne, %convert_element_type3A, %cond3A : i32
    scf.if %cond3A_1 {
      %broadcast_in_dim3A_310 = arith.constant 0.000000e+00 : f32
      %broadcast_in_dim3A_311 = vector.broadcast %broadcast_in_dim3A_310 : f32 to vector<8x128xf32>
      %swap3A_312 = arith.constant 0 : index
      %swap3A_313 = arith.constant 0 : index
      %swap3A_314 = vector.load %arg11[%swap3A_312, %swap3A_313] : memref<8x128xf32, #tpu.memory_space<vmem>>, vector<8x128xf32>
      tpu.vector_store %arg11[%swap3A_312, %swap3A_313], %broadcast_in_dim3A_311 {strides = array<i32>} : memref<8x128xf32, #tpu.memory_space<vmem>>, vector<8x128xf32>,
      %broadcast_in_dim3A_315 = arith.constant 0.000000e+00 : f32
      %broadcast_in_dim3A_316 = vector.broadcast %broadcast_in_dim3A_315 : f32 to vector<8x128xf32>
      %swap3A_317 = arith.constant 0 : index
      %swap3A_318 = arith.constant 0 : index
      %swap3A_319 = vector.load %arg12[%swap3A_317, %swap3A_318] : memref<8x128xf32, #tpu.memory_space<vmem>>, vector<8x128xf32>
      tpu.vector_store %arg12[%swap3A_317, %swap3A_318], %broadcast_in_dim3A_316 {strides = array<i32>} : memref<8x128xf32, #tpu.memory_space<vmem>>, vector<8x128xf32>,
    } else {
    }
    %get3A = arith.constant 0 : index
    %get3A_2 = memref.load %arg1[%get3A] : memref<1xi32, #tpu.memory_space<smem>>
    %get3A_3 = arith.constant 0 : index
    %get3A_4 = arith.constant 0 : index
    %get3A_5 = vector.load %arg6[%get3A_3, %get3A_4] : memref<2000x128xi32, #tpu.memory_space<vmem>>, vector<2000x128xi32>
    %lt3A = vector.broadcast %get3A_2 : i32 to vector<2000x128xi32>
    %lt3A_6 = arith.cmpi slt, %get3A_5, %lt3A : vector<2000x128xi32>
    %get3A_7 = arith.constant 0 : index
    %get3A_8 = arith.constant 0 : index
    %get3A_9 = vector.load %arg7[%get3A_7, %get3A_8] : memref<2000x128xi32, #tpu.memory_space<vmem>>, vector<2000x128xi32>
    %lt3A_10 = vector.broadcast %get3A_2 : i32 to vector<2000x128xi32>
    %lt3A_11 = arith.cmpi slt, %get3A_9, %lt3A_10 : vector<2000x128xi32>
    %not3A = arith.constant dense<true> : vector<2000x128xi1>
    %not3A_12 = arith.xori %lt3A_6, %not3A : vector<2000x128xi1>
    %not3A_13 = arith.constant dense<true> : vector<2000x128xi1>
    %not3A_14 = arith.xori %lt3A_11, %not3A_13 : vector<2000x128xi1>
    %and3A = arith.andi %lt3A_6, %lt3A_11 : vector<2000x128xi1>
    %and3A_15 = arith.andi %lt3A_6, %not3A_14 : vector<2000x128xi1>
    %and3A_16 = arith.andi %not3A_12, %lt3A_11 : vector<2000x128xi1>
    %and3A_17 = arith.andi %not3A_12, %not3A_14 : vector<2000x128xi1>
    %get3A_18 = arith.constant 0 : index
    %get3A_19 = arith.constant 0 : index
    %get3A_20 = vector.load %arg2[%get3A_18, %get3A_19] : memref<2000x128xf32, #tpu.memory_space<vmem>>, vector<2000x128xf32>
    %get3A_21 = arith.constant 0 : index
    %get3A_22 = arith.constant 0 : index
    %get3A_23 = vector.load %arg3[%get3A_21, %get3A_22] : memref<2000x128xf32, #tpu.memory_space<vmem>>, vector<2000x128xf32>
    %get3A_24 = arith.constant 0 : index
    %get3A_25 = arith.constant 0 : index
    %get3A_26 = vector.load %arg4[%get3A_24, %get3A_25] : memref<2000x128xf32, #tpu.memory_space<vmem>>, vector<2000x128xf32>
    %get3A_27 = arith.constant 0 : index
    %get3A_28 = arith.constant 0 : index
    %get3A_29 = vector.load %arg5[%get3A_27, %get3A_28] : memref<2000x128xf32, #tpu.memory_space<vmem>>, vector<2000x128xf32>
    %broadcast_in_dim3A = arith.constant 0.000000e+00 : f32
    %broadcast_in_dim3A_30 = vector.broadcast %broadcast_in_dim3A : f32 to vector<2000x128xf32>
    %broadcast_in_dim3A_31 = arith.constant 0.000000e+00 : f32
    %broadcast_in_dim3A_32 = vector.broadcast %broadcast_in_dim3A_31 : f32 to vector<2000x128xf32>
    %get3A_33 = arith.constant 0 : index
    %get3A_34 = arith.constant 0 : index
    %get3A_35 = vector.load %arg9[%get3A_33, %get3A_34] : memref<4x128xf32, #tpu.memory_space<vmem>>, vector<1x128xf32>
    %get3A_36 = vector.shape_cast %get3A_35 : vector<1x128xf32> to vector<128xf32>
    %reshape3A = vector.shape_cast %get3A_36 : vector<128xf32> to vector<1x128xf32>
    %get3A_37 = arith.constant 0 : index
    %get3A_38 = arith.constant 0 : index
    %get3A_39 = arith.constant 0 : index
    %get3A_40 = arith.constant 0 : index
    %get3A_41 = vector.load %arg8[%get3A_37, %get3A_38, %get3A_39, %get3A_40] : memref<4x4x128x128xf32, #tpu.memory_space<vmem>>, vector<1x1x128x128xf32>
    %get3A_42 = vector.shape_cast %get3A_41 : vector<1x1x128x128xf32> to vector<128x128xf32>
    %dot_general3A = arith.constant dense<0.000000e+00> : vector<2000x128xf32>
    %dot_general3A_43 = tpu.matmul %get3A_20, %get3A_42, %dot_general3A {dimension_numbers = #tpu.dot_dimension_numbers<[1], [0], [0], [1], [0, 0, 1, 1], [], []>, transpose_lhs_hint = false} : vector<2000x128xf32>, vector<128x128xf32>, vector<2000x128xf32> -> vector<2000x128xf32>
    %add3A = vector.broadcast %reshape3A : vector<1x128xf32> to vector<2000x128xf32>
    %add3A_44 = arith.addf %add3A, %dot_general3A_43 : vector<2000x128xf32>
    %get3A_45 = arith.constant 0 : index
    %get3A_46 = arith.constant 1 : index
    %get3A_47 = arith.constant 0 : index
    %get3A_48 = arith.constant 0 : index
    %get3A_49 = vector.load %arg8[%get3A_45, %get3A_46, %get3A_47, %get3A_48] : memref<4x4x128x128xf32, #tpu.memory_space<vmem>>, vector<1x1x128x128xf32>
    %get3A_50 = vector.shape_cast %get3A_49 : vector<1x1x128x128xf32> to vector<128x128xf32>
    %dot_general3A_51 = arith.constant dense<0.000000e+00> : vector<2000x128xf32>
    %dot_general3A_52 = tpu.matmul %get3A_23, %get3A_50, %dot_general3A_51 {dimension_numbers = #tpu.dot_dimension_numbers<[1], [0], [0], [1], [0, 0, 1, 1], [], []>, transpose_lhs_hint = false} : vector<2000x128xf32>, vector<128x128xf32>, vector<2000x128xf32> -> vector<2000x128xf32>
    %add3A_53 = arith.addf %add3A_44, %dot_general3A_52 : vector<2000x128xf32>
    %get3A_54 = arith.constant 0 : index
    %get3A_55 = arith.constant 2 : index
    %get3A_56 = arith.constant 0 : index
    %get3A_57 = arith.constant 0 : index
    %get3A_58 = vector.load %arg8[%get3A_54, %get3A_55, %get3A_56, %get3A_57] : memref<4x4x128x128xf32, #tpu.memory_space<vmem>>, vector<1x1x128x128xf32>
    %get3A_59 = vector.shape_cast %get3A_58 : vector<1x1x128x128xf32> to vector<128x128xf32>
    %dot_general3A_60 = arith.constant dense<0.000000e+00> : vector<2000x128xf32>
    %dot_general3A_61 = tpu.matmul %get3A_26, %get3A_59, %dot_general3A_60 {dimension_numbers = #tpu.dot_dimension_numbers<[1], [0], [0], [1], [0, 0, 1, 1], [], []>, transpose_lhs_hint = false} : vector<2000x128xf32>, vector<128x128xf32>, vector<2000x128xf32> -> vector<2000x128xf32>
    %add3A_62 = arith.addf %add3A_53, %dot_general3A_61 : vector<2000x128xf32>
    %get3A_63 = arith.constant 0 : index
    %get3A_64 = arith.constant 3 : index
    %get3A_65 = arith.constant 0 : index
    %get3A_66 = arith.constant 0 : index
    %get3A_67 = vector.load %arg8[%get3A_63, %get3A_64, %get3A_65, %get3A_66] : memref<4x4x128x128xf32, #tpu.memory_space<vmem>>, vector<1x1x128x128xf32>
    %get3A_68 = vector.shape_cast %get3A_67 : vector<1x1x128x128xf32> to vector<128x128xf32>
    %dot_general3A_69 = arith.constant dense<0.000000e+00> : vector<2000x128xf32>
    %dot_general3A_70 = tpu.matmul %get3A_29, %get3A_68, %dot_general3A_69 {dimension_numbers = #tpu.dot_dimension_numbers<[1], [0], [0], [1], [0, 0, 1, 1], [], []>, transpose_lhs_hint = false} : vector<2000x128xf32>, vector<128x128xf32>, vector<2000x128xf32> -> vector<2000x128xf32>
    %add3A_71 = arith.addf %add3A_62, %dot_general3A_70 : vector<2000x128xf32>
    %convert_element_type3A_72 = arith.extui %and3A : vector<2000x128xi1> to vector<2000x128xi32>
    %convert_element_type3A_73 = arith.sitofp %convert_element_type3A_72 : vector<2000x128xi32> to vector<2000x128xf32>
    %mul3A = arith.mulf %convert_element_type3A_73, %add3A_71 : vector<2000x128xf32>
    %add3A_74 = arith.addf %broadcast_in_dim3A_30, %mul3A : vector<2000x128xf32>
    %mul3A_75 = arith.constant 0.000000e+00 : f32
    %mul3A_76 = vector.broadcast %mul3A_75 : f32 to vector<2000x128xf32>
    %mul3A_77 = arith.mulf %convert_element_type3A_73, %mul3A_76 : vector<2000x128xf32>
    %add3A_78 = arith.addf %broadcast_in_dim3A_32, %mul3A_77 : vector<2000x128xf32>
    %reduce_sum3A = arith.constant dense<0.000000e+00> : vector<128xf32>
    %reduce_sum3A_79 = vector.multi_reduction <add>, %mul3A, %reduce_sum3A [0] : vector<2000x128xf32> to vector<128xf32>
    %broadcast_in_dim3A_80 = vector.shape_cast %reduce_sum3A_79 : vector<128xf32> to vector<1x128xf32>
    %mul3A_81 = arith.mulf %mul3A, %add3A_71 : vector<2000x128xf32>
    %reduce_sum3A_82 = arith.constant dense<0.000000e+00> : vector<128xf32>
    %reduce_sum3A_83 = vector.multi_reduction <add>, %mul3A_81, %reduce_sum3A_82 [0] : vector<2000x128xf32> to vector<128xf32>
    %broadcast_in_dim3A_84 = vector.shape_cast %reduce_sum3A_83 : vector<128xf32> to vector<1x128xf32>
    %reduce_sum3A_85 = vector.shape_cast %convert_element_type3A_73 : vector<2000x128xf32> to vector<1x2000x128xf32>
    %reduce_sum3A_86 = arith.constant dense<0.000000e+00> : vector<1xf32>
    %reduce_sum3A_87 = vector.multi_reduction <add>, %reduce_sum3A_85, %reduce_sum3A_86 [1, 2] : vector<1x2000x128xf32> to vector<1xf32>
    %reduce_sum3A_88 = vector.shape_cast %reduce_sum3A_87 : vector<1xf32> to vector<1x1x1xf32>
    %reduce_sum3A_89 = vector.extract %reduce_sum3A_88[0, 0, 0] : f32 from vector<1x1x1xf32>
    %mul3A_90 = arith.constant 6.250000e-02 : f32
    %mul3A_91 = arith.mulf %reduce_sum3A_89, %mul3A_90 : f32
    %broadcast_in_dim3A_92 = vector.broadcast %mul3A_91 : f32 to vector<1x128xf32>
    %get3A_93 = arith.constant 1 : index
    %get3A_94 = arith.constant 0 : index
    %get3A_95 = vector.load %arg9[%get3A_93, %get3A_94] : memref<4x128xf32, #tpu.memory_space<vmem>>, vector<1x128xf32>
    %get3A_96 = vector.shape_cast %get3A_95 : vector<1x128xf32> to vector<128xf32>
    %reshape3A_97 = vector.shape_cast %get3A_96 : vector<128xf32> to vector<1x128xf32>
    %get3A_98 = arith.constant 1 : index
    %get3A_99 = arith.constant 0 : index
    %get3A_100 = arith.constant 0 : index
    %get3A_101 = arith.constant 0 : index
    %get3A_102 = vector.load %arg8[%get3A_98, %get3A_99, %get3A_100, %get3A_101] : memref<4x4x128x128xf32, #tpu.memory_space<vmem>>, vector<1x1x128x128xf32>
    %get3A_103 = vector.shape_cast %get3A_102 : vector<1x1x128x128xf32> to vector<128x128xf32>
    %dot_general3A_104 = arith.constant dense<0.000000e+00> : vector<2000x128xf32>
    %dot_general3A_105 = tpu.matmul %get3A_20, %get3A_103, %dot_general3A_104 {dimension_numbers = #tpu.dot_dimension_numbers<[1], [0], [0], [1], [0, 0, 1, 1], [], []>, transpose_lhs_hint = false} : vector<2000x128xf32>, vector<128x128xf32>, vector<2000x128xf32> -> vector<2000x128xf32>
    %add3A_106 = vector.broadcast %reshape3A_97 : vector<1x128xf32> to vector<2000x128xf32>
    %add3A_107 = arith.addf %add3A_106, %dot_general3A_105 : vector<2000x128xf32>
    %get3A_108 = arith.constant 1 : index
    %get3A_109 = arith.constant 1 : index
    %get3A_110 = arith.constant 0 : index
    %get3A_111 = arith.constant 0 : index
    %get3A_112 = vector.load %arg8[%get3A_108, %get3A_109, %get3A_110, %get3A_111] : memref<4x4x128x128xf32, #tpu.memory_space<vmem>>, vector<1x1x128x128xf32>
    %get3A_113 = vector.shape_cast %get3A_112 : vector<1x1x128x128xf32> to vector<128x128xf32>
    %dot_general3A_114 = arith.constant dense<0.000000e+00> : vector<2000x128xf32>
    %dot_general3A_115 = tpu.matmul %get3A_23, %get3A_113, %dot_general3A_114 {dimension_numbers = #tpu.dot_dimension_numbers<[1], [0], [0], [1], [0, 0, 1, 1], [], []>, transpose_lhs_hint = false} : vector<2000x128xf32>, vector<128x128xf32>, vector<2000x128xf32> -> vector<2000x128xf32>
    %add3A_116 = arith.addf %add3A_107, %dot_general3A_115 : vector<2000x128xf32>
    %get3A_117 = arith.constant 1 : index
    %get3A_118 = arith.constant 2 : index
    %get3A_119 = arith.constant 0 : index
    %get3A_120 = arith.constant 0 : index
    %get3A_121 = vector.load %arg8[%get3A_117, %get3A_118, %get3A_119, %get3A_120] : memref<4x4x128x128xf32, #tpu.memory_space<vmem>>, vector<1x1x128x128xf32>
    %get3A_122 = vector.shape_cast %get3A_121 : vector<1x1x128x128xf32> to vector<128x128xf32>
    %dot_general3A_123 = arith.constant dense<0.000000e+00> : vector<2000x128xf32>
    %dot_general3A_124 = tpu.matmul %get3A_26, %get3A_122, %dot_general3A_123 {dimension_numbers = #tpu.dot_dimension_numbers<[1], [0], [0], [1], [0, 0, 1, 1], [], []>, transpose_lhs_hint = false} : vector<2000x128xf32>, vector<128x128xf32>, vector<2000x128xf32> -> vector<2000x128xf32>
    %add3A_125 = arith.addf %add3A_116, %dot_general3A_124 : vector<2000x128xf32>
    %get3A_126 = arith.constant 1 : index
    %get3A_127 = arith.constant 3 : index
    %get3A_128 = arith.constant 0 : index
    %get3A_129 = arith.constant 0 : index
    %get3A_130 = vector.load %arg8[%get3A_126, %get3A_127, %get3A_128, %get3A_129] : memref<4x4x128x128xf32, #tpu.memory_space<vmem>>, vector<1x1x128x128xf32>
    %get3A_131 = vector.shape_cast %get3A_130 : vector<1x1x128x128xf32> to vector<128x128xf32>
    %dot_general3A_132 = arith.constant dense<0.000000e+00> : vector<2000x128xf32>
    %dot_general3A_133 = tpu.matmul %get3A_29, %get3A_131, %dot_general3A_132 {dimension_numbers = #tpu.dot_dimension_numbers<[1], [0], [0], [1], [0, 0, 1, 1], [], []>, transpose_lhs_hint = false} : vector<2000x128xf32>, vector<128x128xf32>, vector<2000x128xf32> -> vector<2000x128xf32>
    %add3A_134 = arith.addf %add3A_125, %dot_general3A_133 : vector<2000x128xf32>
    %convert_element_type3A_135 = arith.extui %and3A_15 : vector<2000x128xi1> to vector<2000x128xi32>
    %convert_element_type3A_136 = arith.sitofp %convert_element_type3A_135 : vector<2000x128xi32> to vector<2000x128xf32>
    %mul3A_137 = arith.mulf %convert_element_type3A_136, %add3A_134 : vector<2000x128xf32>
    %add3A_138 = arith.addf %add3A_74, %mul3A_137 : vector<2000x128xf32>
    %mul3A_139 = arith.constant 1.000000e+00 : f32
    %mul3A_140 = vector.broadcast %mul3A_139 : f32 to vector<2000x128xf32>
    %mul3A_141 = arith.mulf %convert_element_type3A_136, %mul3A_140 : vector<2000x128xf32>
    %add3A_142 = arith.addf %add3A_78, %mul3A_141 : vector<2000x128xf32>
    %reduce_sum3A_143 = arith.constant dense<0.000000e+00> : vector<128xf32>
    %reduce_sum3A_144 = vector.multi_reduction <add>, %mul3A_137, %reduce_sum3A_143 [0] : vector<2000x128xf32> to vector<128xf32>
    %broadcast_in_dim3A_145 = vector.shape_cast %reduce_sum3A_144 : vector<128xf32> to vector<1x128xf32>
    %mul3A_146 = arith.mulf %mul3A_137, %add3A_134 : vector<2000x128xf32>
    %reduce_sum3A_147 = arith.constant dense<0.000000e+00> : vector<128xf32>
    %reduce_sum3A_148 = vector.multi_reduction <add>, %mul3A_146, %reduce_sum3A_147 [0] : vector<2000x128xf32> to vector<128xf32>
    %broadcast_in_dim3A_149 = vector.shape_cast %reduce_sum3A_148 : vector<128xf32> to vector<1x128xf32>
    %reduce_sum3A_150 = vector.shape_cast %convert_element_type3A_136 : vector<2000x128xf32> to vector<1x2000x128xf32>
    %reduce_sum3A_151 = arith.constant dense<0.000000e+00> : vector<1xf32>
    %reduce_sum3A_152 = vector.multi_reduction <add>, %reduce_sum3A_150, %reduce_sum3A_151 [1, 2] : vector<1x2000x128xf32> to vector<1xf32>
    %reduce_sum3A_153 = vector.shape_cast %reduce_sum3A_152 : vector<1xf32> to vector<1x1x1xf32>
    %reduce_sum3A_154 = vector.extract %reduce_sum3A_153[0, 0, 0] : f32 from vector<1x1x1xf32>
    %mul3A_155 = arith.constant 6.250000e-02 : f32
    %mul3A_156 = arith.mulf %reduce_sum3A_154, %mul3A_155 : f32
    %broadcast_in_dim3A_157 = vector.broadcast %mul3A_156 : f32 to vector<1x128xf32>
    %get3A_158 = arith.constant 2 : index
    %get3A_159 = arith.constant 0 : index
    %get3A_160 = vector.load %arg9[%get3A_158, %get3A_159] : memref<4x128xf32, #tpu.memory_space<vmem>>, vector<1x128xf32>
    %get3A_161 = vector.shape_cast %get3A_160 : vector<1x128xf32> to vector<128xf32>
    %reshape3A_162 = vector.shape_cast %get3A_161 : vector<128xf32> to vector<1x128xf32>
    %get3A_163 = arith.constant 2 : index
    %get3A_164 = arith.constant 0 : index
    %get3A_165 = arith.constant 0 : index
    %get3A_166 = arith.constant 0 : index
    %get3A_167 = vector.load %arg8[%get3A_163, %get3A_164, %get3A_165, %get3A_166] : memref<4x4x128x128xf32, #tpu.memory_space<vmem>>, vector<1x1x128x128xf32>
    %get3A_168 = vector.shape_cast %get3A_167 : vector<1x1x128x128xf32> to vector<128x128xf32>
    %dot_general3A_169 = arith.constant dense<0.000000e+00> : vector<2000x128xf32>
    %dot_general3A_170 = tpu.matmul %get3A_20, %get3A_168, %dot_general3A_169 {dimension_numbers = #tpu.dot_dimension_numbers<[1], [0], [0], [1], [0, 0, 1, 1], [], []>, transpose_lhs_hint = false} : vector<2000x128xf32>, vector<128x128xf32>, vector<2000x128xf32> -> vector<2000x128xf32>
    %add3A_171 = vector.broadcast %reshape3A_162 : vector<1x128xf32> to vector<2000x128xf32>
    %add3A_172 = arith.addf %add3A_171, %dot_general3A_170 : vector<2000x128xf32>
    %get3A_173 = arith.constant 2 : index
    %get3A_174 = arith.constant 1 : index
    %get3A_175 = arith.constant 0 : index
    %get3A_176 = arith.constant 0 : index
    %get3A_177 = vector.load %arg8[%get3A_173, %get3A_174, %get3A_175, %get3A_176] : memref<4x4x128x128xf32, #tpu.memory_space<vmem>>, vector<1x1x128x128xf32>
    %get3A_178 = vector.shape_cast %get3A_177 : vector<1x1x128x128xf32> to vector<128x128xf32>
    %dot_general3A_179 = arith.constant dense<0.000000e+00> : vector<2000x128xf32>
    %dot_general3A_180 = tpu.matmul %get3A_23, %get3A_178, %dot_general3A_179 {dimension_numbers = #tpu.dot_dimension_numbers<[1], [0], [0], [1], [0, 0, 1, 1], [], []>, transpose_lhs_hint = false} : vector<2000x128xf32>, vector<128x128xf32>, vector<2000x128xf32> -> vector<2000x128xf32>
    %add3A_181 = arith.addf %add3A_172, %dot_general3A_180 : vector<2000x128xf32>
    %get3A_182 = arith.constant 2 : index
    %get3A_183 = arith.constant 2 : index
    %get3A_184 = arith.constant 0 : index
    %get3A_185 = arith.constant 0 : index
    %get3A_186 = vector.load %arg8[%get3A_182, %get3A_183, %get3A_184, %get3A_185] : memref<4x4x128x128xf32, #tpu.memory_space<vmem>>, vector<1x1x128x128xf32>
    %get3A_187 = vector.shape_cast %get3A_186 : vector<1x1x128x128xf32> to vector<128x128xf32>
    %dot_general3A_188 = arith.constant dense<0.000000e+00> : vector<2000x128xf32>
    %dot_general3A_189 = tpu.matmul %get3A_26, %get3A_187, %dot_general3A_188 {dimension_numbers = #tpu.dot_dimension_numbers<[1], [0], [0], [1], [0, 0, 1, 1], [], []>, transpose_lhs_hint = false} : vector<2000x128xf32>, vector<128x128xf32>, vector<2000x128xf32> -> vector<2000x128xf32>
    %add3A_190 = arith.addf %add3A_181, %dot_general3A_189 : vector<2000x128xf32>
    %get3A_191 = arith.constant 2 : index
    %get3A_192 = arith.constant 3 : index
    %get3A_193 = arith.constant 0 : index
    %get3A_194 = arith.constant 0 : index
    %get3A_195 = vector.load %arg8[%get3A_191, %get3A_192, %get3A_193, %get3A_194] : memref<4x4x128x128xf32, #tpu.memory_space<vmem>>, vector<1x1x128x128xf32>
    %get3A_196 = vector.shape_cast %get3A_195 : vector<1x1x128x128xf32> to vector<128x128xf32>
    %dot_general3A_197 = arith.constant dense<0.000000e+00> : vector<2000x128xf32>
    %dot_general3A_198 = tpu.matmul %get3A_29, %get3A_196, %dot_general3A_197 {dimension_numbers = #tpu.dot_dimension_numbers<[1], [0], [0], [1], [0, 0, 1, 1], [], []>, transpose_lhs_hint = false} : vector<2000x128xf32>, vector<128x128xf32>, vector<2000x128xf32> -> vector<2000x128xf32>
    %add3A_199 = arith.addf %add3A_190, %dot_general3A_198 : vector<2000x128xf32>
    %convert_element_type3A_200 = arith.extui %and3A_16 : vector<2000x128xi1> to vector<2000x128xi32>
    %convert_element_type3A_201 = arith.sitofp %convert_element_type3A_200 : vector<2000x128xi32> to vector<2000x128xf32>
    %mul3A_202 = arith.mulf %convert_element_type3A_201, %add3A_199 : vector<2000x128xf32>
    %add3A_203 = arith.addf %add3A_138, %mul3A_202 : vector<2000x128xf32>
    %mul3A_204 = arith.constant 2.000000e+00 : f32
    %mul3A_205 = vector.broadcast %mul3A_204 : f32 to vector<2000x128xf32>
    %mul3A_206 = arith.mulf %convert_element_type3A_201, %mul3A_205 : vector<2000x128xf32>
    %add3A_207 = arith.addf %add3A_142, %mul3A_206 : vector<2000x128xf32>
    %reduce_sum3A_208 = arith.constant dense<0.000000e+00> : vector<128xf32>
    %reduce_sum3A_209 = vector.multi_reduction <add>, %mul3A_202, %reduce_sum3A_208 [0] : vector<2000x128xf32> to vector<128xf32>
    %broadcast_in_dim3A_210 = vector.shape_cast %reduce_sum3A_209 : vector<128xf32> to vector<1x128xf32>
    %mul3A_211 = arith.mulf %mul3A_202, %add3A_199 : vector<2000x128xf32>
    %reduce_sum3A_212 = arith.constant dense<0.000000e+00> : vector<128xf32>
    %reduce_sum3A_213 = vector.multi_reduction <add>, %mul3A_211, %reduce_sum3A_212 [0] : vector<2000x128xf32> to vector<128xf32>
    %broadcast_in_dim3A_214 = vector.shape_cast %reduce_sum3A_213 : vector<128xf32> to vector<1x128xf32>
    %reduce_sum3A_215 = vector.shape_cast %convert_element_type3A_201 : vector<2000x128xf32> to vector<1x2000x128xf32>
    %reduce_sum3A_216 = arith.constant dense<0.000000e+00> : vector<1xf32>
    %reduce_sum3A_217 = vector.multi_reduction <add>, %reduce_sum3A_215, %reduce_sum3A_216 [1, 2] : vector<1x2000x128xf32> to vector<1xf32>
    %reduce_sum3A_218 = vector.shape_cast %reduce_sum3A_217 : vector<1xf32> to vector<1x1x1xf32>
    %reduce_sum3A_219 = vector.extract %reduce_sum3A_218[0, 0, 0] : f32 from vector<1x1x1xf32>
    %mul3A_220 = arith.constant 6.250000e-02 : f32
    %mul3A_221 = arith.mulf %reduce_sum3A_219, %mul3A_220 : f32
    %broadcast_in_dim3A_222 = vector.broadcast %mul3A_221 : f32 to vector<1x128xf32>
    %get3A_223 = arith.constant 3 : index
    %get3A_224 = arith.constant 0 : index
    %get3A_225 = vector.load %arg9[%get3A_223, %get3A_224] : memref<4x128xf32, #tpu.memory_space<vmem>>, vector<1x128xf32>
    %get3A_226 = vector.shape_cast %get3A_225 : vector<1x128xf32> to vector<128xf32>
    %reshape3A_227 = vector.shape_cast %get3A_226 : vector<128xf32> to vector<1x128xf32>
    %get3A_228 = arith.constant 3 : index
    %get3A_229 = arith.constant 0 : index
    %get3A_230 = arith.constant 0 : index
    %get3A_231 = arith.constant 0 : index
    %get3A_232 = vector.load %arg8[%get3A_228, %get3A_229, %get3A_230, %get3A_231] : memref<4x4x128x128xf32, #tpu.memory_space<vmem>>, vector<1x1x128x128xf32>
    %get3A_233 = vector.shape_cast %get3A_232 : vector<1x1x128x128xf32> to vector<128x128xf32>
    %dot_general3A_234 = arith.constant dense<0.000000e+00> : vector<2000x128xf32>
    %dot_general3A_235 = tpu.matmul %get3A_20, %get3A_233, %dot_general3A_234 {dimension_numbers = #tpu.dot_dimension_numbers<[1], [0], [0], [1], [0, 0, 1, 1], [], []>, transpose_lhs_hint = false} : vector<2000x128xf32>, vector<128x128xf32>, vector<2000x128xf32> -> vector<2000x128xf32>
    %add3A_236 = vector.broadcast %reshape3A_227 : vector<1x128xf32> to vector<2000x128xf32>
    %add3A_237 = arith.addf %add3A_236, %dot_general3A_235 : vector<2000x128xf32>
    %get3A_238 = arith.constant 3 : index
    %get3A_239 = arith.constant 1 : index
    %get3A_240 = arith.constant 0 : index
    %get3A_241 = arith.constant 0 : index
    %get3A_242 = vector.load %arg8[%get3A_238, %get3A_239, %get3A_240, %get3A_241] : memref<4x4x128x128xf32, #tpu.memory_space<vmem>>, vector<1x1x128x128xf32>
    %get3A_243 = vector.shape_cast %get3A_242 : vector<1x1x128x128xf32> to vector<128x128xf32>
    %dot_general3A_244 = arith.constant dense<0.000000e+00> : vector<2000x128xf32>
    %dot_general3A_245 = tpu.matmul %get3A_23, %get3A_243, %dot_general3A_244 {dimension_numbers = #tpu.dot_dimension_numbers<[1], [0], [0], [1], [0, 0, 1, 1], [], []>, transpose_lhs_hint = false} : vector<2000x128xf32>, vector<128x128xf32>, vector<2000x128xf32> -> vector<2000x128xf32>
    %add3A_246 = arith.addf %add3A_237, %dot_general3A_245 : vector<2000x128xf32>
    %get3A_247 = arith.constant 3 : index
    %get3A_248 = arith.constant 2 : index
    %get3A_249 = arith.constant 0 : index
    %get3A_250 = arith.constant 0 : index
    %get3A_251 = vector.load %arg8[%get3A_247, %get3A_248, %get3A_249, %get3A_250] : memref<4x4x128x128xf32, #tpu.memory_space<vmem>>, vector<1x1x128x128xf32>
    %get3A_252 = vector.shape_cast %get3A_251 : vector<1x1x128x128xf32> to vector<128x128xf32>
    %dot_general3A_253 = arith.constant dense<0.000000e+00> : vector<2000x128xf32>
    %dot_general3A_254 = tpu.matmul %get3A_26, %get3A_252, %dot_general3A_253 {dimension_numbers = #tpu.dot_dimension_numbers<[1], [0], [0], [1], [0, 0, 1, 1], [], []>, transpose_lhs_hint = false} : vector<2000x128xf32>, vector<128x128xf32>, vector<2000x128xf32> -> vector<2000x128xf32>
    %add3A_255 = arith.addf %add3A_246, %dot_general3A_254 : vector<2000x128xf32>
    %get3A_256 = arith.constant 3 : index
    %get3A_257 = arith.constant 3 : index
    %get3A_258 = arith.constant 0 : index
    %get3A_259 = arith.constant 0 : index
    %get3A_260 = vector.load %arg8[%get3A_256, %get3A_257, %get3A_258, %get3A_259] : memref<4x4x128x128xf32, #tpu.memory_space<vmem>>, vector<1x1x128x128xf32>
    %get3A_261 = vector.shape_cast %get3A_260 : vector<1x1x128x128xf32> to vector<128x128xf32>
    %dot_general3A_262 = arith.constant dense<0.000000e+00> : vector<2000x128xf32>
    %dot_general3A_263 = tpu.matmul %get3A_29, %get3A_261, %dot_general3A_262 {dimension_numbers = #tpu.dot_dimension_numbers<[1], [0], [0], [1], [0, 0, 1, 1], [], []>, transpose_lhs_hint = false} : vector<2000x128xf32>, vector<128x128xf32>, vector<2000x128xf32> -> vector<2000x128xf32>
    %add3A_264 = arith.addf %add3A_255, %dot_general3A_263 : vector<2000x128xf32>
    %convert_element_type3A_265 = arith.extui %and3A_17 : vector<2000x128xi1> to vector<2000x128xi32>
    %convert_element_type3A_266 = arith.sitofp %convert_element_type3A_265 : vector<2000x128xi32> to vector<2000x128xf32>
    %mul3A_267 = arith.mulf %convert_element_type3A_266, %add3A_264 : vector<2000x128xf32>
    %add3A_268 = arith.addf %add3A_203, %mul3A_267 : vector<2000x128xf32>
    %mul3A_269 = arith.constant 3.000000e+00 : f32
    %mul3A_270 = vector.broadcast %mul3A_269 : f32 to vector<2000x128xf32>
    %mul3A_271 = arith.mulf %convert_element_type3A_266, %mul3A_270 : vector<2000x128xf32>
    %add3A_272 = arith.addf %add3A_207, %mul3A_271 : vector<2000x128xf32>
    %reduce_sum3A_273 = arith.constant dense<0.000000e+00> : vector<128xf32>
    %reduce_sum3A_274 = vector.multi_reduction <add>, %mul3A_267, %reduce_sum3A_273 [0] : vector<2000x128xf32> to vector<128xf32>
    %broadcast_in_dim3A_275 = vector.shape_cast %reduce_sum3A_274 : vector<128xf32> to vector<1x128xf32>
    %mul3A_276 = arith.mulf %mul3A_267, %add3A_264 : vector<2000x128xf32>
    %reduce_sum3A_277 = arith.constant dense<0.000000e+00> : vector<128xf32>
    %reduce_sum3A_278 = vector.multi_reduction <add>, %mul3A_276, %reduce_sum3A_277 [0] : vector<2000x128xf32> to vector<128xf32>
    %broadcast_in_dim3A_279 = vector.shape_cast %reduce_sum3A_278 : vector<128xf32> to vector<1x128xf32>
    %reduce_sum3A_280 = vector.shape_cast %convert_element_type3A_266 : vector<2000x128xf32> to vector<1x2000x128xf32>
    %reduce_sum3A_281 = arith.constant dense<0.000000e+00> : vector<1xf32>
    %reduce_sum3A_282 = vector.multi_reduction <add>, %reduce_sum3A_280, %reduce_sum3A_281 [1, 2] : vector<1x2000x128xf32> to vector<1xf32>
    %reduce_sum3A_283 = vector.shape_cast %reduce_sum3A_282 : vector<1xf32> to vector<1x1x1xf32>
    %reduce_sum3A_284 = vector.extract %reduce_sum3A_283[0, 0, 0] : f32 from vector<1x1x1xf32>
    %mul3A_285 = arith.constant 6.250000e-02 : f32
    %mul3A_286 = arith.mulf %reduce_sum3A_284, %mul3A_285 : f32
    %broadcast_in_dim3A_287 = vector.broadcast %mul3A_286 : f32 to vector<1x128xf32>
    %swap3A = arith.constant 0 : index
    %swap3A_288 = arith.constant 0 : index
    %swap3A_289 = vector.load %arg10[%swap3A, %swap3A_288] : memref<2000x128xf32, #tpu.memory_space<vmem>>, vector<2000x128xf32>
    tpu.vector_store %arg10[%swap3A, %swap3A_288], %add3A_268 {strides = array<i32>} : memref<2000x128xf32, #tpu.memory_space<vmem>>, vector<2000x128xf32>,
    %swap3A_290 = arith.constant 0 : index
    %swap3A_291 = arith.constant 0 : index
    %swap3A_292 = vector.load %arg13[%swap3A_290, %swap3A_291] : memref<2000x128xf32, #tpu.memory_space<vmem>>, vector<2000x128xf32>
    tpu.vector_store %arg13[%swap3A_290, %swap3A_291], %add3A_272 {strides = array<i32>} : memref<2000x128xf32, #tpu.memory_space<vmem>>, vector<2000x128xf32>,
    %get3A_293 = arith.constant 0 : index
    %get3A_294 = arith.constant 0 : index
    %get3A_295 = vector.load %arg11[%get3A_293, %get3A_294] : memref<8x128xf32, #tpu.memory_space<vmem>>, vector<8x128xf32>
    %concatenate3A = tpu.concatenate %broadcast_in_dim3A_80, %broadcast_in_dim3A_145, %broadcast_in_dim3A_210, %broadcast_in_dim3A_275, %broadcast_in_dim3A_84, %broadcast_in_dim3A_149, %broadcast_in_dim3A_214, %broadcast_in_dim3A_279 in 0 : vector<1x128xf32>, vector<1x128xf32>, vector<1x128xf32>, vector<1x128xf32>, vector<1x128xf32>, vector<1x128xf32>, vector<1x128xf32>, vector<1x128xf32> -> vector<8x128xf32>
    %add3A_296 = arith.addf %get3A_295, %concatenate3A : vector<8x128xf32>
    %swap3A_297 = arith.constant 0 : index
    %swap3A_298 = arith.constant 0 : index
    %swap3A_299 = vector.load %arg11[%swap3A_297, %swap3A_298] : memref<8x128xf32, #tpu.memory_space<vmem>>, vector<8x128xf32>
    tpu.vector_store %arg11[%swap3A_297, %swap3A_298], %add3A_296 {strides = array<i32>} : memref<8x128xf32, #tpu.memory_space<vmem>>, vector<8x128xf32>,
    %get3A_300 = arith.constant 0 : index
    %get3A_301 = arith.constant 0 : index
    %get3A_302 = vector.load %arg12[%get3A_300, %get3A_301] : memref<8x128xf32, #tpu.memory_space<vmem>>, vector<8x128xf32>
    %broadcast_in_dim3A_303 = arith.constant 0.000000e+00 : f32
    %broadcast_in_dim3A_304 = vector.broadcast %broadcast_in_dim3A_303 : f32 to vector<4x128xf32>
    %concatenate3A_305 = tpu.concatenate %broadcast_in_dim3A_92, %broadcast_in_dim3A_157, %broadcast_in_dim3A_222, %broadcast_in_dim3A_287, %broadcast_in_dim3A_304 in 0 : vector<1x128xf32>, vector<1x128xf32>, vector<1x128xf32>, vector<1x128xf32>, vector<4x128xf32> -> vector<8x128xf32>
    %add3A_306 = arith.addf %get3A_302, %concatenate3A_305 : vector<8x128xf32>
    %swap3A_307 = arith.constant 0 : index
    %swap3A_308 = arith.constant 0 : index
    %swap3A_309 = vector.load %arg12[%swap3A_307, %swap3A_308] : memref<8x128xf32, #tpu.memory_space<vmem>>, vector<8x128xf32>
    tpu.vector_store %arg12[%swap3A_307, %swap3A_308], %add3A_306 {strides = array<i32>} : memref<8x128xf32, #tpu.memory_space<vmem>>, vector<8x128xf32>,
    return
  }
  func.func @transform_0(%arg0: i32) -> i32 {
    %c0_i32 = arith.constant 0 : i32
    %c0_i32_0 = arith.constant 0 : i32
    return %c0_i32 : i32
  }
  func.func @transform_1(%arg0: i32) -> (i32, i32) {
    %c0_i32 = arith.constant 0 : i32
    %c0_i32_0 = arith.constant 0 : i32
    return %arg0, %c0_i32 : i32, i32
  }
  func.func @transform_2(%arg0: i32) -> (i32, i32) {
    %c0_i32 = arith.constant 0 : i32
    %c0_i32_0 = arith.constant 0 : i32
    return %arg0, %c0_i32 : i32, i32
  }
  func.func @transform_3(%arg0: i32) -> (i32, i32) {
    %c0_i32 = arith.constant 0 : i32
    %c0_i32_0 = arith.constant 0 : i32
    return %arg0, %c0_i32 : i32, i32
  }
  func.func @transform_4(%arg0: i32) -> (i32, i32) {
    %c0_i32 = arith.constant 0 : i32
    %c0_i32_0 = arith.constant 0 : i32
    return %arg0, %c0_i32 : i32, i32
  }
  func.func @transform_5(%arg0: i32) -> (i32, i32) {
    %c0_i32 = arith.constant 0 : i32
    %c0_i32_0 = arith.constant 0 : i32
    return %arg0, %c0_i32 : i32, i32
  }
  func.func @transform_6(%arg0: i32) -> (i32, i32) {
    %c0_i32 = arith.constant 0 : i32
    %c0_i32_0 = arith.constant 0 : i32
    return %arg0, %c0_i32 : i32, i32
  }
  func.func @transform_7(%arg0: i32) -> (i32, i32, i32, i32) {
    %c0_i32 = arith.constant 0 : i32
    %c0_i32_0 = arith.constant 0 : i32
    %c0_i32_1 = arith.constant 0 : i32
    %c0_i32_2 = arith.constant 0 : i32
    %c0_i32_3 = arith.constant 0 : i32
    return %c0_i32, %c0_i32_0, %c0_i32_1, %c0_i32_2 : i32, i32, i32, i32
  }
  func.func @transform_8(%arg0: i32) -> (i32, i32) {
    %c0_i32 = arith.constant 0 : i32
    %c0_i32_0 = arith.constant 0 : i32
    %c0_i32_1 = arith.constant 0 : i32
    return %c0_i32, %c0_i32_0 : i32, i32
  }
  func.func @transform_9(%arg0: i32) -> (i32, i32) {
    %c0_i32 = arith.constant 0 : i32
    %c0_i32_0 = arith.constant 0 : i32
    return %arg0, %c0_i32 : i32, i32
  }
  func.func @transform_10(%arg0: i32) -> (i32, i32) {
    %c0_i32 = arith.constant 0 : i32
    %c0_i32_0 = arith.constant 0 : i32
    %c0_i32_1 = arith.constant 0 : i32
    return %c0_i32, %c0_i32_0 : i32, i32
  }
  func.func @transform_11(%arg0: i32) -> (i32, i32) {
    %c0_i32 = arith.constant 0 : i32
    %c0_i32_0 = arith.constant 0 : i32
    %c0_i32_1 = arith.constant 0 : i32
    return %c0_i32, %c0_i32_0 : i32, i32
  }
  func.func @transform_12(%arg0: i32) -> (i32, i32) {
    %c0_i32 = arith.constant 0 : i32
    %c0_i32_0 = arith.constant 0 : i32
    return %arg0, %c0_i32 : i32, i32
  }
}

module attributes {stable_mosaic.version = 14 : i64} {
  func.func @_rest_body(%arg0: i32, %arg1: memref<2000x128xf32, #tpu.memory_space<vmem>>, %arg2: memref<2000x128xf32, #tpu.memory_space<vmem>>, %arg3: memref<8x128xf32, #tpu.memory_space<vmem>>, %arg4: memref<8x128xf32, #tpu.memory_space<vmem>>, %arg5: memref<128x128xf32, #tpu.memory_space<vmem>>, %arg6: memref<4x128x128xf32, #tpu.memory_space<vmem>>, %arg7: memref<4x128xf32, #tpu.memory_space<vmem>>, %arg8: memref<2000x128xf32, #tpu.memory_space<vmem>>, %arg9: memref<8x128xf32, #tpu.memory_space<vmem>>) attributes {dimension_semantics = [#tpu.dimension_semantics<arbitrary>], iteration_bounds = array<i64: 50>, scalar_prefetch = 0 : i64, scratch_operands = 0 : i64, tpu.core_type = #tpu.core_type<tc>, window_params = [{transform_indices = @transform_0, window_bounds = array<i64: 2000, 128>}, {transform_indices = @transform_1, window_bounds = array<i64: 2000, 128>}, {pipeline_mode = #tpu.pipeline_mode<synchronous>, transform_indices = @transform_2, window_bounds = array<i64: 8, 128>}, {pipeline_mode = #tpu.pipeline_mode<synchronous>, transform_indices = @transform_3, window_bounds = array<i64: 8, 128>}, {pipeline_mode = #tpu.pipeline_mode<synchronous>, transform_indices = @transform_4, window_bounds = array<i64: 128, 128>}, {pipeline_mode = #tpu.pipeline_mode<synchronous>, transform_indices = @transform_5, window_bounds = array<i64: 4, 128, 128>}, {pipeline_mode = #tpu.pipeline_mode<synchronous>, transform_indices = @transform_6, window_bounds = array<i64: 4, 128>}, {transform_indices = @transform_7, window_bounds = array<i64: 2000, 128>}, {pipeline_mode = #tpu.pipeline_mode<synchronous>, transform_indices = @transform_8, window_bounds = array<i64: 8, 128>}]} {
    %eq3A = arith.constant 0 : i32
    %eq3A_0 = arith.cmpi eq, %arg0, %eq3A : i32
    %convert_element_type3A = arith.extui %eq3A_0 : i1 to i32
    %cond3A = arith.constant 0 : i32
    %cond3A_1 = arith.cmpi ne, %convert_element_type3A, %cond3A : i32
    scf.if %cond3A_1 {
      %broadcast_in_dim3A_255 = arith.constant 0.000000e+00 : f32
      %broadcast_in_dim3A_256 = vector.broadcast %broadcast_in_dim3A_255 : f32 to vector<8x128xf32>
      %swap3A_257 = arith.constant 0 : index
      %swap3A_258 = arith.constant 0 : index
      %swap3A_259 = vector.load %arg9[%swap3A_257, %swap3A_258] : memref<8x128xf32, #tpu.memory_space<vmem>>, vector<8x128xf32>
      tpu.vector_store %arg9[%swap3A_257, %swap3A_258], %broadcast_in_dim3A_256 {strides = array<i32>} : memref<8x128xf32, #tpu.memory_space<vmem>>, vector<8x128xf32>,
    } else {
    }
    %get3A = arith.constant 0 : index
    %get3A_2 = arith.constant 0 : index
    %get3A_3 = vector.load %arg2[%get3A, %get3A_2] : memref<2000x128xf32, #tpu.memory_space<vmem>>, vector<2000x128xf32>
    %get3A_4 = arith.constant 0 : index
    %get3A_5 = arith.constant 0 : index
    %get3A_6 = vector.load %arg1[%get3A_4, %get3A_5] : memref<2000x128xf32, #tpu.memory_space<vmem>>, vector<2000x128xf32>
    %get3A_7 = arith.constant 0 : index
    %get3A_8 = arith.constant 0 : index
    %get3A_9 = vector.load %arg3[%get3A_7, %get3A_8] : memref<8x128xf32, #tpu.memory_space<vmem>>, vector<8x128xf32>
    %get3A_10 = arith.constant 0 : index
    %get3A_11 = arith.constant 0 : index
    %get3A_12 = vector.load %arg5[%get3A_10, %get3A_11] : memref<128x128xf32, #tpu.memory_space<vmem>>, vector<128x128xf32>
    %dot_general3A = arith.constant dense<0.000000e+00> : vector<8x128xf32>
    %dot_general3A_13 = tpu.matmul %get3A_9, %get3A_12, %dot_general3A {dimension_numbers = #tpu.dot_dimension_numbers<[1], [0], [0], [1], [0, 0, 1, 1], [], []>, precision = #tpu.contract_precision<fp32>, transpose_lhs_hint = false} : vector<8x128xf32>, vector<128x128xf32>, vector<8x128xf32> -> vector<8x128xf32>
    %get3A_14 = arith.constant 0 : index
    %get3A_15 = arith.constant 0 : index
    %get3A_16 = vector.load %arg4[%get3A_14, %get3A_15] : memref<8x128xf32, #tpu.memory_space<vmem>>, vector<8x128xf32>
    %broadcast_in_dim3A = arith.constant 0.000000e+00 : f32
    %broadcast_in_dim3A_17 = vector.broadcast %broadcast_in_dim3A : f32 to vector<2000x128xf32>
    %broadcast_in_dim3A_18 = arith.constant 0.000000e+00 : f32
    %broadcast_in_dim3A_19 = vector.broadcast %broadcast_in_dim3A_18 : f32 to vector<2000x128xf32>
    %eq3A_20 = arith.constant 0.000000e+00 : f32
    %eq3A_21 = vector.broadcast %eq3A_20 : f32 to vector<2000x128xf32>
    %eq3A_22 = arith.cmpf oeq, %get3A_3, %eq3A_21 : vector<2000x128xf32>
    %convert_element_type3A_23 = arith.extui %eq3A_22 : vector<2000x128xi1> to vector<2000x128xi32>
    %convert_element_type3A_24 = arith.sitofp %convert_element_type3A_23 : vector<2000x128xi32> to vector<2000x128xf32>
    %slice3A = vector.extract_strided_slice %get3A_16 {offsets = [0, 0], sizes = [1, 128], strides = [1, 1]} : vector<8x128xf32> to vector<1x128xf32>
    %max3A = arith.constant 1.000000e+00 : f32
    %max3A_25 = vector.broadcast %max3A : f32 to vector<1x128xf32>
    %max3A_26 = arith.maximumf %slice3A, %max3A_25 : vector<1x128xf32>
    %slice3A_27 = vector.extract_strided_slice %dot_general3A_13 {offsets = [0, 0], sizes = [1, 128], strides = [1, 1]} : vector<8x128xf32> to vector<1x128xf32>
    %div3A = arith.divf %slice3A_27, %max3A_26 : vector<1x128xf32>
    %slice3A_28 = vector.extract_strided_slice %dot_general3A_13 {offsets = [4, 0], sizes = [1, 128], strides = [1, 1]} : vector<8x128xf32> to vector<1x128xf32>
    %div3A_29 = arith.divf %slice3A_28, %max3A_26 : vector<1x128xf32>
    %mul3A = arith.mulf %div3A, %div3A : vector<1x128xf32>
    %sub3A = arith.subf %div3A_29, %mul3A : vector<1x128xf32>
    %add3A = arith.constant 9.99999974E-6 : f32
    %add3A_30 = vector.broadcast %add3A : f32 to vector<1x128xf32>
    %add3A_31 = arith.addf %sub3A, %add3A_30 : vector<1x128xf32>
    %rsqrt3A = math.rsqrt %add3A_31 : vector<1x128xf32>
    %mul3A_32 = arith.constant 5.000000e-01 : f32
    %mul3A_33 = vector.broadcast %mul3A_32 : f32 to vector<1x128xf32>
    %mul3A_34 = arith.mulf %mul3A_33, %add3A_31 : vector<1x128xf32>
    %mul3A_35 = arith.mulf %mul3A_34, %rsqrt3A : vector<1x128xf32>
    %mul3A_36 = arith.mulf %mul3A_35, %rsqrt3A : vector<1x128xf32>
    %sub3A_37 = arith.constant 1.500000e+00 : f32
    %sub3A_38 = vector.broadcast %sub3A_37 : f32 to vector<1x128xf32>
    %sub3A_39 = arith.subf %sub3A_38, %mul3A_36 : vector<1x128xf32>
    %mul3A_40 = arith.mulf %rsqrt3A, %sub3A_39 : vector<1x128xf32>
    %mul3A_41 = vector.broadcast %div3A : vector<1x128xf32> to vector<2000x128xf32>
    %mul3A_42 = arith.mulf %convert_element_type3A_24, %mul3A_41 : vector<2000x128xf32>
    %add3A_43 = arith.addf %broadcast_in_dim3A_17, %mul3A_42 : vector<2000x128xf32>
    %mul3A_44 = vector.broadcast %mul3A_40 : vector<1x128xf32> to vector<2000x128xf32>
    %mul3A_45 = arith.mulf %convert_element_type3A_24, %mul3A_44 : vector<2000x128xf32>
    %add3A_46 = arith.addf %broadcast_in_dim3A_19, %mul3A_45 : vector<2000x128xf32>
    %eq3A_47 = arith.constant 1.000000e+00 : f32
    %eq3A_48 = vector.broadcast %eq3A_47 : f32 to vector<2000x128xf32>
    %eq3A_49 = arith.cmpf oeq, %get3A_3, %eq3A_48 : vector<2000x128xf32>
    %convert_element_type3A_50 = arith.extui %eq3A_49 : vector<2000x128xi1> to vector<2000x128xi32>
    %convert_element_type3A_51 = arith.sitofp %convert_element_type3A_50 : vector<2000x128xi32> to vector<2000x128xf32>
    %slice3A_52 = vector.extract_strided_slice %get3A_16 {offsets = [1, 0], sizes = [1, 128], strides = [1, 1]} : vector<8x128xf32> to vector<1x128xf32>
    %max3A_53 = arith.constant 1.000000e+00 : f32
    %max3A_54 = vector.broadcast %max3A_53 : f32 to vector<1x128xf32>
    %max3A_55 = arith.maximumf %slice3A_52, %max3A_54 : vector<1x128xf32>
    %slice3A_56 = vector.extract_strided_slice %dot_general3A_13 {offsets = [1, 0], sizes = [1, 128], strides = [1, 1]} : vector<8x128xf32> to vector<1x128xf32>
    %div3A_57 = arith.divf %slice3A_56, %max3A_55 : vector<1x128xf32>
    %slice3A_58 = vector.extract_strided_slice %dot_general3A_13 {offsets = [5, 0], sizes = [1, 128], strides = [1, 1]} : vector<8x128xf32> to vector<1x128xf32>
    %div3A_59 = arith.divf %slice3A_58, %max3A_55 : vector<1x128xf32>
    %mul3A_60 = arith.mulf %div3A_57, %div3A_57 : vector<1x128xf32>
    %sub3A_61 = arith.subf %div3A_59, %mul3A_60 : vector<1x128xf32>
    %add3A_62 = arith.constant 9.99999974E-6 : f32
    %add3A_63 = vector.broadcast %add3A_62 : f32 to vector<1x128xf32>
    %add3A_64 = arith.addf %sub3A_61, %add3A_63 : vector<1x128xf32>
    %rsqrt3A_65 = math.rsqrt %add3A_64 : vector<1x128xf32>
    %mul3A_66 = arith.constant 5.000000e-01 : f32
    %mul3A_67 = vector.broadcast %mul3A_66 : f32 to vector<1x128xf32>
    %mul3A_68 = arith.mulf %mul3A_67, %add3A_64 : vector<1x128xf32>
    %mul3A_69 = arith.mulf %mul3A_68, %rsqrt3A_65 : vector<1x128xf32>
    %mul3A_70 = arith.mulf %mul3A_69, %rsqrt3A_65 : vector<1x128xf32>
    %sub3A_71 = arith.constant 1.500000e+00 : f32
    %sub3A_72 = vector.broadcast %sub3A_71 : f32 to vector<1x128xf32>
    %sub3A_73 = arith.subf %sub3A_72, %mul3A_70 : vector<1x128xf32>
    %mul3A_74 = arith.mulf %rsqrt3A_65, %sub3A_73 : vector<1x128xf32>
    %mul3A_75 = vector.broadcast %div3A_57 : vector<1x128xf32> to vector<2000x128xf32>
    %mul3A_76 = arith.mulf %convert_element_type3A_51, %mul3A_75 : vector<2000x128xf32>
    %add3A_77 = arith.addf %add3A_43, %mul3A_76 : vector<2000x128xf32>
    %mul3A_78 = vector.broadcast %mul3A_74 : vector<1x128xf32> to vector<2000x128xf32>
    %mul3A_79 = arith.mulf %convert_element_type3A_51, %mul3A_78 : vector<2000x128xf32>
    %add3A_80 = arith.addf %add3A_46, %mul3A_79 : vector<2000x128xf32>
    %eq3A_81 = arith.constant 2.000000e+00 : f32
    %eq3A_82 = vector.broadcast %eq3A_81 : f32 to vector<2000x128xf32>
    %eq3A_83 = arith.cmpf oeq, %get3A_3, %eq3A_82 : vector<2000x128xf32>
    %convert_element_type3A_84 = arith.extui %eq3A_83 : vector<2000x128xi1> to vector<2000x128xi32>
    %convert_element_type3A_85 = arith.sitofp %convert_element_type3A_84 : vector<2000x128xi32> to vector<2000x128xf32>
    %slice3A_86 = vector.extract_strided_slice %get3A_16 {offsets = [2, 0], sizes = [1, 128], strides = [1, 1]} : vector<8x128xf32> to vector<1x128xf32>
    %max3A_87 = arith.constant 1.000000e+00 : f32
    %max3A_88 = vector.broadcast %max3A_87 : f32 to vector<1x128xf32>
    %max3A_89 = arith.maximumf %slice3A_86, %max3A_88 : vector<1x128xf32>
    %slice3A_90 = vector.extract_strided_slice %dot_general3A_13 {offsets = [2, 0], sizes = [1, 128], strides = [1, 1]} : vector<8x128xf32> to vector<1x128xf32>
    %div3A_91 = arith.divf %slice3A_90, %max3A_89 : vector<1x128xf32>
    %slice3A_92 = vector.extract_strided_slice %dot_general3A_13 {offsets = [6, 0], sizes = [1, 128], strides = [1, 1]} : vector<8x128xf32> to vector<1x128xf32>
    %div3A_93 = arith.divf %slice3A_92, %max3A_89 : vector<1x128xf32>
    %mul3A_94 = arith.mulf %div3A_91, %div3A_91 : vector<1x128xf32>
    %sub3A_95 = arith.subf %div3A_93, %mul3A_94 : vector<1x128xf32>
    %add3A_96 = arith.constant 9.99999974E-6 : f32
    %add3A_97 = vector.broadcast %add3A_96 : f32 to vector<1x128xf32>
    %add3A_98 = arith.addf %sub3A_95, %add3A_97 : vector<1x128xf32>
    %rsqrt3A_99 = math.rsqrt %add3A_98 : vector<1x128xf32>
    %mul3A_100 = arith.constant 5.000000e-01 : f32
    %mul3A_101 = vector.broadcast %mul3A_100 : f32 to vector<1x128xf32>
    %mul3A_102 = arith.mulf %mul3A_101, %add3A_98 : vector<1x128xf32>
    %mul3A_103 = arith.mulf %mul3A_102, %rsqrt3A_99 : vector<1x128xf32>
    %mul3A_104 = arith.mulf %mul3A_103, %rsqrt3A_99 : vector<1x128xf32>
    %sub3A_105 = arith.constant 1.500000e+00 : f32
    %sub3A_106 = vector.broadcast %sub3A_105 : f32 to vector<1x128xf32>
    %sub3A_107 = arith.subf %sub3A_106, %mul3A_104 : vector<1x128xf32>
    %mul3A_108 = arith.mulf %rsqrt3A_99, %sub3A_107 : vector<1x128xf32>
    %mul3A_109 = vector.broadcast %div3A_91 : vector<1x128xf32> to vector<2000x128xf32>
    %mul3A_110 = arith.mulf %convert_element_type3A_85, %mul3A_109 : vector<2000x128xf32>
    %add3A_111 = arith.addf %add3A_77, %mul3A_110 : vector<2000x128xf32>
    %mul3A_112 = vector.broadcast %mul3A_108 : vector<1x128xf32> to vector<2000x128xf32>
    %mul3A_113 = arith.mulf %convert_element_type3A_85, %mul3A_112 : vector<2000x128xf32>
    %add3A_114 = arith.addf %add3A_80, %mul3A_113 : vector<2000x128xf32>
    %eq3A_115 = arith.constant 3.000000e+00 : f32
    %eq3A_116 = vector.broadcast %eq3A_115 : f32 to vector<2000x128xf32>
    %eq3A_117 = arith.cmpf oeq, %get3A_3, %eq3A_116 : vector<2000x128xf32>
    %convert_element_type3A_118 = arith.extui %eq3A_117 : vector<2000x128xi1> to vector<2000x128xi32>
    %convert_element_type3A_119 = arith.sitofp %convert_element_type3A_118 : vector<2000x128xi32> to vector<2000x128xf32>
    %slice3A_120 = vector.extract_strided_slice %get3A_16 {offsets = [3, 0], sizes = [1, 128], strides = [1, 1]} : vector<8x128xf32> to vector<1x128xf32>
    %max3A_121 = arith.constant 1.000000e+00 : f32
    %max3A_122 = vector.broadcast %max3A_121 : f32 to vector<1x128xf32>
    %max3A_123 = arith.maximumf %slice3A_120, %max3A_122 : vector<1x128xf32>
    %slice3A_124 = vector.extract_strided_slice %dot_general3A_13 {offsets = [3, 0], sizes = [1, 128], strides = [1, 1]} : vector<8x128xf32> to vector<1x128xf32>
    %div3A_125 = arith.divf %slice3A_124, %max3A_123 : vector<1x128xf32>
    %slice3A_126 = vector.extract_strided_slice %dot_general3A_13 {offsets = [7, 0], sizes = [1, 128], strides = [1, 1]} : vector<8x128xf32> to vector<1x128xf32>
    %div3A_127 = arith.divf %slice3A_126, %max3A_123 : vector<1x128xf32>
    %mul3A_128 = arith.mulf %div3A_125, %div3A_125 : vector<1x128xf32>
    %sub3A_129 = arith.subf %div3A_127, %mul3A_128 : vector<1x128xf32>
    %add3A_130 = arith.constant 9.99999974E-6 : f32
    %add3A_131 = vector.broadcast %add3A_130 : f32 to vector<1x128xf32>
    %add3A_132 = arith.addf %sub3A_129, %add3A_131 : vector<1x128xf32>
    %rsqrt3A_133 = math.rsqrt %add3A_132 : vector<1x128xf32>
    %mul3A_134 = arith.constant 5.000000e-01 : f32
    %mul3A_135 = vector.broadcast %mul3A_134 : f32 to vector<1x128xf32>
    %mul3A_136 = arith.mulf %mul3A_135, %add3A_132 : vector<1x128xf32>
    %mul3A_137 = arith.mulf %mul3A_136, %rsqrt3A_133 : vector<1x128xf32>
    %mul3A_138 = arith.mulf %mul3A_137, %rsqrt3A_133 : vector<1x128xf32>
    %sub3A_139 = arith.constant 1.500000e+00 : f32
    %sub3A_140 = vector.broadcast %sub3A_139 : f32 to vector<1x128xf32>
    %sub3A_141 = arith.subf %sub3A_140, %mul3A_138 : vector<1x128xf32>
    %mul3A_142 = arith.mulf %rsqrt3A_133, %sub3A_141 : vector<1x128xf32>
    %mul3A_143 = vector.broadcast %div3A_125 : vector<1x128xf32> to vector<2000x128xf32>
    %mul3A_144 = arith.mulf %convert_element_type3A_119, %mul3A_143 : vector<2000x128xf32>
    %add3A_145 = arith.addf %add3A_111, %mul3A_144 : vector<2000x128xf32>
    %mul3A_146 = vector.broadcast %mul3A_142 : vector<1x128xf32> to vector<2000x128xf32>
    %mul3A_147 = arith.mulf %convert_element_type3A_119, %mul3A_146 : vector<2000x128xf32>
    %add3A_148 = arith.addf %add3A_114, %mul3A_147 : vector<2000x128xf32>
    %sub3A_149 = arith.subf %get3A_6, %add3A_145 : vector<2000x128xf32>
    %mul3A_150 = arith.mulf %sub3A_149, %add3A_148 : vector<2000x128xf32>
    %max3A_151 = arith.constant 0.000000e+00 : f32
    %max3A_152 = vector.broadcast %max3A_151 : f32 to vector<2000x128xf32>
    %max3A_153 = arith.maximumf %mul3A_150, %max3A_152 : vector<2000x128xf32>
    %broadcast_in_dim3A_154 = arith.constant 0.000000e+00 : f32
    %broadcast_in_dim3A_155 = vector.broadcast %broadcast_in_dim3A_154 : f32 to vector<2000x128xf32>
    %get3A_156 = arith.constant 0 : index
    %get3A_157 = arith.constant 0 : index
    %get3A_158 = arith.constant 0 : index
    %get3A_159 = vector.load %arg6[%get3A_156, %get3A_157, %get3A_158] : memref<4x128x128xf32, #tpu.memory_space<vmem>>, vector<1x128x128xf32>
    %get3A_160 = vector.shape_cast %get3A_159 : vector<1x128x128xf32> to vector<128x128xf32>
    %dot_general3A_161 = arith.constant dense<0.000000e+00> : vector<2000x128xf32>
    %dot_general3A_162 = tpu.matmul %max3A_153, %get3A_160, %dot_general3A_161 {dimension_numbers = #tpu.dot_dimension_numbers<[1], [0], [0], [1], [0, 0, 1, 1], [], []>, transpose_lhs_hint = false} : vector<2000x128xf32>, vector<128x128xf32>, vector<2000x128xf32> -> vector<2000x128xf32>
    %get3A_163 = arith.constant 0 : index
    %get3A_164 = arith.constant 0 : index
    %get3A_165 = vector.load %arg7[%get3A_163, %get3A_164] : memref<4x128xf32, #tpu.memory_space<vmem>>, vector<1x128xf32>
    %get3A_166 = vector.shape_cast %get3A_165 : vector<1x128xf32> to vector<128xf32>
    %reshape3A = vector.shape_cast %get3A_166 : vector<128xf32> to vector<1x128xf32>
    %add3A_167 = vector.broadcast %reshape3A : vector<1x128xf32> to vector<2000x128xf32>
    %add3A_168 = arith.addf %dot_general3A_162, %add3A_167 : vector<2000x128xf32>
    %mul3A_169 = arith.mulf %convert_element_type3A_24, %add3A_168 : vector<2000x128xf32>
    %add3A_170 = arith.addf %broadcast_in_dim3A_155, %mul3A_169 : vector<2000x128xf32>
    %reduce_sum3A = arith.constant dense<0.000000e+00> : vector<128xf32>
    %reduce_sum3A_171 = vector.multi_reduction <add>, %mul3A_169, %reduce_sum3A [0] : vector<2000x128xf32> to vector<128xf32>
    %broadcast_in_dim3A_172 = vector.shape_cast %reduce_sum3A_171 : vector<128xf32> to vector<1x128xf32>
    %mul3A_173 = arith.mulf %mul3A_169, %add3A_168 : vector<2000x128xf32>
    %reduce_sum3A_174 = arith.constant dense<0.000000e+00> : vector<128xf32>
    %reduce_sum3A_175 = vector.multi_reduction <add>, %mul3A_173, %reduce_sum3A_174 [0] : vector<2000x128xf32> to vector<128xf32>
    %broadcast_in_dim3A_176 = vector.shape_cast %reduce_sum3A_175 : vector<128xf32> to vector<1x128xf32>
    %get3A_177 = arith.constant 1 : index
    %get3A_178 = arith.constant 0 : index
    %get3A_179 = arith.constant 0 : index
    %get3A_180 = vector.load %arg6[%get3A_177, %get3A_178, %get3A_179] : memref<4x128x128xf32, #tpu.memory_space<vmem>>, vector<1x128x128xf32>
    %get3A_181 = vector.shape_cast %get3A_180 : vector<1x128x128xf32> to vector<128x128xf32>
    %dot_general3A_182 = arith.constant dense<0.000000e+00> : vector<2000x128xf32>
    %dot_general3A_183 = tpu.matmul %max3A_153, %get3A_181, %dot_general3A_182 {dimension_numbers = #tpu.dot_dimension_numbers<[1], [0], [0], [1], [0, 0, 1, 1], [], []>, transpose_lhs_hint = false} : vector<2000x128xf32>, vector<128x128xf32>, vector<2000x128xf32> -> vector<2000x128xf32>
    %get3A_184 = arith.constant 1 : index
    %get3A_185 = arith.constant 0 : index
    %get3A_186 = vector.load %arg7[%get3A_184, %get3A_185] : memref<4x128xf32, #tpu.memory_space<vmem>>, vector<1x128xf32>
    %get3A_187 = vector.shape_cast %get3A_186 : vector<1x128xf32> to vector<128xf32>
    %reshape3A_188 = vector.shape_cast %get3A_187 : vector<128xf32> to vector<1x128xf32>
    %add3A_189 = vector.broadcast %reshape3A_188 : vector<1x128xf32> to vector<2000x128xf32>
    %add3A_190 = arith.addf %dot_general3A_183, %add3A_189 : vector<2000x128xf32>
    %mul3A_191 = arith.mulf %convert_element_type3A_51, %add3A_190 : vector<2000x128xf32>
    %add3A_192 = arith.addf %add3A_170, %mul3A_191 : vector<2000x128xf32>
    %reduce_sum3A_193 = arith.constant dense<0.000000e+00> : vector<128xf32>
    %reduce_sum3A_194 = vector.multi_reduction <add>, %mul3A_191, %reduce_sum3A_193 [0] : vector<2000x128xf32> to vector<128xf32>
    %broadcast_in_dim3A_195 = vector.shape_cast %reduce_sum3A_194 : vector<128xf32> to vector<1x128xf32>
    %mul3A_196 = arith.mulf %mul3A_191, %add3A_190 : vector<2000x128xf32>
    %reduce_sum3A_197 = arith.constant dense<0.000000e+00> : vector<128xf32>
    %reduce_sum3A_198 = vector.multi_reduction <add>, %mul3A_196, %reduce_sum3A_197 [0] : vector<2000x128xf32> to vector<128xf32>
    %broadcast_in_dim3A_199 = vector.shape_cast %reduce_sum3A_198 : vector<128xf32> to vector<1x128xf32>
    %get3A_200 = arith.constant 2 : index
    %get3A_201 = arith.constant 0 : index
    %get3A_202 = arith.constant 0 : index
    %get3A_203 = vector.load %arg6[%get3A_200, %get3A_201, %get3A_202] : memref<4x128x128xf32, #tpu.memory_space<vmem>>, vector<1x128x128xf32>
    %get3A_204 = vector.shape_cast %get3A_203 : vector<1x128x128xf32> to vector<128x128xf32>
    %dot_general3A_205 = arith.constant dense<0.000000e+00> : vector<2000x128xf32>
    %dot_general3A_206 = tpu.matmul %max3A_153, %get3A_204, %dot_general3A_205 {dimension_numbers = #tpu.dot_dimension_numbers<[1], [0], [0], [1], [0, 0, 1, 1], [], []>, transpose_lhs_hint = false} : vector<2000x128xf32>, vector<128x128xf32>, vector<2000x128xf32> -> vector<2000x128xf32>
    %get3A_207 = arith.constant 2 : index
    %get3A_208 = arith.constant 0 : index
    %get3A_209 = vector.load %arg7[%get3A_207, %get3A_208] : memref<4x128xf32, #tpu.memory_space<vmem>>, vector<1x128xf32>
    %get3A_210 = vector.shape_cast %get3A_209 : vector<1x128xf32> to vector<128xf32>
    %reshape3A_211 = vector.shape_cast %get3A_210 : vector<128xf32> to vector<1x128xf32>
    %add3A_212 = vector.broadcast %reshape3A_211 : vector<1x128xf32> to vector<2000x128xf32>
    %add3A_213 = arith.addf %dot_general3A_206, %add3A_212 : vector<2000x128xf32>
    %mul3A_214 = arith.mulf %convert_element_type3A_85, %add3A_213 : vector<2000x128xf32>
    %add3A_215 = arith.addf %add3A_192, %mul3A_214 : vector<2000x128xf32>
    %reduce_sum3A_216 = arith.constant dense<0.000000e+00> : vector<128xf32>
    %reduce_sum3A_217 = vector.multi_reduction <add>, %mul3A_214, %reduce_sum3A_216 [0] : vector<2000x128xf32> to vector<128xf32>
    %broadcast_in_dim3A_218 = vector.shape_cast %reduce_sum3A_217 : vector<128xf32> to vector<1x128xf32>
    %mul3A_219 = arith.mulf %mul3A_214, %add3A_213 : vector<2000x128xf32>
    %reduce_sum3A_220 = arith.constant dense<0.000000e+00> : vector<128xf32>
    %reduce_sum3A_221 = vector.multi_reduction <add>, %mul3A_219, %reduce_sum3A_220 [0] : vector<2000x128xf32> to vector<128xf32>
    %broadcast_in_dim3A_222 = vector.shape_cast %reduce_sum3A_221 : vector<128xf32> to vector<1x128xf32>
    %get3A_223 = arith.constant 3 : index
    %get3A_224 = arith.constant 0 : index
    %get3A_225 = arith.constant 0 : index
    %get3A_226 = vector.load %arg6[%get3A_223, %get3A_224, %get3A_225] : memref<4x128x128xf32, #tpu.memory_space<vmem>>, vector<1x128x128xf32>
    %get3A_227 = vector.shape_cast %get3A_226 : vector<1x128x128xf32> to vector<128x128xf32>
    %dot_general3A_228 = arith.constant dense<0.000000e+00> : vector<2000x128xf32>
    %dot_general3A_229 = tpu.matmul %max3A_153, %get3A_227, %dot_general3A_228 {dimension_numbers = #tpu.dot_dimension_numbers<[1], [0], [0], [1], [0, 0, 1, 1], [], []>, transpose_lhs_hint = false} : vector<2000x128xf32>, vector<128x128xf32>, vector<2000x128xf32> -> vector<2000x128xf32>
    %get3A_230 = arith.constant 3 : index
    %get3A_231 = arith.constant 0 : index
    %get3A_232 = vector.load %arg7[%get3A_230, %get3A_231] : memref<4x128xf32, #tpu.memory_space<vmem>>, vector<1x128xf32>
    %get3A_233 = vector.shape_cast %get3A_232 : vector<1x128xf32> to vector<128xf32>
    %reshape3A_234 = vector.shape_cast %get3A_233 : vector<128xf32> to vector<1x128xf32>
    %add3A_235 = vector.broadcast %reshape3A_234 : vector<1x128xf32> to vector<2000x128xf32>
    %add3A_236 = arith.addf %dot_general3A_229, %add3A_235 : vector<2000x128xf32>
    %mul3A_237 = arith.mulf %convert_element_type3A_119, %add3A_236 : vector<2000x128xf32>
    %add3A_238 = arith.addf %add3A_215, %mul3A_237 : vector<2000x128xf32>
    %reduce_sum3A_239 = arith.constant dense<0.000000e+00> : vector<128xf32>
    %reduce_sum3A_240 = vector.multi_reduction <add>, %mul3A_237, %reduce_sum3A_239 [0] : vector<2000x128xf32> to vector<128xf32>
    %broadcast_in_dim3A_241 = vector.shape_cast %reduce_sum3A_240 : vector<128xf32> to vector<1x128xf32>
    %mul3A_242 = arith.mulf %mul3A_237, %add3A_236 : vector<2000x128xf32>
    %reduce_sum3A_243 = arith.constant dense<0.000000e+00> : vector<128xf32>
    %reduce_sum3A_244 = vector.multi_reduction <add>, %mul3A_242, %reduce_sum3A_243 [0] : vector<2000x128xf32> to vector<128xf32>
    %broadcast_in_dim3A_245 = vector.shape_cast %reduce_sum3A_244 : vector<128xf32> to vector<1x128xf32>
    %swap3A = arith.constant 0 : index
    %swap3A_246 = arith.constant 0 : index
    %swap3A_247 = vector.load %arg8[%swap3A, %swap3A_246] : memref<2000x128xf32, #tpu.memory_space<vmem>>, vector<2000x128xf32>
    tpu.vector_store %arg8[%swap3A, %swap3A_246], %add3A_238 {strides = array<i32>} : memref<2000x128xf32, #tpu.memory_space<vmem>>, vector<2000x128xf32>,
    %get3A_248 = arith.constant 0 : index
    %get3A_249 = arith.constant 0 : index
    %get3A_250 = vector.load %arg9[%get3A_248, %get3A_249] : memref<8x128xf32, #tpu.memory_space<vmem>>, vector<8x128xf32>
    %concatenate3A = tpu.concatenate %broadcast_in_dim3A_172, %broadcast_in_dim3A_195, %broadcast_in_dim3A_218, %broadcast_in_dim3A_241, %broadcast_in_dim3A_176, %broadcast_in_dim3A_199, %broadcast_in_dim3A_222, %broadcast_in_dim3A_245 in 0 : vector<1x128xf32>, vector<1x128xf32>, vector<1x128xf32>, vector<1x128xf32>, vector<1x128xf32>, vector<1x128xf32>, vector<1x128xf32>, vector<1x128xf32> -> vector<8x128xf32>
    %add3A_251 = arith.addf %get3A_250, %concatenate3A : vector<8x128xf32>
    %swap3A_252 = arith.constant 0 : index
    %swap3A_253 = arith.constant 0 : index
    %swap3A_254 = vector.load %arg9[%swap3A_252, %swap3A_253] : memref<8x128xf32, #tpu.memory_space<vmem>>, vector<8x128xf32>
    tpu.vector_store %arg9[%swap3A_252, %swap3A_253], %add3A_251 {strides = array<i32>} : memref<8x128xf32, #tpu.memory_space<vmem>>, vector<8x128xf32>,
    return
  }
  func.func @transform_0(%arg0: i32) -> (i32, i32) {
    %c0_i32 = arith.constant 0 : i32
    %c0_i32_0 = arith.constant 0 : i32
    return %arg0, %c0_i32 : i32, i32
  }
  func.func @transform_1(%arg0: i32) -> (i32, i32) {
    %c0_i32 = arith.constant 0 : i32
    %c0_i32_0 = arith.constant 0 : i32
    return %arg0, %c0_i32 : i32, i32
  }
  func.func @transform_2(%arg0: i32) -> (i32, i32) {
    %c0_i32 = arith.constant 0 : i32
    %c0_i32_0 = arith.constant 0 : i32
    %c0_i32_1 = arith.constant 0 : i32
    return %c0_i32, %c0_i32_0 : i32, i32
  }
  func.func @transform_3(%arg0: i32) -> (i32, i32) {
    %c0_i32 = arith.constant 0 : i32
    %c0_i32_0 = arith.constant 0 : i32
    %c0_i32_1 = arith.constant 0 : i32
    return %c0_i32, %c0_i32_0 : i32, i32
  }
  func.func @transform_4(%arg0: i32) -> (i32, i32) {
    %c0_i32 = arith.constant 0 : i32
    %c0_i32_0 = arith.constant 0 : i32
    %c0_i32_1 = arith.constant 0 : i32
    return %c0_i32, %c0_i32_0 : i32, i32
  }
  func.func @transform_5(%arg0: i32) -> (i32, i32, i32) {
    %c0_i32 = arith.constant 0 : i32
    %c0_i32_0 = arith.constant 0 : i32
    %c0_i32_1 = arith.constant 0 : i32
    %c0_i32_2 = arith.constant 0 : i32
    return %c0_i32, %c0_i32_0, %c0_i32_1 : i32, i32, i32
  }
  func.func @transform_6(%arg0: i32) -> (i32, i32) {
    %c0_i32 = arith.constant 0 : i32
    %c0_i32_0 = arith.constant 0 : i32
    %c0_i32_1 = arith.constant 0 : i32
    return %c0_i32, %c0_i32_0 : i32, i32
  }
  func.func @transform_7(%arg0: i32) -> (i32, i32) {
    %c0_i32 = arith.constant 0 : i32
    %c0_i32_0 = arith.constant 0 : i32
    return %arg0, %c0_i32 : i32, i32
  }
  func.func @transform_8(%arg0: i32) -> (i32, i32) {
    %c0_i32 = arith.constant 0 : i32
    %c0_i32_0 = arith.constant 0 : i32
    %c0_i32_1 = arith.constant 0 : i32
    return %c0_i32, %c0_i32_0 : i32, i32
  }
}

module attributes {stable_mosaic.version = 14 : i64} {
  func.func @_final_body(%arg0: i32, %arg1: memref<2000x128xf32, #tpu.memory_space<vmem>>, %arg2: memref<2000x128xf32, #tpu.memory_space<vmem>>, %arg3: memref<8x128xf32, #tpu.memory_space<vmem>>, %arg4: memref<8x128xf32, #tpu.memory_space<vmem>>, %arg5: memref<128x128xf32, #tpu.memory_space<vmem>>, %arg6: memref<4x128xf32, #tpu.memory_space<vmem>>, %arg7: memref<2000x128xf32, #tpu.memory_space<vmem>>) attributes {dimension_semantics = [#tpu.dimension_semantics<arbitrary>], iteration_bounds = array<i64: 50>, scalar_prefetch = 0 : i64, scratch_operands = 0 : i64, tpu.core_type = #tpu.core_type<tc>, window_params = [{transform_indices = @transform_0, window_bounds = array<i64: 2000, 128>}, {transform_indices = @transform_1, window_bounds = array<i64: 2000, 128>}, {pipeline_mode = #tpu.pipeline_mode<synchronous>, transform_indices = @transform_2, window_bounds = array<i64: 8, 128>}, {pipeline_mode = #tpu.pipeline_mode<synchronous>, transform_indices = @transform_3, window_bounds = array<i64: 8, 128>}, {pipeline_mode = #tpu.pipeline_mode<synchronous>, transform_indices = @transform_4, window_bounds = array<i64: 128, 128>}, {pipeline_mode = #tpu.pipeline_mode<synchronous>, transform_indices = @transform_5, window_bounds = array<i64: 4, 128>}, {transform_indices = @transform_6, window_bounds = array<i64: 2000, 128>}]} {
    %get3A = arith.constant 0 : index
    %get3A_0 = arith.constant 0 : index
    %get3A_1 = vector.load %arg2[%get3A, %get3A_0] : memref<2000x128xf32, #tpu.memory_space<vmem>>, vector<2000x128xf32>
    %get3A_2 = arith.constant 0 : index
    %get3A_3 = arith.constant 0 : index
    %get3A_4 = vector.load %arg1[%get3A_2, %get3A_3] : memref<2000x128xf32, #tpu.memory_space<vmem>>, vector<2000x128xf32>
    %get3A_5 = arith.constant 0 : index
    %get3A_6 = arith.constant 0 : index
    %get3A_7 = vector.load %arg3[%get3A_5, %get3A_6] : memref<8x128xf32, #tpu.memory_space<vmem>>, vector<8x128xf32>
    %get3A_8 = arith.constant 0 : index
    %get3A_9 = arith.constant 0 : index
    %get3A_10 = vector.load %arg5[%get3A_8, %get3A_9] : memref<128x128xf32, #tpu.memory_space<vmem>>, vector<128x128xf32>
    %dot_general3A = arith.constant dense<0.000000e+00> : vector<8x128xf32>
    %dot_general3A_11 = tpu.matmul %get3A_7, %get3A_10, %dot_general3A {dimension_numbers = #tpu.dot_dimension_numbers<[1], [0], [0], [1], [0, 0, 1, 1], [], []>, precision = #tpu.contract_precision<fp32>, transpose_lhs_hint = false} : vector<8x128xf32>, vector<128x128xf32>, vector<8x128xf32> -> vector<8x128xf32>
    %get3A_12 = arith.constant 0 : index
    %get3A_13 = arith.constant 0 : index
    %get3A_14 = vector.load %arg4[%get3A_12, %get3A_13] : memref<8x128xf32, #tpu.memory_space<vmem>>, vector<8x128xf32>
    %broadcast_in_dim3A = arith.constant 0.000000e+00 : f32
    %broadcast_in_dim3A_15 = vector.broadcast %broadcast_in_dim3A : f32 to vector<2000x128xf32>
    %broadcast_in_dim3A_16 = arith.constant 0.000000e+00 : f32
    %broadcast_in_dim3A_17 = vector.broadcast %broadcast_in_dim3A_16 : f32 to vector<2000x128xf32>
    %broadcast_in_dim3A_18 = arith.constant 0.000000e+00 : f32
    %broadcast_in_dim3A_19 = vector.broadcast %broadcast_in_dim3A_18 : f32 to vector<2000x128xf32>
    %eq3A = arith.constant 0.000000e+00 : f32
    %eq3A_20 = vector.broadcast %eq3A : f32 to vector<2000x128xf32>
    %eq3A_21 = arith.cmpf oeq, %get3A_1, %eq3A_20 : vector<2000x128xf32>
    %convert_element_type3A = arith.extui %eq3A_21 : vector<2000x128xi1> to vector<2000x128xi32>
    %convert_element_type3A_22 = arith.sitofp %convert_element_type3A : vector<2000x128xi32> to vector<2000x128xf32>
    %slice3A = vector.extract_strided_slice %get3A_14 {offsets = [0, 0], sizes = [1, 128], strides = [1, 1]} : vector<8x128xf32> to vector<1x128xf32>
    %max3A = arith.constant 1.000000e+00 : f32
    %max3A_23 = vector.broadcast %max3A : f32 to vector<1x128xf32>
    %max3A_24 = arith.maximumf %slice3A, %max3A_23 : vector<1x128xf32>
    %slice3A_25 = vector.extract_strided_slice %dot_general3A_11 {offsets = [0, 0], sizes = [1, 128], strides = [1, 1]} : vector<8x128xf32> to vector<1x128xf32>
    %div3A = arith.divf %slice3A_25, %max3A_24 : vector<1x128xf32>
    %slice3A_26 = vector.extract_strided_slice %dot_general3A_11 {offsets = [4, 0], sizes = [1, 128], strides = [1, 1]} : vector<8x128xf32> to vector<1x128xf32>
    %div3A_27 = arith.divf %slice3A_26, %max3A_24 : vector<1x128xf32>
    %mul3A = arith.mulf %div3A, %div3A : vector<1x128xf32>
    %sub3A = arith.subf %div3A_27, %mul3A : vector<1x128xf32>
    %add3A = arith.constant 9.99999974E-6 : f32
    %add3A_28 = vector.broadcast %add3A : f32 to vector<1x128xf32>
    %add3A_29 = arith.addf %sub3A, %add3A_28 : vector<1x128xf32>
    %rsqrt3A = math.rsqrt %add3A_29 : vector<1x128xf32>
    %mul3A_30 = arith.constant 5.000000e-01 : f32
    %mul3A_31 = vector.broadcast %mul3A_30 : f32 to vector<1x128xf32>
    %mul3A_32 = arith.mulf %mul3A_31, %add3A_29 : vector<1x128xf32>
    %mul3A_33 = arith.mulf %mul3A_32, %rsqrt3A : vector<1x128xf32>
    %mul3A_34 = arith.mulf %mul3A_33, %rsqrt3A : vector<1x128xf32>
    %sub3A_35 = arith.constant 1.500000e+00 : f32
    %sub3A_36 = vector.broadcast %sub3A_35 : f32 to vector<1x128xf32>
    %sub3A_37 = arith.subf %sub3A_36, %mul3A_34 : vector<1x128xf32>
    %mul3A_38 = arith.mulf %rsqrt3A, %sub3A_37 : vector<1x128xf32>
    %mul3A_39 = vector.broadcast %div3A : vector<1x128xf32> to vector<2000x128xf32>
    %mul3A_40 = arith.mulf %convert_element_type3A_22, %mul3A_39 : vector<2000x128xf32>
    %add3A_41 = arith.addf %broadcast_in_dim3A_15, %mul3A_40 : vector<2000x128xf32>
    %mul3A_42 = vector.broadcast %mul3A_38 : vector<1x128xf32> to vector<2000x128xf32>
    %mul3A_43 = arith.mulf %convert_element_type3A_22, %mul3A_42 : vector<2000x128xf32>
    %add3A_44 = arith.addf %broadcast_in_dim3A_17, %mul3A_43 : vector<2000x128xf32>
    %get3A_45 = arith.constant 0 : index
    %get3A_46 = arith.constant 0 : index
    %get3A_47 = vector.load %arg6[%get3A_45, %get3A_46] : memref<4x128xf32, #tpu.memory_space<vmem>>, vector<1x128xf32>
    %mul3A_48 = vector.broadcast %get3A_47 : vector<1x128xf32> to vector<2000x128xf32>
    %mul3A_49 = arith.mulf %convert_element_type3A_22, %mul3A_48 : vector<2000x128xf32>
    %add3A_50 = arith.addf %broadcast_in_dim3A_19, %mul3A_49 : vector<2000x128xf32>
    %eq3A_51 = arith.constant 1.000000e+00 : f32
    %eq3A_52 = vector.broadcast %eq3A_51 : f32 to vector<2000x128xf32>
    %eq3A_53 = arith.cmpf oeq, %get3A_1, %eq3A_52 : vector<2000x128xf32>
    %convert_element_type3A_54 = arith.extui %eq3A_53 : vector<2000x128xi1> to vector<2000x128xi32>
    %convert_element_type3A_55 = arith.sitofp %convert_element_type3A_54 : vector<2000x128xi32> to vector<2000x128xf32>
    %slice3A_56 = vector.extract_strided_slice %get3A_14 {offsets = [1, 0], sizes = [1, 128], strides = [1, 1]} : vector<8x128xf32> to vector<1x128xf32>
    %max3A_57 = arith.constant 1.000000e+00 : f32
    %max3A_58 = vector.broadcast %max3A_57 : f32 to vector<1x128xf32>
    %max3A_59 = arith.maximumf %slice3A_56, %max3A_58 : vector<1x128xf32>
    %slice3A_60 = vector.extract_strided_slice %dot_general3A_11 {offsets = [1, 0], sizes = [1, 128], strides = [1, 1]} : vector<8x128xf32> to vector<1x128xf32>
    %div3A_61 = arith.divf %slice3A_60, %max3A_59 : vector<1x128xf32>
    %slice3A_62 = vector.extract_strided_slice %dot_general3A_11 {offsets = [5, 0], sizes = [1, 128], strides = [1, 1]} : vector<8x128xf32> to vector<1x128xf32>
    %div3A_63 = arith.divf %slice3A_62, %max3A_59 : vector<1x128xf32>
    %mul3A_64 = arith.mulf %div3A_61, %div3A_61 : vector<1x128xf32>
    %sub3A_65 = arith.subf %div3A_63, %mul3A_64 : vector<1x128xf32>
    %add3A_66 = arith.constant 9.99999974E-6 : f32
    %add3A_67 = vector.broadcast %add3A_66 : f32 to vector<1x128xf32>
    %add3A_68 = arith.addf %sub3A_65, %add3A_67 : vector<1x128xf32>
    %rsqrt3A_69 = math.rsqrt %add3A_68 : vector<1x128xf32>
    %mul3A_70 = arith.constant 5.000000e-01 : f32
    %mul3A_71 = vector.broadcast %mul3A_70 : f32 to vector<1x128xf32>
    %mul3A_72 = arith.mulf %mul3A_71, %add3A_68 : vector<1x128xf32>
    %mul3A_73 = arith.mulf %mul3A_72, %rsqrt3A_69 : vector<1x128xf32>
    %mul3A_74 = arith.mulf %mul3A_73, %rsqrt3A_69 : vector<1x128xf32>
    %sub3A_75 = arith.constant 1.500000e+00 : f32
    %sub3A_76 = vector.broadcast %sub3A_75 : f32 to vector<1x128xf32>
    %sub3A_77 = arith.subf %sub3A_76, %mul3A_74 : vector<1x128xf32>
    %mul3A_78 = arith.mulf %rsqrt3A_69, %sub3A_77 : vector<1x128xf32>
    %mul3A_79 = vector.broadcast %div3A_61 : vector<1x128xf32> to vector<2000x128xf32>
    %mul3A_80 = arith.mulf %convert_element_type3A_55, %mul3A_79 : vector<2000x128xf32>
    %add3A_81 = arith.addf %add3A_41, %mul3A_80 : vector<2000x128xf32>
    %mul3A_82 = vector.broadcast %mul3A_78 : vector<1x128xf32> to vector<2000x128xf32>
    %mul3A_83 = arith.mulf %convert_element_type3A_55, %mul3A_82 : vector<2000x128xf32>
    %add3A_84 = arith.addf %add3A_44, %mul3A_83 : vector<2000x128xf32>
    %get3A_85 = arith.constant 1 : index
    %get3A_86 = arith.constant 0 : index
    %get3A_87 = vector.load %arg6[%get3A_85, %get3A_86] : memref<4x128xf32, #tpu.memory_space<vmem>>, vector<1x128xf32>
    %mul3A_88 = vector.broadcast %get3A_87 : vector<1x128xf32> to vector<2000x128xf32>
    %mul3A_89 = arith.mulf %convert_element_type3A_55, %mul3A_88 : vector<2000x128xf32>
    %add3A_90 = arith.addf %add3A_50, %mul3A_89 : vector<2000x128xf32>
    %eq3A_91 = arith.constant 2.000000e+00 : f32
    %eq3A_92 = vector.broadcast %eq3A_91 : f32 to vector<2000x128xf32>
    %eq3A_93 = arith.cmpf oeq, %get3A_1, %eq3A_92 : vector<2000x128xf32>
    %convert_element_type3A_94 = arith.extui %eq3A_93 : vector<2000x128xi1> to vector<2000x128xi32>
    %convert_element_type3A_95 = arith.sitofp %convert_element_type3A_94 : vector<2000x128xi32> to vector<2000x128xf32>
    %slice3A_96 = vector.extract_strided_slice %get3A_14 {offsets = [2, 0], sizes = [1, 128], strides = [1, 1]} : vector<8x128xf32> to vector<1x128xf32>
    %max3A_97 = arith.constant 1.000000e+00 : f32
    %max3A_98 = vector.broadcast %max3A_97 : f32 to vector<1x128xf32>
    %max3A_99 = arith.maximumf %slice3A_96, %max3A_98 : vector<1x128xf32>
    %slice3A_100 = vector.extract_strided_slice %dot_general3A_11 {offsets = [2, 0], sizes = [1, 128], strides = [1, 1]} : vector<8x128xf32> to vector<1x128xf32>
    %div3A_101 = arith.divf %slice3A_100, %max3A_99 : vector<1x128xf32>
    %slice3A_102 = vector.extract_strided_slice %dot_general3A_11 {offsets = [6, 0], sizes = [1, 128], strides = [1, 1]} : vector<8x128xf32> to vector<1x128xf32>
    %div3A_103 = arith.divf %slice3A_102, %max3A_99 : vector<1x128xf32>
    %mul3A_104 = arith.mulf %div3A_101, %div3A_101 : vector<1x128xf32>
    %sub3A_105 = arith.subf %div3A_103, %mul3A_104 : vector<1x128xf32>
    %add3A_106 = arith.constant 9.99999974E-6 : f32
    %add3A_107 = vector.broadcast %add3A_106 : f32 to vector<1x128xf32>
    %add3A_108 = arith.addf %sub3A_105, %add3A_107 : vector<1x128xf32>
    %rsqrt3A_109 = math.rsqrt %add3A_108 : vector<1x128xf32>
    %mul3A_110 = arith.constant 5.000000e-01 : f32
    %mul3A_111 = vector.broadcast %mul3A_110 : f32 to vector<1x128xf32>
    %mul3A_112 = arith.mulf %mul3A_111, %add3A_108 : vector<1x128xf32>
    %mul3A_113 = arith.mulf %mul3A_112, %rsqrt3A_109 : vector<1x128xf32>
    %mul3A_114 = arith.mulf %mul3A_113, %rsqrt3A_109 : vector<1x128xf32>
    %sub3A_115 = arith.constant 1.500000e+00 : f32
    %sub3A_116 = vector.broadcast %sub3A_115 : f32 to vector<1x128xf32>
    %sub3A_117 = arith.subf %sub3A_116, %mul3A_114 : vector<1x128xf32>
    %mul3A_118 = arith.mulf %rsqrt3A_109, %sub3A_117 : vector<1x128xf32>
    %mul3A_119 = vector.broadcast %div3A_101 : vector<1x128xf32> to vector<2000x128xf32>
    %mul3A_120 = arith.mulf %convert_element_type3A_95, %mul3A_119 : vector<2000x128xf32>
    %add3A_121 = arith.addf %add3A_81, %mul3A_120 : vector<2000x128xf32>
    %mul3A_122 = vector.broadcast %mul3A_118 : vector<1x128xf32> to vector<2000x128xf32>
    %mul3A_123 = arith.mulf %convert_element_type3A_95, %mul3A_122 : vector<2000x128xf32>
    %add3A_124 = arith.addf %add3A_84, %mul3A_123 : vector<2000x128xf32>
    %get3A_125 = arith.constant 2 : index
    %get3A_126 = arith.constant 0 : index
    %get3A_127 = vector.load %arg6[%get3A_125, %get3A_126] : memref<4x128xf32, #tpu.memory_space<vmem>>, vector<1x128xf32>
    %mul3A_128 = vector.broadcast %get3A_127 : vector<1x128xf32> to vector<2000x128xf32>
    %mul3A_129 = arith.mulf %convert_element_type3A_95, %mul3A_128 : vector<2000x128xf32>
    %add3A_130 = arith.addf %add3A_90, %mul3A_129 : vector<2000x128xf32>
    %eq3A_131 = arith.constant 3.000000e+00 : f32
    %eq3A_132 = vector.broadcast %eq3A_131 : f32 to vector<2000x128xf32>
    %eq3A_133 = arith.cmpf oeq, %get3A_1, %eq3A_132 : vector<2000x128xf32>
    %convert_element_type3A_134 = arith.extui %eq3A_133 : vector<2000x128xi1> to vector<2000x128xi32>
    %convert_element_type3A_135 = arith.sitofp %convert_element_type3A_134 : vector<2000x128xi32> to vector<2000x128xf32>
    %slice3A_136 = vector.extract_strided_slice %get3A_14 {offsets = [3, 0], sizes = [1, 128], strides = [1, 1]} : vector<8x128xf32> to vector<1x128xf32>
    %max3A_137 = arith.constant 1.000000e+00 : f32
    %max3A_138 = vector.broadcast %max3A_137 : f32 to vector<1x128xf32>
    %max3A_139 = arith.maximumf %slice3A_136, %max3A_138 : vector<1x128xf32>
    %slice3A_140 = vector.extract_strided_slice %dot_general3A_11 {offsets = [3, 0], sizes = [1, 128], strides = [1, 1]} : vector<8x128xf32> to vector<1x128xf32>
    %div3A_141 = arith.divf %slice3A_140, %max3A_139 : vector<1x128xf32>
    %slice3A_142 = vector.extract_strided_slice %dot_general3A_11 {offsets = [7, 0], sizes = [1, 128], strides = [1, 1]} : vector<8x128xf32> to vector<1x128xf32>
    %div3A_143 = arith.divf %slice3A_142, %max3A_139 : vector<1x128xf32>
    %mul3A_144 = arith.mulf %div3A_141, %div3A_141 : vector<1x128xf32>
    %sub3A_145 = arith.subf %div3A_143, %mul3A_144 : vector<1x128xf32>
    %add3A_146 = arith.constant 9.99999974E-6 : f32
    %add3A_147 = vector.broadcast %add3A_146 : f32 to vector<1x128xf32>
    %add3A_148 = arith.addf %sub3A_145, %add3A_147 : vector<1x128xf32>
    %rsqrt3A_149 = math.rsqrt %add3A_148 : vector<1x128xf32>
    %mul3A_150 = arith.constant 5.000000e-01 : f32
    %mul3A_151 = vector.broadcast %mul3A_150 : f32 to vector<1x128xf32>
    %mul3A_152 = arith.mulf %mul3A_151, %add3A_148 : vector<1x128xf32>
    %mul3A_153 = arith.mulf %mul3A_152, %rsqrt3A_149 : vector<1x128xf32>
    %mul3A_154 = arith.mulf %mul3A_153, %rsqrt3A_149 : vector<1x128xf32>
    %sub3A_155 = arith.constant 1.500000e+00 : f32
    %sub3A_156 = vector.broadcast %sub3A_155 : f32 to vector<1x128xf32>
    %sub3A_157 = arith.subf %sub3A_156, %mul3A_154 : vector<1x128xf32>
    %mul3A_158 = arith.mulf %rsqrt3A_149, %sub3A_157 : vector<1x128xf32>
    %mul3A_159 = vector.broadcast %div3A_141 : vector<1x128xf32> to vector<2000x128xf32>
    %mul3A_160 = arith.mulf %convert_element_type3A_135, %mul3A_159 : vector<2000x128xf32>
    %add3A_161 = arith.addf %add3A_121, %mul3A_160 : vector<2000x128xf32>
    %mul3A_162 = vector.broadcast %mul3A_158 : vector<1x128xf32> to vector<2000x128xf32>
    %mul3A_163 = arith.mulf %convert_element_type3A_135, %mul3A_162 : vector<2000x128xf32>
    %add3A_164 = arith.addf %add3A_124, %mul3A_163 : vector<2000x128xf32>
    %get3A_165 = arith.constant 3 : index
    %get3A_166 = arith.constant 0 : index
    %get3A_167 = vector.load %arg6[%get3A_165, %get3A_166] : memref<4x128xf32, #tpu.memory_space<vmem>>, vector<1x128xf32>
    %mul3A_168 = vector.broadcast %get3A_167 : vector<1x128xf32> to vector<2000x128xf32>
    %mul3A_169 = arith.mulf %convert_element_type3A_135, %mul3A_168 : vector<2000x128xf32>
    %add3A_170 = arith.addf %add3A_130, %mul3A_169 : vector<2000x128xf32>
    %sub3A_171 = arith.subf %get3A_4, %add3A_161 : vector<2000x128xf32>
    %mul3A_172 = arith.mulf %sub3A_171, %add3A_164 : vector<2000x128xf32>
    %max3A_173 = arith.constant 0.000000e+00 : f32
    %max3A_174 = vector.broadcast %max3A_173 : f32 to vector<2000x128xf32>
    %max3A_175 = arith.maximumf %mul3A_172, %max3A_174 : vector<2000x128xf32>
    %mul3A_176 = arith.mulf %max3A_175, %add3A_170 : vector<2000x128xf32>
    %swap3A = arith.constant 0 : index
    %swap3A_177 = arith.constant 0 : index
    %swap3A_178 = vector.load %arg7[%swap3A, %swap3A_177] : memref<2000x128xf32, #tpu.memory_space<vmem>>, vector<2000x128xf32>
    tpu.vector_store %arg7[%swap3A, %swap3A_177], %mul3A_176 {strides = array<i32>} : memref<2000x128xf32, #tpu.memory_space<vmem>>, vector<2000x128xf32>,
    return
  }
  func.func @transform_0(%arg0: i32) -> (i32, i32) {
    %c0_i32 = arith.constant 0 : i32
    %c0_i32_0 = arith.constant 0 : i32
    return %arg0, %c0_i32 : i32, i32
  }
  func.func @transform_1(%arg0: i32) -> (i32, i32) {
    %c0_i32 = arith.constant 0 : i32
    %c0_i32_0 = arith.constant 0 : i32
    return %arg0, %c0_i32 : i32, i32
  }
  func.func @transform_2(%arg0: i32) -> (i32, i32) {
    %c0_i32 = arith.constant 0 : i32
    %c0_i32_0 = arith.constant 0 : i32
    %c0_i32_1 = arith.constant 0 : i32
    return %c0_i32, %c0_i32_0 : i32, i32
  }
  func.func @transform_3(%arg0: i32) -> (i32, i32) {
    %c0_i32 = arith.constant 0 : i32
    %c0_i32_0 = arith.constant 0 : i32
    %c0_i32_1 = arith.constant 0 : i32
    return %c0_i32, %c0_i32_0 : i32, i32
  }
  func.func @transform_4(%arg0: i32) -> (i32, i32) {
    %c0_i32 = arith.constant 0 : i32
    %c0_i32_0 = arith.constant 0 : i32
    %c0_i32_1 = arith.constant 0 : i32
    return %c0_i32, %c0_i32_0 : i32, i32
  }
  func.func @transform_5(%arg0: i32) -> (i32, i32) {
    %c0_i32 = arith.constant 0 : i32
    %c0_i32_0 = arith.constant 0 : i32
    %c0_i32_1 = arith.constant 0 : i32
    return %c0_i32, %c0_i32_0 : i32, i32
  }
  func.func @transform_6(%arg0: i32) -> (i32, i32) {
    %c0_i32 = arith.constant 0 : i32
    %c0_i32_0 = arith.constant 0 : i32
    return %arg0, %c0_i32 : i32, i32
  }
}

module attributes {stable_mosaic.version = 14 : i64} {
  func.func @_sum_body(%arg0: i32, %arg1: memref<2x6256x128xf32, #tpu.memory_space<vmem>>, %arg2: memref<6250x128xf32, #tpu.memory_space<vmem>>) attributes {dimension_semantics = [#tpu.dimension_semantics<arbitrary>], iteration_bounds = array<i64: 1>, scalar_prefetch = 0 : i64, scratch_operands = 0 : i64, tpu.core_type = #tpu.core_type<tc>, window_params = [{pipeline_mode = #tpu.pipeline_mode<synchronous>, transform_indices = @transform_0, window_bounds = array<i64: 2, 6256, 128>}, {pipeline_mode = #tpu.pipeline_mode<synchronous>, transform_indices = @transform_1, window_bounds = array<i64: 6250, 128>}]} {
    %get3A = arith.constant 0 : index
    %get3A_0 = arith.constant 0 : index
    %get3A_1 = arith.constant 0 : index
    %get3A_2 = vector.load %arg1[%get3A, %get3A_0, %get3A_1] : memref<2x6256x128xf32, #tpu.memory_space<vmem>>, vector<2x6256x128xf32>
    %slice3A = vector.extract_strided_slice %get3A_2 {offsets = [0, 0, 0], sizes = [1, 6250, 128], strides = [1, 1, 1]} : vector<2x6256x128xf32> to vector<1x6250x128xf32>
    %squeeze3A = vector.shape_cast %slice3A : vector<1x6250x128xf32> to vector<6250x128xf32>
    %slice3A_3 = vector.extract_strided_slice %get3A_2 {offsets = [1, 0, 0], sizes = [1, 6250, 128], strides = [1, 1, 1]} : vector<2x6256x128xf32> to vector<1x6250x128xf32>
    %squeeze3A_4 = vector.shape_cast %slice3A_3 : vector<1x6250x128xf32> to vector<6250x128xf32>
    %add3A = arith.addf %squeeze3A, %squeeze3A_4 : vector<6250x128xf32>
    %swap3A = arith.constant 0 : index
    %swap3A_5 = arith.constant 0 : index
    %swap3A_6 = vector.load %arg2[%swap3A, %swap3A_5] : memref<6250x128xf32, #tpu.memory_space<vmem>>, vector<6250x128xf32>
    tpu.vector_store %arg2[%swap3A, %swap3A_5], %add3A {strides = array<i32>} : memref<6250x128xf32, #tpu.memory_space<vmem>>, vector<6250x128xf32>,
    return
  }
  func.func @transform_0(%arg0: i32) -> (i32, i32, i32) {
    %c0_i32 = arith.constant 0 : i32
    %c0_i32_0 = arith.constant 0 : i32
    %c0_i32_1 = arith.constant 0 : i32
    %c0_i32_2 = arith.constant 0 : i32
    return %c0_i32, %c0_i32_0, %c0_i32_1 : i32, i32, i32
  }
  func.func @transform_1(%arg0: i32) -> (i32, i32) {
    %c0_i32 = arith.constant 0 : i32
    %c0_i32_0 = arith.constant 0 : i32
    %c0_i32_1 = arith.constant 0 : i32
    return %c0_i32, %c0_i32_0 : i32, i32
  }
}

</mosaic_0001>

<sc_bundles>
// kernel: kernel.30.cloned.1.call-start
scs
__scs_entry_jumppad:
0x0: {  	(pc) =	sbr.rel $0x88, $3  }
0x1: {  	(tag) =	ssettag $0x0;
	lr =	simm.s32 $0x1  }
0x2: {  	[smem:$0x3F92] =	sst lr;
	_ =	strace $0xD0000000  }
0x3: {  	_ = 	snop  }
0x4: {  	_ = 	snop  }
0x5: {  	_ = 	snop  }
0x6: {  	_ = 	snop  }
0x7: {  	_ = 	snop  }
__scs_overlays_trampoline_lowered:
0x8: {  	[smem:$0x3FA1] =	sst s0  }
0x9: {  	[smem:$0x3FA2] =	sst s1  }
0xa: {  	[smem:$0x3FA3] =	sst s2  }
0xb: {  	[smem:$0x3FA4] =	sst s3  }
0xc: {  	[smem:$0x3FA5] =	sst s4  }
0xd: {  	[smem:$0x3FA6] =	sst s5  }
0xe: {  	[smem:$0x3FA7] =	sst s6  }
0xf: {  	[smem:$0x3FA8] =	sst s7  }
0x10: {  	[smem:$0x3FA9] =	sst s8  }
0x11: {  	[smem:$0x3FAA] =	sst s9;
	s0 =	simm.s32 @!p0 $0x0  }
0x12: {  	s1 =	sld [smem:$0x3F90];
	s0 =	simm.s32 @p0 $0x1  }
0x13: {  	[smem:$0x3FAB] =	sst s0;
	s0 =	simm.s32 @!p1 $0x0  }
0x14: {  	s2 =	sld [smem:$0x3F8F];
	s0 =	simm.s32 @p1 $0x1  }
0x15: {  	[smem:$0x3FAC] =	sst s0;
	s0 =	simm.s32 @!p2 $0x0  }
0x16: {  	s3 =	sld [smem:$0x3FDB];
	s0 =	simm.s32 @p2 $0x1  }
0x17: {  	s4 =	simm.s32 $0x1BF5;
	[smem:$0x3FAE] =	sst s0  }
0x18: {  	s0 =	sld [smem:$0x3F91];
	_ =	swait.ge [sflag:s4], $0x0  }
0x19: {  	s7 =	sld [smem:$0x3F92]  }
0x1a: {  	s8 =	sadd.s32 $0xFFFFE003, lr  }
0x1b: {  	s9 =	sadd.s32 $0xFFFFFEF7, lr;
	s5 =	simm.s32 $0xFFFFFFFF;
	p2 =	slt.u32 s8, $0xFFFFF086  }
0x1c: {  	p1 =	slt.u32 s9, $0xF7A;
	s5 =	simm.s32 @!p2 $0x0  }
0x1d: {  	s5 =	simm.s32 @p1 $0x1;
	p0 =	seq.s32 s7, s2  }
0x1e: {  	s7 =	smul.u32 @!p0 $0xF7A, s2;
	p2 =	seq.s32 @!p0 s5, $0x0  }
0x1f: {  	s9 =	smul.u32 $0xF7A, s1;
	s8 =	simm.s32 @!p0 $0x1BF5;
	p2 =	por !p2, p0  }
0x20: {  	[sflag:s8] =	ssyncset.s32 @!p0 $0xFFFFF086;
	s6 =	sadd.s32 @!p0 s3, s7;
	s7 =	simm.s32 @!p0 $0x108  }
0x21: {  	s3 =	sadd.s32 s3, s9;
	s6 =	sadd.s32 @!p0 $0x88, s6;
	s7 =	simm.s32 @p2 $0x1082  }
0x22: {  	[simem:s7], [sflag:s8] =	dma.local @!p0 [hbm:s6], $0xF7A  }
0x23: {  	s9 =	sor.u32 $0xD0000000, s2;
	s6 =	simm.s32 $0x108;
	_ =	swait.ge @!p0 [sflag:s8], $0x0  }
0x24: {  	s3 =	sadd.s32 $0x88, s3;
	s6 =	simm.s32 @!p1 $0x1082;
	[sflag:s4] =	ssyncset.s32 $0xFFFFF086  }
0x25: {  	[simem:s6], [sflag:s4] =	dma.local [hbm:s3], $0xF7A  }
0x26: {  	[smem:$0x3F92] =	sst s1;
	(tag) =	ssettag s2;
	_ =	strace s9  }
0x27: {  	s1 =	sld [smem:$0x3FA2]  }
0x28: {  	s2 =	sld [smem:$0x3FA3]  }
0x29: {  	s4 =	sld [smem:$0x3FA5]  }
0x2a: {  	p0 =	seq.s32 s5, $0x0;
	s5 =	sld [smem:$0x3FA6]  }
0x2b: {  	s6 =	sld [smem:$0x3FA7]  }
0x2c: {  	s7 =	sld [smem:$0x3FA8]  }
0x2d: {  	s3 =	simm.s32 $0x108;
	s8 =	sld [smem:$0x3FA9]  }
0x2e: {  	s3 =	simm.s32 @!p0 $0x1082;
	s9 =	sld [smem:$0x3FAA]  }
0x2f: {  	lr =	sadd.s32 s0, s3;
	s0 =	sld [smem:$0x3FA1]  }
0x30: {  	s3 =	sld [smem:$0x3FA4]  }
0x31: {  	[smem:$0x3FAD] =	sst s10  }
0x32: {  	s10 =	sld [smem:$0x3FAB];
	_ =	sdelay $0x3  }
0x33: {  	p0 =	seq.s32 s10, $0x1;
	s10 =	sld [smem:$0x3FAD];
	_ =	sdelay $0x3  }
0x34: {  	[smem:$0x3FAD] =	sst s10  }
0x35: {  	s10 =	sld [smem:$0x3FAC];
	_ =	sdelay $0x3  }
0x36: {  	p1 =	seq.s32 s10, $0x1;
	s10 =	sld [smem:$0x3FAD];
	_ =	sdelay $0x3  }
0x37: {  	[smem:$0x3FAD] =	sst s10  }
0x38: {  	s10 =	sld [smem:$0x3FAE]  }
0x39: {  	_ = 	snop;
	(pc) =	sbr.ind lr, $3  }
0x3a: {  	_ = 	snop  }
0x3b: {  	_ = 	snop  }
0x3c: {  	p2 =	seq.s32 s10, $0x1;
	s10 =	sld [smem:$0x3FAD]  }
0x3d: {  	_ =	shalt  }
0x3e: {  	_ =	shalt  }
0x3f: {  	_ =	shalt  }
0x40: {  	_ =	shalt  }
0x41: {  	_ =	shalt  }
0x42: {  	_ =	shalt  }
0x43: {  	_ =	shalt  }
0x44: {  	_ =	shalt  }
0x45: {  	_ =	shalt  }
0x46: {  	_ =	shalt  }
0x47: {  	_ =	shalt  }
0x48: {  	_ =	shalt  }
0x49: {  	_ =	shalt  }
0x4a: {  	_ =	shalt  }
0x4b: {  	_ =	shalt  }
0x4c: {  	_ =	shalt  }
0x4d: {  	_ =	shalt  }
0x4e: {  	_ =	shalt  }
0x4f: {  	_ =	shalt  }
0x50: {  	_ =	shalt  }
0x51: {  	_ =	shalt  }
0x52: {  	_ =	shalt  }
0x53: {  	_ =	shalt  }
0x54: {  	_ =	shalt  }
0x55: {  	_ =	shalt  }
0x56: {  	_ =	shalt  }
0x57: {  	_ =	shalt  }
0x58: {  	_ =	shalt  }
0x59: {  	_ =	shalt  }
0x5a: {  	_ =	shalt  }
0x5b: {  	_ =	shalt  }
0x5c: {  	_ =	shalt  }
0x5d: {  	_ =	shalt  }
0x5e: {  	_ =	shalt  }
0x5f: {  	_ =	shalt  }
0x60: {  	_ =	shalt  }
0x61: {  	_ =	shalt  }
0x62: {  	_ =	shalt  }
0x63: {  	_ =	shalt  }
0x64: {  	_ =	shalt  }
0x65: {  	_ =	shalt  }
0x66: {  	_ =	shalt  }
0x67: {  	_ =	shalt  }
0x68: {  	_ =	shalt  }
0x69: {  	_ =	shalt  }
0x6a: {  	_ =	shalt  }
0x6b: {  	_ =	shalt  }
0x6c: {  	_ =	shalt  }
0x6d: {  	_ =	shalt  }
0x6e: {  	_ =	shalt  }
0x6f: {  	_ =	shalt  }
0x70: {  	_ =	shalt  }
0x71: {  	_ =	shalt  }
0x72: {  	_ =	shalt  }
0x73: {  	_ =	shalt  }
0x74: {  	_ =	shalt  }
0x75: {  	_ =	shalt  }
0x76: {  	_ =	shalt  }
0x77: {  	_ =	shalt  }
0x78: {  	_ =	shalt  }
0x79: {  	_ =	shalt  }
0x7a: {  	_ =	shalt  }
0x7b: {  	_ =	shalt  }
0x7c: {  	_ =	shalt  }
0x7d: {  	_ =	shalt  }
0x7e: {  	_ =	shalt  }
0x7f: {  	_ =	shalt  }
0x80: {  	_ =	shalt  }
0x81: {  	_ =	shalt  }
0x82: {  	_ =	shalt  }
0x83: {  	_ =	shalt  }
0x84: {  	_ =	shalt  }
0x85: {  	_ =	shalt  }
0x86: {  	_ =	shalt  }
0x87: {  	_ =	shalt  }
.Lfunc_end0:
.L_simem_size_0:
called_computation_lowered:
.L_overlay_start_0:
0x88: {  	s2 =	sld [smem:$0x3FD9]  }
0x89: {  	s3 =	sld [smem:$0x3FFE];
	_ =	sdelay $0x1  }
0x8a: {  	s1 =	srdreg.scid  }
0x8b: {  	s0 =	sand.u32 $0x1, s1  }
0x8c: {  	s14 =	sshll.u32 s0, $0xA;
	s2 =	sadd.s32 s3, s2  }
0x8d: {  	s2 =	sadd.s32 s2, s14  }
0x8e: {  	[smem:$0x3FB9] =	sst s2  }
0x8f: {  	_ = 	snop  }
0x90: {  	s2 =	sld [smem:$0x3FD0];
	_ =	sdelay $0x2  }
0x91: {  	s15 =	simm.s32 $0xB;
	s4 =	simm.s32 $0x10  }
0x92: {  	[smem:s4], [sflag:s15] =	dma.local [hbm:s2], $0x1  }
0x93: {  	_ =	swait.eq [sflag:s15], $0x1  }
0x94: {  	[sflag:s15] =	ssyncset.done $0x0  }
0x95: {  	[sflag:s15] =	ssyncadd.s32 $0xFFFFFFFF  }
0x96: {  	s16 =	sld [smem:$0x11];
	(tm) =	ssettm $0x1  }
0x97: {  	s17 =	sld [smem:$0x3FFB];
	_ =	sdelay $0x3  }
0x98: {  	_ =	strace s17  }
0x99: {  	s3 =	sld [smem:$0x3FFC];
	_ =	sdelay $0x3  }
0x9a: {  	_ =	strace s3  }
0x9b: {  	s3 =	sld [smem:$0x3FFD];
	_ =	sdelay $0x3  }
0x9c: {  	_ =	strace s3  }
0x9d: {  	_ =	strace $0x8FFFFFFF  }
0x9e: {  	s18 =	sld [smem:$0x3FDB];
	_ =	sdelay $0x1  }
0x9f: {  	s19 =	simm.s32 $_scs_section_size  }
0xa0: {  	s5 =	simm.s32 $_size__tile_overlayer_lowered;
	s6 =	simm.s32 $_tile_overlayer_lowered  }
0xa1: {  	s22 =	simm.s32 $0x1BFF;
	s21 =	sshll.u32 s6, $0x1;
	s3 =	sadd.s32 s19, s18  }
0xa2: {  	s7 =	simm.s32 $0x0;
	s20 =	sshll.u32 s5, $0x1;
	s5 =	sadd.s32 s21, s3  }
0xa3: {  	[timem:s7], [sflag:s22] =	dma.local [hbm:s5], s20  }
0xa4: {  	_ =	swait.ge [sflag:s22], s20  }
0xa5: {  	s4 =	ssub.s32 $0x0, s20;
	[sflag:s22] =	ssyncset.done $0x0  }
0xa6: {  	[sflag:s22] =	ssyncadd.s32 s4;
	_ =	sdelay $0x1  }
0xa7: {  	s23 =	simm.s32 $0x1B8B  }
0xa8: {  	_ =	swait.ge [sflag:s23], $0x1  }
0xa9: {  	[sflag:s23] =	ssyncset.done $0x0  }
0xaa: {  	s25 =	simm.s32 $0x1B8E;
	s24 =	sld [smem:$0x3FFE];
	[sflag:s23] =	ssyncadd.s32 $0xFFFFFFFF  }
0xab: {  	s26 =	simm.s32 $execute0_lowered;
	[smem:$0x3FD2] =	sst s25  }
0xac: {  	s5 =	sshll.u32 s26, $0x1;
	_ =	strace $0x80000046;
	[dreg:$0x1] =	wrdreg $0xFFFFFFFF  }
0xad: {  	s28 =	simm.s32 $_size_execute0_lowered;
	s3 =	sadd.s32 s3, s5;
	[dreg:$0x0] =	wrdreg $0x0  }
0xae: {  	s5 =	sshll.u32 s28, $0x1;
	[dreg:$0x2] =	wrdreg s3  }
0xaf: {  	[dreg:$0x3] =	wrdreg s5  }
0xb0: {  	[dreg:$0x4] =	wrdreg $0xC0  }
0xb1: {  	_ =	task [dreg:s7], $0x5FFFF  }
0xb2: {  	[dreg:$0x1] =	wrdreg $0xFFFFFFFF  }
0xb3: {  	[dreg:$0x0] =	wrdreg $0x60  }
0xb4: {  	[dreg:$0x2] =	wrdreg s16  }
0xb5: {  	[dreg:$0x3] =	wrdreg s24  }
0xb6: {  	[dreg:$0x4] =	wrdreg $0x9  }
0xb7: {  	_ =	task.clear_ibuf [dreg:s7], $0x5FFFF;
	_ =	strace $0x90000046  }
0xb8: {  	s29 =	simm.s32 $0x9;
	_ =	strace $0x80000048  }
0xb9: {  	_ =	swait.ge [sflag:s29], $0x1  }
0xba: {  	[sflag:s29] =	ssyncadd.s32 $0xFFFFFFFF  }
0xbb: {  	_ =	strace $0x90000048  }
0xbc: {  	_ =	sfence  }
0xbd: {  	s30 =	sld [smem:$0x0];
	_ =	sdelay $0x2  }
0xbe: {  	s31 =	sshll.u32 s1, $0xD;
	s1 =	sshrl.u32 s1, $0x2  }
0xbf: {  	s3 =	sand.u32 $0x4000, s31;
	s1 =	sadd.s32 s1, s30  }
0xc0: {  	s0 =	sor.u32 s3, s0;
	s1 =	sshll.u32 s1, $0x11  }
0xc1: {  	s0 =	sor.u32 s1, s0  }
0xc2: {  	s0 =	sadd.s32 $0x8F2B, s0  }
0xc3: {  	[sflag:s0] =	ssyncadd.remote.s32 $0x1  }
0xc4: {  	_ =	sfence.sel $0xFFFF  }
0xc5: {  	[dreg:$0x0] =	wrdreg $0xFFFFFFFF;
	(pc) =	sbr.abs _section_cstart, $3  }
0xc6: {  	[dreg:$0x1] =	wrdreg $0xFFFFFFFF  }
0xc7: {  	_ =	task.clear_ibuf [dreg:s7], $0x2FFFF;
	_ =	strace $0x9FFFFFFF  }
0xc8: {  	(tm) =	ssettm $0x7FFFFFFF  }
0xc9: {  	_ =	shalt  }
tec
execute0_lowered:
.L_overlay_start_1:
0x0: {  	(tag) =	ssettag $0x1  }
0x1: {  	s2 =	rddreg [dreg:$0x0]  }
0x2: {  	s4 =	rddreg [dreg:$0x1]  }
0x3: {  	s0 =	rddreg [dreg:$0x2];
	s1 =	stileid.u32  }
0x4: {  	s5 =	srdreg.scid;
	s3 =	simm.s32 $0x0;
	s6 =	smul.u32 $0x249F0, s1  }
0x5: {  	s10 =	simm.s32 $0x0;
	s5 =	sand.u32 $0x1, s5;
	s8 =	smul.u32 $0x493E0, s1  }
0x6: {  	[smem:$0x7FF] =	sst s3;
	s7 =	smul.u32 $0x124F8, s5;
	s9 =	ssub.s32 $0x2, s5  }
0x7: {  	_ =	strace $0x80000047;
	s5 =	smul.u32 $0x249F0, s5;
	s31 =	sshrl.u32 s9, $0x1  }
0x8: {  	s8 =	sadd.s32 s8, s4;
	s6 =	sadd.s32 s7, s6;
	s7 =	ssub.s32 s9, s31  }
0x9: {  	s5 =	sadd.s32 s5, s8;
	s8 =	simm.s32 $0x1388;
	s6 =	sshrl.u32 s6, $0x3  }
0xa: {  	s9 =	simm.s32 $0x1;
	s5 =	sadd.s32 $0x61600, s5;
	s6 =	sadd.s32 s6, s4  }
0xb: {  	s4 =	smax.u32 s7, $0x1;
	s7 =	simm.s32 $0x2;
	s6 =	sadd.s32 $0x18200, s6  }
.LBB2_1:
0xc: {  	s11 =	sadd.s32 $0x0, s6  }
0xd: {  	[tilespmem:s3], [sflag:$0x2] =	stream.linear.gather [hbm4b:s11+s3], $0x1388, $0x38;
	[tilespmem:$0x14C08] =	vst v63  }
0xe: {  	_ =	swait.ge [sflag:s7], $0x1388  }
0xf: {  	[sflag:s7] =	ssyncset.done $0x0  }
0x10: {  	[sflag:s7] =	ssyncadd.s32 $0xFFFFEC78  }
0x11: {  	[tilespmem:s8], [sflag:$0x1] =	stream.indirect.gather [hbm4b:s2+s8], $0x10, s3, s8, $0xb8;
	[tilespmem:$0x14C08] =	vst v63  }
0x12: {  	_ =	swait.ge [sflag:s9], $0x13880  }
0x13: {  	[sflag:s9] =	ssyncset.done $0x0  }
0x14: {  	[sflag:s9] =	ssyncadd.s32 $0xFFFEC780  }
0x15: {  	[hbm4b:s5+s3] =	stream.linear.scatter [tilespmem:s8], [sflag:$0x2], $0x13880, $0x38;
	[tilespmem:$0x14C08] =	vst v63  }
0x16: {  	s12 =	simm.s32 $0x271;
	_ =	swait.ge [sflag:s7], $0x13880  }
0x17: {  	s13 =	simm.s32 $0x4E2;
	s11 =	sadd.s32 $0x2710, s5;
	[sflag:s7] =	ssyncset.done $0x0  }
.LBB2_2:
0x18: {  	s14 =	sadd.s32 s12, s6  }
0x19: {  	[sflag:s7] =	ssyncadd.s32 $0xFFFEC780;
	s12 =	smov.u32 s13;
	s15 =	sadd.s32 $0x271, s13  }
0x1a: {  	[tilespmem:s3], [sflag:$0x2] =	stream.linear.gather [hbm4b:s14+s3], $0x1388, $0x38;
	[tilespmem:$0x14C08] =	vst v63  }
0x1b: {  	p0 =	sne.s32 s13, $0x222E;
	_ =	swait.ge [sflag:s7], $0x1388  }
0x1c: {  	[sflag:s7] =	ssyncset.done $0x0  }
0x1d: {  	[sflag:s7] =	ssyncadd.s32 $0xFFFFEC78  }
0x1e: {  	[tilespmem:s8], [sflag:$0x1] =	stream.indirect.gather [hbm4b:s2+s8], $0x10, s3, s8, $0xb8;
	[tilespmem:$0x14C08] =	vst v63  }
0x1f: {  	_ =	swait.ge [sflag:s9], $0x13880  }
.Ltmp0:
0x20: {  	[sflag:s9] =	ssyncset.done $0x0;
	(pc) =	sbr.rel @p0 .LBB2_2-.Ltmp0, $4  }
0x21: {  	[sflag:s9] =	ssyncadd.s32 $0xFFFEC780  }
0x22: {  	[hbm4b:s11+s3] =	stream.linear.scatter [tilespmem:s8], [sflag:$0x2], $0x13880, $0x38;
	[tilespmem:$0x14C08] =	vst v63  }
0x23: {  	_ =	swait.ge [sflag:s7], $0x13880  }
0x24: {  	s13 =	smov.u32 s15;
	s11 =	sadd.s32 $0x2710, s11;
	[sflag:s7] =	ssyncset.done $0x0  }
0x25: {  	s12 =	sadd.s32 s12, s6;
	[sflag:s7] =	ssyncadd.s32 $0xFFFEC780  }
0x26: {  	[tilespmem:s3], [sflag:$0x2] =	stream.linear.gather [hbm4b:s12+s3], $0x1388, $0x38;
	[tilespmem:$0x14C08] =	vst v63  }
0x27: {  	_ =	swait.ge [sflag:s7], $0x1388  }
0x28: {  	[sflag:s7] =	ssyncset.done $0x0  }
0x29: {  	[sflag:s7] =	ssyncadd.s32 $0xFFFFEC78  }
0x2a: {  	[tilespmem:s8], [sflag:$0x1] =	stream.indirect.gather [hbm4b:s2+s8], $0x10, s3, s8, $0xb8;
	[tilespmem:$0x14C08] =	vst v63  }
0x2b: {  	s10 =	sadd.s32 $0x1, s10;
	_ =	swait.ge [sflag:s9], $0x13880  }
0x2c: {  	p0 =	sne.s32 s10, s4;
	[sflag:s9] =	ssyncset.done $0x0  }
.Ltmp1:
0x2d: {  	[sflag:s9] =	ssyncadd.s32 $0xFFFEC780;
	(pc) =	sbr.rel @p0 .LBB2_1-.Ltmp1, $4  }
0x2e: {  	[hbm4b:s11+s3] =	stream.linear.scatter [tilespmem:s8], [sflag:$0x2], $0x13880, $0x38;
	[tilespmem:$0x14C08] =	vst v63  }
0x2f: {  	_ =	swait.ge [sflag:s7], $0x13880  }
0x30: {  	[sflag:s7] =	ssyncset.done $0x0  }
0x31: {  	[sflag:s7] =	ssyncadd.s32 $0xFFFEC780  }
0x32: {  	_ =	sfence.sel $0x180000  }
0x33: {  	[bflag:$0x0] =	sbarrier.arrive $0xFFFF  }
0x34: {  	p0 =	sne.s32 s1, $0x0;
	_ =	strace $0x90000047  }
0x35: {  	s0 =	sadd.s32 @!p0 $0x100000, s0;
	[bflag:$0x2] =	sbarrier.arrive $0xFFFF  }
0x36: {  	[sflag:s0] =	ssyncadd.tile.s32 @!p0 $0x1;
	_ =	shalt  }
.Lfunc_end2:
_tile_overlayer_lowered:
.L_overlay_start_2:
0x37: {  	(tag) =	ssettag $0x2  }
0x38: {  	s0 =	rddreg [dreg:$0x0];
	s2 =	stileid.u32  }
0x39: {  	s1 =	rddreg [dreg:$0x1];
	p0 =	sne.s32 s2, $0x0  }
0x3a: {  	s3 =	rddreg [dreg:$0x2];
	[bflag:$0x3] =	sbarrier.arrive $0xFFFF;
	s2 =	simm.s32 @!p0 $0x1C02  }
0x3b: {  	[timem:s3], [sflag:s2] =	dma.local @!p0 [hbm:s0], s1  }
0x3c: {  	s0 =	simm.s32 @!p0 $0x2  }
0x3d: {  	_ =	swait.ge @!p0 [sflag:s0], s1  }
0x3e: {  	s1 =	ssub.s32 @!p0 $0x0, s1;
	[sflag:s0] =	ssyncset.done @!p0 $0x0  }
0x3f: {  	[sflag:s0] =	ssyncadd.s32 @!p0 s1  }
0x40: {  	[bflag:$0x3] =	sbarrier.arrive $0xFFFF  }
0x41: {  	_ =	shalt  }

// kernel: kernel.33.cloned.1.call-start
scs
__scs_entry_jumppad:
0x0: {  	(pc) =	sbr.rel $0x88, $3  }
0x1: {  	(tag) =	ssettag $0x0;
	lr =	simm.s32 $0x1  }
0x2: {  	[smem:$0x3F92] =	sst lr;
	_ =	strace $0xD0000000  }
0x3: {  	_ = 	snop  }
0x4: {  	_ = 	snop  }
0x5: {  	_ = 	snop  }
0x6: {  	_ = 	snop  }
0x7: {  	_ = 	snop  }
__scs_overlays_trampoline_lowered:
0x8: {  	[smem:$0x3FA1] =	sst s0  }
0x9: {  	[smem:$0x3FA2] =	sst s1  }
0xa: {  	[smem:$0x3FA3] =	sst s2  }
0xb: {  	[smem:$0x3FA4] =	sst s3  }
0xc: {  	[smem:$0x3FA5] =	sst s4  }
0xd: {  	[smem:$0x3FA6] =	sst s5  }
0xe: {  	[smem:$0x3FA7] =	sst s6  }
0xf: {  	[smem:$0x3FA8] =	sst s7  }
0x10: {  	[smem:$0x3FA9] =	sst s8  }
0x11: {  	[smem:$0x3FAA] =	sst s9;
	s0 =	simm.s32 @!p0 $0x0  }
0x12: {  	s1 =	sld [smem:$0x3F90];
	s0 =	simm.s32 @p0 $0x1  }
0x13: {  	[smem:$0x3FAB] =	sst s0;
	s0 =	simm.s32 @!p1 $0x0  }
0x14: {  	s2 =	sld [smem:$0x3F8F];
	s0 =	simm.s32 @p1 $0x1  }
0x15: {  	[smem:$0x3FAC] =	sst s0;
	s0 =	simm.s32 @!p2 $0x0  }
0x16: {  	s3 =	sld [smem:$0x3FDB];
	s0 =	simm.s32 @p2 $0x1  }
0x17: {  	s4 =	simm.s32 $0x1BF5;
	[smem:$0x3FAE] =	sst s0  }
0x18: {  	s0 =	sld [smem:$0x3F91];
	_ =	swait.ge [sflag:s4], $0x0  }
0x19: {  	s7 =	sld [smem:$0x3F92]  }
0x1a: {  	s8 =	sadd.s32 $0xFFFFE003, lr  }
0x1b: {  	s9 =	sadd.s32 $0xFFFFFEF7, lr;
	s5 =	simm.s32 $0xFFFFFFFF;
	p2 =	slt.u32 s8, $0xFFFFF086  }
0x1c: {  	p1 =	slt.u32 s9, $0xF7A;
	s5 =	simm.s32 @!p2 $0x0  }
0x1d: {  	s5 =	simm.s32 @p1 $0x1;
	p0 =	seq.s32 s7, s2  }
0x1e: {  	s7 =	smul.u32 @!p0 $0xF7A, s2;
	p2 =	seq.s32 @!p0 s5, $0x0  }
0x1f: {  	s9 =	smul.u32 $0xF7A, s1;
	s8 =	simm.s32 @!p0 $0x1BF5;
	p2 =	por !p2, p0  }
0x20: {  	[sflag:s8] =	ssyncset.s32 @!p0 $0xFFFFF086;
	s6 =	sadd.s32 @!p0 s3, s7;
	s7 =	simm.s32 @!p0 $0x108  }
0x21: {  	s3 =	sadd.s32 s3, s9;
	s6 =	sadd.s32 @!p0 $0x88, s6;
	s7 =	simm.s32 @p2 $0x1082  }
0x22: {  	[simem:s7], [sflag:s8] =	dma.local @!p0 [hbm:s6], $0xF7A  }
0x23: {  	s9 =	sor.u32 $0xD0000000, s2;
	s6 =	simm.s32 $0x108;
	_ =	swait.ge @!p0 [sflag:s8], $0x0  }
0x24: {  	s3 =	sadd.s32 $0x88, s3;
	s6 =	simm.s32 @!p1 $0x1082;
	[sflag:s4] =	ssyncset.s32 $0xFFFFF086  }
0x25: {  	[simem:s6], [sflag:s4] =	dma.local [hbm:s3], $0xF7A  }
0x26: {  	[smem:$0x3F92] =	sst s1;
	(tag) =	ssettag s2;
	_ =	strace s9  }
0x27: {  	s1 =	sld [smem:$0x3FA2]  }
0x28: {  	s2 =	sld [smem:$0x3FA3]  }
0x29: {  	s4 =	sld [smem:$0x3FA5]  }
0x2a: {  	p0 =	seq.s32 s5, $0x0;
	s5 =	sld [smem:$0x3FA6]  }
0x2b: {  	s6 =	sld [smem:$0x3FA7]  }
0x2c: {  	s7 =	sld [smem:$0x3FA8]  }
0x2d: {  	s3 =	simm.s32 $0x108;
	s8 =	sld [smem:$0x3FA9]  }
0x2e: {  	s3 =	simm.s32 @!p0 $0x1082;
	s9 =	sld [smem:$0x3FAA]  }
0x2f: {  	lr =	sadd.s32 s0, s3;
	s0 =	sld [smem:$0x3FA1]  }
0x30: {  	s3 =	sld [smem:$0x3FA4]  }
0x31: {  	[smem:$0x3FAD] =	sst s10  }
0x32: {  	s10 =	sld [smem:$0x3FAB];
	_ =	sdelay $0x3  }
0x33: {  	p0 =	seq.s32 s10, $0x1;
	s10 =	sld [smem:$0x3FAD];
	_ =	sdelay $0x3  }
0x34: {  	[smem:$0x3FAD] =	sst s10  }
0x35: {  	s10 =	sld [smem:$0x3FAC];
	_ =	sdelay $0x3  }
0x36: {  	p1 =	seq.s32 s10, $0x1;
	s10 =	sld [smem:$0x3FAD];
	_ =	sdelay $0x3  }
0x37: {  	[smem:$0x3FAD] =	sst s10  }
0x38: {  	s10 =	sld [smem:$0x3FAE]  }
0x39: {  	_ = 	snop;
	(pc) =	sbr.ind lr, $3  }
0x3a: {  	_ = 	snop  }
0x3b: {  	_ = 	snop  }
0x3c: {  	p2 =	seq.s32 s10, $0x1;
	s10 =	sld [smem:$0x3FAD]  }
0x3d: {  	_ =	shalt  }
0x3e: {  	_ =	shalt  }
0x3f: {  	_ =	shalt  }
0x40: {  	_ =	shalt  }
0x41: {  	_ =	shalt  }
0x42: {  	_ =	shalt  }
0x43: {  	_ =	shalt  }
0x44: {  	_ =	shalt  }
0x45: {  	_ =	shalt  }
0x46: {  	_ =	shalt  }
0x47: {  	_ =	shalt  }
0x48: {  	_ =	shalt  }
0x49: {  	_ =	shalt  }
0x4a: {  	_ =	shalt  }
0x4b: {  	_ =	shalt  }
0x4c: {  	_ =	shalt  }
0x4d: {  	_ =	shalt  }
0x4e: {  	_ =	shalt  }
0x4f: {  	_ =	shalt  }
0x50: {  	_ =	shalt  }
0x51: {  	_ =	shalt  }
0x52: {  	_ =	shalt  }
0x53: {  	_ =	shalt  }
0x54: {  	_ =	shalt  }
0x55: {  	_ =	shalt  }
0x56: {  	_ =	shalt  }
0x57: {  	_ =	shalt  }
0x58: {  	_ =	shalt  }
0x59: {  	_ =	shalt  }
0x5a: {  	_ =	shalt  }
0x5b: {  	_ =	shalt  }
0x5c: {  	_ =	shalt  }
0x5d: {  	_ =	shalt  }
0x5e: {  	_ =	shalt  }
0x5f: {  	_ =	shalt  }
0x60: {  	_ =	shalt  }
0x61: {  	_ =	shalt  }
0x62: {  	_ =	shalt  }
0x63: {  	_ =	shalt  }
0x64: {  	_ =	shalt  }
0x65: {  	_ =	shalt  }
0x66: {  	_ =	shalt  }
0x67: {  	_ =	shalt  }
0x68: {  	_ =	shalt  }
0x69: {  	_ =	shalt  }
0x6a: {  	_ =	shalt  }
0x6b: {  	_ =	shalt  }
0x6c: {  	_ =	shalt  }
0x6d: {  	_ =	shalt  }
0x6e: {  	_ =	shalt  }
0x6f: {  	_ =	shalt  }
0x70: {  	_ =	shalt  }
0x71: {  	_ =	shalt  }
0x72: {  	_ =	shalt  }
0x73: {  	_ =	shalt  }
0x74: {  	_ =	shalt  }
0x75: {  	_ =	shalt  }
0x76: {  	_ =	shalt  }
0x77: {  	_ =	shalt  }
0x78: {  	_ =	shalt  }
0x79: {  	_ =	shalt  }
0x7a: {  	_ =	shalt  }
0x7b: {  	_ =	shalt  }
0x7c: {  	_ =	shalt  }
0x7d: {  	_ =	shalt  }
0x7e: {  	_ =	shalt  }
0x7f: {  	_ =	shalt  }
0x80: {  	_ =	shalt  }
0x81: {  	_ =	shalt  }
0x82: {  	_ =	shalt  }
0x83: {  	_ =	shalt  }
0x84: {  	_ =	shalt  }
0x85: {  	_ =	shalt  }
0x86: {  	_ =	shalt  }
0x87: {  	_ =	shalt  }
.Lfunc_end0:
.L_simem_size_0:
called_computation.1_lowered:
.L_overlay_start_0:
0x88: {  	s2 =	sld [smem:$0x3FD9]  }
0x89: {  	s3 =	sld [smem:$0x3FFE];
	_ =	sdelay $0x1  }
0x8a: {  	s1 =	srdreg.scid  }
0x8b: {  	s0 =	sand.u32 $0x1, s1  }
0x8c: {  	s15 =	sshll.u32 s0, $0xA;
	s2 =	sadd.s32 s3, s2  }
0x8d: {  	s2 =	sadd.s32 s2, s15  }
0x8e: {  	[smem:$0x3FB9] =	sst s2  }
0x8f: {  	_ = 	snop  }
0x90: {  	s2 =	sld [smem:$0x3FD0];
	_ =	sdelay $0x2  }
0x91: {  	s16 =	simm.s32 $0xB;
	s4 =	simm.s32 $0x10  }
0x92: {  	[smem:s4], [sflag:s16] =	dma.local [hbm:s2], $0x1  }
0x93: {  	_ =	swait.eq [sflag:s16], $0x1  }
0x94: {  	[sflag:s16] =	ssyncset.done $0x0  }
0x95: {  	[sflag:s16] =	ssyncadd.s32 $0xFFFFFFFF  }
0x96: {  	s17 =	sld [smem:$0x12];
	(tm) =	ssettm $0x1  }
0x97: {  	s18 =	sld [smem:$0x3FFB];
	_ =	sdelay $0x3  }
0x98: {  	_ =	strace s18  }
0x99: {  	s2 =	sld [smem:$0x3FFC];
	_ =	sdelay $0x3  }
0x9a: {  	_ =	strace s2  }
0x9b: {  	s2 =	sld [smem:$0x3FFD];
	_ =	sdelay $0x3  }
0x9c: {  	_ =	strace s2  }
0x9d: {  	_ =	strace $0x8FFFFFFF  }
0x9e: {  	s19 =	sld [smem:$0x3FDB];
	_ =	sdelay $0x1  }
0x9f: {  	s20 =	simm.s32 $_scs_section_size  }
0xa0: {  	s5 =	simm.s32 $_size__tile_overlayer_lowered;
	s6 =	simm.s32 $_tile_overlayer_lowered  }
0xa1: {  	s7 =	simm.s32 $0x1BFF;
	s21 =	sshll.u32 s6, $0x1;
	s4 =	sadd.s32 s20, s19  }
0xa2: {  	s22 =	simm.s32 $0x0;
	s5 =	sshll.u32 s5, $0x1;
	s6 =	sadd.s32 s21, s4  }
0xa3: {  	[timem:s22], [sflag:s7] =	dma.local [hbm:s6], s5  }
0xa4: {  	_ =	swait.ge [sflag:s7], s5  }
0xa5: {  	s5 =	ssub.s32 $0x0, s5;
	[sflag:s7] =	ssyncset.done $0x0  }
0xa6: {  	[sflag:s7] =	ssyncadd.s32 s5;
	_ =	sdelay $0x1  }
0xa7: {  	s23 =	simm.s32 $0x1B8B  }
0xa8: {  	_ =	swait.ge [sflag:s23], $0x1  }
0xa9: {  	[sflag:s23] =	ssyncset.done $0x0  }
0xaa: {  	[sflag:s23] =	ssyncadd.s32 $0xFFFFFFFF  }
0xab: {  	s5 =	sld [smem:$0x0]  }
0xac: {  	s6 =	sand.u32 $0xFFFFFFFE, s1  }
0xad: {  	p0 =	sne.s32 s1, s6  }
0xae: {  	s6 =	sshll.u32 @p0 s6, $0xE  }
0xaf: {  	s6 =	sadd.s32 @p0 $0x11B8D, s6;
	s7 =	sshll.u32 @p0 s5, $0x11  }
0xb0: {  	s6 =	sor.u32 @p0 s7, s6  }
0xb1: {  	[sflag:s6] =	ssyncadd.remote.s32 @p0 $0x1;
	_ =	sdelay $0x1  }
0xb2: {  	s6 =	simm.s32 @p0 $0x1B8D  }
0xb3: {  	_ =	swait.eq @p0 [sflag:s6], $0x1  }
0xb4: {  	[sflag:s6] =	ssyncadd.s32 @p0 $0xFFFFFFFF  }
0xb5: {  	s7 =	sshll.u32 @!p0 s1, $0xE  }
0xb6: {  	s7 =	sor.u32 @!p0 $0x4000, s7;
	s6 =	simm.s32 @!p0 $0x1B8D  }
0xb7: {  	s5 =	sshll.u32 @!p0 s5, $0x11;
	s7 =	sadd.s32 @!p0 $0x11B8D, s7;
	_ =	swait.eq @!p0 [sflag:s6], $0x1  }
0xb8: {  	s5 =	sor.u32 @!p0 s5, s7;
	[sflag:s6] =	ssyncadd.s32 @!p0 $0xFFFFFFFF  }
0xb9: {  	s25 =	simm.s32 $0x1B8E;
	s24 =	sld [smem:$0x3FFE];
	[sflag:s5] =	ssyncadd.remote.s32 @!p0 $0x1  }
0xba: {  	s26 =	simm.s32 $execute0_lowered;
	[smem:$0x3FD2] =	sst s25  }
0xbb: {  	s6 =	sshll.u32 s26, $0x1;
	_ =	strace $0x80000049;
	[dreg:$0x1] =	wrdreg $0xFFFFFFFF  }
0xbc: {  	s28 =	simm.s32 $_size_execute0_lowered;
	s4 =	sadd.s32 s4, s6;
	[dreg:$0x0] =	wrdreg $0x0  }
0xbd: {  	s6 =	sshll.u32 s28, $0x1;
	[dreg:$0x2] =	wrdreg s4  }
0xbe: {  	[dreg:$0x3] =	wrdreg s6  }
0xbf: {  	[dreg:$0x4] =	wrdreg $0xC0  }
0xc0: {  	_ =	task [dreg:s22], $0x5FFFF  }
0xc1: {  	[dreg:$0x1] =	wrdreg $0xFFFFFFFF  }
0xc2: {  	[dreg:$0x0] =	wrdreg $0x60  }
0xc3: {  	[dreg:$0x2] =	wrdreg s17  }
0xc4: {  	[dreg:$0x3] =	wrdreg s24  }
0xc5: {  	[dreg:$0x4] =	wrdreg $0xA  }
0xc6: {  	_ =	task.clear_ibuf [dreg:s22], $0x5FFFF;
	_ =	strace $0x90000049  }
0xc7: {  	s29 =	simm.s32 $0xA;
	_ =	strace $0x8000004B  }
0xc8: {  	_ =	swait.ge [sflag:s29], $0x1  }
0xc9: {  	[sflag:s29] =	ssyncadd.s32 $0xFFFFFFFF  }
0xca: {  	_ =	strace $0x9000004B  }
0xcb: {  	_ =	sfence  }
0xcc: {  	s30 =	sld [smem:$0x0];
	_ =	sdelay $0x2  }
0xcd: {  	s31 =	sshll.u32 s1, $0xD;
	s1 =	sshrl.u32 s1, $0x2  }
0xce: {  	s4 =	sand.u32 $0x4000, s31;
	s1 =	sadd.s32 s1, s30  }
0xcf: {  	s0 =	sor.u32 s4, s0;
	s1 =	sshll.u32 s1, $0x11  }
0xd0: {  	s0 =	sor.u32 s1, s0  }
0xd1: {  	s0 =	sadd.s32 $0x8F2B, s0  }
0xd2: {  	[sflag:s0] =	ssyncadd.remote.s32 $0x1  }
0xd3: {  	_ =	sfence.sel $0xFFFF  }
0xd4: {  	[dreg:$0x0] =	wrdreg $0xFFFFFFFF;
	(pc) =	sbr.abs _section_cstart, $3  }
0xd5: {  	[dreg:$0x1] =	wrdreg $0xFFFFFFFF  }
0xd6: {  	_ =	task.clear_ibuf [dreg:s22], $0x2FFFF;
	_ =	strace $0x9FFFFFFF  }
0xd7: {  	(tm) =	ssettm $0x7FFFFFFF  }
tec
execute0_lowered:
.L_overlay_start_1:
0x0: {  	(tag) =	ssettag $0x1  }
0x1: {  	s2 =	rddreg [dreg:$0x0]  }
0x2: {  	s4 =	rddreg [dreg:$0x1]  }
0x3: {  	s0 =	rddreg [dreg:$0x2];
	s1 =	stileid.u32  }
0x4: {  	s5 =	srdreg.scid;
	s3 =	simm.s32 $0x0;
	s6 =	smul.u32 $0x249F0, s1  }
0x5: {  	s10 =	simm.s32 $0x0;
	s5 =	sand.u32 $0x1, s5;
	s8 =	smul.u32 $0x493E0, s1  }
0x6: {  	[smem:$0x7FF] =	sst s3;
	s7 =	smul.u32 $0x124F8, s5;
	s9 =	ssub.s32 $0x2, s5  }
0x7: {  	_ =	strace $0x8000004A;
	s5 =	smul.u32 $0x249F0, s5;
	s31 =	sshrl.u32 s9, $0x1  }
0x8: {  	s8 =	sadd.s32 s8, s4;
	s6 =	sadd.s32 s7, s6;
	s7 =	ssub.s32 s9, s31  }
0x9: {  	s5 =	sadd.s32 s5, s8;
	s8 =	simm.s32 $0x1388;
	s6 =	sshrl.u32 s6, $0x3  }
0xa: {  	s9 =	simm.s32 $0x1;
	s5 =	sadd.s32 $0x4F5400, s5;
	s6 =	sadd.s32 s6, s4  }
0xb: {  	s4 =	smax.u32 s7, $0x1;
	s7 =	simm.s32 $0x2;
	s6 =	sadd.s32 $0x18200, s6  }
.LBB2_1:
0xc: {  	s11 =	sadd.s32 $0x0, s6  }
0xd: {  	[tilespmem:s3], [sflag:$0x2] =	stream.linear.gather [hbm4b:s11+s3], $0x1388, $0x38;
	[tilespmem:$0x14C08] =	vst v63  }
0xe: {  	_ =	swait.ge [sflag:s7], $0x1388  }
0xf: {  	[sflag:s7] =	ssyncset.done $0x0  }
0x10: {  	[sflag:s7] =	ssyncadd.s32 $0xFFFFEC78  }
0x11: {  	[tilespmem:s8], [sflag:$0x1] =	stream.indirect.gather [hbm4b:s2+s8], $0x10, s3, s8, $0xb8;
	[tilespmem:$0x14C08] =	vst v63  }
0x12: {  	_ =	swait.ge [sflag:s9], $0x13880  }
0x13: {  	[sflag:s9] =	ssyncset.done $0x0  }
0x14: {  	[sflag:s9] =	ssyncadd.s32 $0xFFFEC780  }
0x15: {  	[hbm4b:s5+s3] =	stream.linear.scatter [tilespmem:s8], [sflag:$0x2], $0x13880, $0x38;
	[tilespmem:$0x14C08] =	vst v63  }
0x16: {  	s12 =	simm.s32 $0x271;
	_ =	swait.ge [sflag:s7], $0x13880  }
0x17: {  	s13 =	simm.s32 $0x4E2;
	s11 =	sadd.s32 $0x2710, s5;
	[sflag:s7] =	ssyncset.done $0x0  }
.LBB2_2:
0x18: {  	s14 =	sadd.s32 s12, s6  }
0x19: {  	[sflag:s7] =	ssyncadd.s32 $0xFFFEC780;
	s12 =	smov.u32 s13;
	s15 =	sadd.s32 $0x271, s13  }
0x1a: {  	[tilespmem:s3], [sflag:$0x2] =	stream.linear.gather [hbm4b:s14+s3], $0x1388, $0x38;
	[tilespmem:$0x14C08] =	vst v63  }
0x1b: {  	p0 =	sne.s32 s13, $0x222E;
	_ =	swait.ge [sflag:s7], $0x1388  }
0x1c: {  	[sflag:s7] =	ssyncset.done $0x0  }
0x1d: {  	[sflag:s7] =	ssyncadd.s32 $0xFFFFEC78  }
0x1e: {  	[tilespmem:s8], [sflag:$0x1] =	stream.indirect.gather [hbm4b:s2+s8], $0x10, s3, s8, $0xb8;
	[tilespmem:$0x14C08] =	vst v63  }
0x1f: {  	_ =	swait.ge [sflag:s9], $0x13880  }
.Ltmp0:
0x20: {  	[sflag:s9] =	ssyncset.done $0x0;
	(pc) =	sbr.rel @p0 .LBB2_2-.Ltmp0, $4  }
0x21: {  	[sflag:s9] =	ssyncadd.s32 $0xFFFEC780  }
0x22: {  	[hbm4b:s11+s3] =	stream.linear.scatter [tilespmem:s8], [sflag:$0x2], $0x13880, $0x38;
	[tilespmem:$0x14C08] =	vst v63  }
0x23: {  	_ =	swait.ge [sflag:s7], $0x13880  }
0x24: {  	s13 =	smov.u32 s15;
	s11 =	sadd.s32 $0x2710, s11;
	[sflag:s7] =	ssyncset.done $0x0  }
0x25: {  	s12 =	sadd.s32 s12, s6;
	[sflag:s7] =	ssyncadd.s32 $0xFFFEC780  }
0x26: {  	[tilespmem:s3], [sflag:$0x2] =	stream.linear.gather [hbm4b:s12+s3], $0x1388, $0x38;
	[tilespmem:$0x14C08] =	vst v63  }
0x27: {  	_ =	swait.ge [sflag:s7], $0x1388  }
0x28: {  	[sflag:s7] =	ssyncset.done $0x0  }
0x29: {  	[sflag:s7] =	ssyncadd.s32 $0xFFFFEC78  }
0x2a: {  	[tilespmem:s8], [sflag:$0x1] =	stream.indirect.gather [hbm4b:s2+s8], $0x10, s3, s8, $0xb8;
	[tilespmem:$0x14C08] =	vst v63  }
0x2b: {  	s10 =	sadd.s32 $0x1, s10;
	_ =	swait.ge [sflag:s9], $0x13880  }
0x2c: {  	p0 =	sne.s32 s10, s4;
	[sflag:s9] =	ssyncset.done $0x0  }
.Ltmp1:
0x2d: {  	[sflag:s9] =	ssyncadd.s32 $0xFFFEC780;
	(pc) =	sbr.rel @p0 .LBB2_1-.Ltmp1, $4  }
0x2e: {  	[hbm4b:s11+s3] =	stream.linear.scatter [tilespmem:s8], [sflag:$0x2], $0x13880, $0x38;
	[tilespmem:$0x14C08] =	vst v63  }
0x2f: {  	_ =	swait.ge [sflag:s7], $0x13880  }
0x30: {  	[sflag:s7] =	ssyncset.done $0x0  }
0x31: {  	[sflag:s7] =	ssyncadd.s32 $0xFFFEC780  }
0x32: {  	_ =	sfence.sel $0x180000  }
0x33: {  	[bflag:$0x0] =	sbarrier.arrive $0xFFFF  }
0x34: {  	p0 =	sne.s32 s1, $0x0;
	_ =	strace $0x9000004A  }
0x35: {  	s0 =	sadd.s32 @!p0 $0x100000, s0;
	[bflag:$0x2] =	sbarrier.arrive $0xFFFF  }
0x36: {  	[sflag:s0] =	ssyncadd.tile.s32 @!p0 $0x1;
	_ =	shalt  }
.Lfunc_end2:
_tile_overlayer_lowered:
.L_overlay_start_2:
0x37: {  	(tag) =	ssettag $0x2  }
0x38: {  	s0 =	rddreg [dreg:$0x0];
	s2 =	stileid.u32  }
0x39: {  	s1 =	rddreg [dreg:$0x1];
	p0 =	sne.s32 s2, $0x0  }
0x3a: {  	s3 =	rddreg [dreg:$0x2];
	[bflag:$0x3] =	sbarrier.arrive $0xFFFF;
	s2 =	simm.s32 @!p0 $0x1C02  }
0x3b: {  	[timem:s3], [sflag:s2] =	dma.local @!p0 [hbm:s0], s1  }
0x3c: {  	s0 =	simm.s32 @!p0 $0x2  }
0x3d: {  	_ =	swait.ge @!p0 [sflag:s0], s1  }
0x3e: {  	s1 =	ssub.s32 @!p0 $0x0, s1;
	[sflag:s0] =	ssyncset.done @!p0 $0x0  }
0x3f: {  	[sflag:s0] =	ssyncadd.s32 @!p0 s1  }
0x40: {  	[bflag:$0x3] =	sbarrier.arrive $0xFFFF  }
0x41: {  	_ =	shalt  }

// kernel: kernel.36.cloned.1.call-start
scs
__scs_entry_jumppad:
0x0: {  	(pc) =	sbr.rel $0x88, $3  }
0x1: {  	(tag) =	ssettag $0x0;
	lr =	simm.s32 $0x1  }
0x2: {  	[smem:$0x3F92] =	sst lr;
	_ =	strace $0xD0000000  }
0x3: {  	_ = 	snop  }
0x4: {  	_ = 	snop  }
0x5: {  	_ = 	snop  }
0x6: {  	_ = 	snop  }
0x7: {  	_ = 	snop  }
__scs_overlays_trampoline_lowered:
0x8: {  	[smem:$0x3FA1] =	sst s0  }
0x9: {  	[smem:$0x3FA2] =	sst s1  }
0xa: {  	[smem:$0x3FA3] =	sst s2  }
0xb: {  	[smem:$0x3FA4] =	sst s3  }
0xc: {  	[smem:$0x3FA5] =	sst s4  }
0xd: {  	[smem:$0x3FA6] =	sst s5  }
0xe: {  	[smem:$0x3FA7] =	sst s6  }
0xf: {  	[smem:$0x3FA8] =	sst s7  }
0x10: {  	[smem:$0x3FA9] =	sst s8  }
0x11: {  	[smem:$0x3FAA] =	sst s9;
	s0 =	simm.s32 @!p0 $0x0  }
0x12: {  	s1 =	sld [smem:$0x3F90];
	s0 =	simm.s32 @p0 $0x1  }
0x13: {  	[smem:$0x3FAB] =	sst s0;
	s0 =	simm.s32 @!p1 $0x0  }
0x14: {  	s2 =	sld [smem:$0x3F8F];
	s0 =	simm.s32 @p1 $0x1  }
0x15: {  	[smem:$0x3FAC] =	sst s0;
	s0 =	simm.s32 @!p2 $0x0  }
0x16: {  	s3 =	sld [smem:$0x3FDB];
	s0 =	simm.s32 @p2 $0x1  }
0x17: {  	s4 =	simm.s32 $0x1BF5;
	[smem:$0x3FAE] =	sst s0  }
0x18: {  	s0 =	sld [smem:$0x3F91];
	_ =	swait.ge [sflag:s4], $0x0  }
0x19: {  	s7 =	sld [smem:$0x3F92]  }
0x1a: {  	s8 =	sadd.s32 $0xFFFFE003, lr  }
0x1b: {  	s9 =	sadd.s32 $0xFFFFFEF7, lr;
	s5 =	simm.s32 $0xFFFFFFFF;
	p2 =	slt.u32 s8, $0xFFFFF086  }
0x1c: {  	p1 =	slt.u32 s9, $0xF7A;
	s5 =	simm.s32 @!p2 $0x0  }
0x1d: {  	s5 =	simm.s32 @p1 $0x1;
	p0 =	seq.s32 s7, s2  }
0x1e: {  	s7 =	smul.u32 @!p0 $0xF7A, s2;
	p2 =	seq.s32 @!p0 s5, $0x0  }
0x1f: {  	s9 =	smul.u32 $0xF7A, s1;
	s8 =	simm.s32 @!p0 $0x1BF5;
	p2 =	por !p2, p0  }
0x20: {  	[sflag:s8] =	ssyncset.s32 @!p0 $0xFFFFF086;
	s6 =	sadd.s32 @!p0 s3, s7;
	s7 =	simm.s32 @!p0 $0x108  }
0x21: {  	s3 =	sadd.s32 s3, s9;
	s6 =	sadd.s32 @!p0 $0x88, s6;
	s7 =	simm.s32 @p2 $0x1082  }
0x22: {  	[simem:s7], [sflag:s8] =	dma.local @!p0 [hbm:s6], $0xF7A  }
0x23: {  	s9 =	sor.u32 $0xD0000000, s2;
	s6 =	simm.s32 $0x108;
	_ =	swait.ge @!p0 [sflag:s8], $0x0  }
0x24: {  	s3 =	sadd.s32 $0x88, s3;
	s6 =	simm.s32 @!p1 $0x1082;
	[sflag:s4] =	ssyncset.s32 $0xFFFFF086  }
0x25: {  	[simem:s6], [sflag:s4] =	dma.local [hbm:s3], $0xF7A  }
0x26: {  	[smem:$0x3F92] =	sst s1;
	(tag) =	ssettag s2;
	_ =	strace s9  }
0x27: {  	s1 =	sld [smem:$0x3FA2]  }
0x28: {  	s2 =	sld [smem:$0x3FA3]  }
0x29: {  	s4 =	sld [smem:$0x3FA5]  }
0x2a: {  	p0 =	seq.s32 s5, $0x0;
	s5 =	sld [smem:$0x3FA6]  }
0x2b: {  	s6 =	sld [smem:$0x3FA7]  }
0x2c: {  	s7 =	sld [smem:$0x3FA8]  }
0x2d: {  	s3 =	simm.s32 $0x108;
	s8 =	sld [smem:$0x3FA9]  }
0x2e: {  	s3 =	simm.s32 @!p0 $0x1082;
	s9 =	sld [smem:$0x3FAA]  }
0x2f: {  	lr =	sadd.s32 s0, s3;
	s0 =	sld [smem:$0x3FA1]  }
0x30: {  	s3 =	sld [smem:$0x3FA4]  }
0x31: {  	[smem:$0x3FAD] =	sst s10  }
0x32: {  	s10 =	sld [smem:$0x3FAB];
	_ =	sdelay $0x3  }
0x33: {  	p0 =	seq.s32 s10, $0x1;
	s10 =	sld [smem:$0x3FAD];
	_ =	sdelay $0x3  }
0x34: {  	[smem:$0x3FAD] =	sst s10  }
0x35: {  	s10 =	sld [smem:$0x3FAC];
	_ =	sdelay $0x3  }
0x36: {  	p1 =	seq.s32 s10, $0x1;
	s10 =	sld [smem:$0x3FAD];
	_ =	sdelay $0x3  }
0x37: {  	[smem:$0x3FAD] =	sst s10  }
0x38: {  	s10 =	sld [smem:$0x3FAE]  }
0x39: {  	_ = 	snop;
	(pc) =	sbr.ind lr, $3  }
0x3a: {  	_ = 	snop  }
0x3b: {  	_ = 	snop  }
0x3c: {  	p2 =	seq.s32 s10, $0x1;
	s10 =	sld [smem:$0x3FAD]  }
0x3d: {  	_ =	shalt  }
0x3e: {  	_ =	shalt  }
0x3f: {  	_ =	shalt  }
0x40: {  	_ =	shalt  }
0x41: {  	_ =	shalt  }
0x42: {  	_ =	shalt  }
0x43: {  	_ =	shalt  }
0x44: {  	_ =	shalt  }
0x45: {  	_ =	shalt  }
0x46: {  	_ =	shalt  }
0x47: {  	_ =	shalt  }
0x48: {  	_ =	shalt  }
0x49: {  	_ =	shalt  }
0x4a: {  	_ =	shalt  }
0x4b: {  	_ =	shalt  }
0x4c: {  	_ =	shalt  }
0x4d: {  	_ =	shalt  }
0x4e: {  	_ =	shalt  }
0x4f: {  	_ =	shalt  }
0x50: {  	_ =	shalt  }
0x51: {  	_ =	shalt  }
0x52: {  	_ =	shalt  }
0x53: {  	_ =	shalt  }
0x54: {  	_ =	shalt  }
0x55: {  	_ =	shalt  }
0x56: {  	_ =	shalt  }
0x57: {  	_ =	shalt  }
0x58: {  	_ =	shalt  }
0x59: {  	_ =	shalt  }
0x5a: {  	_ =	shalt  }
0x5b: {  	_ =	shalt  }
0x5c: {  	_ =	shalt  }
0x5d: {  	_ =	shalt  }
0x5e: {  	_ =	shalt  }
0x5f: {  	_ =	shalt  }
0x60: {  	_ =	shalt  }
0x61: {  	_ =	shalt  }
0x62: {  	_ =	shalt  }
0x63: {  	_ =	shalt  }
0x64: {  	_ =	shalt  }
0x65: {  	_ =	shalt  }
0x66: {  	_ =	shalt  }
0x67: {  	_ =	shalt  }
0x68: {  	_ =	shalt  }
0x69: {  	_ =	shalt  }
0x6a: {  	_ =	shalt  }
0x6b: {  	_ =	shalt  }
0x6c: {  	_ =	shalt  }
0x6d: {  	_ =	shalt  }
0x6e: {  	_ =	shalt  }
0x6f: {  	_ =	shalt  }
0x70: {  	_ =	shalt  }
0x71: {  	_ =	shalt  }
0x72: {  	_ =	shalt  }
0x73: {  	_ =	shalt  }
0x74: {  	_ =	shalt  }
0x75: {  	_ =	shalt  }
0x76: {  	_ =	shalt  }
0x77: {  	_ =	shalt  }
0x78: {  	_ =	shalt  }
0x79: {  	_ =	shalt  }
0x7a: {  	_ =	shalt  }
0x7b: {  	_ =	shalt  }
0x7c: {  	_ =	shalt  }
0x7d: {  	_ =	shalt  }
0x7e: {  	_ =	shalt  }
0x7f: {  	_ =	shalt  }
0x80: {  	_ =	shalt  }
0x81: {  	_ =	shalt  }
0x82: {  	_ =	shalt  }
0x83: {  	_ =	shalt  }
0x84: {  	_ =	shalt  }
0x85: {  	_ =	shalt  }
0x86: {  	_ =	shalt  }
0x87: {  	_ =	shalt  }
.Lfunc_end0:
.L_simem_size_0:
called_computation.2_lowered:
.L_overlay_start_0:
0x88: {  	s2 =	sld [smem:$0x3FD9]  }
0x89: {  	s3 =	sld [smem:$0x3FFE];
	_ =	sdelay $0x1  }
0x8a: {  	s1 =	srdreg.scid  }
0x8b: {  	s0 =	sand.u32 $0x1, s1  }
0x8c: {  	s14 =	sshll.u32 s0, $0xA;
	s2 =	sadd.s32 s3, s2  }
0x8d: {  	s2 =	sadd.s32 s2, s14  }
0x8e: {  	[smem:$0x3FB9] =	sst s2  }
0x8f: {  	_ = 	snop  }
0x90: {  	s2 =	sld [smem:$0x3FD0];
	_ =	sdelay $0x2  }
0x91: {  	s15 =	simm.s32 $0xB;
	s4 =	simm.s32 $0x10  }
0x92: {  	[smem:s4], [sflag:s15] =	dma.local [hbm:s2], $0x1  }
0x93: {  	_ =	swait.eq [sflag:s15], $0x1  }
0x94: {  	[sflag:s15] =	ssyncset.done $0x0  }
0x95: {  	[sflag:s15] =	ssyncadd.s32 $0xFFFFFFFF  }
0x96: {  	s16 =	sld [smem:$0x12];
	(tm) =	ssettm $0x1  }
0x97: {  	s17 =	sld [smem:$0x3FFB];
	_ =	sdelay $0x3  }
0x98: {  	_ =	strace s17  }
0x99: {  	s3 =	sld [smem:$0x3FFC];
	_ =	sdelay $0x3  }
0x9a: {  	_ =	strace s3  }
0x9b: {  	s3 =	sld [smem:$0x3FFD];
	_ =	sdelay $0x3  }
0x9c: {  	_ =	strace s3  }
0x9d: {  	_ =	strace $0x8FFFFFFF  }
0x9e: {  	s18 =	sld [smem:$0x3FDB];
	_ =	sdelay $0x1  }
0x9f: {  	s19 =	simm.s32 $_scs_section_size  }
0xa0: {  	s5 =	simm.s32 $_size__tile_overlayer_lowered;
	s6 =	simm.s32 $_tile_overlayer_lowered  }
0xa1: {  	s22 =	simm.s32 $0x1BFF;
	s21 =	sshll.u32 s6, $0x1;
	s3 =	sadd.s32 s19, s18  }
0xa2: {  	s7 =	simm.s32 $0x0;
	s20 =	sshll.u32 s5, $0x1;
	s5 =	sadd.s32 s21, s3  }
0xa3: {  	[timem:s7], [sflag:s22] =	dma.local [hbm:s5], s20  }
0xa4: {  	_ =	swait.ge [sflag:s22], s20  }
0xa5: {  	s4 =	ssub.s32 $0x0, s20;
	[sflag:s22] =	ssyncset.done $0x0  }
0xa6: {  	[sflag:s22] =	ssyncadd.s32 s4;
	_ =	sdelay $0x1  }
0xa7: {  	s23 =	simm.s32 $0x1B8B  }
0xa8: {  	_ =	swait.ge [sflag:s23], $0x1  }
0xa9: {  	[sflag:s23] =	ssyncset.done $0x0  }
0xaa: {  	s25 =	simm.s32 $0x1B8E;
	s24 =	sld [smem:$0x3FFE];
	[sflag:s23] =	ssyncadd.s32 $0xFFFFFFFF  }
0xab: {  	s26 =	simm.s32 $execute0_lowered;
	[smem:$0x3FD2] =	sst s25  }
0xac: {  	s5 =	sshll.u32 s26, $0x1;
	_ =	strace $0x8000004C;
	[dreg:$0x1] =	wrdreg $0xFFFFFFFF  }
0xad: {  	s28 =	simm.s32 $_size_execute0_lowered;
	s3 =	sadd.s32 s3, s5;
	[dreg:$0x0] =	wrdreg $0x0  }
0xae: {  	s5 =	sshll.u32 s28, $0x1;
	[dreg:$0x2] =	wrdreg s3  }
0xaf: {  	[dreg:$0x3] =	wrdreg s5  }
0xb0: {  	[dreg:$0x4] =	wrdreg $0xC0  }
0xb1: {  	_ =	task [dreg:s7], $0x5FFFF  }
0xb2: {  	[dreg:$0x1] =	wrdreg $0xFFFFFFFF  }
0xb3: {  	[dreg:$0x0] =	wrdreg $0x60  }
0xb4: {  	[dreg:$0x2] =	wrdreg s24  }
0xb5: {  	[dreg:$0x3] =	wrdreg s16  }
0xb6: {  	[dreg:$0x4] =	wrdreg $0x44000  }
0xb7: {  	[dreg:$0x5] =	wrdreg $0x9  }
0xb8: {  	_ =	task.clear_ibuf [dreg:s7], $0x6FFFF;
	_ =	strace $0x9000004C  }
0xb9: {  	s29 =	simm.s32 $0x9;
	_ =	strace $0x8000004E  }
0xba: {  	_ =	swait.ge [sflag:s29], $0x1  }
0xbb: {  	[sflag:s29] =	ssyncadd.s32 $0xFFFFFFFF  }
0xbc: {  	_ =	strace $0x9000004E  }
0xbd: {  	_ =	sfence  }
0xbe: {  	s30 =	sld [smem:$0x0];
	_ =	sdelay $0x2  }
0xbf: {  	s31 =	sshll.u32 s1, $0xD;
	s1 =	sshrl.u32 s1, $0x2  }
0xc0: {  	s3 =	sand.u32 $0x4000, s31;
	s1 =	sadd.s32 s1, s30  }
0xc1: {  	s0 =	sor.u32 s3, s0;
	s1 =	sshll.u32 s1, $0x11  }
0xc2: {  	s0 =	sor.u32 s1, s0  }
0xc3: {  	s0 =	sadd.s32 $0x8F2B, s0  }
0xc4: {  	[sflag:s0] =	ssyncadd.remote.s32 $0x1  }
0xc5: {  	_ =	sfence.sel $0xFFFF  }
0xc6: {  	[dreg:$0x0] =	wrdreg $0xFFFFFFFF;
	(pc) =	sbr.abs _section_cstart, $3  }
0xc7: {  	[dreg:$0x1] =	wrdreg $0xFFFFFFFF  }
0xc8: {  	_ =	task.clear_ibuf [dreg:s7], $0x2FFFF;
	_ =	strace $0x9FFFFFFF  }
0xc9: {  	(tm) =	ssettm $0x7FFFFFFF  }
tec
execute0_lowered:
.L_overlay_start_1:
0x0: {  	(tag) =	ssettag $0x1  }
0x1: {  	s0 =	rddreg [dreg:$0x0]  }
0x2: {  	s1 =	rddreg [dreg:$0x1]  }
0x3: {  	s14 =	stileid.u32;
	s3 =	srdreg.scid  }
0x4: {  	s2 =	rddreg [dreg:$0x2];
	s15 =	simm.s32 $0x1;
	s28 =	simm.s32 $0x300  }
0x5: {  	s29 =	simm.s32 $0x3400;
	s30 =	simm.s32 $0x380;
	s31 =	simm.s32 $0x3C00  }
0x6: {  	s5 =	sand.u32 $0x1, s3;
	s4 =	smul.u32 $0xC380, s14;
	s3 =	simm.s32 $0x0  }
0x7: {  	s7 =	sshll.u32 s14, $0xC;
	s9 =	sshll.u32 s14, $0x8;
	s13 =	sshll.u32 s14, $0x1  }
0x8: {  	s18 =	sshll.u32 s14, $0x6;
	s6 =	smul.u32 $0xC3800, s5;
	[smem:$0x7FF] =	sst s3  }
0x9: {  	s8 =	sadd.s32 s7, s0;
	s16 =	ssub.s32 $0x2, s5;
	s10 =	sadd.s32 s9, s0  }
0xa: {  	s7 =	sadd.s32 $0x1E7E00, s0;
	s23 =	sshll.u32 s5, $0x7;
	s25 =	sshll.u32 s5, $0xB  }
0xb: {  	s5 =	sor.u32 s5, s13;
	_ =	strace $0x8000004D;
	s17 =	sshrl.u32 s16, $0x1  }
0xc: {  	s19 =	sadd.s32 s4, s2;
	s20 =	sshrl.u32 s4, $0x3;
	s24 =	sor.u32 s9, s23  }
0xd: {  	s26 =	sadd.s32 s25, s8;
	s25 =	simm.s32 $0x280;
	s6 =	sadd.s32 s4, s6  }
0xe: {  	s12 =	ssub.s32 s16, s17;
	s4 =	sor.u32 $0x1C01, s18;
	s1 =	sadd.s32 s1, s20  }
0xf: {  	s14 =	sshrl.u32 s19, $0x3;
	s16 =	simm.s32 $0x400;
	s17 =	simm.s32 $0x80  }
0x10: {  	s18 =	simm.s32 $0xC00;
	s19 =	simm.s32 $0x100;
	s20 =	simm.s32 $0x1400  }
0x11: {  	s6 =	sshrl.u32 s6, $0x3;
	[dreg:$0x4] =	wrdreg s1;
	s22 =	smax.u32 s12, $0x1  }
0x12: {  	s1 =	simm.s32 $0x2;
	s11 =	sadd.s32 s6, s0;
	s6 =	sadd.s32 $0x9CF680, s0  }
.Ltmp0:
0x13: {  	[dreg:$0x6] =	wrdreg s22;
	s0 =	sadd.s32 s23, s10;
	(pc) =	sbr.rel .LBB2_1-.Ltmp0, $4  }
0x14: {  	s10 =	sadd.s32 $0xFFFE7980, s24;
	s22 =	simm.s32 $0x1C00;
	s23 =	simm.s32 $0x200  }
0x15: {  	s24 =	simm.s32 $0x2400;
	s21 =	sadd.s32 $0x9CF800, s11;
	s11 =	sadd.s32 $0x9B7000, s0  }
0x16: {  	s0 =	sadd.s32 $0x61600, s26;
	s26 =	simm.s32 $0x2C00;
	[dreg:$0x5] =	wrdreg s21  }
0x17: {  	[dreg:$0x7] =	wrdreg s0;
	s21 =	simm.s32 $0x180;
	s0 =	simm.s32 $0x0  }
.LBB2_8:
0x18: {  	[bflag:$0x0] =	sbarrier.arrive $0xFFFF  }
0x19: {  	s8 =	rddreg [dreg:$0x5]  }
0x1a: {  	[hbm:s8], [sflag:s4] =	dma.local [spmem:s14], $0x1870  }
0x1b: {  	_ =	swait.ge [sflag:s15], $0x1870  }
0x1c: {  	s0 =	sadd.s32 $0x1, s0;
	s13 =	rddreg [dreg:$0x6]  }
0x1d: {  	p0 =	sne.s32 s0, s13  }
.Ltmp1:
0x1e: {  	_ = 	snop;
	(pc) =	sbr.rel @!p0 .LBB2_9-.Ltmp1, $3  }
0x1f: {  	_ =	sdelay $0x1  }
0x20: {  	[sflag:s15] =	ssyncset.done $0x0  }
0x21: {  	[sflag:s15] =	ssyncadd.s32 $0xFFFFE790  }
.LBB2_1:
0x22: {  	s8 =	rddreg [dreg:$0x4]  }
0x23: {  	[spmem:s14], [sflag:s4] =	dma.local [hbm:s8], $0x1870  }
.Ltmp2:
0x24: {  	_ =	swait.ge [sflag:s15], $0x1870;
	(pc) =	sbr.rel .LBB2_2-.Ltmp2, $4  }
0x25: {  	[sflag:s15] =	ssyncset.done $0x0  }
0x26: {  	[sflag:s15] =	ssyncadd.s32 $0xFFFFE790  }
0x27: {  	[bflag:$0x0] =	sbarrier.arrive $0xFFFF  }
0x28: {  	s13 =	smov.u32 s5;
	s9 =	simm.s32 $0x0;
	s12 =	rddreg [dreg:$0x7]  }
.LBB2_3:
0x29: {  	s8 =	sadd.s32 s9, s11  }
0x2a: {  	[tilespmem:s3], [sflag:$0x2] =	stream.linear.gather [hbm4b:s8+s3], $0x400, $0x38;
	[tilespmem:$0x10780] =	vst v63  }
0x2b: {  	s8 =	simm.s32 $0x2  }
0x2c: {  	_ =	swait.ge [sflag:s8], $0x400  }
0x2d: {  	[sflag:s8] =	ssyncset.done $0x0  }
0x2e: {  	[sflag:s8] =	ssyncadd.s32 $0xFFFFFC00  }
0x2f: {  	[tilespmem:s16], [sflag:$0x2] =	stream.linear.gather [hbm4b:s12+s3], $0x4000, $0x38;
	[tilespmem:$0x10780] =	vst v63  }
0x30: {  	_ =	swait.ge [sflag:s8], $0x4000  }
0x31: {  	[sflag:s8] =	ssyncset.done $0x0  }
0x32: {  	[sflag:s8] =	ssyncadd.s32 $0xFFFFC000  }
0x33: {  	[spmem:s2] =	stream.indirect.scatter.add.f32 [tilespmem:s16], [sflag:$0x2], $0x10, s3, s17, $0xb8;
	[tilespmem:$0x10780] =	vst v63  }
0x34: {  	_ =	swait.ge [sflag:s8], $0x800  }
0x35: {  	[sflag:s8] =	ssyncset.done $0x0  }
0x36: {  	[sflag:s8] =	ssyncadd.s32 $0xFFFFF800  }
0x37: {  	[spmem:s2] =	stream.indirect.scatter.add.f32 [tilespmem:s18], [sflag:$0x2], $0x10, s17, s17, $0xb8;
	[tilespmem:$0x10780] =	vst v63  }
0x38: {  	_ =	swait.ge [sflag:s8], $0x800  }
0x39: {  	[sflag:s8] =	ssyncset.done $0x0  }
0x3a: {  	[sflag:s8] =	ssyncadd.s32 $0xFFFFF800  }
0x3b: {  	[spmem:s2] =	stream.indirect.scatter.add.f32 [tilespmem:s20], [sflag:$0x2], $0x10, s19, s17, $0xb8;
	[tilespmem:$0x10780] =	vst v63  }
0x3c: {  	_ =	swait.ge [sflag:s8], $0x800  }
0x3d: {  	[sflag:s8] =	ssyncset.done $0x0  }
0x3e: {  	[sflag:s8] =	ssyncadd.s32 $0xFFFFF800  }
0x3f: {  	[spmem:s2] =	stream.indirect.scatter.add.f32 [tilespmem:s22], [sflag:$0x2], $0x10, s21, s17, $0xb8;
	[tilespmem:$0x10780] =	vst v63  }
0x40: {  	_ =	swait.ge [sflag:s8], $0x800  }
0x41: {  	[sflag:s8] =	ssyncset.done $0x0  }
0x42: {  	[sflag:s8] =	ssyncadd.s32 $0xFFFFF800  }
0x43: {  	[spmem:s2] =	stream.indirect.scatter.add.f32 [tilespmem:s24], [sflag:$0x2], $0x10, s23, s17, $0xb8;
	[tilespmem:$0x10780] =	vst v63  }
0x44: {  	_ =	swait.ge [sflag:s8], $0x800  }
0x45: {  	[sflag:s8] =	ssyncset.done $0x0  }
0x46: {  	[sflag:s8] =	ssyncadd.s32 $0xFFFFF800  }
0x47: {  	[spmem:s2] =	stream.indirect.scatter.add.f32 [tilespmem:s26], [sflag:$0x2], $0x10, s25, s17, $0xb8;
	[tilespmem:$0x10780] =	vst v63  }
0x48: {  	_ =	swait.ge [sflag:s8], $0x800  }
0x49: {  	[sflag:s8] =	ssyncset.done $0x0  }
0x4a: {  	[sflag:s8] =	ssyncadd.s32 $0xFFFFF800  }
0x4b: {  	[spmem:s2] =	stream.indirect.scatter.add.f32 [tilespmem:s29], [sflag:$0x2], $0x10, s28, s17, $0xb8;
	[tilespmem:$0x10780] =	vst v63  }
0x4c: {  	_ =	swait.ge [sflag:s8], $0x800  }
0x4d: {  	[sflag:s8] =	ssyncset.done $0x0  }
0x4e: {  	[sflag:s8] =	ssyncadd.s32 $0xFFFFF800  }
0x4f: {  	[spmem:s2] =	stream.indirect.scatter.add.f32 [tilespmem:s31], [sflag:$0x2], $0x10, s30, s17, $0xb8;
	[tilespmem:$0x10780] =	vst v63  }
.LBB2_6:
0x50: {  	_ =	swait.ge [sflag:s8], $0x800  }
0x51: {  	[sflag:s8] =	ssyncset.done $0x0  }
0x52: {  	[sflag:s8] =	ssyncadd.s32 $0xFFFFF800  }
.LBB2_7:
0x53: {  	s9 =	sadd.s32 $0x1000, s9  }
0x54: {  	p0 =	sne.s32 s9, $0x19000  }
.Ltmp3:
0x55: {  	_ = 	snop;
	(pc) =	sbr.rel @!p0 .LBB2_8-.Ltmp3, $2  }
0x56: {  	_ =	sdelay $0x2  }
0x57: {  	s12 =	sadd.s32 $0x10000, s12;
	s13 =	sadd.s32 $0x20, s13  }
.LBB2_2:
0x58: {  	p0 =	sgt.u32 s13, $0x30C  }
.Ltmp4:
0x59: {  	_ = 	snop;
	(pc) =	sbr.rel @!p0 .LBB2_3-.Ltmp4, $1  }
0x5a: {  	_ =	sdelay $0x3  }
0x5b: {  	s8 =	sadd.s32 s9, s10  }
0x5c: {  	p0 =	sne.s32 s8, $0x0  }
.Ltmp5:
0x5d: {  	_ = 	snop;
	(pc) =	sbr.rel @p0 .LBB2_7-.Ltmp5, $1  }
0x5e: {  	_ =	sdelay $0x3  }
0x5f: {  	[tilespmem:s3], [sflag:$0x2] =	stream.linear.gather [hbm4b:s6+s3], $0x100, $0x38;
	[tilespmem:$0x10780] =	vst v63  }
0x60: {  	_ =	swait.ge [sflag:s1], $0x100  }
0x61: {  	[sflag:s1] =	ssyncset.done $0x0  }
0x62: {  	[sflag:s1] =	ssyncadd.s32 $0xFFFFFF00  }
0x63: {  	[tilespmem:s16], [sflag:$0x2] =	stream.linear.gather [hbm4b:s7+s3], $0x1000, $0x38;
	[tilespmem:$0x10780] =	vst v63  }
0x64: {  	_ =	swait.ge [sflag:s1], $0x1000  }
0x65: {  	[sflag:s1] =	ssyncset.done $0x0  }
0x66: {  	[sflag:s1] =	ssyncadd.s32 $0xFFFFF000  }
0x67: {  	[spmem:s2] =	stream.indirect.scatter.add.f32 [tilespmem:s16], [sflag:$0x2], $0x10, s3, s17, $0xb8;
	[tilespmem:$0x10780] =	vst v63  }
.Ltmp6:
0x68: {  	_ = 	snop;
	(pc) =	sbr.rel .LBB2_6-.Ltmp6, $4  }
0x69: {  	_ =	swait.ge [sflag:s1], $0x800  }
0x6a: {  	[sflag:s1] =	ssyncset.done $0x0  }
0x6b: {  	s8 =	simm.s32 $0x1;
	[sflag:s1] =	ssyncadd.s32 $0xFFFFF800  }
0x6c: {  	[spmem:s2] =	stream.indirect.scatter.add.f32 [tilespmem:s18], [sflag:$0x1], $0x10, s17, s17, $0xb8;
	[tilespmem:$0x10780] =	vst v63  }
.LBB2_9:
0x6d: {  	_ =	sfence.sel $0x180000  }
0x6e: {  	[bflag:$0x0] =	sbarrier.arrive $0xFFFF  }
0x6f: {  	_ =	strace $0x9000004D  }
0x70: {  	s0 =	stileid.u32;
	[bflag:$0x2] =	sbarrier.arrive $0xFFFF  }
0x71: {  	p0 =	sne.s32 s0, $0x0;
	s0 =	rddreg [dreg:$0x3]  }
0x72: {  	s0 =	sadd.s32 @!p0 $0x100000, s0  }
0x73: {  	[sflag:s0] =	ssyncadd.tile.s32 @!p0 $0x1;
	_ =	shalt  }
.Lfunc_end2:
_tile_overlayer_lowered:
.L_overlay_start_2:
0x74: {  	(tag) =	ssettag $0x2  }
0x75: {  	s0 =	rddreg [dreg:$0x0];
	s2 =	stileid.u32  }
0x76: {  	s1 =	rddreg [dreg:$0x1];
	p0 =	sne.s32 s2, $0x0  }
0x77: {  	s3 =	rddreg [dreg:$0x2];
	[bflag:$0x3] =	sbarrier.arrive $0xFFFF;
	s2 =	simm.s32 @!p0 $0x1C01  }
0x78: {  	[timem:s3], [sflag:s2] =	dma.local @!p0 [hbm:s0], s1  }
0x79: {  	s0 =	simm.s32 @!p0 $0x1  }
0x7a: {  	_ =	swait.ge @!p0 [sflag:s0], s1  }
0x7b: {  	s1 =	ssub.s32 @!p0 $0x0, s1;
	[sflag:s0] =	ssyncset.done @!p0 $0x0  }
0x7c: {  	[sflag:s0] =	ssyncadd.s32 @!p0 s1  }
0x7d: {  	[bflag:$0x3] =	sbarrier.arrive $0xFFFF  }
0x7e: {  	_ =	shalt  }

// kernel: kernel.39.cloned.1.call-start
scs
__scs_entry_jumppad:
0x0: {  	(pc) =	sbr.rel $0x88, $3  }
0x1: {  	(tag) =	ssettag $0x0;
	lr =	simm.s32 $0x1  }
0x2: {  	[smem:$0x3F92] =	sst lr;
	_ =	strace $0xD0000000  }
0x3: {  	_ = 	snop  }
0x4: {  	_ = 	snop  }
0x5: {  	_ = 	snop  }
0x6: {  	_ = 	snop  }
0x7: {  	_ = 	snop  }
__scs_overlays_trampoline_lowered:
0x8: {  	[smem:$0x3FA1] =	sst s0  }
0x9: {  	[smem:$0x3FA2] =	sst s1  }
0xa: {  	[smem:$0x3FA3] =	sst s2  }
0xb: {  	[smem:$0x3FA4] =	sst s3  }
0xc: {  	[smem:$0x3FA5] =	sst s4  }
0xd: {  	[smem:$0x3FA6] =	sst s5  }
0xe: {  	[smem:$0x3FA7] =	sst s6  }
0xf: {  	[smem:$0x3FA8] =	sst s7  }
0x10: {  	[smem:$0x3FA9] =	sst s8  }
0x11: {  	[smem:$0x3FAA] =	sst s9;
	s0 =	simm.s32 @!p0 $0x0  }
0x12: {  	s1 =	sld [smem:$0x3F90];
	s0 =	simm.s32 @p0 $0x1  }
0x13: {  	[smem:$0x3FAB] =	sst s0;
	s0 =	simm.s32 @!p1 $0x0  }
0x14: {  	s2 =	sld [smem:$0x3F8F];
	s0 =	simm.s32 @p1 $0x1  }
0x15: {  	[smem:$0x3FAC] =	sst s0;
	s0 =	simm.s32 @!p2 $0x0  }
0x16: {  	s3 =	sld [smem:$0x3FDB];
	s0 =	simm.s32 @p2 $0x1  }
0x17: {  	s4 =	simm.s32 $0x1BF5;
	[smem:$0x3FAE] =	sst s0  }
0x18: {  	s0 =	sld [smem:$0x3F91];
	_ =	swait.ge [sflag:s4], $0x0  }
0x19: {  	s7 =	sld [smem:$0x3F92]  }
0x1a: {  	s8 =	sadd.s32 $0xFFFFE003, lr  }
0x1b: {  	s9 =	sadd.s32 $0xFFFFFEF7, lr;
	s5 =	simm.s32 $0xFFFFFFFF;
	p2 =	slt.u32 s8, $0xFFFFF086  }
0x1c: {  	p1 =	slt.u32 s9, $0xF7A;
	s5 =	simm.s32 @!p2 $0x0  }
0x1d: {  	s5 =	simm.s32 @p1 $0x1;
	p0 =	seq.s32 s7, s2  }
0x1e: {  	s7 =	smul.u32 @!p0 $0xF7A, s2;
	p2 =	seq.s32 @!p0 s5, $0x0  }
0x1f: {  	s9 =	smul.u32 $0xF7A, s1;
	s8 =	simm.s32 @!p0 $0x1BF5;
	p2 =	por !p2, p0  }
0x20: {  	[sflag:s8] =	ssyncset.s32 @!p0 $0xFFFFF086;
	s6 =	sadd.s32 @!p0 s3, s7;
	s7 =	simm.s32 @!p0 $0x108  }
0x21: {  	s3 =	sadd.s32 s3, s9;
	s6 =	sadd.s32 @!p0 $0x88, s6;
	s7 =	simm.s32 @p2 $0x1082  }
0x22: {  	[simem:s7], [sflag:s8] =	dma.local @!p0 [hbm:s6], $0xF7A  }
0x23: {  	s9 =	sor.u32 $0xD0000000, s2;
	s6 =	simm.s32 $0x108;
	_ =	swait.ge @!p0 [sflag:s8], $0x0  }
0x24: {  	s3 =	sadd.s32 $0x88, s3;
	s6 =	simm.s32 @!p1 $0x1082;
	[sflag:s4] =	ssyncset.s32 $0xFFFFF086  }
0x25: {  	[simem:s6], [sflag:s4] =	dma.local [hbm:s3], $0xF7A  }
0x26: {  	[smem:$0x3F92] =	sst s1;
	(tag) =	ssettag s2;
	_ =	strace s9  }
0x27: {  	s1 =	sld [smem:$0x3FA2]  }
0x28: {  	s2 =	sld [smem:$0x3FA3]  }
0x29: {  	s4 =	sld [smem:$0x3FA5]  }
0x2a: {  	p0 =	seq.s32 s5, $0x0;
	s5 =	sld [smem:$0x3FA6]  }
0x2b: {  	s6 =	sld [smem:$0x3FA7]  }
0x2c: {  	s7 =	sld [smem:$0x3FA8]  }
0x2d: {  	s3 =	simm.s32 $0x108;
	s8 =	sld [smem:$0x3FA9]  }
0x2e: {  	s3 =	simm.s32 @!p0 $0x1082;
	s9 =	sld [smem:$0x3FAA]  }
0x2f: {  	lr =	sadd.s32 s0, s3;
	s0 =	sld [smem:$0x3FA1]  }
0x30: {  	s3 =	sld [smem:$0x3FA4]  }
0x31: {  	[smem:$0x3FAD] =	sst s10  }
0x32: {  	s10 =	sld [smem:$0x3FAB];
	_ =	sdelay $0x3  }
0x33: {  	p0 =	seq.s32 s10, $0x1;
	s10 =	sld [smem:$0x3FAD];
	_ =	sdelay $0x3  }
0x34: {  	[smem:$0x3FAD] =	sst s10  }
0x35: {  	s10 =	sld [smem:$0x3FAC];
	_ =	sdelay $0x3  }
0x36: {  	p1 =	seq.s32 s10, $0x1;
	s10 =	sld [smem:$0x3FAD];
	_ =	sdelay $0x3  }
0x37: {  	[smem:$0x3FAD] =	sst s10  }
0x38: {  	s10 =	sld [smem:$0x3FAE]  }
0x39: {  	_ = 	snop;
	(pc) =	sbr.ind lr, $3  }
0x3a: {  	_ = 	snop  }
0x3b: {  	_ = 	snop  }
0x3c: {  	p2 =	seq.s32 s10, $0x1;
	s10 =	sld [smem:$0x3FAD]  }
0x3d: {  	_ =	shalt  }
0x3e: {  	_ =	shalt  }
0x3f: {  	_ =	shalt  }
0x40: {  	_ =	shalt  }
0x41: {  	_ =	shalt  }
0x42: {  	_ =	shalt  }
0x43: {  	_ =	shalt  }
0x44: {  	_ =	shalt  }
0x45: {  	_ =	shalt  }
0x46: {  	_ =	shalt  }
0x47: {  	_ =	shalt  }
0x48: {  	_ =	shalt  }
0x49: {  	_ =	shalt  }
0x4a: {  	_ =	shalt  }
0x4b: {  	_ =	shalt  }
0x4c: {  	_ =	shalt  }
0x4d: {  	_ =	shalt  }
0x4e: {  	_ =	shalt  }
0x4f: {  	_ =	shalt  }
0x50: {  	_ =	shalt  }
0x51: {  	_ =	shalt  }
0x52: {  	_ =	shalt  }
0x53: {  	_ =	shalt  }
0x54: {  	_ =	shalt  }
0x55: {  	_ =	shalt  }
0x56: {  	_ =	shalt  }
0x57: {  	_ =	shalt  }
0x58: {  	_ =	shalt  }
0x59: {  	_ =	shalt  }
0x5a: {  	_ =	shalt  }
0x5b: {  	_ =	shalt  }
0x5c: {  	_ =	shalt  }
0x5d: {  	_ =	shalt  }
0x5e: {  	_ =	shalt  }
0x5f: {  	_ =	shalt  }
0x60: {  	_ =	shalt  }
0x61: {  	_ =	shalt  }
0x62: {  	_ =	shalt  }
0x63: {  	_ =	shalt  }
0x64: {  	_ =	shalt  }
0x65: {  	_ =	shalt  }
0x66: {  	_ =	shalt  }
0x67: {  	_ =	shalt  }
0x68: {  	_ =	shalt  }
0x69: {  	_ =	shalt  }
0x6a: {  	_ =	shalt  }
0x6b: {  	_ =	shalt  }
0x6c: {  	_ =	shalt  }
0x6d: {  	_ =	shalt  }
0x6e: {  	_ =	shalt  }
0x6f: {  	_ =	shalt  }
0x70: {  	_ =	shalt  }
0x71: {  	_ =	shalt  }
0x72: {  	_ =	shalt  }
0x73: {  	_ =	shalt  }
0x74: {  	_ =	shalt  }
0x75: {  	_ =	shalt  }
0x76: {  	_ =	shalt  }
0x77: {  	_ =	shalt  }
0x78: {  	_ =	shalt  }
0x79: {  	_ =	shalt  }
0x7a: {  	_ =	shalt  }
0x7b: {  	_ =	shalt  }
0x7c: {  	_ =	shalt  }
0x7d: {  	_ =	shalt  }
0x7e: {  	_ =	shalt  }
0x7f: {  	_ =	shalt  }
0x80: {  	_ =	shalt  }
0x81: {  	_ =	shalt  }
0x82: {  	_ =	shalt  }
0x83: {  	_ =	shalt  }
0x84: {  	_ =	shalt  }
0x85: {  	_ =	shalt  }
0x86: {  	_ =	shalt  }
0x87: {  	_ =	shalt  }
.Lfunc_end0:
.L_simem_size_0:
called_computation.3_lowered:
.L_overlay_start_0:
0x88: {  	s2 =	sld [smem:$0x3FD9]  }
0x89: {  	s3 =	sld [smem:$0x3FFE];
	_ =	sdelay $0x1  }
0x8a: {  	s1 =	srdreg.scid  }
0x8b: {  	s0 =	sand.u32 $0x1, s1  }
0x8c: {  	s14 =	sshll.u32 s0, $0xA;
	s2 =	sadd.s32 s3, s2  }
0x8d: {  	s2 =	sadd.s32 s2, s14  }
0x8e: {  	[smem:$0x3FB9] =	sst s2  }
0x8f: {  	_ = 	snop  }
0x90: {  	s2 =	sld [smem:$0x3FD0];
	_ =	sdelay $0x2  }
0x91: {  	s15 =	simm.s32 $0xB;
	s4 =	simm.s32 $0x10  }
0x92: {  	[smem:s4], [sflag:s15] =	dma.local [hbm:s2], $0x1  }
0x93: {  	_ =	swait.eq [sflag:s15], $0x1  }
0x94: {  	[sflag:s15] =	ssyncset.done $0x0  }
0x95: {  	[sflag:s15] =	ssyncadd.s32 $0xFFFFFFFF  }
0x96: {  	s16 =	sld [smem:$0x11];
	(tm) =	ssettm $0x1  }
0x97: {  	s17 =	sld [smem:$0x3FFB];
	_ =	sdelay $0x3  }
0x98: {  	_ =	strace s17  }
0x99: {  	s3 =	sld [smem:$0x3FFC];
	_ =	sdelay $0x3  }
0x9a: {  	_ =	strace s3  }
0x9b: {  	s3 =	sld [smem:$0x3FFD];
	_ =	sdelay $0x3  }
0x9c: {  	_ =	strace s3  }
0x9d: {  	_ =	strace $0x8FFFFFFF  }
0x9e: {  	s18 =	sld [smem:$0x3FDB];
	_ =	sdelay $0x1  }
0x9f: {  	s19 =	simm.s32 $_scs_section_size  }
0xa0: {  	s5 =	simm.s32 $_size__tile_overlayer_lowered;
	s6 =	simm.s32 $_tile_overlayer_lowered  }
0xa1: {  	s22 =	simm.s32 $0x1BFF;
	s21 =	sshll.u32 s6, $0x1;
	s3 =	sadd.s32 s19, s18  }
0xa2: {  	s7 =	simm.s32 $0x0;
	s20 =	sshll.u32 s5, $0x1;
	s5 =	sadd.s32 s21, s3  }
0xa3: {  	[timem:s7], [sflag:s22] =	dma.local [hbm:s5], s20  }
0xa4: {  	_ =	swait.ge [sflag:s22], s20  }
0xa5: {  	s4 =	ssub.s32 $0x0, s20;
	[sflag:s22] =	ssyncset.done $0x0  }
0xa6: {  	[sflag:s22] =	ssyncadd.s32 s4;
	_ =	sdelay $0x1  }
0xa7: {  	s23 =	simm.s32 $0x1B8B  }
0xa8: {  	_ =	swait.ge [sflag:s23], $0x1  }
0xa9: {  	[sflag:s23] =	ssyncset.done $0x0  }
0xaa: {  	s25 =	simm.s32 $0x1B8E;
	s24 =	sld [smem:$0x3FFE];
	[sflag:s23] =	ssyncadd.s32 $0xFFFFFFFF  }
0xab: {  	s26 =	simm.s32 $execute0_lowered;
	[smem:$0x3FD2] =	sst s25  }
0xac: {  	s5 =	sshll.u32 s26, $0x1;
	_ =	strace $0x8000004F;
	[dreg:$0x1] =	wrdreg $0xFFFFFFFF  }
0xad: {  	s28 =	simm.s32 $_size_execute0_lowered;
	s3 =	sadd.s32 s3, s5;
	[dreg:$0x0] =	wrdreg $0x0  }
0xae: {  	s5 =	sshll.u32 s28, $0x1;
	[dreg:$0x2] =	wrdreg s3  }
0xaf: {  	[dreg:$0x3] =	wrdreg s5  }
0xb0: {  	[dreg:$0x4] =	wrdreg $0xC0  }
0xb1: {  	_ =	task [dreg:s7], $0x5FFFF  }
0xb2: {  	[dreg:$0x1] =	wrdreg $0xFFFFFFFF  }
0xb3: {  	[dreg:$0x0] =	wrdreg $0x60  }
0xb4: {  	[dreg:$0x2] =	wrdreg s16  }
0xb5: {  	[dreg:$0x3] =	wrdreg s24  }
0xb6: {  	[dreg:$0x4] =	wrdreg $0x9  }
0xb7: {  	_ =	task.clear_ibuf [dreg:s7], $0x5FFFF;
	_ =	strace $0x9000004F  }
0xb8: {  	s29 =	simm.s32 $0x9;
	_ =	strace $0x80000051  }
0xb9: {  	_ =	swait.ge [sflag:s29], $0x1  }
0xba: {  	[sflag:s29] =	ssyncadd.s32 $0xFFFFFFFF  }
0xbb: {  	_ =	strace $0x90000051  }
0xbc: {  	_ =	sfence  }
0xbd: {  	s30 =	sld [smem:$0x0];
	_ =	sdelay $0x2  }
0xbe: {  	s31 =	sshll.u32 s1, $0xD;
	s1 =	sshrl.u32 s1, $0x2  }
0xbf: {  	s3 =	sand.u32 $0x4000, s31;
	s1 =	sadd.s32 s1, s30  }
0xc0: {  	s0 =	sor.u32 s3, s0;
	s1 =	sshll.u32 s1, $0x11  }
0xc1: {  	s0 =	sor.u32 s1, s0  }
0xc2: {  	s0 =	sadd.s32 $0x8F2B, s0  }
0xc3: {  	[sflag:s0] =	ssyncadd.remote.s32 $0x1  }
0xc4: {  	_ =	sfence.sel $0xFFFF  }
0xc5: {  	[dreg:$0x0] =	wrdreg $0xFFFFFFFF;
	(pc) =	sbr.abs _section_cstart, $3  }
0xc6: {  	[dreg:$0x1] =	wrdreg $0xFFFFFFFF  }
0xc7: {  	_ =	task.clear_ibuf [dreg:s7], $0x2FFFF;
	_ =	strace $0x9FFFFFFF  }
0xc8: {  	(tm) =	ssettm $0x7FFFFFFF  }
0xc9: {  	_ =	shalt  }
tec
execute0_lowered:
.L_overlay_start_1:
0x0: {  	(tag) =	ssettag $0x1  }
0x1: {  	s2 =	rddreg [dreg:$0x0]  }
0x2: {  	s4 =	rddreg [dreg:$0x1]  }
0x3: {  	s0 =	rddreg [dreg:$0x2];
	s1 =	stileid.u32  }
0x4: {  	s5 =	srdreg.scid;
	s3 =	simm.s32 $0x0;
	s6 =	smul.u32 $0x249F0, s1  }
0x5: {  	s10 =	simm.s32 $0x0;
	s5 =	sand.u32 $0x1, s5;
	s8 =	smul.u32 $0x493E0, s1  }
0x6: {  	[smem:$0x7FF] =	sst s3;
	s7 =	smul.u32 $0x124F8, s5;
	s9 =	ssub.s32 $0x2, s5  }
0x7: {  	_ =	strace $0x80000050;
	s5 =	smul.u32 $0x249F0, s5;
	s31 =	sshrl.u32 s9, $0x1  }
0x8: {  	s8 =	sadd.s32 s8, s4;
	s6 =	sadd.s32 s7, s6;
	s7 =	ssub.s32 s9, s31  }
0x9: {  	s5 =	sadd.s32 s5, s8;
	s8 =	simm.s32 $0x1388;
	s6 =	sshrl.u32 s6, $0x3  }
0xa: {  	s9 =	simm.s32 $0x1;
	s5 =	sadd.s32 $0x36EA00, s5;
	s6 =	sadd.s32 s6, s4  }
0xb: {  	s4 =	smax.u32 s7, $0x1;
	s7 =	simm.s32 $0x2;
	s6 =	sadd.s32 $0x18200, s6  }
.LBB2_1:
0xc: {  	s11 =	sadd.s32 $0x0, s6  }
0xd: {  	[tilespmem:s3], [sflag:$0x2] =	stream.linear.gather [hbm4b:s11+s3], $0x1388, $0x38;
	[tilespmem:$0x14C08] =	vst v63  }
0xe: {  	_ =	swait.ge [sflag:s7], $0x1388  }
0xf: {  	[sflag:s7] =	ssyncset.done $0x0  }
0x10: {  	[sflag:s7] =	ssyncadd.s32 $0xFFFFEC78  }
0x11: {  	[tilespmem:s8], [sflag:$0x1] =	stream.indirect.gather [hbm4b:s2+s8], $0x10, s3, s8, $0xb8;
	[tilespmem:$0x14C08] =	vst v63  }
0x12: {  	_ =	swait.ge [sflag:s9], $0x13880  }
0x13: {  	[sflag:s9] =	ssyncset.done $0x0  }
0x14: {  	[sflag:s9] =	ssyncadd.s32 $0xFFFEC780  }
0x15: {  	[hbm4b:s5+s3] =	stream.linear.scatter [tilespmem:s8], [sflag:$0x2], $0x13880, $0x38;
	[tilespmem:$0x14C08] =	vst v63  }
0x16: {  	s12 =	simm.s32 $0x271;
	_ =	swait.ge [sflag:s7], $0x13880  }
0x17: {  	s13 =	simm.s32 $0x4E2;
	s11 =	sadd.s32 $0x2710, s5;
	[sflag:s7] =	ssyncset.done $0x0  }
.LBB2_2:
0x18: {  	s14 =	sadd.s32 s12, s6  }
0x19: {  	[sflag:s7] =	ssyncadd.s32 $0xFFFEC780;
	s12 =	smov.u32 s13;
	s15 =	sadd.s32 $0x271, s13  }
0x1a: {  	[tilespmem:s3], [sflag:$0x2] =	stream.linear.gather [hbm4b:s14+s3], $0x1388, $0x38;
	[tilespmem:$0x14C08] =	vst v63  }
0x1b: {  	p0 =	sne.s32 s13, $0x222E;
	_ =	swait.ge [sflag:s7], $0x1388  }
0x1c: {  	[sflag:s7] =	ssyncset.done $0x0  }
0x1d: {  	[sflag:s7] =	ssyncadd.s32 $0xFFFFEC78  }
0x1e: {  	[tilespmem:s8], [sflag:$0x1] =	stream.indirect.gather [hbm4b:s2+s8], $0x10, s3, s8, $0xb8;
	[tilespmem:$0x14C08] =	vst v63  }
0x1f: {  	_ =	swait.ge [sflag:s9], $0x13880  }
.Ltmp0:
0x20: {  	[sflag:s9] =	ssyncset.done $0x0;
	(pc) =	sbr.rel @p0 .LBB2_2-.Ltmp0, $4  }
0x21: {  	[sflag:s9] =	ssyncadd.s32 $0xFFFEC780  }
0x22: {  	[hbm4b:s11+s3] =	stream.linear.scatter [tilespmem:s8], [sflag:$0x2], $0x13880, $0x38;
	[tilespmem:$0x14C08] =	vst v63  }
0x23: {  	_ =	swait.ge [sflag:s7], $0x13880  }
0x24: {  	s13 =	smov.u32 s15;
	s11 =	sadd.s32 $0x2710, s11;
	[sflag:s7] =	ssyncset.done $0x0  }
0x25: {  	s12 =	sadd.s32 s12, s6;
	[sflag:s7] =	ssyncadd.s32 $0xFFFEC780  }
0x26: {  	[tilespmem:s3], [sflag:$0x2] =	stream.linear.gather [hbm4b:s12+s3], $0x1388, $0x38;
	[tilespmem:$0x14C08] =	vst v63  }
0x27: {  	_ =	swait.ge [sflag:s7], $0x1388  }
0x28: {  	[sflag:s7] =	ssyncset.done $0x0  }
0x29: {  	[sflag:s7] =	ssyncadd.s32 $0xFFFFEC78  }
0x2a: {  	[tilespmem:s8], [sflag:$0x1] =	stream.indirect.gather [hbm4b:s2+s8], $0x10, s3, s8, $0xb8;
	[tilespmem:$0x14C08] =	vst v63  }
0x2b: {  	s10 =	sadd.s32 $0x1, s10;
	_ =	swait.ge [sflag:s9], $0x13880  }
0x2c: {  	p0 =	sne.s32 s10, s4;
	[sflag:s9] =	ssyncset.done $0x0  }
.Ltmp1:
0x2d: {  	[sflag:s9] =	ssyncadd.s32 $0xFFFEC780;
	(pc) =	sbr.rel @p0 .LBB2_1-.Ltmp1, $4  }
0x2e: {  	[hbm4b:s11+s3] =	stream.linear.scatter [tilespmem:s8], [sflag:$0x2], $0x13880, $0x38;
	[tilespmem:$0x14C08] =	vst v63  }
0x2f: {  	_ =	swait.ge [sflag:s7], $0x13880  }
0x30: {  	[sflag:s7] =	ssyncset.done $0x0  }
0x31: {  	[sflag:s7] =	ssyncadd.s32 $0xFFFEC780  }
0x32: {  	_ =	sfence.sel $0x180000  }
0x33: {  	[bflag:$0x0] =	sbarrier.arrive $0xFFFF  }
0x34: {  	p0 =	sne.s32 s1, $0x0;
	_ =	strace $0x90000050  }
0x35: {  	s0 =	sadd.s32 @!p0 $0x100000, s0;
	[bflag:$0x2] =	sbarrier.arrive $0xFFFF  }
0x36: {  	[sflag:s0] =	ssyncadd.tile.s32 @!p0 $0x1;
	_ =	shalt  }
.Lfunc_end2:
_tile_overlayer_lowered:
.L_overlay_start_2:
0x37: {  	(tag) =	ssettag $0x2  }
0x38: {  	s0 =	rddreg [dreg:$0x0];
	s2 =	stileid.u32  }
0x39: {  	s1 =	rddreg [dreg:$0x1];
	p0 =	sne.s32 s2, $0x0  }
0x3a: {  	s3 =	rddreg [dreg:$0x2];
	[bflag:$0x3] =	sbarrier.arrive $0xFFFF;
	s2 =	simm.s32 @!p0 $0x1C02  }
0x3b: {  	[timem:s3], [sflag:s2] =	dma.local @!p0 [hbm:s0], s1  }
0x3c: {  	s0 =	simm.s32 @!p0 $0x2  }
0x3d: {  	_ =	swait.ge @!p0 [sflag:s0], s1  }
0x3e: {  	s1 =	ssub.s32 @!p0 $0x0, s1;
	[sflag:s0] =	ssyncset.done @!p0 $0x0  }
0x3f: {  	[sflag:s0] =	ssyncadd.s32 @!p0 s1  }
0x40: {  	[bflag:$0x3] =	sbarrier.arrive $0xFFFF  }
0x41: {  	_ =	shalt  }

// kernel: kernel.42.cloned.1.call-start
scs
__scs_entry_jumppad:
0x0: {  	(pc) =	sbr.rel $0x88, $3  }
0x1: {  	(tag) =	ssettag $0x0;
	lr =	simm.s32 $0x1  }
0x2: {  	[smem:$0x3F92] =	sst lr;
	_ =	strace $0xD0000000  }
0x3: {  	_ = 	snop  }
0x4: {  	_ = 	snop  }
0x5: {  	_ = 	snop  }
0x6: {  	_ = 	snop  }
0x7: {  	_ = 	snop  }
__scs_overlays_trampoline_lowered:
0x8: {  	[smem:$0x3FA1] =	sst s0  }
0x9: {  	[smem:$0x3FA2] =	sst s1  }
0xa: {  	[smem:$0x3FA3] =	sst s2  }
0xb: {  	[smem:$0x3FA4] =	sst s3  }
0xc: {  	[smem:$0x3FA5] =	sst s4  }
0xd: {  	[smem:$0x3FA6] =	sst s5  }
0xe: {  	[smem:$0x3FA7] =	sst s6  }
0xf: {  	[smem:$0x3FA8] =	sst s7  }
0x10: {  	[smem:$0x3FA9] =	sst s8  }
0x11: {  	[smem:$0x3FAA] =	sst s9;
	s0 =	simm.s32 @!p0 $0x0  }
0x12: {  	s1 =	sld [smem:$0x3F90];
	s0 =	simm.s32 @p0 $0x1  }
0x13: {  	[smem:$0x3FAB] =	sst s0;
	s0 =	simm.s32 @!p1 $0x0  }
0x14: {  	s2 =	sld [smem:$0x3F8F];
	s0 =	simm.s32 @p1 $0x1  }
0x15: {  	[smem:$0x3FAC] =	sst s0;
	s0 =	simm.s32 @!p2 $0x0  }
0x16: {  	s3 =	sld [smem:$0x3FDB];
	s0 =	simm.s32 @p2 $0x1  }
0x17: {  	s4 =	simm.s32 $0x1BF5;
	[smem:$0x3FAE] =	sst s0  }
0x18: {  	s0 =	sld [smem:$0x3F91];
	_ =	swait.ge [sflag:s4], $0x0  }
0x19: {  	s7 =	sld [smem:$0x3F92]  }
0x1a: {  	s8 =	sadd.s32 $0xFFFFE003, lr  }
0x1b: {  	s9 =	sadd.s32 $0xFFFFFEF7, lr;
	s5 =	simm.s32 $0xFFFFFFFF;
	p2 =	slt.u32 s8, $0xFFFFF086  }
0x1c: {  	p1 =	slt.u32 s9, $0xF7A;
	s5 =	simm.s32 @!p2 $0x0  }
0x1d: {  	s5 =	simm.s32 @p1 $0x1;
	p0 =	seq.s32 s7, s2  }
0x1e: {  	s7 =	smul.u32 @!p0 $0xF7A, s2;
	p2 =	seq.s32 @!p0 s5, $0x0  }
0x1f: {  	s9 =	smul.u32 $0xF7A, s1;
	s8 =	simm.s32 @!p0 $0x1BF5;
	p2 =	por !p2, p0  }
0x20: {  	[sflag:s8] =	ssyncset.s32 @!p0 $0xFFFFF086;
	s6 =	sadd.s32 @!p0 s3, s7;
	s7 =	simm.s32 @!p0 $0x108  }
0x21: {  	s3 =	sadd.s32 s3, s9;
	s6 =	sadd.s32 @!p0 $0x88, s6;
	s7 =	simm.s32 @p2 $0x1082  }
0x22: {  	[simem:s7], [sflag:s8] =	dma.local @!p0 [hbm:s6], $0xF7A  }
0x23: {  	s9 =	sor.u32 $0xD0000000, s2;
	s6 =	simm.s32 $0x108;
	_ =	swait.ge @!p0 [sflag:s8], $0x0  }
0x24: {  	s3 =	sadd.s32 $0x88, s3;
	s6 =	simm.s32 @!p1 $0x1082;
	[sflag:s4] =	ssyncset.s32 $0xFFFFF086  }
0x25: {  	[simem:s6], [sflag:s4] =	dma.local [hbm:s3], $0xF7A  }
0x26: {  	[smem:$0x3F92] =	sst s1;
	(tag) =	ssettag s2;
	_ =	strace s9  }
0x27: {  	s1 =	sld [smem:$0x3FA2]  }
0x28: {  	s2 =	sld [smem:$0x3FA3]  }
0x29: {  	s4 =	sld [smem:$0x3FA5]  }
0x2a: {  	p0 =	seq.s32 s5, $0x0;
	s5 =	sld [smem:$0x3FA6]  }
0x2b: {  	s6 =	sld [smem:$0x3FA7]  }
0x2c: {  	s7 =	sld [smem:$0x3FA8]  }
0x2d: {  	s3 =	simm.s32 $0x108;
	s8 =	sld [smem:$0x3FA9]  }
0x2e: {  	s3 =	simm.s32 @!p0 $0x1082;
	s9 =	sld [smem:$0x3FAA]  }
0x2f: {  	lr =	sadd.s32 s0, s3;
	s0 =	sld [smem:$0x3FA1]  }
0x30: {  	s3 =	sld [smem:$0x3FA4]  }
0x31: {  	[smem:$0x3FAD] =	sst s10  }
0x32: {  	s10 =	sld [smem:$0x3FAB];
	_ =	sdelay $0x3  }
0x33: {  	p0 =	seq.s32 s10, $0x1;
	s10 =	sld [smem:$0x3FAD];
	_ =	sdelay $0x3  }
0x34: {  	[smem:$0x3FAD] =	sst s10  }
0x35: {  	s10 =	sld [smem:$0x3FAC];
	_ =	sdelay $0x3  }
0x36: {  	p1 =	seq.s32 s10, $0x1;
	s10 =	sld [smem:$0x3FAD];
	_ =	sdelay $0x3  }
0x37: {  	[smem:$0x3FAD] =	sst s10  }
0x38: {  	s10 =	sld [smem:$0x3FAE]  }
0x39: {  	_ = 	snop;
	(pc) =	sbr.ind lr, $3  }
0x3a: {  	_ = 	snop  }
0x3b: {  	_ = 	snop  }
0x3c: {  	p2 =	seq.s32 s10, $0x1;
	s10 =	sld [smem:$0x3FAD]  }
0x3d: {  	_ =	shalt  }
0x3e: {  	_ =	shalt  }
0x3f: {  	_ =	shalt  }
0x40: {  	_ =	shalt  }
0x41: {  	_ =	shalt  }
0x42: {  	_ =	shalt  }
0x43: {  	_ =	shalt  }
0x44: {  	_ =	shalt  }
0x45: {  	_ =	shalt  }
0x46: {  	_ =	shalt  }
0x47: {  	_ =	shalt  }
0x48: {  	_ =	shalt  }
0x49: {  	_ =	shalt  }
0x4a: {  	_ =	shalt  }
0x4b: {  	_ =	shalt  }
0x4c: {  	_ =	shalt  }
0x4d: {  	_ =	shalt  }
0x4e: {  	_ =	shalt  }
0x4f: {  	_ =	shalt  }
0x50: {  	_ =	shalt  }
0x51: {  	_ =	shalt  }
0x52: {  	_ =	shalt  }
0x53: {  	_ =	shalt  }
0x54: {  	_ =	shalt  }
0x55: {  	_ =	shalt  }
0x56: {  	_ =	shalt  }
0x57: {  	_ =	shalt  }
0x58: {  	_ =	shalt  }
0x59: {  	_ =	shalt  }
0x5a: {  	_ =	shalt  }
0x5b: {  	_ =	shalt  }
0x5c: {  	_ =	shalt  }
0x5d: {  	_ =	shalt  }
0x5e: {  	_ =	shalt  }
0x5f: {  	_ =	shalt  }
0x60: {  	_ =	shalt  }
0x61: {  	_ =	shalt  }
0x62: {  	_ =	shalt  }
0x63: {  	_ =	shalt  }
0x64: {  	_ =	shalt  }
0x65: {  	_ =	shalt  }
0x66: {  	_ =	shalt  }
0x67: {  	_ =	shalt  }
0x68: {  	_ =	shalt  }
0x69: {  	_ =	shalt  }
0x6a: {  	_ =	shalt  }
0x6b: {  	_ =	shalt  }
0x6c: {  	_ =	shalt  }
0x6d: {  	_ =	shalt  }
0x6e: {  	_ =	shalt  }
0x6f: {  	_ =	shalt  }
0x70: {  	_ =	shalt  }
0x71: {  	_ =	shalt  }
0x72: {  	_ =	shalt  }
0x73: {  	_ =	shalt  }
0x74: {  	_ =	shalt  }
0x75: {  	_ =	shalt  }
0x76: {  	_ =	shalt  }
0x77: {  	_ =	shalt  }
0x78: {  	_ =	shalt  }
0x79: {  	_ =	shalt  }
0x7a: {  	_ =	shalt  }
0x7b: {  	_ =	shalt  }
0x7c: {  	_ =	shalt  }
0x7d: {  	_ =	shalt  }
0x7e: {  	_ =	shalt  }
0x7f: {  	_ =	shalt  }
0x80: {  	_ =	shalt  }
0x81: {  	_ =	shalt  }
0x82: {  	_ =	shalt  }
0x83: {  	_ =	shalt  }
0x84: {  	_ =	shalt  }
0x85: {  	_ =	shalt  }
0x86: {  	_ =	shalt  }
0x87: {  	_ =	shalt  }
.Lfunc_end0:
.L_simem_size_0:
called_computation.4_lowered:
.L_overlay_start_0:
0x88: {  	s2 =	sld [smem:$0x3FD9]  }
0x89: {  	s3 =	sld [smem:$0x3FFE];
	_ =	sdelay $0x1  }
0x8a: {  	s1 =	srdreg.scid  }
0x8b: {  	s0 =	sand.u32 $0x1, s1  }
0x8c: {  	s14 =	sshll.u32 s0, $0xA;
	s2 =	sadd.s32 s3, s2  }
0x8d: {  	s2 =	sadd.s32 s2, s14  }
0x8e: {  	[smem:$0x3FB9] =	sst s2  }
0x8f: {  	_ = 	snop  }
0x90: {  	s2 =	sld [smem:$0x3FD0];
	_ =	sdelay $0x2  }
0x91: {  	s15 =	simm.s32 $0xB;
	s4 =	simm.s32 $0x10  }
0x92: {  	[smem:s4], [sflag:s15] =	dma.local [hbm:s2], $0x1  }
0x93: {  	_ =	swait.eq [sflag:s15], $0x1  }
0x94: {  	[sflag:s15] =	ssyncset.done $0x0  }
0x95: {  	[sflag:s15] =	ssyncadd.s32 $0xFFFFFFFF  }
0x96: {  	s16 =	sld [smem:$0x12];
	(tm) =	ssettm $0x1  }
0x97: {  	s17 =	sld [smem:$0x3FFB];
	_ =	sdelay $0x3  }
0x98: {  	_ =	strace s17  }
0x99: {  	s3 =	sld [smem:$0x3FFC];
	_ =	sdelay $0x3  }
0x9a: {  	_ =	strace s3  }
0x9b: {  	s3 =	sld [smem:$0x3FFD];
	_ =	sdelay $0x3  }
0x9c: {  	_ =	strace s3  }
0x9d: {  	_ =	strace $0x8FFFFFFF  }
0x9e: {  	s18 =	sld [smem:$0x3FDB];
	_ =	sdelay $0x1  }
0x9f: {  	s19 =	simm.s32 $_scs_section_size  }
0xa0: {  	s5 =	simm.s32 $_size__tile_overlayer_lowered;
	s6 =	simm.s32 $_tile_overlayer_lowered  }
0xa1: {  	s22 =	simm.s32 $0x1BFF;
	s21 =	sshll.u32 s6, $0x1;
	s3 =	sadd.s32 s19, s18  }
0xa2: {  	s7 =	simm.s32 $0x0;
	s20 =	sshll.u32 s5, $0x1;
	s5 =	sadd.s32 s21, s3  }
0xa3: {  	[timem:s7], [sflag:s22] =	dma.local [hbm:s5], s20  }
0xa4: {  	_ =	swait.ge [sflag:s22], s20  }
0xa5: {  	s4 =	ssub.s32 $0x0, s20;
	[sflag:s22] =	ssyncset.done $0x0  }
0xa6: {  	[sflag:s22] =	ssyncadd.s32 s4;
	_ =	sdelay $0x1  }
0xa7: {  	s23 =	simm.s32 $0x1B8B  }
0xa8: {  	_ =	swait.ge [sflag:s23], $0x1  }
0xa9: {  	[sflag:s23] =	ssyncset.done $0x0  }
0xaa: {  	s25 =	simm.s32 $0x1B8E;
	s24 =	sld [smem:$0x3FFE];
	[sflag:s23] =	ssyncadd.s32 $0xFFFFFFFF  }
0xab: {  	s26 =	simm.s32 $execute0_lowered;
	[smem:$0x3FD2] =	sst s25  }
0xac: {  	s5 =	sshll.u32 s26, $0x1;
	_ =	strace $0x80000052;
	[dreg:$0x1] =	wrdreg $0xFFFFFFFF  }
0xad: {  	s28 =	simm.s32 $_size_execute0_lowered;
	s3 =	sadd.s32 s3, s5;
	[dreg:$0x0] =	wrdreg $0x0  }
0xae: {  	s5 =	sshll.u32 s28, $0x1;
	[dreg:$0x2] =	wrdreg s3  }
0xaf: {  	[dreg:$0x3] =	wrdreg s5  }
0xb0: {  	[dreg:$0x4] =	wrdreg $0xC0  }
0xb1: {  	_ =	task [dreg:s7], $0x5FFFF  }
0xb2: {  	[dreg:$0x1] =	wrdreg $0xFFFFFFFF  }
0xb3: {  	[dreg:$0x0] =	wrdreg $0x60  }
0xb4: {  	[dreg:$0x2] =	wrdreg s24  }
0xb5: {  	[dreg:$0x3] =	wrdreg s16  }
0xb6: {  	[dreg:$0x4] =	wrdreg $0x44000  }
0xb7: {  	[dreg:$0x5] =	wrdreg $0x9  }
0xb8: {  	_ =	task.clear_ibuf [dreg:s7], $0x6FFFF;
	_ =	strace $0x90000052  }
0xb9: {  	s29 =	simm.s32 $0x9;
	_ =	strace $0x80000054  }
0xba: {  	_ =	swait.ge [sflag:s29], $0x1  }
0xbb: {  	[sflag:s29] =	ssyncadd.s32 $0xFFFFFFFF  }
0xbc: {  	_ =	strace $0x90000054  }
0xbd: {  	_ =	sfence  }
0xbe: {  	s30 =	sld [smem:$0x0];
	_ =	sdelay $0x2  }
0xbf: {  	s31 =	sshll.u32 s1, $0xD;
	s1 =	sshrl.u32 s1, $0x2  }
0xc0: {  	s3 =	sand.u32 $0x4000, s31;
	s1 =	sadd.s32 s1, s30  }
0xc1: {  	s0 =	sor.u32 s3, s0;
	s1 =	sshll.u32 s1, $0x11  }
0xc2: {  	s0 =	sor.u32 s1, s0  }
0xc3: {  	s0 =	sadd.s32 $0x8F2B, s0  }
0xc4: {  	[sflag:s0] =	ssyncadd.remote.s32 $0x1  }
0xc5: {  	_ =	sfence.sel $0xFFFF  }
0xc6: {  	[dreg:$0x0] =	wrdreg $0xFFFFFFFF;
	(pc) =	sbr.abs _section_cstart, $3  }
0xc7: {  	[dreg:$0x1] =	wrdreg $0xFFFFFFFF  }
0xc8: {  	_ =	task.clear_ibuf [dreg:s7], $0x2FFFF;
	_ =	strace $0x9FFFFFFF  }
0xc9: {  	(tm) =	ssettm $0x7FFFFFFF  }
tec
execute0_lowered:
.L_overlay_start_1:
0x0: {  	(tag) =	ssettag $0x1  }
0x1: {  	s0 =	rddreg [dreg:$0x0]  }
0x2: {  	s1 =	rddreg [dreg:$0x1]  }
0x3: {  	s14 =	stileid.u32;
	s3 =	srdreg.scid  }
0x4: {  	s2 =	rddreg [dreg:$0x2];
	s15 =	simm.s32 $0x1;
	s28 =	simm.s32 $0x300  }
0x5: {  	s29 =	simm.s32 $0x3400;
	s30 =	simm.s32 $0x380;
	s31 =	simm.s32 $0x3C00  }
0x6: {  	s5 =	sand.u32 $0x1, s3;
	s4 =	smul.u32 $0xC380, s14;
	s3 =	simm.s32 $0x0  }
0x7: {  	s7 =	sshll.u32 s14, $0xC;
	s9 =	sshll.u32 s14, $0x8;
	s13 =	sshll.u32 s14, $0x1  }
0x8: {  	s18 =	sshll.u32 s14, $0x6;
	s6 =	smul.u32 $0xC3800, s5;
	[smem:$0x7FF] =	sst s3  }
0x9: {  	s8 =	sadd.s32 s7, s0;
	s16 =	ssub.s32 $0x2, s5;
	s10 =	sadd.s32 s9, s0  }
0xa: {  	s7 =	sadd.s32 $0x4F5200, s0;
	s23 =	sshll.u32 s5, $0x7;
	s25 =	sshll.u32 s5, $0xB  }
0xb: {  	s5 =	sor.u32 s5, s13;
	_ =	strace $0x80000053;
	s17 =	sshrl.u32 s16, $0x1  }
0xc: {  	s19 =	sadd.s32 s4, s2;
	s20 =	sshrl.u32 s4, $0x3;
	s24 =	sor.u32 s9, s23  }
0xd: {  	s26 =	sadd.s32 s25, s8;
	s25 =	simm.s32 $0x280;
	s6 =	sadd.s32 s4, s6  }
0xe: {  	s12 =	ssub.s32 s16, s17;
	s4 =	sor.u32 $0x1C01, s18;
	s1 =	sadd.s32 s1, s20  }
0xf: {  	s14 =	sshrl.u32 s19, $0x3;
	s16 =	simm.s32 $0x400;
	s17 =	simm.s32 $0x80  }
0x10: {  	s18 =	simm.s32 $0xC00;
	s19 =	simm.s32 $0x100;
	s20 =	simm.s32 $0x1400  }
0x11: {  	s6 =	sshrl.u32 s6, $0x3;
	[dreg:$0x4] =	wrdreg s1;
	s22 =	smax.u32 s12, $0x1  }
0x12: {  	s1 =	simm.s32 $0x2;
	s11 =	sadd.s32 s6, s0;
	s6 =	sadd.s32 $0x9CF680, s0  }
.Ltmp0:
0x13: {  	[dreg:$0x6] =	wrdreg s22;
	s0 =	sadd.s32 s23, s10;
	(pc) =	sbr.rel .LBB2_1-.Ltmp0, $4  }
0x14: {  	s10 =	sadd.s32 $0xFFFE7980, s24;
	s22 =	simm.s32 $0x1C00;
	s23 =	simm.s32 $0x200  }
0x15: {  	s24 =	simm.s32 $0x2400;
	s21 =	sadd.s32 $0x9E7800, s11;
	s11 =	sadd.s32 $0x9B7000, s0  }
0x16: {  	s0 =	sadd.s32 $0x36EA00, s26;
	s26 =	simm.s32 $0x2C00;
	[dreg:$0x5] =	wrdreg s21  }
0x17: {  	[dreg:$0x7] =	wrdreg s0;
	s21 =	simm.s32 $0x180;
	s0 =	simm.s32 $0x0  }
.LBB2_8:
0x18: {  	[bflag:$0x0] =	sbarrier.arrive $0xFFFF  }
0x19: {  	s8 =	rddreg [dreg:$0x5]  }
0x1a: {  	[hbm:s8], [sflag:s4] =	dma.local [spmem:s14], $0x1870  }
0x1b: {  	_ =	swait.ge [sflag:s15], $0x1870  }
0x1c: {  	s0 =	sadd.s32 $0x1, s0;
	s13 =	rddreg [dreg:$0x6]  }
0x1d: {  	p0 =	sne.s32 s0, s13  }
.Ltmp1:
0x1e: {  	_ = 	snop;
	(pc) =	sbr.rel @!p0 .LBB2_9-.Ltmp1, $3  }
0x1f: {  	_ =	sdelay $0x1  }
0x20: {  	[sflag:s15] =	ssyncset.done $0x0  }
0x21: {  	[sflag:s15] =	ssyncadd.s32 $0xFFFFE790  }
.LBB2_1:
0x22: {  	s8 =	rddreg [dreg:$0x4]  }
0x23: {  	[spmem:s14], [sflag:s4] =	dma.local [hbm:s8], $0x1870  }
.Ltmp2:
0x24: {  	_ =	swait.ge [sflag:s15], $0x1870;
	(pc) =	sbr.rel .LBB2_2-.Ltmp2, $4  }
0x25: {  	[sflag:s15] =	ssyncset.done $0x0  }
0x26: {  	[sflag:s15] =	ssyncadd.s32 $0xFFFFE790  }
0x27: {  	[bflag:$0x0] =	sbarrier.arrive $0xFFFF  }
0x28: {  	s13 =	smov.u32 s5;
	s9 =	simm.s32 $0x0;
	s12 =	rddreg [dreg:$0x7]  }
.LBB2_3:
0x29: {  	s8 =	sadd.s32 s9, s11  }
0x2a: {  	[tilespmem:s3], [sflag:$0x2] =	stream.linear.gather [hbm4b:s8+s3], $0x400, $0x38;
	[tilespmem:$0x10780] =	vst v63  }
0x2b: {  	s8 =	simm.s32 $0x2  }
0x2c: {  	_ =	swait.ge [sflag:s8], $0x400  }
0x2d: {  	[sflag:s8] =	ssyncset.done $0x0  }
0x2e: {  	[sflag:s8] =	ssyncadd.s32 $0xFFFFFC00  }
0x2f: {  	[tilespmem:s16], [sflag:$0x2] =	stream.linear.gather [hbm4b:s12+s3], $0x4000, $0x38;
	[tilespmem:$0x10780] =	vst v63  }
0x30: {  	_ =	swait.ge [sflag:s8], $0x4000  }
0x31: {  	[sflag:s8] =	ssyncset.done $0x0  }
0x32: {  	[sflag:s8] =	ssyncadd.s32 $0xFFFFC000  }
0x33: {  	[spmem:s2] =	stream.indirect.scatter.add.f32 [tilespmem:s16], [sflag:$0x2], $0x10, s3, s17, $0xb8;
	[tilespmem:$0x10780] =	vst v63  }
0x34: {  	_ =	swait.ge [sflag:s8], $0x800  }
0x35: {  	[sflag:s8] =	ssyncset.done $0x0  }
0x36: {  	[sflag:s8] =	ssyncadd.s32 $0xFFFFF800  }
0x37: {  	[spmem:s2] =	stream.indirect.scatter.add.f32 [tilespmem:s18], [sflag:$0x2], $0x10, s17, s17, $0xb8;
	[tilespmem:$0x10780] =	vst v63  }
0x38: {  	_ =	swait.ge [sflag:s8], $0x800  }
0x39: {  	[sflag:s8] =	ssyncset.done $0x0  }
0x3a: {  	[sflag:s8] =	ssyncadd.s32 $0xFFFFF800  }
0x3b: {  	[spmem:s2] =	stream.indirect.scatter.add.f32 [tilespmem:s20], [sflag:$0x2], $0x10, s19, s17, $0xb8;
	[tilespmem:$0x10780] =	vst v63  }
0x3c: {  	_ =	swait.ge [sflag:s8], $0x800  }
0x3d: {  	[sflag:s8] =	ssyncset.done $0x0  }
0x3e: {  	[sflag:s8] =	ssyncadd.s32 $0xFFFFF800  }
0x3f: {  	[spmem:s2] =	stream.indirect.scatter.add.f32 [tilespmem:s22], [sflag:$0x2], $0x10, s21, s17, $0xb8;
	[tilespmem:$0x10780] =	vst v63  }
0x40: {  	_ =	swait.ge [sflag:s8], $0x800  }
0x41: {  	[sflag:s8] =	ssyncset.done $0x0  }
0x42: {  	[sflag:s8] =	ssyncadd.s32 $0xFFFFF800  }
0x43: {  	[spmem:s2] =	stream.indirect.scatter.add.f32 [tilespmem:s24], [sflag:$0x2], $0x10, s23, s17, $0xb8;
	[tilespmem:$0x10780] =	vst v63  }
0x44: {  	_ =	swait.ge [sflag:s8], $0x800  }
0x45: {  	[sflag:s8] =	ssyncset.done $0x0  }
0x46: {  	[sflag:s8] =	ssyncadd.s32 $0xFFFFF800  }
0x47: {  	[spmem:s2] =	stream.indirect.scatter.add.f32 [tilespmem:s26], [sflag:$0x2], $0x10, s25, s17, $0xb8;
	[tilespmem:$0x10780] =	vst v63  }
0x48: {  	_ =	swait.ge [sflag:s8], $0x800  }
0x49: {  	[sflag:s8] =	ssyncset.done $0x0  }
0x4a: {  	[sflag:s8] =	ssyncadd.s32 $0xFFFFF800  }
0x4b: {  	[spmem:s2] =	stream.indirect.scatter.add.f32 [tilespmem:s29], [sflag:$0x2], $0x10, s28, s17, $0xb8;
	[tilespmem:$0x10780] =	vst v63  }
0x4c: {  	_ =	swait.ge [sflag:s8], $0x800  }
0x4d: {  	[sflag:s8] =	ssyncset.done $0x0  }
0x4e: {  	[sflag:s8] =	ssyncadd.s32 $0xFFFFF800  }
0x4f: {  	[spmem:s2] =	stream.indirect.scatter.add.f32 [tilespmem:s31], [sflag:$0x2], $0x10, s30, s17, $0xb8;
	[tilespmem:$0x10780] =	vst v63  }
.LBB2_6:
0x50: {  	_ =	swait.ge [sflag:s8], $0x800  }
0x51: {  	[sflag:s8] =	ssyncset.done $0x0  }
0x52: {  	[sflag:s8] =	ssyncadd.s32 $0xFFFFF800  }
.LBB2_7:
0x53: {  	s9 =	sadd.s32 $0x1000, s9  }
0x54: {  	p0 =	sne.s32 s9, $0x19000  }
.Ltmp3:
0x55: {  	_ = 	snop;
	(pc) =	sbr.rel @!p0 .LBB2_8-.Ltmp3, $2  }
0x56: {  	_ =	sdelay $0x2  }
0x57: {  	s12 =	sadd.s32 $0x10000, s12;
	s13 =	sadd.s32 $0x20, s13  }
.LBB2_2:
0x58: {  	p0 =	sgt.u32 s13, $0x30C  }
.Ltmp4:
0x59: {  	_ = 	snop;
	(pc) =	sbr.rel @!p0 .LBB2_3-.Ltmp4, $1  }
0x5a: {  	_ =	sdelay $0x3  }
0x5b: {  	s8 =	sadd.s32 s9, s10  }
0x5c: {  	p0 =	sne.s32 s8, $0x0  }
.Ltmp5:
0x5d: {  	_ = 	snop;
	(pc) =	sbr.rel @p0 .LBB2_7-.Ltmp5, $1  }
0x5e: {  	_ =	sdelay $0x3  }
0x5f: {  	[tilespmem:s3], [sflag:$0x2] =	stream.linear.gather [hbm4b:s6+s3], $0x100, $0x38;
	[tilespmem:$0x10780] =	vst v63  }
0x60: {  	_ =	swait.ge [sflag:s1], $0x100  }
0x61: {  	[sflag:s1] =	ssyncset.done $0x0  }
0x62: {  	[sflag:s1] =	ssyncadd.s32 $0xFFFFFF00  }
0x63: {  	[tilespmem:s16], [sflag:$0x2] =	stream.linear.gather [hbm4b:s7+s3], $0x1000, $0x38;
	[tilespmem:$0x10780] =	vst v63  }
0x64: {  	_ =	swait.ge [sflag:s1], $0x1000  }
0x65: {  	[sflag:s1] =	ssyncset.done $0x0  }
0x66: {  	[sflag:s1] =	ssyncadd.s32 $0xFFFFF000  }
0x67: {  	[spmem:s2] =	stream.indirect.scatter.add.f32 [tilespmem:s16], [sflag:$0x2], $0x10, s3, s17, $0xb8;
	[tilespmem:$0x10780] =	vst v63  }
.Ltmp6:
0x68: {  	_ = 	snop;
	(pc) =	sbr.rel .LBB2_6-.Ltmp6, $4  }
0x69: {  	_ =	swait.ge [sflag:s1], $0x800  }
0x6a: {  	[sflag:s1] =	ssyncset.done $0x0  }
0x6b: {  	s8 =	simm.s32 $0x1;
	[sflag:s1] =	ssyncadd.s32 $0xFFFFF800  }
0x6c: {  	[spmem:s2] =	stream.indirect.scatter.add.f32 [tilespmem:s18], [sflag:$0x1], $0x10, s17, s17, $0xb8;
	[tilespmem:$0x10780] =	vst v63  }
.LBB2_9:
0x6d: {  	_ =	sfence.sel $0x180000  }
0x6e: {  	[bflag:$0x0] =	sbarrier.arrive $0xFFFF  }
0x6f: {  	_ =	strace $0x90000053  }
0x70: {  	s0 =	stileid.u32;
	[bflag:$0x2] =	sbarrier.arrive $0xFFFF  }
0x71: {  	p0 =	sne.s32 s0, $0x0;
	s0 =	rddreg [dreg:$0x3]  }
0x72: {  	s0 =	sadd.s32 @!p0 $0x100000, s0  }
0x73: {  	[sflag:s0] =	ssyncadd.tile.s32 @!p0 $0x1;
	_ =	shalt  }
.Lfunc_end2:
_tile_overlayer_lowered:
.L_overlay_start_2:
0x74: {  	(tag) =	ssettag $0x2  }
0x75: {  	s0 =	rddreg [dreg:$0x0];
	s2 =	stileid.u32  }
0x76: {  	s1 =	rddreg [dreg:$0x1];
	p0 =	sne.s32 s2, $0x0  }
0x77: {  	s3 =	rddreg [dreg:$0x2];
	[bflag:$0x3] =	sbarrier.arrive $0xFFFF;
	s2 =	simm.s32 @!p0 $0x1C01  }
0x78: {  	[timem:s3], [sflag:s2] =	dma.local @!p0 [hbm:s0], s1  }
0x79: {  	s0 =	simm.s32 @!p0 $0x1  }
0x7a: {  	_ =	swait.ge @!p0 [sflag:s0], s1  }
0x7b: {  	s1 =	ssub.s32 @!p0 $0x0, s1;
	[sflag:s0] =	ssyncset.done @!p0 $0x0  }
0x7c: {  	[sflag:s0] =	ssyncadd.s32 @!p0 s1  }
0x7d: {  	[bflag:$0x3] =	sbarrier.arrive $0xFFFF  }
0x7e: {  	_ =	shalt  }

// kernel: kernel.45.cloned.1.call-start
scs
__scs_entry_jumppad:
0x0: {  	(pc) =	sbr.rel $0x88, $3  }
0x1: {  	(tag) =	ssettag $0x0;
	lr =	simm.s32 $0x1  }
0x2: {  	[smem:$0x3F92] =	sst lr;
	_ =	strace $0xD0000000  }
0x3: {  	_ = 	snop  }
0x4: {  	_ = 	snop  }
0x5: {  	_ = 	snop  }
0x6: {  	_ = 	snop  }
0x7: {  	_ = 	snop  }
__scs_overlays_trampoline_lowered:
0x8: {  	[smem:$0x3FA1] =	sst s0  }
0x9: {  	[smem:$0x3FA2] =	sst s1  }
0xa: {  	[smem:$0x3FA3] =	sst s2  }
0xb: {  	[smem:$0x3FA4] =	sst s3  }
0xc: {  	[smem:$0x3FA5] =	sst s4  }
0xd: {  	[smem:$0x3FA6] =	sst s5  }
0xe: {  	[smem:$0x3FA7] =	sst s6  }
0xf: {  	[smem:$0x3FA8] =	sst s7  }
0x10: {  	[smem:$0x3FA9] =	sst s8  }
0x11: {  	[smem:$0x3FAA] =	sst s9;
	s0 =	simm.s32 @!p0 $0x0  }
0x12: {  	s1 =	sld [smem:$0x3F90];
	s0 =	simm.s32 @p0 $0x1  }
0x13: {  	[smem:$0x3FAB] =	sst s0;
	s0 =	simm.s32 @!p1 $0x0  }
0x14: {  	s2 =	sld [smem:$0x3F8F];
	s0 =	simm.s32 @p1 $0x1  }
0x15: {  	[smem:$0x3FAC] =	sst s0;
	s0 =	simm.s32 @!p2 $0x0  }
0x16: {  	s3 =	sld [smem:$0x3FDB];
	s0 =	simm.s32 @p2 $0x1  }
0x17: {  	s4 =	simm.s32 $0x1BF5;
	[smem:$0x3FAE] =	sst s0  }
0x18: {  	s0 =	sld [smem:$0x3F91];
	_ =	swait.ge [sflag:s4], $0x0  }
0x19: {  	s7 =	sld [smem:$0x3F92]  }
0x1a: {  	s8 =	sadd.s32 $0xFFFFE003, lr  }
0x1b: {  	s9 =	sadd.s32 $0xFFFFFEF7, lr;
	s5 =	simm.s32 $0xFFFFFFFF;
	p2 =	slt.u32 s8, $0xFFFFF086  }
0x1c: {  	p1 =	slt.u32 s9, $0xF7A;
	s5 =	simm.s32 @!p2 $0x0  }
0x1d: {  	s5 =	simm.s32 @p1 $0x1;
	p0 =	seq.s32 s7, s2  }
0x1e: {  	s7 =	smul.u32 @!p0 $0xF7A, s2;
	p2 =	seq.s32 @!p0 s5, $0x0  }
0x1f: {  	s9 =	smul.u32 $0xF7A, s1;
	s8 =	simm.s32 @!p0 $0x1BF5;
	p2 =	por !p2, p0  }
0x20: {  	[sflag:s8] =	ssyncset.s32 @!p0 $0xFFFFF086;
	s6 =	sadd.s32 @!p0 s3, s7;
	s7 =	simm.s32 @!p0 $0x108  }
0x21: {  	s3 =	sadd.s32 s3, s9;
	s6 =	sadd.s32 @!p0 $0x88, s6;
	s7 =	simm.s32 @p2 $0x1082  }
0x22: {  	[simem:s7], [sflag:s8] =	dma.local @!p0 [hbm:s6], $0xF7A  }
0x23: {  	s9 =	sor.u32 $0xD0000000, s2;
	s6 =	simm.s32 $0x108;
	_ =	swait.ge @!p0 [sflag:s8], $0x0  }
0x24: {  	s3 =	sadd.s32 $0x88, s3;
	s6 =	simm.s32 @!p1 $0x1082;
	[sflag:s4] =	ssyncset.s32 $0xFFFFF086  }
0x25: {  	[simem:s6], [sflag:s4] =	dma.local [hbm:s3], $0xF7A  }
0x26: {  	[smem:$0x3F92] =	sst s1;
	(tag) =	ssettag s2;
	_ =	strace s9  }
0x27: {  	s1 =	sld [smem:$0x3FA2]  }
0x28: {  	s2 =	sld [smem:$0x3FA3]  }
0x29: {  	s4 =	sld [smem:$0x3FA5]  }
0x2a: {  	p0 =	seq.s32 s5, $0x0;
	s5 =	sld [smem:$0x3FA6]  }
0x2b: {  	s6 =	sld [smem:$0x3FA7]  }
0x2c: {  	s7 =	sld [smem:$0x3FA8]  }
0x2d: {  	s3 =	simm.s32 $0x108;
	s8 =	sld [smem:$0x3FA9]  }
0x2e: {  	s3 =	simm.s32 @!p0 $0x1082;
	s9 =	sld [smem:$0x3FAA]  }
0x2f: {  	lr =	sadd.s32 s0, s3;
	s0 =	sld [smem:$0x3FA1]  }
0x30: {  	s3 =	sld [smem:$0x3FA4]  }
0x31: {  	[smem:$0x3FAD] =	sst s10  }
0x32: {  	s10 =	sld [smem:$0x3FAB];
	_ =	sdelay $0x3  }
0x33: {  	p0 =	seq.s32 s10, $0x1;
	s10 =	sld [smem:$0x3FAD];
	_ =	sdelay $0x3  }
0x34: {  	[smem:$0x3FAD] =	sst s10  }
0x35: {  	s10 =	sld [smem:$0x3FAC];
	_ =	sdelay $0x3  }
0x36: {  	p1 =	seq.s32 s10, $0x1;
	s10 =	sld [smem:$0x3FAD];
	_ =	sdelay $0x3  }
0x37: {  	[smem:$0x3FAD] =	sst s10  }
0x38: {  	s10 =	sld [smem:$0x3FAE]  }
0x39: {  	_ = 	snop;
	(pc) =	sbr.ind lr, $3  }
0x3a: {  	_ = 	snop  }
0x3b: {  	_ = 	snop  }
0x3c: {  	p2 =	seq.s32 s10, $0x1;
	s10 =	sld [smem:$0x3FAD]  }
0x3d: {  	_ =	shalt  }
0x3e: {  	_ =	shalt  }
0x3f: {  	_ =	shalt  }
0x40: {  	_ =	shalt  }
0x41: {  	_ =	shalt  }
0x42: {  	_ =	shalt  }
0x43: {  	_ =	shalt  }
0x44: {  	_ =	shalt  }
0x45: {  	_ =	shalt  }
0x46: {  	_ =	shalt  }
0x47: {  	_ =	shalt  }
0x48: {  	_ =	shalt  }
0x49: {  	_ =	shalt  }
0x4a: {  	_ =	shalt  }
0x4b: {  	_ =	shalt  }
0x4c: {  	_ =	shalt  }
0x4d: {  	_ =	shalt  }
0x4e: {  	_ =	shalt  }
0x4f: {  	_ =	shalt  }
0x50: {  	_ =	shalt  }
0x51: {  	_ =	shalt  }
0x52: {  	_ =	shalt  }
0x53: {  	_ =	shalt  }
0x54: {  	_ =	shalt  }
0x55: {  	_ =	shalt  }
0x56: {  	_ =	shalt  }
0x57: {  	_ =	shalt  }
0x58: {  	_ =	shalt  }
0x59: {  	_ =	shalt  }
0x5a: {  	_ =	shalt  }
0x5b: {  	_ =	shalt  }
0x5c: {  	_ =	shalt  }
0x5d: {  	_ =	shalt  }
0x5e: {  	_ =	shalt  }
0x5f: {  	_ =	shalt  }
0x60: {  	_ =	shalt  }
0x61: {  	_ =	shalt  }
0x62: {  	_ =	shalt  }
0x63: {  	_ =	shalt  }
0x64: {  	_ =	shalt  }
0x65: {  	_ =	shalt  }
0x66: {  	_ =	shalt  }
0x67: {  	_ =	shalt  }
0x68: {  	_ =	shalt  }
0x69: {  	_ =	shalt  }
0x6a: {  	_ =	shalt  }
0x6b: {  	_ =	shalt  }
0x6c: {  	_ =	shalt  }
0x6d: {  	_ =	shalt  }
0x6e: {  	_ =	shalt  }
0x6f: {  	_ =	shalt  }
0x70: {  	_ =	shalt  }
0x71: {  	_ =	shalt  }
0x72: {  	_ =	shalt  }
0x73: {  	_ =	shalt  }
0x74: {  	_ =	shalt  }
0x75: {  	_ =	shalt  }
0x76: {  	_ =	shalt  }
0x77: {  	_ =	shalt  }
0x78: {  	_ =	shalt  }
0x79: {  	_ =	shalt  }
0x7a: {  	_ =	shalt  }
0x7b: {  	_ =	shalt  }
0x7c: {  	_ =	shalt  }
0x7d: {  	_ =	shalt  }
0x7e: {  	_ =	shalt  }
0x7f: {  	_ =	shalt  }
0x80: {  	_ =	shalt  }
0x81: {  	_ =	shalt  }
0x82: {  	_ =	shalt  }
0x83: {  	_ =	shalt  }
0x84: {  	_ =	shalt  }
0x85: {  	_ =	shalt  }
0x86: {  	_ =	shalt  }
0x87: {  	_ =	shalt  }
.Lfunc_end0:
.L_simem_size_0:
called_computation.5_lowered:
.L_overlay_start_0:
0x88: {  	s2 =	sld [smem:$0x3FD9]  }
0x89: {  	s3 =	sld [smem:$0x3FFE];
	_ =	sdelay $0x1  }
0x8a: {  	s1 =	srdreg.scid  }
0x8b: {  	s0 =	sand.u32 $0x1, s1  }
0x8c: {  	s16 =	sshll.u32 s0, $0xA;
	s2 =	sadd.s32 s3, s2  }
0x8d: {  	s2 =	sadd.s32 s2, s16  }
0x8e: {  	[smem:$0x3FB9] =	sst s2  }
0x8f: {  	_ = 	snop  }
0x90: {  	(tm) =	ssettm $0x1  }
0x91: {  	s17 =	sld [smem:$0x3FFB];
	_ =	sdelay $0x3  }
0x92: {  	_ =	strace s17  }
0x93: {  	s2 =	sld [smem:$0x3FFC];
	_ =	sdelay $0x3  }
0x94: {  	_ =	strace s2  }
0x95: {  	s2 =	sld [smem:$0x3FFD];
	_ =	sdelay $0x3  }
0x96: {  	_ =	strace s2  }
0x97: {  	_ =	strace $0x8FFFFFFF  }
0x98: {  	s18 =	sld [smem:$0x3FDB];
	_ =	sdelay $0x1  }
0x99: {  	s19 =	simm.s32 $_scs_section_size  }
0x9a: {  	s4 =	simm.s32 $_size__tile_overlayer_lowered;
	s5 =	simm.s32 $_tile_overlayer_lowered  }
0x9b: {  	s22 =	simm.s32 $0x1BFF;
	s21 =	sshll.u32 s5, $0x1;
	s2 =	sadd.s32 s19, s18  }
0x9c: {  	s6 =	simm.s32 $0x0;
	s20 =	sshll.u32 s4, $0x1;
	s4 =	sadd.s32 s21, s2  }
0x9d: {  	[timem:s6], [sflag:s22] =	dma.local [hbm:s4], s20  }
0x9e: {  	_ =	swait.ge [sflag:s22], s20  }
0x9f: {  	s3 =	ssub.s32 $0x0, s20;
	[sflag:s22] =	ssyncset.done $0x0  }
0xa0: {  	[sflag:s22] =	ssyncadd.s32 s3;
	_ =	sdelay $0x1  }
0xa1: {  	s23 =	simm.s32 $0x1B8B  }
0xa2: {  	_ =	swait.ge [sflag:s23], $0x1  }
0xa3: {  	[sflag:s23] =	ssyncset.done $0x0  }
0xa4: {  	s25 =	simm.s32 $0x1B8E;
	s24 =	sld [smem:$0x3FFE];
	[sflag:s23] =	ssyncadd.s32 $0xFFFFFFFF  }
0xa5: {  	s26 =	simm.s32 $execute0_lowered;
	[smem:$0x3FD2] =	sst s25  }
0xa6: {  	s4 =	sshll.u32 s26, $0x1;
	_ =	strace $0x80000055;
	[dreg:$0x1] =	wrdreg $0xFFFFFFFF  }
0xa7: {  	s28 =	simm.s32 $_size_execute0_lowered;
	s2 =	sadd.s32 s2, s4;
	[dreg:$0x0] =	wrdreg $0x0  }
0xa8: {  	s4 =	sshll.u32 s28, $0x1;
	[dreg:$0x2] =	wrdreg s2  }
0xa9: {  	[dreg:$0x3] =	wrdreg s4  }
0xaa: {  	[dreg:$0x4] =	wrdreg $0xC0  }
0xab: {  	_ =	task [dreg:s6], $0x5FFFF  }
0xac: {  	[dreg:$0x1] =	wrdreg $0xFFFFFFFF  }
0xad: {  	[dreg:$0x0] =	wrdreg $0x60  }
0xae: {  	[dreg:$0x2] =	wrdreg s24  }
0xaf: {  	[dreg:$0x3] =	wrdreg $0x9  }
0xb0: {  	_ =	task.clear_ibuf [dreg:s6], $0x4FFFF;
	_ =	strace $0x90000055  }
0xb1: {  	s29 =	simm.s32 $0x9;
	_ =	strace $0x80000057  }
0xb2: {  	_ =	swait.ge [sflag:s29], $0x1  }
0xb3: {  	[sflag:s29] =	ssyncadd.s32 $0xFFFFFFFF  }
0xb4: {  	_ =	strace $0x90000057  }
0xb5: {  	_ =	sfence  }
0xb6: {  	s30 =	sld [smem:$0x0];
	_ =	sdelay $0x2  }
0xb7: {  	s31 =	sshll.u32 s1, $0xD;
	s1 =	sshrl.u32 s1, $0x2  }
0xb8: {  	s3 =	sand.u32 $0x4000, s31;
	s1 =	sadd.s32 s1, s30  }
0xb9: {  	s0 =	sor.u32 s3, s0;
	s1 =	sshll.u32 s1, $0x11  }
0xba: {  	s0 =	sor.u32 s1, s0  }
0xbb: {  	s0 =	sadd.s32 $0x8F2B, s0  }
0xbc: {  	[sflag:s0] =	ssyncadd.remote.s32 $0x1  }
0xbd: {  	_ =	sfence.sel $0xFFFF  }
0xbe: {  	[dreg:$0x0] =	wrdreg $0xFFFFFFFF;
	(pc) =	sbr.abs _section_cstart, $3  }
0xbf: {  	[dreg:$0x1] =	wrdreg $0xFFFFFFFF  }
0xc0: {  	_ =	task.clear_ibuf [dreg:s6], $0x2FFFF;
	_ =	strace $0x9FFFFFFF  }
0xc1: {  	(tm) =	ssettm $0x7FFFFFFF  }
tec
execute0_lowered:
.L_overlay_start_1:
0x0: {  	(tag) =	ssettag $0x1  }
0x1: {  	s4 =	rddreg [dreg:$0x0]  }
0x2: {  	s0 =	rddreg [dreg:$0x1];
	s2 =	simm.s32 $0x0;
	s1 =	stileid.u32  }
0x3: {  	s3 =	srdreg.scid;
	s10 =	simm.s32 $0x0;
	s6 =	smul.u32 $0x249F0, s1  }
0x4: {  	[smem:$0x7FF] =	sst s2;
	s5 =	sand.u32 $0x1, s3;
	s8 =	smul.u32 $0x493E0, s1  }
0x5: {  	s3 =	sadd.s32 $0x9E7800, s4;
	s7 =	smul.u32 $0x124F8, s5;
	s9 =	ssub.s32 $0x2, s5  }
0x6: {  	_ =	strace $0x80000056;
	s5 =	smul.u32 $0x249F0, s5;
	s31 =	sshrl.u32 s9, $0x1  }
0x7: {  	s8 =	sadd.s32 s8, s4;
	s6 =	sadd.s32 s7, s6;
	s7 =	ssub.s32 s9, s31  }
0x8: {  	s5 =	sadd.s32 s5, s8;
	s8 =	simm.s32 $0x1388;
	s6 =	sshrl.u32 s6, $0x3  }
0x9: {  	s9 =	simm.s32 $0x1;
	s5 =	sadd.s32 $0x36EA00, s5;
	s6 =	sadd.s32 s6, s4  }
0xa: {  	s4 =	smax.u32 s7, $0x1;
	s7 =	simm.s32 $0x2;
	s6 =	sadd.s32 $0x18200, s6  }
.LBB2_1:
0xb: {  	s11 =	sadd.s32 $0x0, s6  }
0xc: {  	[tilespmem:s2], [sflag:$0x2] =	stream.linear.gather [hbm4b:s11+s2], $0x1388, $0x38;
	[tilespmem:$0x14C08] =	vst v63  }
0xd: {  	_ =	swait.ge [sflag:s7], $0x1388  }
0xe: {  	[sflag:s7] =	ssyncset.done $0x0  }
0xf: {  	[sflag:s7] =	ssyncadd.s32 $0xFFFFEC78  }
0x10: {  	[tilespmem:s8], [sflag:$0x1] =	stream.indirect.gather [hbm4b:s3+s8], $0x10, s2, s8, $0xb8;
	[tilespmem:$0x14C08] =	vst v63  }
0x11: {  	_ =	swait.ge [sflag:s9], $0x13880  }
0x12: {  	[sflag:s9] =	ssyncset.done $0x0  }
0x13: {  	[sflag:s9] =	ssyncadd.s32 $0xFFFEC780  }
0x14: {  	[hbm4b:s5+s2] =	stream.linear.scatter [tilespmem:s8], [sflag:$0x2], $0x13880, $0x38;
	[tilespmem:$0x14C08] =	vst v63  }
0x15: {  	s12 =	simm.s32 $0x271;
	_ =	swait.ge [sflag:s7], $0x13880  }
0x16: {  	s13 =	simm.s32 $0x4E2;
	s11 =	sadd.s32 $0x2710, s5;
	[sflag:s7] =	ssyncset.done $0x0  }
.LBB2_2:
0x17: {  	s14 =	sadd.s32 s12, s6  }
0x18: {  	[sflag:s7] =	ssyncadd.s32 $0xFFFEC780;
	s12 =	smov.u32 s13;
	s15 =	sadd.s32 $0x271, s13  }
0x19: {  	[tilespmem:s2], [sflag:$0x2] =	stream.linear.gather [hbm4b:s14+s2], $0x1388, $0x38;
	[tilespmem:$0x14C08] =	vst v63  }
0x1a: {  	p0 =	sne.s32 s13, $0x222E;
	_ =	swait.ge [sflag:s7], $0x1388  }
0x1b: {  	[sflag:s7] =	ssyncset.done $0x0  }
0x1c: {  	[sflag:s7] =	ssyncadd.s32 $0xFFFFEC78  }
0x1d: {  	[tilespmem:s8], [sflag:$0x1] =	stream.indirect.gather [hbm4b:s3+s8], $0x10, s2, s8, $0xb8;
	[tilespmem:$0x14C08] =	vst v63  }
0x1e: {  	_ =	swait.ge [sflag:s9], $0x13880  }
.Ltmp0:
0x1f: {  	[sflag:s9] =	ssyncset.done $0x0;
	(pc) =	sbr.rel @p0 .LBB2_2-.Ltmp0, $4  }
0x20: {  	[sflag:s9] =	ssyncadd.s32 $0xFFFEC780  }
0x21: {  	[hbm4b:s11+s2] =	stream.linear.scatter [tilespmem:s8], [sflag:$0x2], $0x13880, $0x38;
	[tilespmem:$0x14C08] =	vst v63  }
0x22: {  	_ =	swait.ge [sflag:s7], $0x13880  }
0x23: {  	s13 =	smov.u32 s15;
	s11 =	sadd.s32 $0x2710, s11;
	[sflag:s7] =	ssyncset.done $0x0  }
0x24: {  	s12 =	sadd.s32 s12, s6;
	[sflag:s7] =	ssyncadd.s32 $0xFFFEC780  }
0x25: {  	[tilespmem:s2], [sflag:$0x2] =	stream.linear.gather [hbm4b:s12+s2], $0x1388, $0x38;
	[tilespmem:$0x14C08] =	vst v63  }
0x26: {  	_ =	swait.ge [sflag:s7], $0x1388  }
0x27: {  	[sflag:s7] =	ssyncset.done $0x0  }
0x28: {  	[sflag:s7] =	ssyncadd.s32 $0xFFFFEC78  }
0x29: {  	[tilespmem:s8], [sflag:$0x1] =	stream.indirect.gather [hbm4b:s3+s8], $0x10, s2, s8, $0xb8;
	[tilespmem:$0x14C08] =	vst v63  }
0x2a: {  	s10 =	sadd.s32 $0x1, s10;
	_ =	swait.ge [sflag:s9], $0x13880  }
0x2b: {  	p0 =	sne.s32 s10, s4;
	[sflag:s9] =	ssyncset.done $0x0  }
.Ltmp1:
0x2c: {  	[sflag:s9] =	ssyncadd.s32 $0xFFFEC780;
	(pc) =	sbr.rel @p0 .LBB2_1-.Ltmp1, $4  }
0x2d: {  	[hbm4b:s11+s2] =	stream.linear.scatter [tilespmem:s8], [sflag:$0x2], $0x13880, $0x38;
	[tilespmem:$0x14C08] =	vst v63  }
0x2e: {  	_ =	swait.ge [sflag:s7], $0x13880  }
0x2f: {  	[sflag:s7] =	ssyncset.done $0x0  }
0x30: {  	[sflag:s7] =	ssyncadd.s32 $0xFFFEC780  }
0x31: {  	_ =	sfence.sel $0x180000  }
0x32: {  	[bflag:$0x0] =	sbarrier.arrive $0xFFFF  }
0x33: {  	p0 =	sne.s32 s1, $0x0;
	_ =	strace $0x90000056  }
0x34: {  	s0 =	sadd.s32 @!p0 $0x100000, s0;
	[bflag:$0x2] =	sbarrier.arrive $0xFFFF  }
0x35: {  	[sflag:s0] =	ssyncadd.tile.s32 @!p0 $0x1;
	_ =	shalt  }
.Lfunc_end2:
_tile_overlayer_lowered:
.L_overlay_start_2:
0x36: {  	(tag) =	ssettag $0x2  }
0x37: {  	s0 =	rddreg [dreg:$0x0];
	s2 =	stileid.u32  }
0x38: {  	s1 =	rddreg [dreg:$0x1];
	p0 =	sne.s32 s2, $0x0  }
0x39: {  	s3 =	rddreg [dreg:$0x2];
	[bflag:$0x3] =	sbarrier.arrive $0xFFFF;
	s2 =	simm.s32 @!p0 $0x1C02  }
0x3a: {  	[timem:s3], [sflag:s2] =	dma.local @!p0 [hbm:s0], s1  }
0x3b: {  	s0 =	simm.s32 @!p0 $0x2  }
0x3c: {  	_ =	swait.ge @!p0 [sflag:s0], s1  }
0x3d: {  	s1 =	ssub.s32 @!p0 $0x0, s1;
	[sflag:s0] =	ssyncset.done @!p0 $0x0  }
0x3e: {  	[sflag:s0] =	ssyncadd.s32 @!p0 s1  }
0x3f: {  	[bflag:$0x3] =	sbarrier.arrive $0xFFFF  }
0x40: {  	_ =	shalt  }

// kernel: kernel.48.cloned.1.call-start
scs
__scs_entry_jumppad:
0x0: {  	(pc) =	sbr.rel $0x88, $3  }
0x1: {  	(tag) =	ssettag $0x0;
	lr =	simm.s32 $0x1  }
0x2: {  	[smem:$0x3F92] =	sst lr;
	_ =	strace $0xD0000000  }
0x3: {  	_ = 	snop  }
0x4: {  	_ = 	snop  }
0x5: {  	_ = 	snop  }
0x6: {  	_ = 	snop  }
0x7: {  	_ = 	snop  }
__scs_overlays_trampoline_lowered:
0x8: {  	[smem:$0x3FA1] =	sst s0  }
0x9: {  	[smem:$0x3FA2] =	sst s1  }
0xa: {  	[smem:$0x3FA3] =	sst s2  }
0xb: {  	[smem:$0x3FA4] =	sst s3  }
0xc: {  	[smem:$0x3FA5] =	sst s4  }
0xd: {  	[smem:$0x3FA6] =	sst s5  }
0xe: {  	[smem:$0x3FA7] =	sst s6  }
0xf: {  	[smem:$0x3FA8] =	sst s7  }
0x10: {  	[smem:$0x3FA9] =	sst s8  }
0x11: {  	[smem:$0x3FAA] =	sst s9;
	s0 =	simm.s32 @!p0 $0x0  }
0x12: {  	s1 =	sld [smem:$0x3F90];
	s0 =	simm.s32 @p0 $0x1  }
0x13: {  	[smem:$0x3FAB] =	sst s0;
	s0 =	simm.s32 @!p1 $0x0  }
0x14: {  	s2 =	sld [smem:$0x3F8F];
	s0 =	simm.s32 @p1 $0x1  }
0x15: {  	[smem:$0x3FAC] =	sst s0;
	s0 =	simm.s32 @!p2 $0x0  }
0x16: {  	s3 =	sld [smem:$0x3FDB];
	s0 =	simm.s32 @p2 $0x1  }
0x17: {  	s4 =	simm.s32 $0x1BF5;
	[smem:$0x3FAE] =	sst s0  }
0x18: {  	s0 =	sld [smem:$0x3F91];
	_ =	swait.ge [sflag:s4], $0x0  }
0x19: {  	s7 =	sld [smem:$0x3F92]  }
0x1a: {  	s8 =	sadd.s32 $0xFFFFE003, lr  }
0x1b: {  	s9 =	sadd.s32 $0xFFFFFEF7, lr;
	s5 =	simm.s32 $0xFFFFFFFF;
	p2 =	slt.u32 s8, $0xFFFFF086  }
0x1c: {  	p1 =	slt.u32 s9, $0xF7A;
	s5 =	simm.s32 @!p2 $0x0  }
0x1d: {  	s5 =	simm.s32 @p1 $0x1;
	p0 =	seq.s32 s7, s2  }
0x1e: {  	s7 =	smul.u32 @!p0 $0xF7A, s2;
	p2 =	seq.s32 @!p0 s5, $0x0  }
0x1f: {  	s9 =	smul.u32 $0xF7A, s1;
	s8 =	simm.s32 @!p0 $0x1BF5;
	p2 =	por !p2, p0  }
0x20: {  	[sflag:s8] =	ssyncset.s32 @!p0 $0xFFFFF086;
	s6 =	sadd.s32 @!p0 s3, s7;
	s7 =	simm.s32 @!p0 $0x108  }
0x21: {  	s3 =	sadd.s32 s3, s9;
	s6 =	sadd.s32 @!p0 $0x88, s6;
	s7 =	simm.s32 @p2 $0x1082  }
0x22: {  	[simem:s7], [sflag:s8] =	dma.local @!p0 [hbm:s6], $0xF7A  }
0x23: {  	s9 =	sor.u32 $0xD0000000, s2;
	s6 =	simm.s32 $0x108;
	_ =	swait.ge @!p0 [sflag:s8], $0x0  }
0x24: {  	s3 =	sadd.s32 $0x88, s3;
	s6 =	simm.s32 @!p1 $0x1082;
	[sflag:s4] =	ssyncset.s32 $0xFFFFF086  }
0x25: {  	[simem:s6], [sflag:s4] =	dma.local [hbm:s3], $0xF7A  }
0x26: {  	[smem:$0x3F92] =	sst s1;
	(tag) =	ssettag s2;
	_ =	strace s9  }
0x27: {  	s1 =	sld [smem:$0x3FA2]  }
0x28: {  	s2 =	sld [smem:$0x3FA3]  }
0x29: {  	s4 =	sld [smem:$0x3FA5]  }
0x2a: {  	p0 =	seq.s32 s5, $0x0;
	s5 =	sld [smem:$0x3FA6]  }
0x2b: {  	s6 =	sld [smem:$0x3FA7]  }
0x2c: {  	s7 =	sld [smem:$0x3FA8]  }
0x2d: {  	s3 =	simm.s32 $0x108;
	s8 =	sld [smem:$0x3FA9]  }
0x2e: {  	s3 =	simm.s32 @!p0 $0x1082;
	s9 =	sld [smem:$0x3FAA]  }
0x2f: {  	lr =	sadd.s32 s0, s3;
	s0 =	sld [smem:$0x3FA1]  }
0x30: {  	s3 =	sld [smem:$0x3FA4]  }
0x31: {  	[smem:$0x3FAD] =	sst s10  }
0x32: {  	s10 =	sld [smem:$0x3FAB];
	_ =	sdelay $0x3  }
0x33: {  	p0 =	seq.s32 s10, $0x1;
	s10 =	sld [smem:$0x3FAD];
	_ =	sdelay $0x3  }
0x34: {  	[smem:$0x3FAD] =	sst s10  }
0x35: {  	s10 =	sld [smem:$0x3FAC];
	_ =	sdelay $0x3  }
0x36: {  	p1 =	seq.s32 s10, $0x1;
	s10 =	sld [smem:$0x3FAD];
	_ =	sdelay $0x3  }
0x37: {  	[smem:$0x3FAD] =	sst s10  }
0x38: {  	s10 =	sld [smem:$0x3FAE]  }
0x39: {  	_ = 	snop;
	(pc) =	sbr.ind lr, $3  }
0x3a: {  	_ = 	snop  }
0x3b: {  	_ = 	snop  }
0x3c: {  	p2 =	seq.s32 s10, $0x1;
	s10 =	sld [smem:$0x3FAD]  }
0x3d: {  	_ =	shalt  }
0x3e: {  	_ =	shalt  }
0x3f: {  	_ =	shalt  }
0x40: {  	_ =	shalt  }
0x41: {  	_ =	shalt  }
0x42: {  	_ =	shalt  }
0x43: {  	_ =	shalt  }
0x44: {  	_ =	shalt  }
0x45: {  	_ =	shalt  }
0x46: {  	_ =	shalt  }
0x47: {  	_ =	shalt  }
0x48: {  	_ =	shalt  }
0x49: {  	_ =	shalt  }
0x4a: {  	_ =	shalt  }
0x4b: {  	_ =	shalt  }
0x4c: {  	_ =	shalt  }
0x4d: {  	_ =	shalt  }
0x4e: {  	_ =	shalt  }
0x4f: {  	_ =	shalt  }
0x50: {  	_ =	shalt  }
0x51: {  	_ =	shalt  }
0x52: {  	_ =	shalt  }
0x53: {  	_ =	shalt  }
0x54: {  	_ =	shalt  }
0x55: {  	_ =	shalt  }
0x56: {  	_ =	shalt  }
0x57: {  	_ =	shalt  }
0x58: {  	_ =	shalt  }
0x59: {  	_ =	shalt  }
0x5a: {  	_ =	shalt  }
0x5b: {  	_ =	shalt  }
0x5c: {  	_ =	shalt  }
0x5d: {  	_ =	shalt  }
0x5e: {  	_ =	shalt  }
0x5f: {  	_ =	shalt  }
0x60: {  	_ =	shalt  }
0x61: {  	_ =	shalt  }
0x62: {  	_ =	shalt  }
0x63: {  	_ =	shalt  }
0x64: {  	_ =	shalt  }
0x65: {  	_ =	shalt  }
0x66: {  	_ =	shalt  }
0x67: {  	_ =	shalt  }
0x68: {  	_ =	shalt  }
0x69: {  	_ =	shalt  }
0x6a: {  	_ =	shalt  }
0x6b: {  	_ =	shalt  }
0x6c: {  	_ =	shalt  }
0x6d: {  	_ =	shalt  }
0x6e: {  	_ =	shalt  }
0x6f: {  	_ =	shalt  }
0x70: {  	_ =	shalt  }
0x71: {  	_ =	shalt  }
0x72: {  	_ =	shalt  }
0x73: {  	_ =	shalt  }
0x74: {  	_ =	shalt  }
0x75: {  	_ =	shalt  }
0x76: {  	_ =	shalt  }
0x77: {  	_ =	shalt  }
0x78: {  	_ =	shalt  }
0x79: {  	_ =	shalt  }
0x7a: {  	_ =	shalt  }
0x7b: {  	_ =	shalt  }
0x7c: {  	_ =	shalt  }
0x7d: {  	_ =	shalt  }
0x7e: {  	_ =	shalt  }
0x7f: {  	_ =	shalt  }
0x80: {  	_ =	shalt  }
0x81: {  	_ =	shalt  }
0x82: {  	_ =	shalt  }
0x83: {  	_ =	shalt  }
0x84: {  	_ =	shalt  }
0x85: {  	_ =	shalt  }
0x86: {  	_ =	shalt  }
0x87: {  	_ =	shalt  }
.Lfunc_end0:
.L_simem_size_0:
called_computation.6_lowered:
.L_overlay_start_0:
0x88: {  	s2 =	sld [smem:$0x3FD9]  }
0x89: {  	s3 =	sld [smem:$0x3FFE];
	_ =	sdelay $0x1  }
0x8a: {  	s1 =	srdreg.scid  }
0x8b: {  	s0 =	sand.u32 $0x1, s1  }
0x8c: {  	s14 =	sshll.u32 s0, $0xA;
	s2 =	sadd.s32 s3, s2  }
0x8d: {  	s2 =	sadd.s32 s2, s14  }
0x8e: {  	[smem:$0x3FB9] =	sst s2  }
0x8f: {  	_ = 	snop  }
0x90: {  	s2 =	sld [smem:$0x3FD0];
	_ =	sdelay $0x2  }
0x91: {  	s15 =	simm.s32 $0xB;
	s4 =	simm.s32 $0x10  }
0x92: {  	[smem:s4], [sflag:s15] =	dma.local [hbm:s2], $0x1  }
0x93: {  	_ =	swait.eq [sflag:s15], $0x1  }
0x94: {  	[sflag:s15] =	ssyncset.done $0x0  }
0x95: {  	[sflag:s15] =	ssyncadd.s32 $0xFFFFFFFF  }
0x96: {  	s16 =	sld [smem:$0x12];
	(tm) =	ssettm $0x1  }
0x97: {  	s17 =	sld [smem:$0x3FFB];
	_ =	sdelay $0x3  }
0x98: {  	_ =	strace s17  }
0x99: {  	s3 =	sld [smem:$0x3FFC];
	_ =	sdelay $0x3  }
0x9a: {  	_ =	strace s3  }
0x9b: {  	s3 =	sld [smem:$0x3FFD];
	_ =	sdelay $0x3  }
0x9c: {  	_ =	strace s3  }
0x9d: {  	_ =	strace $0x8FFFFFFF  }
0x9e: {  	s18 =	sld [smem:$0x3FDB];
	_ =	sdelay $0x1  }
0x9f: {  	s19 =	simm.s32 $_scs_section_size  }
0xa0: {  	s5 =	simm.s32 $_size__tile_overlayer_lowered;
	s6 =	simm.s32 $_tile_overlayer_lowered  }
0xa1: {  	s22 =	simm.s32 $0x1BFF;
	s21 =	sshll.u32 s6, $0x1;
	s3 =	sadd.s32 s19, s18  }
0xa2: {  	s7 =	simm.s32 $0x0;
	s20 =	sshll.u32 s5, $0x1;
	s5 =	sadd.s32 s21, s3  }
0xa3: {  	[timem:s7], [sflag:s22] =	dma.local [hbm:s5], s20  }
0xa4: {  	_ =	swait.ge [sflag:s22], s20  }
0xa5: {  	s4 =	ssub.s32 $0x0, s20;
	[sflag:s22] =	ssyncset.done $0x0  }
0xa6: {  	[sflag:s22] =	ssyncadd.s32 s4;
	_ =	sdelay $0x1  }
0xa7: {  	s23 =	simm.s32 $0x1B8B  }
0xa8: {  	_ =	swait.ge [sflag:s23], $0x1  }
0xa9: {  	[sflag:s23] =	ssyncset.done $0x0  }
0xaa: {  	s25 =	simm.s32 $0x1B8E;
	s24 =	sld [smem:$0x3FFE];
	[sflag:s23] =	ssyncadd.s32 $0xFFFFFFFF  }
0xab: {  	s26 =	simm.s32 $execute0_lowered;
	[smem:$0x3FD2] =	sst s25  }
0xac: {  	s5 =	sshll.u32 s26, $0x1;
	_ =	strace $0x80000058;
	[dreg:$0x1] =	wrdreg $0xFFFFFFFF  }
0xad: {  	s28 =	simm.s32 $_size_execute0_lowered;
	s3 =	sadd.s32 s3, s5;
	[dreg:$0x0] =	wrdreg $0x0  }
0xae: {  	s5 =	sshll.u32 s28, $0x1;
	[dreg:$0x2] =	wrdreg s3  }
0xaf: {  	[dreg:$0x3] =	wrdreg s5  }
0xb0: {  	[dreg:$0x4] =	wrdreg $0xC0  }
0xb1: {  	_ =	task [dreg:s7], $0x5FFFF  }
0xb2: {  	[dreg:$0x1] =	wrdreg $0xFFFFFFFF  }
0xb3: {  	[dreg:$0x0] =	wrdreg $0x60  }
0xb4: {  	[dreg:$0x2] =	wrdreg s24  }
0xb5: {  	[dreg:$0x3] =	wrdreg s16  }
0xb6: {  	[dreg:$0x4] =	wrdreg $0x44000  }
0xb7: {  	[dreg:$0x5] =	wrdreg $0x9  }
0xb8: {  	_ =	task.clear_ibuf [dreg:s7], $0x6FFFF;
	_ =	strace $0x90000058  }
0xb9: {  	s29 =	simm.s32 $0x9;
	_ =	strace $0x8000005A  }
0xba: {  	_ =	swait.ge [sflag:s29], $0x1  }
0xbb: {  	[sflag:s29] =	ssyncadd.s32 $0xFFFFFFFF  }
0xbc: {  	_ =	strace $0x9000005A  }
0xbd: {  	_ =	sfence  }
0xbe: {  	s30 =	sld [smem:$0x0];
	_ =	sdelay $0x2  }
0xbf: {  	s31 =	sshll.u32 s1, $0xD;
	s1 =	sshrl.u32 s1, $0x2  }
0xc0: {  	s3 =	sand.u32 $0x4000, s31;
	s1 =	sadd.s32 s1, s30  }
0xc1: {  	s0 =	sor.u32 s3, s0;
	s1 =	sshll.u32 s1, $0x11  }
0xc2: {  	s0 =	sor.u32 s1, s0  }
0xc3: {  	s0 =	sadd.s32 $0x8F2B, s0  }
0xc4: {  	[sflag:s0] =	ssyncadd.remote.s32 $0x1  }
0xc5: {  	_ =	sfence.sel $0xFFFF  }
0xc6: {  	[dreg:$0x0] =	wrdreg $0xFFFFFFFF;
	(pc) =	sbr.abs _section_cstart, $3  }
0xc7: {  	[dreg:$0x1] =	wrdreg $0xFFFFFFFF  }
0xc8: {  	_ =	task.clear_ibuf [dreg:s7], $0x2FFFF;
	_ =	strace $0x9FFFFFFF  }
0xc9: {  	(tm) =	ssettm $0x7FFFFFFF  }
tec
execute0_lowered:
.L_overlay_start_1:
0x0: {  	(tag) =	ssettag $0x1  }
0x1: {  	s0 =	rddreg [dreg:$0x0]  }
0x2: {  	s1 =	rddreg [dreg:$0x1]  }
0x3: {  	s14 =	stileid.u32;
	s3 =	srdreg.scid  }
0x4: {  	s2 =	rddreg [dreg:$0x2];
	s15 =	simm.s32 $0x1;
	s28 =	simm.s32 $0x300  }
0x5: {  	s29 =	simm.s32 $0x3400;
	s30 =	simm.s32 $0x380;
	s31 =	simm.s32 $0x3C00  }
0x6: {  	s5 =	sand.u32 $0x1, s3;
	s4 =	smul.u32 $0xC380, s14;
	s3 =	simm.s32 $0x0  }
0x7: {  	s7 =	sshll.u32 s14, $0xC;
	s9 =	sshll.u32 s14, $0x8;
	s13 =	sshll.u32 s14, $0x1  }
0x8: {  	s18 =	sshll.u32 s14, $0x6;
	s6 =	smul.u32 $0xC3800, s5;
	[smem:$0x7FF] =	sst s3  }
0x9: {  	s8 =	sadd.s32 s7, s0;
	s16 =	ssub.s32 $0x2, s5;
	s10 =	sadd.s32 s9, s0  }
0xa: {  	s7 =	sadd.s32 $0x325400, s0;
	s23 =	sshll.u32 s5, $0x7;
	s25 =	sshll.u32 s5, $0xB  }
0xb: {  	s5 =	sor.u32 s5, s13;
	_ =	strace $0x80000059;
	s17 =	sshrl.u32 s16, $0x1  }
0xc: {  	s19 =	sadd.s32 s4, s2;
	s20 =	sshrl.u32 s4, $0x3;
	s24 =	sor.u32 s9, s23  }
0xd: {  	s26 =	sadd.s32 s25, s8;
	s25 =	simm.s32 $0x280;
	s6 =	sadd.s32 s4, s6  }
0xe: {  	s12 =	ssub.s32 s16, s17;
	s4 =	sor.u32 $0x1C01, s18;
	s1 =	sadd.s32 s1, s20  }
0xf: {  	s14 =	sshrl.u32 s19, $0x3;
	s16 =	simm.s32 $0x400;
	s17 =	simm.s32 $0x80  }
0x10: {  	s18 =	simm.s32 $0xC00;
	s19 =	simm.s32 $0x100;
	s20 =	simm.s32 $0x1400  }
0x11: {  	s6 =	sshrl.u32 s6, $0x3;
	[dreg:$0x4] =	wrdreg s1;
	s22 =	smax.u32 s12, $0x1  }
0x12: {  	s1 =	simm.s32 $0x2;
	s11 =	sadd.s32 s6, s0;
	s6 =	sadd.s32 $0x9CF680, s0  }
.Ltmp0:
0x13: {  	[dreg:$0x6] =	wrdreg s22;
	s0 =	sadd.s32 s23, s10;
	(pc) =	sbr.rel .LBB2_1-.Ltmp0, $4  }
0x14: {  	s10 =	sadd.s32 $0xFFFE7980, s24;
	s22 =	simm.s32 $0x1C00;
	s23 =	simm.s32 $0x200  }
0x15: {  	s24 =	simm.s32 $0x2400;
	s21 =	sadd.s32 $0x18200, s11;
	s11 =	sadd.s32 $0x9B7000, s0  }
0x16: {  	s0 =	sadd.s32 $0x19EC00, s26;
	s26 =	simm.s32 $0x2C00;
	[dreg:$0x5] =	wrdreg s21  }
0x17: {  	[dreg:$0x7] =	wrdreg s0;
	s21 =	simm.s32 $0x180;
	s0 =	simm.s32 $0x0  }
.LBB2_8:
0x18: {  	[bflag:$0x0] =	sbarrier.arrive $0xFFFF  }
0x19: {  	s8 =	rddreg [dreg:$0x5]  }
0x1a: {  	[hbm:s8], [sflag:s4] =	dma.local [spmem:s14], $0x1870  }
0x1b: {  	_ =	swait.ge [sflag:s15], $0x1870  }
0x1c: {  	s0 =	sadd.s32 $0x1, s0;
	s13 =	rddreg [dreg:$0x6]  }
0x1d: {  	p0 =	sne.s32 s0, s13  }
.Ltmp1:
0x1e: {  	_ = 	snop;
	(pc) =	sbr.rel @!p0 .LBB2_9-.Ltmp1, $3  }
0x1f: {  	_ =	sdelay $0x1  }
0x20: {  	[sflag:s15] =	ssyncset.done $0x0  }
0x21: {  	[sflag:s15] =	ssyncadd.s32 $0xFFFFE790  }
.LBB2_1:
0x22: {  	s8 =	rddreg [dreg:$0x4]  }
0x23: {  	[spmem:s14], [sflag:s4] =	dma.local [hbm:s8], $0x1870  }
.Ltmp2:
0x24: {  	_ =	swait.ge [sflag:s15], $0x1870;
	(pc) =	sbr.rel .LBB2_2-.Ltmp2, $4  }
0x25: {  	[sflag:s15] =	ssyncset.done $0x0  }
0x26: {  	[sflag:s15] =	ssyncadd.s32 $0xFFFFE790  }
0x27: {  	[bflag:$0x0] =	sbarrier.arrive $0xFFFF  }
0x28: {  	s13 =	smov.u32 s5;
	s9 =	simm.s32 $0x0;
	s12 =	rddreg [dreg:$0x7]  }
.LBB2_3:
0x29: {  	s8 =	sadd.s32 s9, s11  }
0x2a: {  	[tilespmem:s3], [sflag:$0x2] =	stream.linear.gather [hbm4b:s8+s3], $0x400, $0x38;
	[tilespmem:$0x10780] =	vst v63  }
0x2b: {  	s8 =	simm.s32 $0x2  }
0x2c: {  	_ =	swait.ge [sflag:s8], $0x400  }
0x2d: {  	[sflag:s8] =	ssyncset.done $0x0  }
0x2e: {  	[sflag:s8] =	ssyncadd.s32 $0xFFFFFC00  }
0x2f: {  	[tilespmem:s16], [sflag:$0x2] =	stream.linear.gather [hbm4b:s12+s3], $0x4000, $0x38;
	[tilespmem:$0x10780] =	vst v63  }
0x30: {  	_ =	swait.ge [sflag:s8], $0x4000  }
0x31: {  	[sflag:s8] =	ssyncset.done $0x0  }
0x32: {  	[sflag:s8] =	ssyncadd.s32 $0xFFFFC000  }
0x33: {  	[spmem:s2] =	stream.indirect.scatter.add.f32 [tilespmem:s16], [sflag:$0x2], $0x10, s3, s17, $0xb8;
	[tilespmem:$0x10780] =	vst v63  }
0x34: {  	_ =	swait.ge [sflag:s8], $0x800  }
0x35: {  	[sflag:s8] =	ssyncset.done $0x0  }
0x36: {  	[sflag:s8] =	ssyncadd.s32 $0xFFFFF800  }
0x37: {  	[spmem:s2] =	stream.indirect.scatter.add.f32 [tilespmem:s18], [sflag:$0x2], $0x10, s17, s17, $0xb8;
	[tilespmem:$0x10780] =	vst v63  }
0x38: {  	_ =	swait.ge [sflag:s8], $0x800  }
0x39: {  	[sflag:s8] =	ssyncset.done $0x0  }
0x3a: {  	[sflag:s8] =	ssyncadd.s32 $0xFFFFF800  }
0x3b: {  	[spmem:s2] =	stream.indirect.scatter.add.f32 [tilespmem:s20], [sflag:$0x2], $0x10, s19, s17, $0xb8;
	[tilespmem:$0x10780] =	vst v63  }
0x3c: {  	_ =	swait.ge [sflag:s8], $0x800  }
0x3d: {  	[sflag:s8] =	ssyncset.done $0x0  }
0x3e: {  	[sflag:s8] =	ssyncadd.s32 $0xFFFFF800  }
0x3f: {  	[spmem:s2] =	stream.indirect.scatter.add.f32 [tilespmem:s22], [sflag:$0x2], $0x10, s21, s17, $0xb8;
	[tilespmem:$0x10780] =	vst v63  }
0x40: {  	_ =	swait.ge [sflag:s8], $0x800  }
0x41: {  	[sflag:s8] =	ssyncset.done $0x0  }
0x42: {  	[sflag:s8] =	ssyncadd.s32 $0xFFFFF800  }
0x43: {  	[spmem:s2] =	stream.indirect.scatter.add.f32 [tilespmem:s24], [sflag:$0x2], $0x10, s23, s17, $0xb8;
	[tilespmem:$0x10780] =	vst v63  }
0x44: {  	_ =	swait.ge [sflag:s8], $0x800  }
0x45: {  	[sflag:s8] =	ssyncset.done $0x0  }
0x46: {  	[sflag:s8] =	ssyncadd.s32 $0xFFFFF800  }
0x47: {  	[spmem:s2] =	stream.indirect.scatter.add.f32 [tilespmem:s26], [sflag:$0x2], $0x10, s25, s17, $0xb8;
	[tilespmem:$0x10780] =	vst v63  }
0x48: {  	_ =	swait.ge [sflag:s8], $0x800  }
0x49: {  	[sflag:s8] =	ssyncset.done $0x0  }
0x4a: {  	[sflag:s8] =	ssyncadd.s32 $0xFFFFF800  }
0x4b: {  	[spmem:s2] =	stream.indirect.scatter.add.f32 [tilespmem:s29], [sflag:$0x2], $0x10, s28, s17, $0xb8;
	[tilespmem:$0x10780] =	vst v63  }
0x4c: {  	_ =	swait.ge [sflag:s8], $0x800  }
0x4d: {  	[sflag:s8] =	ssyncset.done $0x0  }
0x4e: {  	[sflag:s8] =	ssyncadd.s32 $0xFFFFF800  }
0x4f: {  	[spmem:s2] =	stream.indirect.scatter.add.f32 [tilespmem:s31], [sflag:$0x2], $0x10, s30, s17, $0xb8;
	[tilespmem:$0x10780] =	vst v63  }
.LBB2_6:
0x50: {  	_ =	swait.ge [sflag:s8], $0x800  }
0x51: {  	[sflag:s8] =	ssyncset.done $0x0  }
0x52: {  	[sflag:s8] =	ssyncadd.s32 $0xFFFFF800  }
.LBB2_7:
0x53: {  	s9 =	sadd.s32 $0x1000, s9  }
0x54: {  	p0 =	sne.s32 s9, $0x19000  }
.Ltmp3:
0x55: {  	_ = 	snop;
	(pc) =	sbr.rel @!p0 .LBB2_8-.Ltmp3, $2  }
0x56: {  	_ =	sdelay $0x2  }
0x57: {  	s12 =	sadd.s32 $0x10000, s12;
	s13 =	sadd.s32 $0x20, s13  }
.LBB2_2:
0x58: {  	p0 =	sgt.u32 s13, $0x30C  }
.Ltmp4:
0x59: {  	_ = 	snop;
	(pc) =	sbr.rel @!p0 .LBB2_3-.Ltmp4, $1  }
0x5a: {  	_ =	sdelay $0x3  }
0x5b: {  	s8 =	sadd.s32 s9, s10  }
0x5c: {  	p0 =	sne.s32 s8, $0x0  }
.Ltmp5:
0x5d: {  	_ = 	snop;
	(pc) =	sbr.rel @p0 .LBB2_7-.Ltmp5, $1  }
0x5e: {  	_ =	sdelay $0x3  }
0x5f: {  	[tilespmem:s3], [sflag:$0x2] =	stream.linear.gather [hbm4b:s6+s3], $0x100, $0x38;
	[tilespmem:$0x10780] =	vst v63  }
0x60: {  	_ =	swait.ge [sflag:s1], $0x100  }
0x61: {  	[sflag:s1] =	ssyncset.done $0x0  }
0x62: {  	[sflag:s1] =	ssyncadd.s32 $0xFFFFFF00  }
0x63: {  	[tilespmem:s16], [sflag:$0x2] =	stream.linear.gather [hbm4b:s7+s3], $0x1000, $0x38;
	[tilespmem:$0x10780] =	vst v63  }
0x64: {  	_ =	swait.ge [sflag:s1], $0x1000  }
0x65: {  	[sflag:s1] =	ssyncset.done $0x0  }
0x66: {  	[sflag:s1] =	ssyncadd.s32 $0xFFFFF000  }
0x67: {  	[spmem:s2] =	stream.indirect.scatter.add.f32 [tilespmem:s16], [sflag:$0x2], $0x10, s3, s17, $0xb8;
	[tilespmem:$0x10780] =	vst v63  }
.Ltmp6:
0x68: {  	_ = 	snop;
	(pc) =	sbr.rel .LBB2_6-.Ltmp6, $4  }
0x69: {  	_ =	swait.ge [sflag:s1], $0x800  }
0x6a: {  	[sflag:s1] =	ssyncset.done $0x0  }
0x6b: {  	s8 =	simm.s32 $0x1;
	[sflag:s1] =	ssyncadd.s32 $0xFFFFF800  }
0x6c: {  	[spmem:s2] =	stream.indirect.scatter.add.f32 [tilespmem:s18], [sflag:$0x1], $0x10, s17, s17, $0xb8;
	[tilespmem:$0x10780] =	vst v63  }
.LBB2_9:
0x6d: {  	_ =	sfence.sel $0x180000  }
0x6e: {  	[bflag:$0x0] =	sbarrier.arrive $0xFFFF  }
0x6f: {  	_ =	strace $0x90000059  }
0x70: {  	s0 =	stileid.u32;
	[bflag:$0x2] =	sbarrier.arrive $0xFFFF  }
0x71: {  	p0 =	sne.s32 s0, $0x0;
	s0 =	rddreg [dreg:$0x3]  }
0x72: {  	s0 =	sadd.s32 @!p0 $0x100000, s0  }
0x73: {  	[sflag:s0] =	ssyncadd.tile.s32 @!p0 $0x1;
	_ =	shalt  }
.Lfunc_end2:
_tile_overlayer_lowered:
.L_overlay_start_2:
0x74: {  	(tag) =	ssettag $0x2  }
0x75: {  	s0 =	rddreg [dreg:$0x0];
	s2 =	stileid.u32  }
0x76: {  	s1 =	rddreg [dreg:$0x1];
	p0 =	sne.s32 s2, $0x0  }
0x77: {  	s3 =	rddreg [dreg:$0x2];
	[bflag:$0x3] =	sbarrier.arrive $0xFFFF;
	s2 =	simm.s32 @!p0 $0x1C01  }
0x78: {  	[timem:s3], [sflag:s2] =	dma.local @!p0 [hbm:s0], s1  }
0x79: {  	s0 =	simm.s32 @!p0 $0x1  }
0x7a: {  	_ =	swait.ge @!p0 [sflag:s0], s1  }
0x7b: {  	s1 =	ssub.s32 @!p0 $0x0, s1;
	[sflag:s0] =	ssyncset.done @!p0 $0x0  }
0x7c: {  	[sflag:s0] =	ssyncadd.s32 @!p0 s1  }
0x7d: {  	[bflag:$0x3] =	sbarrier.arrive $0xFFFF  }
0x7e: {  	_ =	shalt  }

</sc_bundles>
